<compile_context>
chip_gen: v7x
topology: tpu7x:2x2x1
jax: 0.10.2.dev20260603
libtpu: 0.0.44.dev20260713+nightly
codegen_flags: <defaults>
</compile_context>

<pallas_src>
import functools

import jax
import jax.numpy as jnp
from jax import lax
from jax.experimental import pallas as pl
from jax.experimental.pallas import tpu as pltpu
from jax.experimental.pallas import tpu_sc as plsc

N = 10000
C = 128
NC = 2
NS = 16
NW = NC * NS


def _pack_bf16(h):
    hh = h.shape[1] // 2
    lo = lax.bitcast_convert_type(h[:, :hh].astype(jnp.bfloat16), jnp.uint16)
    hi = lax.bitcast_convert_type(h[:, hh:].astype(jnp.bfloat16), jnp.uint16)
    word = lo.astype(jnp.uint32) | (hi.astype(jnp.uint32) << 16)
    return lax.bitcast_convert_type(word, jnp.int32)


def _unpack_bf16(p):
    lo = lax.bitcast_convert_type(lax.shift_left(p, 16), jnp.float32)
    hi = lax.bitcast_convert_type(
        lax.bitwise_and(p, jnp.int32(-65536)), jnp.float32)
    return lo, hi


def _pre_body(x_ref, w1at_ref, w1bt_ref, b1_ref, xa_ref, xb_ref):
    x = x_ref[...]
    xa_ref[...] = _pack_bf16(
        jnp.dot(x, w1at_ref[...], preferred_element_type=jnp.float32))
    xb_ref[...] = _pack_bf16(
        jnp.dot(x, w1bt_ref[...], preferred_element_type=jnp.float32)
        + b1_ref[...])


def _pre(x, w1at, w1bt, b1):
    bn = 2000
    grid = (N // bn,)
    return pl.pallas_call(
        _pre_body,
        grid=grid,
        in_specs=[
            pl.BlockSpec((bn, C), lambda i: (i, 0)),
            pl.BlockSpec((C, C), lambda i: (0, 0)),
            pl.BlockSpec((C, C), lambda i: (0, 0)),
            pl.BlockSpec((1, C), lambda i: (0, 0)),
        ],
        out_specs=[
            pl.BlockSpec((bn, C // 2), lambda i: (i, 0)),
            pl.BlockSpec((bn, C // 2), lambda i: (i, 0)),
        ],
        out_shape=[
            jax.ShapeDtypeStruct((N, C // 2), jnp.int32),
            jax.ShapeDtypeStruct((N, C // 2), jnp.int32),
        ],
    )(x, w1at, w1bt, b1)


def _gather2_body(rw, xa_hbm, xb_hbm, src_hbm, dst_hbm, oa_hbm, ob_hbm,
                  idxs_v, idxd_v, bufa0, bufa1, bufb0, bufb1,
                  sema0, sema1, semb0, semb1):
    w = lax.axis_index("s") * NC + lax.axis_index("c")
    r0 = w * rw
    pltpu.sync_copy(src_hbm.at[pl.ds(r0, rw)], idxs_v)
    pltpu.sync_copy(dst_hbm.at[pl.ds(r0, rw)], idxd_v)
    pltpu.async_copy(xa_hbm.at[idxs_v.at[0]], bufa0, sema0)
    pltpu.async_copy(xb_hbm.at[idxd_v.at[0]], bufb0, semb0)

    def step(k, _):
        g = 2 * k
        pltpu.async_copy(xa_hbm.at[idxs_v.at[g + 1]], bufa1, sema1)
        pltpu.async_copy(xb_hbm.at[idxd_v.at[g + 1]], bufb1, semb1)
        pltpu.make_async_copy(xa_hbm.at[idxs_v.at[0]], bufa0, sema0).wait()
        pltpu.sync_copy(bufa0, oa_hbm.at[pl.ds((r0 + g) * C, C)])
        pltpu.make_async_copy(xb_hbm.at[idxd_v.at[0]], bufb0, semb0).wait()
        pltpu.sync_copy(bufb0, ob_hbm.at[pl.ds((r0 + g) * C, C)])

        @pl.when(k + 1 < rw // 2)
        def _():
            pltpu.async_copy(xa_hbm.at[idxs_v.at[g + 2]], bufa0, sema0)
            pltpu.async_copy(xb_hbm.at[idxd_v.at[g + 2]], bufb0, semb0)

        pltpu.make_async_copy(xa_hbm.at[idxs_v.at[0]], bufa1, sema1).wait()
        pltpu.sync_copy(bufa1, oa_hbm.at[pl.ds((r0 + g + 1) * C, C)])
        pltpu.make_async_copy(xb_hbm.at[idxd_v.at[0]], bufb1, semb1).wait()
        pltpu.sync_copy(bufb1, ob_hbm.at[pl.ds((r0 + g + 1) * C, C)])
        return 0

    lax.fori_loop(0, rw // 2, step, 0)


def _sc_gather2(xa, xb, src2d, dst2d):
    rt = src2d.shape[0]
    rw = rt // NW
    ep = rt * C
    mesh = plsc.VectorSubcoreMesh(core_axis_name="c", subcore_axis_name="s")
    hw = C // 2
    return pl.kernel(
        functools.partial(_gather2_body, rw),
        out_type=[
            jax.ShapeDtypeStruct((ep, hw), jnp.int32),
            jax.ShapeDtypeStruct((ep, hw), jnp.int32),
        ],
        mesh=mesh,
        scratch_types=[
            pltpu.VMEM((rw, C), jnp.int32),
            pltpu.VMEM((rw, C), jnp.int32),
            pltpu.VMEM((C, hw), jnp.int32),
            pltpu.VMEM((C, hw), jnp.int32),
            pltpu.VMEM((C, hw), jnp.int32),
            pltpu.VMEM((C, hw), jnp.int32),
            pltpu.SemaphoreType.DMA,
            pltpu.SemaphoreType.DMA,
            pltpu.SemaphoreType.DMA,
            pltpu.SemaphoreType.DMA,
        ],
        compiler_params=pltpu.CompilerParams(use_tc_tiling_on_sc=False),
    )(xa, xb, src2d, dst2d)


def _mlp_body(be, gaq_ref, gbq_ref, attr_ref, w2l_ref, w2h_ref, j2_ref,
              j2b_ref, b2_ref, g1l_ref, g1h_ref, be1l_ref, be1h_ref,
              g2_ref, be2_ref, out_ref):
    f32 = jnp.float32
    j2 = j2_ref[...]
    j2b = j2b_ref[...]

    gal, gah = _unpack_bf16(gaq_ref[...])
    gbl, gbh = _unpack_bf16(gbq_ref[...])
    hl = gal + gbl
    hh = gah + gbh
    m = jnp.dot(hl + hh, j2, preferred_element_type=f32)
    dl = hl - m
    dh = hh - m
    v = jnp.dot(dl * dl + dh * dh, j2, preferred_element_type=f32)
    inv = lax.rsqrt(v + 1e-5)
    nl = dl * inv * g1l_ref[...] + be1l_ref[...]
    nh = dh * inv * g1h_ref[...] + be1h_ref[...]
    nl = jnp.maximum(nl, 0.2 * nl)
    nh = jnp.maximum(nh, 0.2 * nh)
    h2 = (jnp.dot(nl, w2l_ref[...], preferred_element_type=f32)
          + jnp.dot(nh, w2h_ref[...], preferred_element_type=f32)
          + b2_ref[...])
    m2 = jnp.dot(h2, j2b, preferred_element_type=f32)
    d = h2 - m2
    v2 = jnp.dot(d * d, j2b, preferred_element_type=f32)
    h2 = d * lax.rsqrt(v2 + 1e-5) * g2_ref[...] + be2_ref[...]
    h2 = jnp.maximum(h2, 0.2 * h2)
    at = attr_ref[0]
    hw = C // 2
    for s in range(be // C):
        hs = h2[s * hw:(s + 1) * hw, :]
        d2 = jnp.concatenate([hs[:, :C], hs[:, C:]], axis=0)
        out_ref[pl.ds(s * C, C), :] = d2 * at[:, s:s + 1]


def _mlp(gaq, gbq, attr_t, consts):
    ep2 = gaq.shape[0]
    be = 2048
    rb = be // C
    grid = (2 * ep2 // be,)
    vec = lambda i: (0, 0)
    return pl.pallas_call(
        functools.partial(_mlp_body, be),
        grid=grid,
        in_specs=[
            pl.BlockSpec((be // 2, C), lambda i: (i, 0)),
            pl.BlockSpec((be // 2, C), lambda i: (i, 0)),
            pl.BlockSpec((1, C, rb), lambda i: (i, 0, 0)),
            pl.BlockSpec((C, 2 * C), vec),
            pl.BlockSpec((C, 2 * C), vec),
            pl.BlockSpec((C, C), vec),
            pl.BlockSpec((2 * C, 2 * C), vec),
            pl.BlockSpec((1, 2 * C), vec),
            pl.BlockSpec((1, C), vec),
            pl.BlockSpec((1, C), vec),
            pl.BlockSpec((1, C), vec),
            pl.BlockSpec((1, C), vec),
            pl.BlockSpec((1, 2 * C), vec),
            pl.BlockSpec((1, 2 * C), vec),
        ],
        out_specs=pl.BlockSpec((be, C), lambda i: (i, 0)),
        out_shape=jax.ShapeDtypeStruct((2 * ep2, C), jnp.float32),
    )(gaq, gbq, attr_t, *consts)


def _scatter_body(rw, nchunks, *refs):
    (ef_and_dst, (out_hbm,), (idx_v, bufa, bufb, zbuf, accum, sema, semb)) = (
        refs[: 2 * nchunks], refs[2 * nchunks: 2 * nchunks + 1],
        refs[2 * nchunks + 1:])
    ef_refs = ef_and_dst[:nchunks]
    dst_refs = ef_and_dst[nchunks:]
    c = lax.axis_index("c")
    s = lax.axis_index("s")
    w = s * NC + c
    stripe = 624
    off0 = s * stripe
    zr = 16

    zero16 = jnp.zeros((16,), jnp.float32)

    def zstep(k, _):
        i = k // (C // 16)
        j = k % (C // 16)
        zbuf[i, pl.ds(j * 16, 16)] = zero16
        return 0

    lax.fori_loop(0, zr * (C // 16), zstep, 0)

    nblk = jnp.where(s < NS - 1, stripe // zr, (N - (NS - 1) * stripe) // zr)

    def zcopy(j, _):
        pltpu.sync_copy(zbuf, accum.at[pl.ds(off0 + j * zr, zr)])
        return 0

    lax.fori_loop(0, nblk, zcopy, 0)
    plsc.subcore_barrier()

    r0 = w * rw
    for ef_hbm, dst_hbm in zip(ef_refs, dst_refs):
        pltpu.sync_copy(dst_hbm.at[pl.ds(r0, rw)], idx_v)
        pltpu.async_copy(ef_hbm.at[pl.ds(r0 * C, C)], bufa, sema)

        def step(k, _, ef_hbm=ef_hbm):
            g = 2 * k
            pltpu.async_copy(ef_hbm.at[pl.ds((r0 + g + 1) * C, C)], bufb, semb)
            pltpu.make_async_copy(ef_hbm.at[pl.ds(0, C)], bufa, sema).wait()
            pltpu.sync_copy(bufa, accum.at[idx_v.at[g]], add=True)

            @pl.when(k + 1 < rw // 2)
            def _():
                pltpu.async_copy(ef_hbm.at[pl.ds((r0 + g + 2) * C, C)], bufa, sema)

            pltpu.make_async_copy(ef_hbm.at[pl.ds(0, C)], bufb, semb).wait()
            pltpu.sync_copy(bufb, accum.at[idx_v.at[g + 1]], add=True)
            return 0

        lax.fori_loop(0, rw // 2, step, 0)
    plsc.subcore_barrier()

    @pl.when(s < NS - 1)
    def _():
        pltpu.sync_copy(
            accum.at[pl.ds(off0, stripe)],
            out_hbm.at[c, pl.ds(off0, stripe)],
        )

    @pl.when(s == NS - 1)
    def _():
        last0 = (NS - 1) * stripe
        pltpu.sync_copy(
            accum.at[pl.ds(last0, N - last0)],
            out_hbm.at[c, pl.ds(last0, N - last0)],
        )


def _sc_scatter(efs, dsts):
    rt = dsts[0].shape[0]
    rw = rt // NW
    nchunks = len(efs)
    mesh = plsc.VectorSubcoreMesh(core_axis_name="c", subcore_axis_name="s")
    return pl.kernel(
        functools.partial(_scatter_body, rw, nchunks),
        out_type=jax.ShapeDtypeStruct((NC, N, C), jnp.float32),
        mesh=mesh,
        scratch_types=[
            pltpu.VMEM((rw, C), jnp.int32),
            pltpu.VMEM((C, C), jnp.float32),
            pltpu.VMEM((C, C), jnp.float32),
            pltpu.VMEM((16, C), jnp.float32),
            pltpu.VMEM_SHARED((N, C), jnp.float32),
            pltpu.SemaphoreType.DMA,
            pltpu.SemaphoreType.DMA,
        ],
    )(*efs, *dsts)


def _sum_body(*refs):
    out_ref = refs[-1]
    acc = 0
    for p in refs[:-1]:
        acc = acc + p[0] + p[1]
    out_ref[...] = acc


def _psum(parts):
    bn = 2000
    return pl.pallas_call(
        _sum_body,
        grid=(N // bn,),
        in_specs=[pl.BlockSpec((NC, bn, C), lambda i: (0, i, 0))
                  for _ in parts],
        out_specs=pl.BlockSpec((bn, C), lambda i: (i, 0)),
        out_shape=jax.ShapeDtypeStruct((N, C), jnp.float32),
    )(*parts)


def kernel(x, edge_index, edge_attr, W1, b1, g1, be1, W2, b2, g2, be2):
    e = edge_attr.shape[0]
    rt = -(-e // C)
    rt = -(-rt // (2 * NW)) * (2 * NW)
    ep = rt * C
    pad = ep - e

    n = x.shape[0]
    padidx = (jnp.arange(pad, dtype=jnp.int32)) % n
    src2d = jnp.concatenate([edge_index[0], padidx]).reshape(rt, C)
    dst2d = jnp.concatenate([edge_index[1], padidx]).reshape(rt, C)
    perm = jnp.concatenate([jnp.arange(0, C, 2), jnp.arange(1, C, 2)])
    attrp = jnp.concatenate([edge_attr, jnp.zeros((pad,), jnp.float32)])
    attr_t = jnp.transpose(
        attrp.reshape(rt, C)[:, perm].reshape(ep // 2048, 2048 // C, C),
        (0, 2, 1))
    dst_s2d = dst2d[:, perm]

    hw = C // 2
    w1at = W1[:, :C].T
    w1bt = W1[:, C:].T
    w2t = W2.T
    b1r = b1.reshape(1, C)
    zc = jnp.zeros((hw, C), jnp.float32)
    w2l = jnp.concatenate([
        jnp.concatenate([w2t[:hw], zc], axis=1),
        jnp.concatenate([zc, w2t[:hw]], axis=1)], axis=0)
    w2h = jnp.concatenate([
        jnp.concatenate([w2t[hw:], zc], axis=1),
        jnp.concatenate([zc, w2t[hw:]], axis=1)], axis=0)
    blk = jnp.arange(C) // hw
    j2 = jnp.where(blk[:, None] == blk[None, :], 1.0 / C, 0.0)
    blk2 = jnp.arange(2 * C) // C
    j2b = jnp.where(blk2[:, None] == blk2[None, :], 1.0 / C, 0.0)
    tile2 = lambda a: jnp.concatenate([a, a]).reshape(1, -1)
    consts = (
        w2l, w2h, j2, j2b,
        tile2(b2),
        tile2(g1[:hw]), tile2(g1[hw:]),
        tile2(be1[:hw]), tile2(be1[hw:]),
        tile2(g2), tile2(be2),
    )

    xa, xb = _pre(x, w1at, w1bt, b1r)

    k_chunks = 5
    rc = rt // k_chunks
    blocks_per_chunk = attr_t.shape[0] // k_chunks
    efs, dsts = [], []
    for k in range(k_chunks):
        srck = src2d[k * rc:(k + 1) * rc]
        dstk = dst2d[k * rc:(k + 1) * rc]
        attrk = attr_t[k * blocks_per_chunk:(k + 1) * blocks_per_chunk]
        ga, gb = _sc_gather2(xa, xb, srck, dstk)
        gaq = ga.reshape(ga.shape[0] // 2, C)
        gbq = gb.reshape(gb.shape[0] // 2, C)
        efs.append(_mlp(gaq, gbq, attrk, consts))
        dsts.append(dst_s2d[k * rc:(k + 1) * rc])

    parts = [
        _sc_scatter(efs[:2], dsts[:2]),
        _sc_scatter(efs[2:4], dsts[2:4]),
        _sc_scatter(efs[4:], dsts[4:]),
    ]
    return _psum(parts)

# --- scband reference (transcript-rebuilt; emitter-appended) ---
"""Pipeline reference for scband-edge-conv-86912958202307 (READ-ONLY COPY).

The authoritative reference and input builder live on the scoring server;
editing this copy changes nothing except your own understanding.
"""

import jax, jax.numpy as jnp
import numpy as np

N, E, C = 10000, 320000, 128


def _layer_norm(h, g, b):
    m = jnp.mean(h, axis=-1, keepdims=True)
    v = jnp.var(h, axis=-1, keepdims=True)
    return (h - m) / jnp.sqrt(v + 1e-5) * g + b


def _leaky_relu(h, slope=0.2):
    return jnp.where(h >= 0, h, slope * h)


def setup_inputs(seed: int = 0) -> dict:
    key = jax.random.key(seed)
    ks = jax.random.split(key, 10)
    x = jax.random.normal(ks[0], (N, C), dtype=jnp.float32)
    edge_index = jax.random.randint(ks[1], (2, E), 0, N, dtype=jnp.int32)
    edge_attr = jax.random.uniform(ks[2], (E,), dtype=jnp.float32)
    # edge_mlp params: Linear(2C, C) -> LayerNorm(C) -> LeakyReLU -> Linear(C, C) -> LayerNorm(C) -> LeakyReLU
    lim1 = 1.0 / np.sqrt(2 * C)
    W1 = jax.random.uniform(ks[3], (C, 2 * C), dtype=jnp.float32, minval=-lim1, maxval=lim1)
    b1 = jax.random.uniform(ks[4], (C,), dtype=jnp.float32, minval=-lim1, maxval=lim1)
    g1 = jnp.ones((C,), dtype=jnp.float32)
    be1 = jnp.zeros((C,), dtype=jnp.float32)
    lim2 = 1.0 / np.sqrt(C)
    W2 = jax.random.uniform(ks[5], (C, C), dtype=jnp.float32, minval=-lim2, maxval=lim2)
    b2 = jax.random.uniform(ks[6], (C,), dtype=jnp.float32, minval=-lim2, maxval=lim2)
    g2 = jnp.ones((C,), dtype=jnp.float32)
    be2 = jnp.zeros((C,), dtype=jnp.float32)
    return {"x": x, "edge_index": edge_index, "edge_attr": edge_attr,
            "W1": W1, "b1": b1, "g1": g1, "be1": be1,
            "W2": W2, "b2": b2, "g2": g2, "be2": be2}


def reference(x, edge_index, edge_attr, W1, b1, g1, be1, W2, b2, g2, be2):
    source = edge_index[0]
    target = edge_index[1]
    source_x = jnp.take(x, source, axis=0)
    target_x = jnp.take(x, target, axis=0)
    ef = jnp.concatenate([source_x, target_x], axis=1)
    ef = ef @ W1.T + b1
    ef = _layer_norm(ef, g1, be1)
    ef = _leaky_relu(ef, 0.2)
    ef = ef @ W2.T + b2
    ef = _layer_norm(ef, g2, be2)
    ef = _leaky_relu(ef, 0.2)
    ef = ef * edge_attr[:, None]
    out = jnp.zeros_like(x).at[target].add(ef)
    return out

if __name__ == "__main__":
    import jax
    _d = setup_inputs()
    print(jax.jit(kernel)(*tuple(_d.values())))

</pallas_src>

<mosaic_0001>
#map = affine_map<(d0, d1) -> (0, 0)>
module attributes {stable_mosaic.version = 14 : i64} {
  func.func @_gather2_body(%arg0: i32, %arg1: i32, %arg2: memref<10000x64xi32, #tpu.memory_space<hbm>>, %arg3: memref<10000x64xi32, #tpu.memory_space<hbm>>, %arg4: memref<512x128xi32, #tpu.memory_space<hbm>>, %arg5: memref<512x128xi32, #tpu.memory_space<hbm>>, %arg6: memref<65536x64xi32, #tpu.memory_space<hbm>>, %arg7: memref<65536x64xi32, #tpu.memory_space<hbm>>, %arg8: memref<16x128xi32, #tpu.memory_space<vmem>>, %arg9: memref<16x128xi32, #tpu.memory_space<vmem>>, %arg10: memref<128x64xi32, #tpu.memory_space<vmem>>, %arg11: memref<128x64xi32, #tpu.memory_space<vmem>>, %arg12: memref<128x64xi32, #tpu.memory_space<vmem>>, %arg13: memref<128x64xi32, #tpu.memory_space<vmem>>, %arg14: memref<!tpu.dma_semaphore, #tpu.memory_space<semaphore_mem>>, %arg15: memref<!tpu.dma_semaphore, #tpu.memory_space<semaphore_mem>>, %arg16: memref<!tpu.dma_semaphore, #tpu.memory_space<semaphore_mem>>, %arg17: memref<!tpu.dma_semaphore, #tpu.memory_space<semaphore_mem>>) attributes {dimension_semantics = [#tpu.dimension_semantics<core_parallel>, #tpu.dimension_semantics<subcore_parallel>], iteration_bounds = array<i64: 2, 16>, scalar_prefetch = 0 : i64, scratch_operands = 10 : i64, tpu.core_type = #tpu.core_type<sc_vector_subcore>, window_params = [{transform_indices = #map}, {transform_indices = #map}, {transform_indices = #map}, {transform_indices = #map}, {transform_indices = #map}, {transform_indices = #map}]} {
    %mul3A = arith.constant 2 : i32
    %mul3A_0 = arith.muli %arg1, %mul3A : i32
    %add3A = arith.addi %mul3A_0, %arg0 : i32
    %mul3A_1 = arith.constant 16 : i32
    %mul3A_2 = arith.muli %add3A, %mul3A_1 : i32
    "tpu.region"() ({
      %run_scoped3A = tpu.sem_alloc : memref<!tpu.dma_semaphore, #tpu.memory_space<semaphore_mem>>
      %dma_start3A_22 = arith.constant 0 : i32
      %dma_start3A_23 = tpu.memref_slice %arg4[%mul3A_2, %dma_start3A_22] : memref<512x128xi32, #tpu.memory_space<hbm>> -> memref<16x128xi32, #tpu.memory_space<hbm>>
      %dma_start3A_24 = arith.constant 0 : i32
      %dma_start3A_25 = tpu.memref_slice %arg4[%mul3A_2, %dma_start3A_24] : memref<512x128xi32, #tpu.memory_space<hbm>> -> memref<16x128xi32, #tpu.memory_space<hbm>>
      tpu.enqueue_dma source(%dma_start3A_25 : memref<16x128xi32, #tpu.memory_space<hbm>>) target(%arg8 : memref<16x128xi32, #tpu.memory_space<vmem>>) target_semaphore(%run_scoped3A : memref<!tpu.dma_semaphore, #tpu.memory_space<semaphore_mem>>)
      %dma_wait3A = arith.constant 0 : i32
      %dma_wait3A_26 = tpu.memref_slice %arg4[%mul3A_2, %dma_wait3A] : memref<512x128xi32, #tpu.memory_space<hbm>> -> memref<16x128xi32, #tpu.memory_space<hbm>>
      %dma_wait3A_27 = arith.constant 0 : i32
      %dma_wait3A_28 = tpu.memref_slice %arg4[%mul3A_2, %dma_wait3A_27] : memref<512x128xi32, #tpu.memory_space<hbm>> -> memref<16x128xi32, #tpu.memory_space<hbm>>
      tpu.wait_dma2 semaphore(%run_scoped3A : memref<!tpu.dma_semaphore, #tpu.memory_space<semaphore_mem>>) src(%dma_wait3A_28 : memref<16x128xi32, #tpu.memory_space<hbm>>) dst(%arg8 : memref<16x128xi32, #tpu.memory_space<vmem>>)
      tpu.yield
    }) : () -> ()
    "tpu.region"() ({
      %run_scoped3A = tpu.sem_alloc : memref<!tpu.dma_semaphore, #tpu.memory_space<semaphore_mem>>
      %dma_start3A_22 = arith.constant 0 : i32
      %dma_start3A_23 = tpu.memref_slice %arg5[%mul3A_2, %dma_start3A_22] : memref<512x128xi32, #tpu.memory_space<hbm>> -> memref<16x128xi32, #tpu.memory_space<hbm>>
      %dma_start3A_24 = arith.constant 0 : i32
      %dma_start3A_25 = tpu.memref_slice %arg5[%mul3A_2, %dma_start3A_24] : memref<512x128xi32, #tpu.memory_space<hbm>> -> memref<16x128xi32, #tpu.memory_space<hbm>>
      tpu.enqueue_dma source(%dma_start3A_25 : memref<16x128xi32, #tpu.memory_space<hbm>>) target(%arg9 : memref<16x128xi32, #tpu.memory_space<vmem>>) target_semaphore(%run_scoped3A : memref<!tpu.dma_semaphore, #tpu.memory_space<semaphore_mem>>)
      %dma_wait3A = arith.constant 0 : i32
      %dma_wait3A_26 = tpu.memref_slice %arg5[%mul3A_2, %dma_wait3A] : memref<512x128xi32, #tpu.memory_space<hbm>> -> memref<16x128xi32, #tpu.memory_space<hbm>>
      %dma_wait3A_27 = arith.constant 0 : i32
      %dma_wait3A_28 = tpu.memref_slice %arg5[%mul3A_2, %dma_wait3A_27] : memref<512x128xi32, #tpu.memory_space<hbm>> -> memref<16x128xi32, #tpu.memory_space<hbm>>
      tpu.wait_dma2 semaphore(%run_scoped3A : memref<!tpu.dma_semaphore, #tpu.memory_space<semaphore_mem>>) src(%dma_wait3A_28 : memref<16x128xi32, #tpu.memory_space<hbm>>) dst(%arg9 : memref<16x128xi32, #tpu.memory_space<vmem>>)
      tpu.yield
    }) : () -> ()
    %dma_start3A = arith.constant 0 : i32
    %dma_start3A_3 = arith.constant 0 : i32
    %dma_start3A_4 = tpu.memref_slice %arg8[%dma_start3A, %dma_start3A_3] : memref<16x128xi32, #tpu.memory_space<vmem>> -> memref<1x128xi32, #tpu.memory_space<vmem>>
    %dma_start3A_5 = tpu.memref_squeeze %dma_start3A_4 : memref<1x128xi32, #tpu.memory_space<vmem>> -> memref<128xi32, #tpu.memory_space<vmem>>
    %dma_start3A_6 = arith.constant 0 : i32
    %dma_start3A_7 = arith.constant 0 : i32
    %dma_start3A_8 = tpu.memref_slice %arg2[%dma_start3A_6, %dma_start3A_7] : memref<10000x64xi32, #tpu.memory_space<hbm>> -> memref<10000x64xi32, #tpu.memory_space<hbm>>
    tpu.enqueue_indirect_dma source(%dma_start3A_8 : memref<10000x64xi32, #tpu.memory_space<hbm>>) target(%arg10 : memref<128x64xi32, #tpu.memory_space<vmem>>) offsets(%dma_start3A_5 : memref<128xi32, #tpu.memory_space<vmem>>) semaphore(%arg14 : memref<!tpu.dma_semaphore, #tpu.memory_space<semaphore_mem>>)
    %dma_start3A_9 = arith.constant 0 : i32
    %dma_start3A_10 = arith.constant 0 : i32
    %dma_start3A_11 = tpu.memref_slice %arg9[%dma_start3A_9, %dma_start3A_10] : memref<16x128xi32, #tpu.memory_space<vmem>> -> memref<1x128xi32, #tpu.memory_space<vmem>>
    %dma_start3A_12 = tpu.memref_squeeze %dma_start3A_11 : memref<1x128xi32, #tpu.memory_space<vmem>> -> memref<128xi32, #tpu.memory_space<vmem>>
    %dma_start3A_13 = arith.constant 0 : i32
    %dma_start3A_14 = arith.constant 0 : i32
    %dma_start3A_15 = tpu.memref_slice %arg3[%dma_start3A_13, %dma_start3A_14] : memref<10000x64xi32, #tpu.memory_space<hbm>> -> memref<10000x64xi32, #tpu.memory_space<hbm>>
    tpu.enqueue_indirect_dma source(%dma_start3A_15 : memref<10000x64xi32, #tpu.memory_space<hbm>>) target(%arg12 : memref<128x64xi32, #tpu.memory_space<vmem>>) offsets(%dma_start3A_12 : memref<128xi32, #tpu.memory_space<vmem>>) semaphore(%arg16 : memref<!tpu.dma_semaphore, #tpu.memory_space<semaphore_mem>>)
    %scan3A = arith.constant 0 : i32
    %scan3A_16 = arith.constant 0 : i32
    %scan3A_17 = arith.constant 8 : i32
    %scan3A_18 = arith.addi %scan3A_16, %scan3A_17 : i32
    %scan3A_19 = arith.constant 1 : i32
    %scan3A_20 = scf.for %scan3A_22 = %scan3A_16 to %scan3A_18 step %scan3A_19 iter_args(%scan3A_23 = %scan3A) -> (i32)  : i32 {
      %mul3A_24 = arith.constant 2 : i32
      %mul3A_25 = arith.muli %mul3A_24, %scan3A_22 : i32
      %add3A_26 = arith.constant 1 : i32
      %add3A_27 = arith.addi %mul3A_25, %add3A_26 : i32
      %dma_start3A_28 = arith.constant 0 : i32
      %dma_start3A_29 = tpu.memref_slice %arg8[%add3A_27, %dma_start3A_28] : memref<16x128xi32, #tpu.memory_space<vmem>> -> memref<1x128xi32, #tpu.memory_space<vmem>>
      %dma_start3A_30 = tpu.memref_squeeze %dma_start3A_29 : memref<1x128xi32, #tpu.memory_space<vmem>> -> memref<128xi32, #tpu.memory_space<vmem>>
      %dma_start3A_31 = arith.constant 0 : i32
      %dma_start3A_32 = arith.constant 0 : i32
      %dma_start3A_33 = tpu.memref_slice %arg2[%dma_start3A_31, %dma_start3A_32] : memref<10000x64xi32, #tpu.memory_space<hbm>> -> memref<10000x64xi32, #tpu.memory_space<hbm>>
      tpu.enqueue_indirect_dma source(%dma_start3A_33 : memref<10000x64xi32, #tpu.memory_space<hbm>>) target(%arg11 : memref<128x64xi32, #tpu.memory_space<vmem>>) offsets(%dma_start3A_30 : memref<128xi32, #tpu.memory_space<vmem>>) semaphore(%arg15 : memref<!tpu.dma_semaphore, #tpu.memory_space<semaphore_mem>>)
      %add3A_34 = arith.constant 1 : i32
      %add3A_35 = arith.addi %mul3A_25, %add3A_34 : i32
      %dma_start3A_36 = arith.constant 0 : i32
      %dma_start3A_37 = tpu.memref_slice %arg9[%add3A_35, %dma_start3A_36] : memref<16x128xi32, #tpu.memory_space<vmem>> -> memref<1x128xi32, #tpu.memory_space<vmem>>
      %dma_start3A_38 = tpu.memref_squeeze %dma_start3A_37 : memref<1x128xi32, #tpu.memory_space<vmem>> -> memref<128xi32, #tpu.memory_space<vmem>>
      %dma_start3A_39 = arith.constant 0 : i32
      %dma_start3A_40 = arith.constant 0 : i32
      %dma_start3A_41 = tpu.memref_slice %arg3[%dma_start3A_39, %dma_start3A_40] : memref<10000x64xi32, #tpu.memory_space<hbm>> -> memref<10000x64xi32, #tpu.memory_space<hbm>>
      tpu.enqueue_indirect_dma source(%dma_start3A_41 : memref<10000x64xi32, #tpu.memory_space<hbm>>) target(%arg13 : memref<128x64xi32, #tpu.memory_space<vmem>>) offsets(%dma_start3A_38 : memref<128xi32, #tpu.memory_space<vmem>>) semaphore(%arg17 : memref<!tpu.dma_semaphore, #tpu.memory_space<semaphore_mem>>)
      %dma_wait3A = arith.constant 0 : i32
      %dma_wait3A_42 = arith.constant 0 : i32
      %dma_wait3A_43 = tpu.memref_slice %arg8[%dma_wait3A, %dma_wait3A_42] : memref<16x128xi32, #tpu.memory_space<vmem>> -> memref<1x128xi32, #tpu.memory_space<vmem>>
      %dma_wait3A_44 = tpu.memref_squeeze %dma_wait3A_43 : memref<1x128xi32, #tpu.memory_space<vmem>> -> memref<128xi32, #tpu.memory_space<vmem>>
      %dma_wait3A_45 = arith.constant 0 : i32
      %dma_wait3A_46 = arith.constant 0 : i32
      %dma_wait3A_47 = tpu.memref_slice %arg2[%dma_wait3A_45, %dma_wait3A_46] : memref<10000x64xi32, #tpu.memory_space<hbm>> -> memref<10000x64xi32, #tpu.memory_space<hbm>>
      tpu.wait_indirect_dma semaphore(%arg14 : memref<!tpu.dma_semaphore, #tpu.memory_space<semaphore_mem>>) src(%dma_wait3A_47 : memref<10000x64xi32, #tpu.memory_space<hbm>>) dst(%arg10 : memref<128x64xi32, #tpu.memory_space<vmem>>)
      %add3A_48 = arith.addi %mul3A_2, %mul3A_25 : i32
      %mul3A_49 = arith.constant 128 : i32
      %mul3A_50 = arith.muli %add3A_48, %mul3A_49 : i32
      "tpu.region"() ({
        %run_scoped3A = tpu.sem_alloc : memref<!tpu.dma_semaphore, #tpu.memory_space<semaphore_mem>>
        %dma_start3A_90 = arith.constant 0 : i32
        %dma_start3A_91 = tpu.memref_slice %arg6[%mul3A_50, %dma_start3A_90] : memref<65536x64xi32, #tpu.memory_space<hbm>> -> memref<128x64xi32, #tpu.memory_space<hbm>>
        %dma_start3A_92 = arith.constant 0 : i32
        %dma_start3A_93 = tpu.memref_slice %arg6[%mul3A_50, %dma_start3A_92] : memref<65536x64xi32, #tpu.memory_space<hbm>> -> memref<128x64xi32, #tpu.memory_space<hbm>>
        tpu.enqueue_dma source(%arg10 : memref<128x64xi32, #tpu.memory_space<vmem>>) target(%dma_start3A_93 : memref<128x64xi32, #tpu.memory_space<hbm>>) target_semaphore(%run_scoped3A : memref<!tpu.dma_semaphore, #tpu.memory_space<semaphore_mem>>)
        %dma_wait3A_94 = arith.constant 0 : i32
        %dma_wait3A_95 = tpu.memref_slice %arg6[%mul3A_50, %dma_wait3A_94] : memref<65536x64xi32, #tpu.memory_space<hbm>> -> memref<128x64xi32, #tpu.memory_space<hbm>>
        %dma_wait3A_96 = arith.constant 0 : i32
        %dma_wait3A_97 = tpu.memref_slice %arg6[%mul3A_50, %dma_wait3A_96] : memref<65536x64xi32, #tpu.memory_space<hbm>> -> memref<128x64xi32, #tpu.memory_space<hbm>>
        tpu.wait_dma2 semaphore(%run_scoped3A : memref<!tpu.dma_semaphore, #tpu.memory_space<semaphore_mem>>) src(%arg10 : memref<128x64xi32, #tpu.memory_space<vmem>>) dst(%dma_wait3A_97 : memref<128x64xi32, #tpu.memory_space<hbm>>)
        tpu.yield
      }) : () -> ()
      %dma_wait3A_51 = arith.constant 0 : i32
      %dma_wait3A_52 = arith.constant 0 : i32
      %dma_wait3A_53 = tpu.memref_slice %arg9[%dma_wait3A_51, %dma_wait3A_52] : memref<16x128xi32, #tpu.memory_space<vmem>> -> memref<1x128xi32, #tpu.memory_space<vmem>>
      %dma_wait3A_54 = tpu.memref_squeeze %dma_wait3A_53 : memref<1x128xi32, #tpu.memory_space<vmem>> -> memref<128xi32, #tpu.memory_space<vmem>>
      %dma_wait3A_55 = arith.constant 0 : i32
      %dma_wait3A_56 = arith.constant 0 : i32
      %dma_wait3A_57 = tpu.memref_slice %arg3[%dma_wait3A_55, %dma_wait3A_56] : memref<10000x64xi32, #tpu.memory_space<hbm>> -> memref<10000x64xi32, #tpu.memory_space<hbm>>
      tpu.wait_indirect_dma semaphore(%arg16 : memref<!tpu.dma_semaphore, #tpu.memory_space<semaphore_mem>>) src(%dma_wait3A_57 : memref<10000x64xi32, #tpu.memory_space<hbm>>) dst(%arg12 : memref<128x64xi32, #tpu.memory_space<vmem>>)
      %add3A_58 = arith.addi %mul3A_2, %mul3A_25 : i32
      %mul3A_59 = arith.constant 128 : i32
      %mul3A_60 = arith.muli %add3A_58, %mul3A_59 : i32
      "tpu.region"() ({
        %run_scoped3A = tpu.sem_alloc : memref<!tpu.dma_semaphore, #tpu.memory_space<semaphore_mem>>
        %dma_start3A_90 = arith.constant 0 : i32
        %dma_start3A_91 = tpu.memref_slice %arg7[%mul3A_60, %dma_start3A_90] : memref<65536x64xi32, #tpu.memory_space<hbm>> -> memref<128x64xi32, #tpu.memory_space<hbm>>
        %dma_start3A_92 = arith.constant 0 : i32
        %dma_start3A_93 = tpu.memref_slice %arg7[%mul3A_60, %dma_start3A_92] : memref<65536x64xi32, #tpu.memory_space<hbm>> -> memref<128x64xi32, #tpu.memory_space<hbm>>
        tpu.enqueue_dma source(%arg12 : memref<128x64xi32, #tpu.memory_space<vmem>>) target(%dma_start3A_93 : memref<128x64xi32, #tpu.memory_space<hbm>>) target_semaphore(%run_scoped3A : memref<!tpu.dma_semaphore, #tpu.memory_space<semaphore_mem>>)
        %dma_wait3A_94 = arith.constant 0 : i32
        %dma_wait3A_95 = tpu.memref_slice %arg7[%mul3A_60, %dma_wait3A_94] : memref<65536x64xi32, #tpu.memory_space<hbm>> -> memref<128x64xi32, #tpu.memory_space<hbm>>
        %dma_wait3A_96 = arith.constant 0 : i32
        %dma_wait3A_97 = tpu.memref_slice %arg7[%mul3A_60, %dma_wait3A_96] : memref<65536x64xi32, #tpu.memory_space<hbm>> -> memref<128x64xi32, #tpu.memory_space<hbm>>
        tpu.wait_dma2 semaphore(%run_scoped3A : memref<!tpu.dma_semaphore, #tpu.memory_space<semaphore_mem>>) src(%arg12 : memref<128x64xi32, #tpu.memory_space<vmem>>) dst(%dma_wait3A_97 : memref<128x64xi32, #tpu.memory_space<hbm>>)
        tpu.yield
      }) : () -> ()
      %add3A_61 = arith.constant 1 : i32
      %add3A_62 = arith.addi %scan3A_22, %add3A_61 : i32
      %lt3A = arith.constant 8 : i32
      %lt3A_63 = arith.cmpi slt, %add3A_62, %lt3A : i32
      %convert_element_type3A = arith.extui %lt3A_63 : i1 to i32
      %cond3A = arith.constant 0 : i32
      %cond3A_64 = arith.cmpi ne, %convert_element_type3A, %cond3A : i32
      scf.if %cond3A_64 {
        %add3A_90 = arith.constant 2 : i32
        %add3A_91 = arith.addi %mul3A_25, %add3A_90 : i32
        %dma_start3A_92 = arith.constant 0 : i32
        %dma_start3A_93 = tpu.memref_slice %arg8[%add3A_91, %dma_start3A_92] : memref<16x128xi32, #tpu.memory_space<vmem>> -> memref<1x128xi32, #tpu.memory_space<vmem>>
        %dma_start3A_94 = tpu.memref_squeeze %dma_start3A_93 : memref<1x128xi32, #tpu.memory_space<vmem>> -> memref<128xi32, #tpu.memory_space<vmem>>
        %dma_start3A_95 = arith.constant 0 : i32
        %dma_start3A_96 = arith.constant 0 : i32
        %dma_start3A_97 = tpu.memref_slice %arg2[%dma_start3A_95, %dma_start3A_96] : memref<10000x64xi32, #tpu.memory_space<hbm>> -> memref<10000x64xi32, #tpu.memory_space<hbm>>
        tpu.enqueue_indirect_dma source(%dma_start3A_97 : memref<10000x64xi32, #tpu.memory_space<hbm>>) target(%arg10 : memref<128x64xi32, #tpu.memory_space<vmem>>) offsets(%dma_start3A_94 : memref<128xi32, #tpu.memory_space<vmem>>) semaphore(%arg14 : memref<!tpu.dma_semaphore, #tpu.memory_space<semaphore_mem>>)
        %add3A_98 = arith.constant 2 : i32
        %add3A_99 = arith.addi %mul3A_25, %add3A_98 : i32
        %dma_start3A_100 = arith.constant 0 : i32
        %dma_start3A_101 = tpu.memref_slice %arg9[%add3A_99, %dma_start3A_100] : memref<16x128xi32, #tpu.memory_space<vmem>> -> memref<1x128xi32, #tpu.memory_space<vmem>>
        %dma_start3A_102 = tpu.memref_squeeze %dma_start3A_101 : memref<1x128xi32, #tpu.memory_space<vmem>> -> memref<128xi32, #tpu.memory_space<vmem>>
        %dma_start3A_103 = arith.constant 0 : i32
        %dma_start3A_104 = arith.constant 0 : i32
        %dma_start3A_105 = tpu.memref_slice %arg3[%dma_start3A_103, %dma_start3A_104] : memref<10000x64xi32, #tpu.memory_space<hbm>> -> memref<10000x64xi32, #tpu.memory_space<hbm>>
        tpu.enqueue_indirect_dma source(%dma_start3A_105 : memref<10000x64xi32, #tpu.memory_space<hbm>>) target(%arg12 : memref<128x64xi32, #tpu.memory_space<vmem>>) offsets(%dma_start3A_102 : memref<128xi32, #tpu.memory_space<vmem>>) semaphore(%arg16 : memref<!tpu.dma_semaphore, #tpu.memory_space<semaphore_mem>>)
      } else {
      }
      %dma_wait3A_65 = arith.constant 0 : i32
      %dma_wait3A_66 = arith.constant 0 : i32
      %dma_wait3A_67 = tpu.memref_slice %arg8[%dma_wait3A_65, %dma_wait3A_66] : memref<16x128xi32, #tpu.memory_space<vmem>> -> memref<1x128xi32, #tpu.memory_space<vmem>>
      %dma_wait3A_68 = tpu.memref_squeeze %dma_wait3A_67 : memref<1x128xi32, #tpu.memory_space<vmem>> -> memref<128xi32, #tpu.memory_space<vmem>>
      %dma_wait3A_69 = arith.constant 0 : i32
      %dma_wait3A_70 = arith.constant 0 : i32
      %dma_wait3A_71 = tpu.memref_slice %arg2[%dma_wait3A_69, %dma_wait3A_70] : memref<10000x64xi32, #tpu.memory_space<hbm>> -> memref<10000x64xi32, #tpu.memory_space<hbm>>
      tpu.wait_indirect_dma semaphore(%arg15 : memref<!tpu.dma_semaphore, #tpu.memory_space<semaphore_mem>>) src(%dma_wait3A_71 : memref<10000x64xi32, #tpu.memory_space<hbm>>) dst(%arg11 : memref<128x64xi32, #tpu.memory_space<vmem>>)
      %add3A_72 = arith.addi %mul3A_2, %mul3A_25 : i32
      %add3A_73 = arith.constant 1 : i32
      %add3A_74 = arith.addi %add3A_72, %add3A_73 : i32
      %mul3A_75 = arith.constant 128 : i32
      %mul3A_76 = arith.muli %add3A_74, %mul3A_75 : i32
      "tpu.region"() ({
        %run_scoped3A = tpu.sem_alloc : memref<!tpu.dma_semaphore, #tpu.memory_space<semaphore_mem>>
        %dma_start3A_90 = arith.constant 0 : i32
        %dma_start3A_91 = tpu.memref_slice %arg6[%mul3A_76, %dma_start3A_90] : memref<65536x64xi32, #tpu.memory_space<hbm>> -> memref<128x64xi32, #tpu.memory_space<hbm>>
        %dma_start3A_92 = arith.constant 0 : i32
        %dma_start3A_93 = tpu.memref_slice %arg6[%mul3A_76, %dma_start3A_92] : memref<65536x64xi32, #tpu.memory_space<hbm>> -> memref<128x64xi32, #tpu.memory_space<hbm>>
        tpu.enqueue_dma source(%arg11 : memref<128x64xi32, #tpu.memory_space<vmem>>) target(%dma_start3A_93 : memref<128x64xi32, #tpu.memory_space<hbm>>) target_semaphore(%run_scoped3A : memref<!tpu.dma_semaphore, #tpu.memory_space<semaphore_mem>>)
        %dma_wait3A_94 = arith.constant 0 : i32
        %dma_wait3A_95 = tpu.memref_slice %arg6[%mul3A_76, %dma_wait3A_94] : memref<65536x64xi32, #tpu.memory_space<hbm>> -> memref<128x64xi32, #tpu.memory_space<hbm>>
        %dma_wait3A_96 = arith.constant 0 : i32
        %dma_wait3A_97 = tpu.memref_slice %arg6[%mul3A_76, %dma_wait3A_96] : memref<65536x64xi32, #tpu.memory_space<hbm>> -> memref<128x64xi32, #tpu.memory_space<hbm>>
        tpu.wait_dma2 semaphore(%run_scoped3A : memref<!tpu.dma_semaphore, #tpu.memory_space<semaphore_mem>>) src(%arg11 : memref<128x64xi32, #tpu.memory_space<vmem>>) dst(%dma_wait3A_97 : memref<128x64xi32, #tpu.memory_space<hbm>>)
        tpu.yield
      }) : () -> ()
      %dma_wait3A_77 = arith.constant 0 : i32
      %dma_wait3A_78 = arith.constant 0 : i32
      %dma_wait3A_79 = tpu.memref_slice %arg9[%dma_wait3A_77, %dma_wait3A_78] : memref<16x128xi32, #tpu.memory_space<vmem>> -> memref<1x128xi32, #tpu.memory_space<vmem>>
      %dma_wait3A_80 = tpu.memref_squeeze %dma_wait3A_79 : memref<1x128xi32, #tpu.memory_space<vmem>> -> memref<128xi32, #tpu.memory_space<vmem>>
      %dma_wait3A_81 = arith.constant 0 : i32
      %dma_wait3A_82 = arith.constant 0 : i32
      %dma_wait3A_83 = tpu.memref_slice %arg3[%dma_wait3A_81, %dma_wait3A_82] : memref<10000x64xi32, #tpu.memory_space<hbm>> -> memref<10000x64xi32, #tpu.memory_space<hbm>>
      tpu.wait_indirect_dma semaphore(%arg17 : memref<!tpu.dma_semaphore, #tpu.memory_space<semaphore_mem>>) src(%dma_wait3A_83 : memref<10000x64xi32, #tpu.memory_space<hbm>>) dst(%arg13 : memref<128x64xi32, #tpu.memory_space<vmem>>)
      %add3A_84 = arith.addi %mul3A_2, %mul3A_25 : i32
      %add3A_85 = arith.constant 1 : i32
      %add3A_86 = arith.addi %add3A_84, %add3A_85 : i32
      %mul3A_87 = arith.constant 128 : i32
      %mul3A_88 = arith.muli %add3A_86, %mul3A_87 : i32
      "tpu.region"() ({
        %run_scoped3A = tpu.sem_alloc : memref<!tpu.dma_semaphore, #tpu.memory_space<semaphore_mem>>
        %dma_start3A_90 = arith.constant 0 : i32
        %dma_start3A_91 = tpu.memref_slice %arg7[%mul3A_88, %dma_start3A_90] : memref<65536x64xi32, #tpu.memory_space<hbm>> -> memref<128x64xi32, #tpu.memory_space<hbm>>
        %dma_start3A_92 = arith.constant 0 : i32
        %dma_start3A_93 = tpu.memref_slice %arg7[%mul3A_88, %dma_start3A_92] : memref<65536x64xi32, #tpu.memory_space<hbm>> -> memref<128x64xi32, #tpu.memory_space<hbm>>
        tpu.enqueue_dma source(%arg13 : memref<128x64xi32, #tpu.memory_space<vmem>>) target(%dma_start3A_93 : memref<128x64xi32, #tpu.memory_space<hbm>>) target_semaphore(%run_scoped3A : memref<!tpu.dma_semaphore, #tpu.memory_space<semaphore_mem>>)
        %dma_wait3A_94 = arith.constant 0 : i32
        %dma_wait3A_95 = tpu.memref_slice %arg7[%mul3A_88, %dma_wait3A_94] : memref<65536x64xi32, #tpu.memory_space<hbm>> -> memref<128x64xi32, #tpu.memory_space<hbm>>
        %dma_wait3A_96 = arith.constant 0 : i32
        %dma_wait3A_97 = tpu.memref_slice %arg7[%mul3A_88, %dma_wait3A_96] : memref<65536x64xi32, #tpu.memory_space<hbm>> -> memref<128x64xi32, #tpu.memory_space<hbm>>
        tpu.wait_dma2 semaphore(%run_scoped3A : memref<!tpu.dma_semaphore, #tpu.memory_space<semaphore_mem>>) src(%arg13 : memref<128x64xi32, #tpu.memory_space<vmem>>) dst(%dma_wait3A_97 : memref<128x64xi32, #tpu.memory_space<hbm>>)
        tpu.yield
      }) : () -> ()
      %scan3A_89 = arith.constant 0 : i32
      scf.yield %scan3A_89 : i32
    }
    %scan3A_21 = arith.constant 8 : i32
    return
  }
}

#map = affine_map<(d0, d1) -> (0, 0)>
module attributes {stable_mosaic.version = 14 : i64} {
  func.func @_gather2_body(%arg0: i32, %arg1: i32, %arg2: memref<10000x64xi32, #tpu.memory_space<hbm>>, %arg3: memref<10000x64xi32, #tpu.memory_space<hbm>>, %arg4: memref<512x128xi32, #tpu.memory_space<hbm>>, %arg5: memref<512x128xi32, #tpu.memory_space<hbm>>, %arg6: memref<65536x64xi32, #tpu.memory_space<hbm>>, %arg7: memref<65536x64xi32, #tpu.memory_space<hbm>>, %arg8: memref<16x128xi32, #tpu.memory_space<vmem>>, %arg9: memref<16x128xi32, #tpu.memory_space<vmem>>, %arg10: memref<128x64xi32, #tpu.memory_space<vmem>>, %arg11: memref<128x64xi32, #tpu.memory_space<vmem>>, %arg12: memref<128x64xi32, #tpu.memory_space<vmem>>, %arg13: memref<128x64xi32, #tpu.memory_space<vmem>>, %arg14: memref<!tpu.dma_semaphore, #tpu.memory_space<semaphore_mem>>, %arg15: memref<!tpu.dma_semaphore, #tpu.memory_space<semaphore_mem>>, %arg16: memref<!tpu.dma_semaphore, #tpu.memory_space<semaphore_mem>>, %arg17: memref<!tpu.dma_semaphore, #tpu.memory_space<semaphore_mem>>) attributes {dimension_semantics = [#tpu.dimension_semantics<core_parallel>, #tpu.dimension_semantics<subcore_parallel>], iteration_bounds = array<i64: 2, 16>, scalar_prefetch = 0 : i64, scratch_operands = 10 : i64, tpu.core_type = #tpu.core_type<sc_vector_subcore>, window_params = [{transform_indices = #map}, {transform_indices = #map}, {transform_indices = #map}, {transform_indices = #map}, {transform_indices = #map}, {transform_indices = #map}]} {
    %mul3A = arith.constant 2 : i32
    %mul3A_0 = arith.muli %arg1, %mul3A : i32
    %add3A = arith.addi %mul3A_0, %arg0 : i32
    %mul3A_1 = arith.constant 16 : i32
    %mul3A_2 = arith.muli %add3A, %mul3A_1 : i32
    "tpu.region"() ({
      %run_scoped3A = tpu.sem_alloc : memref<!tpu.dma_semaphore, #tpu.memory_space<semaphore_mem>>
      %dma_start3A_22 = arith.constant 0 : i32
      %dma_start3A_23 = tpu.memref_slice %arg4[%mul3A_2, %dma_start3A_22] : memref<512x128xi32, #tpu.memory_space<hbm>> -> memref<16x128xi32, #tpu.memory_space<hbm>>
      %dma_start3A_24 = arith.constant 0 : i32
      %dma_start3A_25 = tpu.memref_slice %arg4[%mul3A_2, %dma_start3A_24] : memref<512x128xi32, #tpu.memory_space<hbm>> -> memref<16x128xi32, #tpu.memory_space<hbm>>
      tpu.enqueue_dma source(%dma_start3A_25 : memref<16x128xi32, #tpu.memory_space<hbm>>) target(%arg8 : memref<16x128xi32, #tpu.memory_space<vmem>>) target_semaphore(%run_scoped3A : memref<!tpu.dma_semaphore, #tpu.memory_space<semaphore_mem>>)
      %dma_wait3A = arith.constant 0 : i32
      %dma_wait3A_26 = tpu.memref_slice %arg4[%mul3A_2, %dma_wait3A] : memref<512x128xi32, #tpu.memory_space<hbm>> -> memref<16x128xi32, #tpu.memory_space<hbm>>
      %dma_wait3A_27 = arith.constant 0 : i32
      %dma_wait3A_28 = tpu.memref_slice %arg4[%mul3A_2, %dma_wait3A_27] : memref<512x128xi32, #tpu.memory_space<hbm>> -> memref<16x128xi32, #tpu.memory_space<hbm>>
      tpu.wait_dma2 semaphore(%run_scoped3A : memref<!tpu.dma_semaphore, #tpu.memory_space<semaphore_mem>>) src(%dma_wait3A_28 : memref<16x128xi32, #tpu.memory_space<hbm>>) dst(%arg8 : memref<16x128xi32, #tpu.memory_space<vmem>>)
      tpu.yield
    }) : () -> ()
    "tpu.region"() ({
      %run_scoped3A = tpu.sem_alloc : memref<!tpu.dma_semaphore, #tpu.memory_space<semaphore_mem>>
      %dma_start3A_22 = arith.constant 0 : i32
      %dma_start3A_23 = tpu.memref_slice %arg5[%mul3A_2, %dma_start3A_22] : memref<512x128xi32, #tpu.memory_space<hbm>> -> memref<16x128xi32, #tpu.memory_space<hbm>>
      %dma_start3A_24 = arith.constant 0 : i32
      %dma_start3A_25 = tpu.memref_slice %arg5[%mul3A_2, %dma_start3A_24] : memref<512x128xi32, #tpu.memory_space<hbm>> -> memref<16x128xi32, #tpu.memory_space<hbm>>
      tpu.enqueue_dma source(%dma_start3A_25 : memref<16x128xi32, #tpu.memory_space<hbm>>) target(%arg9 : memref<16x128xi32, #tpu.memory_space<vmem>>) target_semaphore(%run_scoped3A : memref<!tpu.dma_semaphore, #tpu.memory_space<semaphore_mem>>)
      %dma_wait3A = arith.constant 0 : i32
      %dma_wait3A_26 = tpu.memref_slice %arg5[%mul3A_2, %dma_wait3A] : memref<512x128xi32, #tpu.memory_space<hbm>> -> memref<16x128xi32, #tpu.memory_space<hbm>>
      %dma_wait3A_27 = arith.constant 0 : i32
      %dma_wait3A_28 = tpu.memref_slice %arg5[%mul3A_2, %dma_wait3A_27] : memref<512x128xi32, #tpu.memory_space<hbm>> -> memref<16x128xi32, #tpu.memory_space<hbm>>
      tpu.wait_dma2 semaphore(%run_scoped3A : memref<!tpu.dma_semaphore, #tpu.memory_space<semaphore_mem>>) src(%dma_wait3A_28 : memref<16x128xi32, #tpu.memory_space<hbm>>) dst(%arg9 : memref<16x128xi32, #tpu.memory_space<vmem>>)
      tpu.yield
    }) : () -> ()
    %dma_start3A = arith.constant 0 : i32
    %dma_start3A_3 = arith.constant 0 : i32
    %dma_start3A_4 = tpu.memref_slice %arg8[%dma_start3A, %dma_start3A_3] : memref<16x128xi32, #tpu.memory_space<vmem>> -> memref<1x128xi32, #tpu.memory_space<vmem>>
    %dma_start3A_5 = tpu.memref_squeeze %dma_start3A_4 : memref<1x128xi32, #tpu.memory_space<vmem>> -> memref<128xi32, #tpu.memory_space<vmem>>
    %dma_start3A_6 = arith.constant 0 : i32
    %dma_start3A_7 = arith.constant 0 : i32
    %dma_start3A_8 = tpu.memref_slice %arg2[%dma_start3A_6, %dma_start3A_7] : memref<10000x64xi32, #tpu.memory_space<hbm>> -> memref<10000x64xi32, #tpu.memory_space<hbm>>
    tpu.enqueue_indirect_dma source(%dma_start3A_8 : memref<10000x64xi32, #tpu.memory_space<hbm>>) target(%arg10 : memref<128x64xi32, #tpu.memory_space<vmem>>) offsets(%dma_start3A_5 : memref<128xi32, #tpu.memory_space<vmem>>) semaphore(%arg14 : memref<!tpu.dma_semaphore, #tpu.memory_space<semaphore_mem>>)
    %dma_start3A_9 = arith.constant 0 : i32
    %dma_start3A_10 = arith.constant 0 : i32
    %dma_start3A_11 = tpu.memref_slice %arg9[%dma_start3A_9, %dma_start3A_10] : memref<16x128xi32, #tpu.memory_space<vmem>> -> memref<1x128xi32, #tpu.memory_space<vmem>>
    %dma_start3A_12 = tpu.memref_squeeze %dma_start3A_11 : memref<1x128xi32, #tpu.memory_space<vmem>> -> memref<128xi32, #tpu.memory_space<vmem>>
    %dma_start3A_13 = arith.constant 0 : i32
    %dma_start3A_14 = arith.constant 0 : i32
    %dma_start3A_15 = tpu.memref_slice %arg3[%dma_start3A_13, %dma_start3A_14] : memref<10000x64xi32, #tpu.memory_space<hbm>> -> memref<10000x64xi32, #tpu.memory_space<hbm>>
    tpu.enqueue_indirect_dma source(%dma_start3A_15 : memref<10000x64xi32, #tpu.memory_space<hbm>>) target(%arg12 : memref<128x64xi32, #tpu.memory_space<vmem>>) offsets(%dma_start3A_12 : memref<128xi32, #tpu.memory_space<vmem>>) semaphore(%arg16 : memref<!tpu.dma_semaphore, #tpu.memory_space<semaphore_mem>>)
    %scan3A = arith.constant 0 : i32
    %scan3A_16 = arith.constant 0 : i32
    %scan3A_17 = arith.constant 8 : i32
    %scan3A_18 = arith.addi %scan3A_16, %scan3A_17 : i32
    %scan3A_19 = arith.constant 1 : i32
    %scan3A_20 = scf.for %scan3A_22 = %scan3A_16 to %scan3A_18 step %scan3A_19 iter_args(%scan3A_23 = %scan3A) -> (i32)  : i32 {
      %mul3A_24 = arith.constant 2 : i32
      %mul3A_25 = arith.muli %mul3A_24, %scan3A_22 : i32
      %add3A_26 = arith.constant 1 : i32
      %add3A_27 = arith.addi %mul3A_25, %add3A_26 : i32
      %dma_start3A_28 = arith.constant 0 : i32
      %dma_start3A_29 = tpu.memref_slice %arg8[%add3A_27, %dma_start3A_28] : memref<16x128xi32, #tpu.memory_space<vmem>> -> memref<1x128xi32, #tpu.memory_space<vmem>>
      %dma_start3A_30 = tpu.memref_squeeze %dma_start3A_29 : memref<1x128xi32, #tpu.memory_space<vmem>> -> memref<128xi32, #tpu.memory_space<vmem>>
      %dma_start3A_31 = arith.constant 0 : i32
      %dma_start3A_32 = arith.constant 0 : i32
      %dma_start3A_33 = tpu.memref_slice %arg2[%dma_start3A_31, %dma_start3A_32] : memref<10000x64xi32, #tpu.memory_space<hbm>> -> memref<10000x64xi32, #tpu.memory_space<hbm>>
      tpu.enqueue_indirect_dma source(%dma_start3A_33 : memref<10000x64xi32, #tpu.memory_space<hbm>>) target(%arg11 : memref<128x64xi32, #tpu.memory_space<vmem>>) offsets(%dma_start3A_30 : memref<128xi32, #tpu.memory_space<vmem>>) semaphore(%arg15 : memref<!tpu.dma_semaphore, #tpu.memory_space<semaphore_mem>>)
      %add3A_34 = arith.constant 1 : i32
      %add3A_35 = arith.addi %mul3A_25, %add3A_34 : i32
      %dma_start3A_36 = arith.constant 0 : i32
      %dma_start3A_37 = tpu.memref_slice %arg9[%add3A_35, %dma_start3A_36] : memref<16x128xi32, #tpu.memory_space<vmem>> -> memref<1x128xi32, #tpu.memory_space<vmem>>
      %dma_start3A_38 = tpu.memref_squeeze %dma_start3A_37 : memref<1x128xi32, #tpu.memory_space<vmem>> -> memref<128xi32, #tpu.memory_space<vmem>>
      %dma_start3A_39 = arith.constant 0 : i32
      %dma_start3A_40 = arith.constant 0 : i32
      %dma_start3A_41 = tpu.memref_slice %arg3[%dma_start3A_39, %dma_start3A_40] : memref<10000x64xi32, #tpu.memory_space<hbm>> -> memref<10000x64xi32, #tpu.memory_space<hbm>>
      tpu.enqueue_indirect_dma source(%dma_start3A_41 : memref<10000x64xi32, #tpu.memory_space<hbm>>) target(%arg13 : memref<128x64xi32, #tpu.memory_space<vmem>>) offsets(%dma_start3A_38 : memref<128xi32, #tpu.memory_space<vmem>>) semaphore(%arg17 : memref<!tpu.dma_semaphore, #tpu.memory_space<semaphore_mem>>)
      %dma_wait3A = arith.constant 0 : i32
      %dma_wait3A_42 = arith.constant 0 : i32
      %dma_wait3A_43 = tpu.memref_slice %arg8[%dma_wait3A, %dma_wait3A_42] : memref<16x128xi32, #tpu.memory_space<vmem>> -> memref<1x128xi32, #tpu.memory_space<vmem>>
      %dma_wait3A_44 = tpu.memref_squeeze %dma_wait3A_43 : memref<1x128xi32, #tpu.memory_space<vmem>> -> memref<128xi32, #tpu.memory_space<vmem>>
      %dma_wait3A_45 = arith.constant 0 : i32
      %dma_wait3A_46 = arith.constant 0 : i32
      %dma_wait3A_47 = tpu.memref_slice %arg2[%dma_wait3A_45, %dma_wait3A_46] : memref<10000x64xi32, #tpu.memory_space<hbm>> -> memref<10000x64xi32, #tpu.memory_space<hbm>>
      tpu.wait_indirect_dma semaphore(%arg14 : memref<!tpu.dma_semaphore, #tpu.memory_space<semaphore_mem>>) src(%dma_wait3A_47 : memref<10000x64xi32, #tpu.memory_space<hbm>>) dst(%arg10 : memref<128x64xi32, #tpu.memory_space<vmem>>)
      %add3A_48 = arith.addi %mul3A_2, %mul3A_25 : i32
      %mul3A_49 = arith.constant 128 : i32
      %mul3A_50 = arith.muli %add3A_48, %mul3A_49 : i32
      "tpu.region"() ({
        %run_scoped3A = tpu.sem_alloc : memref<!tpu.dma_semaphore, #tpu.memory_space<semaphore_mem>>
        %dma_start3A_90 = arith.constant 0 : i32
        %dma_start3A_91 = tpu.memref_slice %arg6[%mul3A_50, %dma_start3A_90] : memref<65536x64xi32, #tpu.memory_space<hbm>> -> memref<128x64xi32, #tpu.memory_space<hbm>>
        %dma_start3A_92 = arith.constant 0 : i32
        %dma_start3A_93 = tpu.memref_slice %arg6[%mul3A_50, %dma_start3A_92] : memref<65536x64xi32, #tpu.memory_space<hbm>> -> memref<128x64xi32, #tpu.memory_space<hbm>>
        tpu.enqueue_dma source(%arg10 : memref<128x64xi32, #tpu.memory_space<vmem>>) target(%dma_start3A_93 : memref<128x64xi32, #tpu.memory_space<hbm>>) target_semaphore(%run_scoped3A : memref<!tpu.dma_semaphore, #tpu.memory_space<semaphore_mem>>)
        %dma_wait3A_94 = arith.constant 0 : i32
        %dma_wait3A_95 = tpu.memref_slice %arg6[%mul3A_50, %dma_wait3A_94] : memref<65536x64xi32, #tpu.memory_space<hbm>> -> memref<128x64xi32, #tpu.memory_space<hbm>>
        %dma_wait3A_96 = arith.constant 0 : i32
        %dma_wait3A_97 = tpu.memref_slice %arg6[%mul3A_50, %dma_wait3A_96] : memref<65536x64xi32, #tpu.memory_space<hbm>> -> memref<128x64xi32, #tpu.memory_space<hbm>>
        tpu.wait_dma2 semaphore(%run_scoped3A : memref<!tpu.dma_semaphore, #tpu.memory_space<semaphore_mem>>) src(%arg10 : memref<128x64xi32, #tpu.memory_space<vmem>>) dst(%dma_wait3A_97 : memref<128x64xi32, #tpu.memory_space<hbm>>)
        tpu.yield
      }) : () -> ()
      %dma_wait3A_51 = arith.constant 0 : i32
      %dma_wait3A_52 = arith.constant 0 : i32
      %dma_wait3A_53 = tpu.memref_slice %arg9[%dma_wait3A_51, %dma_wait3A_52] : memref<16x128xi32, #tpu.memory_space<vmem>> -> memref<1x128xi32, #tpu.memory_space<vmem>>
      %dma_wait3A_54 = tpu.memref_squeeze %dma_wait3A_53 : memref<1x128xi32, #tpu.memory_space<vmem>> -> memref<128xi32, #tpu.memory_space<vmem>>
      %dma_wait3A_55 = arith.constant 0 : i32
      %dma_wait3A_56 = arith.constant 0 : i32
      %dma_wait3A_57 = tpu.memref_slice %arg3[%dma_wait3A_55, %dma_wait3A_56] : memref<10000x64xi32, #tpu.memory_space<hbm>> -> memref<10000x64xi32, #tpu.memory_space<hbm>>
      tpu.wait_indirect_dma semaphore(%arg16 : memref<!tpu.dma_semaphore, #tpu.memory_space<semaphore_mem>>) src(%dma_wait3A_57 : memref<10000x64xi32, #tpu.memory_space<hbm>>) dst(%arg12 : memref<128x64xi32, #tpu.memory_space<vmem>>)
      %add3A_58 = arith.addi %mul3A_2, %mul3A_25 : i32
      %mul3A_59 = arith.constant 128 : i32
      %mul3A_60 = arith.muli %add3A_58, %mul3A_59 : i32
      "tpu.region"() ({
        %run_scoped3A = tpu.sem_alloc : memref<!tpu.dma_semaphore, #tpu.memory_space<semaphore_mem>>
        %dma_start3A_90 = arith.constant 0 : i32
        %dma_start3A_91 = tpu.memref_slice %arg7[%mul3A_60, %dma_start3A_90] : memref<65536x64xi32, #tpu.memory_space<hbm>> -> memref<128x64xi32, #tpu.memory_space<hbm>>
        %dma_start3A_92 = arith.constant 0 : i32
        %dma_start3A_93 = tpu.memref_slice %arg7[%mul3A_60, %dma_start3A_92] : memref<65536x64xi32, #tpu.memory_space<hbm>> -> memref<128x64xi32, #tpu.memory_space<hbm>>
        tpu.enqueue_dma source(%arg12 : memref<128x64xi32, #tpu.memory_space<vmem>>) target(%dma_start3A_93 : memref<128x64xi32, #tpu.memory_space<hbm>>) target_semaphore(%run_scoped3A : memref<!tpu.dma_semaphore, #tpu.memory_space<semaphore_mem>>)
        %dma_wait3A_94 = arith.constant 0 : i32
        %dma_wait3A_95 = tpu.memref_slice %arg7[%mul3A_60, %dma_wait3A_94] : memref<65536x64xi32, #tpu.memory_space<hbm>> -> memref<128x64xi32, #tpu.memory_space<hbm>>
        %dma_wait3A_96 = arith.constant 0 : i32
        %dma_wait3A_97 = tpu.memref_slice %arg7[%mul3A_60, %dma_wait3A_96] : memref<65536x64xi32, #tpu.memory_space<hbm>> -> memref<128x64xi32, #tpu.memory_space<hbm>>
        tpu.wait_dma2 semaphore(%run_scoped3A : memref<!tpu.dma_semaphore, #tpu.memory_space<semaphore_mem>>) src(%arg12 : memref<128x64xi32, #tpu.memory_space<vmem>>) dst(%dma_wait3A_97 : memref<128x64xi32, #tpu.memory_space<hbm>>)
        tpu.yield
      }) : () -> ()
      %add3A_61 = arith.constant 1 : i32
      %add3A_62 = arith.addi %scan3A_22, %add3A_61 : i32
      %lt3A = arith.constant 8 : i32
      %lt3A_63 = arith.cmpi slt, %add3A_62, %lt3A : i32
      %convert_element_type3A = arith.extui %lt3A_63 : i1 to i32
      %cond3A = arith.constant 0 : i32
      %cond3A_64 = arith.cmpi ne, %convert_element_type3A, %cond3A : i32
      scf.if %cond3A_64 {
        %add3A_90 = arith.constant 2 : i32
        %add3A_91 = arith.addi %mul3A_25, %add3A_90 : i32
        %dma_start3A_92 = arith.constant 0 : i32
        %dma_start3A_93 = tpu.memref_slice %arg8[%add3A_91, %dma_start3A_92] : memref<16x128xi32, #tpu.memory_space<vmem>> -> memref<1x128xi32, #tpu.memory_space<vmem>>
        %dma_start3A_94 = tpu.memref_squeeze %dma_start3A_93 : memref<1x128xi32, #tpu.memory_space<vmem>> -> memref<128xi32, #tpu.memory_space<vmem>>
        %dma_start3A_95 = arith.constant 0 : i32
        %dma_start3A_96 = arith.constant 0 : i32
        %dma_start3A_97 = tpu.memref_slice %arg2[%dma_start3A_95, %dma_start3A_96] : memref<10000x64xi32, #tpu.memory_space<hbm>> -> memref<10000x64xi32, #tpu.memory_space<hbm>>
        tpu.enqueue_indirect_dma source(%dma_start3A_97 : memref<10000x64xi32, #tpu.memory_space<hbm>>) target(%arg10 : memref<128x64xi32, #tpu.memory_space<vmem>>) offsets(%dma_start3A_94 : memref<128xi32, #tpu.memory_space<vmem>>) semaphore(%arg14 : memref<!tpu.dma_semaphore, #tpu.memory_space<semaphore_mem>>)
        %add3A_98 = arith.constant 2 : i32
        %add3A_99 = arith.addi %mul3A_25, %add3A_98 : i32
        %dma_start3A_100 = arith.constant 0 : i32
        %dma_start3A_101 = tpu.memref_slice %arg9[%add3A_99, %dma_start3A_100] : memref<16x128xi32, #tpu.memory_space<vmem>> -> memref<1x128xi32, #tpu.memory_space<vmem>>
        %dma_start3A_102 = tpu.memref_squeeze %dma_start3A_101 : memref<1x128xi32, #tpu.memory_space<vmem>> -> memref<128xi32, #tpu.memory_space<vmem>>
        %dma_start3A_103 = arith.constant 0 : i32
        %dma_start3A_104 = arith.constant 0 : i32
        %dma_start3A_105 = tpu.memref_slice %arg3[%dma_start3A_103, %dma_start3A_104] : memref<10000x64xi32, #tpu.memory_space<hbm>> -> memref<10000x64xi32, #tpu.memory_space<hbm>>
        tpu.enqueue_indirect_dma source(%dma_start3A_105 : memref<10000x64xi32, #tpu.memory_space<hbm>>) target(%arg12 : memref<128x64xi32, #tpu.memory_space<vmem>>) offsets(%dma_start3A_102 : memref<128xi32, #tpu.memory_space<vmem>>) semaphore(%arg16 : memref<!tpu.dma_semaphore, #tpu.memory_space<semaphore_mem>>)
      } else {
      }
      %dma_wait3A_65 = arith.constant 0 : i32
      %dma_wait3A_66 = arith.constant 0 : i32
      %dma_wait3A_67 = tpu.memref_slice %arg8[%dma_wait3A_65, %dma_wait3A_66] : memref<16x128xi32, #tpu.memory_space<vmem>> -> memref<1x128xi32, #tpu.memory_space<vmem>>
      %dma_wait3A_68 = tpu.memref_squeeze %dma_wait3A_67 : memref<1x128xi32, #tpu.memory_space<vmem>> -> memref<128xi32, #tpu.memory_space<vmem>>
      %dma_wait3A_69 = arith.constant 0 : i32
      %dma_wait3A_70 = arith.constant 0 : i32
      %dma_wait3A_71 = tpu.memref_slice %arg2[%dma_wait3A_69, %dma_wait3A_70] : memref<10000x64xi32, #tpu.memory_space<hbm>> -> memref<10000x64xi32, #tpu.memory_space<hbm>>
      tpu.wait_indirect_dma semaphore(%arg15 : memref<!tpu.dma_semaphore, #tpu.memory_space<semaphore_mem>>) src(%dma_wait3A_71 : memref<10000x64xi32, #tpu.memory_space<hbm>>) dst(%arg11 : memref<128x64xi32, #tpu.memory_space<vmem>>)
      %add3A_72 = arith.addi %mul3A_2, %mul3A_25 : i32
      %add3A_73 = arith.constant 1 : i32
      %add3A_74 = arith.addi %add3A_72, %add3A_73 : i32
      %mul3A_75 = arith.constant 128 : i32
      %mul3A_76 = arith.muli %add3A_74, %mul3A_75 : i32
      "tpu.region"() ({
        %run_scoped3A = tpu.sem_alloc : memref<!tpu.dma_semaphore, #tpu.memory_space<semaphore_mem>>
        %dma_start3A_90 = arith.constant 0 : i32
        %dma_start3A_91 = tpu.memref_slice %arg6[%mul3A_76, %dma_start3A_90] : memref<65536x64xi32, #tpu.memory_space<hbm>> -> memref<128x64xi32, #tpu.memory_space<hbm>>
        %dma_start3A_92 = arith.constant 0 : i32
        %dma_start3A_93 = tpu.memref_slice %arg6[%mul3A_76, %dma_start3A_92] : memref<65536x64xi32, #tpu.memory_space<hbm>> -> memref<128x64xi32, #tpu.memory_space<hbm>>
        tpu.enqueue_dma source(%arg11 : memref<128x64xi32, #tpu.memory_space<vmem>>) target(%dma_start3A_93 : memref<128x64xi32, #tpu.memory_space<hbm>>) target_semaphore(%run_scoped3A : memref<!tpu.dma_semaphore, #tpu.memory_space<semaphore_mem>>)
        %dma_wait3A_94 = arith.constant 0 : i32
        %dma_wait3A_95 = tpu.memref_slice %arg6[%mul3A_76, %dma_wait3A_94] : memref<65536x64xi32, #tpu.memory_space<hbm>> -> memref<128x64xi32, #tpu.memory_space<hbm>>
        %dma_wait3A_96 = arith.constant 0 : i32
        %dma_wait3A_97 = tpu.memref_slice %arg6[%mul3A_76, %dma_wait3A_96] : memref<65536x64xi32, #tpu.memory_space<hbm>> -> memref<128x64xi32, #tpu.memory_space<hbm>>
        tpu.wait_dma2 semaphore(%run_scoped3A : memref<!tpu.dma_semaphore, #tpu.memory_space<semaphore_mem>>) src(%arg11 : memref<128x64xi32, #tpu.memory_space<vmem>>) dst(%dma_wait3A_97 : memref<128x64xi32, #tpu.memory_space<hbm>>)
        tpu.yield
      }) : () -> ()
      %dma_wait3A_77 = arith.constant 0 : i32
      %dma_wait3A_78 = arith.constant 0 : i32
      %dma_wait3A_79 = tpu.memref_slice %arg9[%dma_wait3A_77, %dma_wait3A_78] : memref<16x128xi32, #tpu.memory_space<vmem>> -> memref<1x128xi32, #tpu.memory_space<vmem>>
      %dma_wait3A_80 = tpu.memref_squeeze %dma_wait3A_79 : memref<1x128xi32, #tpu.memory_space<vmem>> -> memref<128xi32, #tpu.memory_space<vmem>>
      %dma_wait3A_81 = arith.constant 0 : i32
      %dma_wait3A_82 = arith.constant 0 : i32
      %dma_wait3A_83 = tpu.memref_slice %arg3[%dma_wait3A_81, %dma_wait3A_82] : memref<10000x64xi32, #tpu.memory_space<hbm>> -> memref<10000x64xi32, #tpu.memory_space<hbm>>
      tpu.wait_indirect_dma semaphore(%arg17 : memref<!tpu.dma_semaphore, #tpu.memory_space<semaphore_mem>>) src(%dma_wait3A_83 : memref<10000x64xi32, #tpu.memory_space<hbm>>) dst(%arg13 : memref<128x64xi32, #tpu.memory_space<vmem>>)
      %add3A_84 = arith.addi %mul3A_2, %mul3A_25 : i32
      %add3A_85 = arith.constant 1 : i32
      %add3A_86 = arith.addi %add3A_84, %add3A_85 : i32
      %mul3A_87 = arith.constant 128 : i32
      %mul3A_88 = arith.muli %add3A_86, %mul3A_87 : i32
      "tpu.region"() ({
        %run_scoped3A = tpu.sem_alloc : memref<!tpu.dma_semaphore, #tpu.memory_space<semaphore_mem>>
        %dma_start3A_90 = arith.constant 0 : i32
        %dma_start3A_91 = tpu.memref_slice %arg7[%mul3A_88, %dma_start3A_90] : memref<65536x64xi32, #tpu.memory_space<hbm>> -> memref<128x64xi32, #tpu.memory_space<hbm>>
        %dma_start3A_92 = arith.constant 0 : i32
        %dma_start3A_93 = tpu.memref_slice %arg7[%mul3A_88, %dma_start3A_92] : memref<65536x64xi32, #tpu.memory_space<hbm>> -> memref<128x64xi32, #tpu.memory_space<hbm>>
        tpu.enqueue_dma source(%arg13 : memref<128x64xi32, #tpu.memory_space<vmem>>) target(%dma_start3A_93 : memref<128x64xi32, #tpu.memory_space<hbm>>) target_semaphore(%run_scoped3A : memref<!tpu.dma_semaphore, #tpu.memory_space<semaphore_mem>>)
        %dma_wait3A_94 = arith.constant 0 : i32
        %dma_wait3A_95 = tpu.memref_slice %arg7[%mul3A_88, %dma_wait3A_94] : memref<65536x64xi32, #tpu.memory_space<hbm>> -> memref<128x64xi32, #tpu.memory_space<hbm>>
        %dma_wait3A_96 = arith.constant 0 : i32
        %dma_wait3A_97 = tpu.memref_slice %arg7[%mul3A_88, %dma_wait3A_96] : memref<65536x64xi32, #tpu.memory_space<hbm>> -> memref<128x64xi32, #tpu.memory_space<hbm>>
        tpu.wait_dma2 semaphore(%run_scoped3A : memref<!tpu.dma_semaphore, #tpu.memory_space<semaphore_mem>>) src(%arg13 : memref<128x64xi32, #tpu.memory_space<vmem>>) dst(%dma_wait3A_97 : memref<128x64xi32, #tpu.memory_space<hbm>>)
        tpu.yield
      }) : () -> ()
      %scan3A_89 = arith.constant 0 : i32
      scf.yield %scan3A_89 : i32
    }
    %scan3A_21 = arith.constant 8 : i32
    return
  }
}

#map = affine_map<(d0, d1) -> (0, 0)>
module attributes {stable_mosaic.version = 14 : i64} {
  func.func @_gather2_body(%arg0: i32, %arg1: i32, %arg2: memref<10000x64xi32, #tpu.memory_space<hbm>>, %arg3: memref<10000x64xi32, #tpu.memory_space<hbm>>, %arg4: memref<512x128xi32, #tpu.memory_space<hbm>>, %arg5: memref<512x128xi32, #tpu.memory_space<hbm>>, %arg6: memref<65536x64xi32, #tpu.memory_space<hbm>>, %arg7: memref<65536x64xi32, #tpu.memory_space<hbm>>, %arg8: memref<16x128xi32, #tpu.memory_space<vmem>>, %arg9: memref<16x128xi32, #tpu.memory_space<vmem>>, %arg10: memref<128x64xi32, #tpu.memory_space<vmem>>, %arg11: memref<128x64xi32, #tpu.memory_space<vmem>>, %arg12: memref<128x64xi32, #tpu.memory_space<vmem>>, %arg13: memref<128x64xi32, #tpu.memory_space<vmem>>, %arg14: memref<!tpu.dma_semaphore, #tpu.memory_space<semaphore_mem>>, %arg15: memref<!tpu.dma_semaphore, #tpu.memory_space<semaphore_mem>>, %arg16: memref<!tpu.dma_semaphore, #tpu.memory_space<semaphore_mem>>, %arg17: memref<!tpu.dma_semaphore, #tpu.memory_space<semaphore_mem>>) attributes {dimension_semantics = [#tpu.dimension_semantics<core_parallel>, #tpu.dimension_semantics<subcore_parallel>], iteration_bounds = array<i64: 2, 16>, scalar_prefetch = 0 : i64, scratch_operands = 10 : i64, tpu.core_type = #tpu.core_type<sc_vector_subcore>, window_params = [{transform_indices = #map}, {transform_indices = #map}, {transform_indices = #map}, {transform_indices = #map}, {transform_indices = #map}, {transform_indices = #map}]} {
    %mul3A = arith.constant 2 : i32
    %mul3A_0 = arith.muli %arg1, %mul3A : i32
    %add3A = arith.addi %mul3A_0, %arg0 : i32
    %mul3A_1 = arith.constant 16 : i32
    %mul3A_2 = arith.muli %add3A, %mul3A_1 : i32
    "tpu.region"() ({
      %run_scoped3A = tpu.sem_alloc : memref<!tpu.dma_semaphore, #tpu.memory_space<semaphore_mem>>
      %dma_start3A_22 = arith.constant 0 : i32
      %dma_start3A_23 = tpu.memref_slice %arg4[%mul3A_2, %dma_start3A_22] : memref<512x128xi32, #tpu.memory_space<hbm>> -> memref<16x128xi32, #tpu.memory_space<hbm>>
      %dma_start3A_24 = arith.constant 0 : i32
      %dma_start3A_25 = tpu.memref_slice %arg4[%mul3A_2, %dma_start3A_24] : memref<512x128xi32, #tpu.memory_space<hbm>> -> memref<16x128xi32, #tpu.memory_space<hbm>>
      tpu.enqueue_dma source(%dma_start3A_25 : memref<16x128xi32, #tpu.memory_space<hbm>>) target(%arg8 : memref<16x128xi32, #tpu.memory_space<vmem>>) target_semaphore(%run_scoped3A : memref<!tpu.dma_semaphore, #tpu.memory_space<semaphore_mem>>)
      %dma_wait3A = arith.constant 0 : i32
      %dma_wait3A_26 = tpu.memref_slice %arg4[%mul3A_2, %dma_wait3A] : memref<512x128xi32, #tpu.memory_space<hbm>> -> memref<16x128xi32, #tpu.memory_space<hbm>>
      %dma_wait3A_27 = arith.constant 0 : i32
      %dma_wait3A_28 = tpu.memref_slice %arg4[%mul3A_2, %dma_wait3A_27] : memref<512x128xi32, #tpu.memory_space<hbm>> -> memref<16x128xi32, #tpu.memory_space<hbm>>
      tpu.wait_dma2 semaphore(%run_scoped3A : memref<!tpu.dma_semaphore, #tpu.memory_space<semaphore_mem>>) src(%dma_wait3A_28 : memref<16x128xi32, #tpu.memory_space<hbm>>) dst(%arg8 : memref<16x128xi32, #tpu.memory_space<vmem>>)
      tpu.yield
    }) : () -> ()
    "tpu.region"() ({
      %run_scoped3A = tpu.sem_alloc : memref<!tpu.dma_semaphore, #tpu.memory_space<semaphore_mem>>
      %dma_start3A_22 = arith.constant 0 : i32
      %dma_start3A_23 = tpu.memref_slice %arg5[%mul3A_2, %dma_start3A_22] : memref<512x128xi32, #tpu.memory_space<hbm>> -> memref<16x128xi32, #tpu.memory_space<hbm>>
      %dma_start3A_24 = arith.constant 0 : i32
      %dma_start3A_25 = tpu.memref_slice %arg5[%mul3A_2, %dma_start3A_24] : memref<512x128xi32, #tpu.memory_space<hbm>> -> memref<16x128xi32, #tpu.memory_space<hbm>>
      tpu.enqueue_dma source(%dma_start3A_25 : memref<16x128xi32, #tpu.memory_space<hbm>>) target(%arg9 : memref<16x128xi32, #tpu.memory_space<vmem>>) target_semaphore(%run_scoped3A : memref<!tpu.dma_semaphore, #tpu.memory_space<semaphore_mem>>)
      %dma_wait3A = arith.constant 0 : i32
      %dma_wait3A_26 = tpu.memref_slice %arg5[%mul3A_2, %dma_wait3A] : memref<512x128xi32, #tpu.memory_space<hbm>> -> memref<16x128xi32, #tpu.memory_space<hbm>>
      %dma_wait3A_27 = arith.constant 0 : i32
      %dma_wait3A_28 = tpu.memref_slice %arg5[%mul3A_2, %dma_wait3A_27] : memref<512x128xi32, #tpu.memory_space<hbm>> -> memref<16x128xi32, #tpu.memory_space<hbm>>
      tpu.wait_dma2 semaphore(%run_scoped3A : memref<!tpu.dma_semaphore, #tpu.memory_space<semaphore_mem>>) src(%dma_wait3A_28 : memref<16x128xi32, #tpu.memory_space<hbm>>) dst(%arg9 : memref<16x128xi32, #tpu.memory_space<vmem>>)
      tpu.yield
    }) : () -> ()
    %dma_start3A = arith.constant 0 : i32
    %dma_start3A_3 = arith.constant 0 : i32
    %dma_start3A_4 = tpu.memref_slice %arg8[%dma_start3A, %dma_start3A_3] : memref<16x128xi32, #tpu.memory_space<vmem>> -> memref<1x128xi32, #tpu.memory_space<vmem>>
    %dma_start3A_5 = tpu.memref_squeeze %dma_start3A_4 : memref<1x128xi32, #tpu.memory_space<vmem>> -> memref<128xi32, #tpu.memory_space<vmem>>
    %dma_start3A_6 = arith.constant 0 : i32
    %dma_start3A_7 = arith.constant 0 : i32
    %dma_start3A_8 = tpu.memref_slice %arg2[%dma_start3A_6, %dma_start3A_7] : memref<10000x64xi32, #tpu.memory_space<hbm>> -> memref<10000x64xi32, #tpu.memory_space<hbm>>
    tpu.enqueue_indirect_dma source(%dma_start3A_8 : memref<10000x64xi32, #tpu.memory_space<hbm>>) target(%arg10 : memref<128x64xi32, #tpu.memory_space<vmem>>) offsets(%dma_start3A_5 : memref<128xi32, #tpu.memory_space<vmem>>) semaphore(%arg14 : memref<!tpu.dma_semaphore, #tpu.memory_space<semaphore_mem>>)
    %dma_start3A_9 = arith.constant 0 : i32
    %dma_start3A_10 = arith.constant 0 : i32
    %dma_start3A_11 = tpu.memref_slice %arg9[%dma_start3A_9, %dma_start3A_10] : memref<16x128xi32, #tpu.memory_space<vmem>> -> memref<1x128xi32, #tpu.memory_space<vmem>>
    %dma_start3A_12 = tpu.memref_squeeze %dma_start3A_11 : memref<1x128xi32, #tpu.memory_space<vmem>> -> memref<128xi32, #tpu.memory_space<vmem>>
    %dma_start3A_13 = arith.constant 0 : i32
    %dma_start3A_14 = arith.constant 0 : i32
    %dma_start3A_15 = tpu.memref_slice %arg3[%dma_start3A_13, %dma_start3A_14] : memref<10000x64xi32, #tpu.memory_space<hbm>> -> memref<10000x64xi32, #tpu.memory_space<hbm>>
    tpu.enqueue_indirect_dma source(%dma_start3A_15 : memref<10000x64xi32, #tpu.memory_space<hbm>>) target(%arg12 : memref<128x64xi32, #tpu.memory_space<vmem>>) offsets(%dma_start3A_12 : memref<128xi32, #tpu.memory_space<vmem>>) semaphore(%arg16 : memref<!tpu.dma_semaphore, #tpu.memory_space<semaphore_mem>>)
    %scan3A = arith.constant 0 : i32
    %scan3A_16 = arith.constant 0 : i32
    %scan3A_17 = arith.constant 8 : i32
    %scan3A_18 = arith.addi %scan3A_16, %scan3A_17 : i32
    %scan3A_19 = arith.constant 1 : i32
    %scan3A_20 = scf.for %scan3A_22 = %scan3A_16 to %scan3A_18 step %scan3A_19 iter_args(%scan3A_23 = %scan3A) -> (i32)  : i32 {
      %mul3A_24 = arith.constant 2 : i32
      %mul3A_25 = arith.muli %mul3A_24, %scan3A_22 : i32
      %add3A_26 = arith.constant 1 : i32
      %add3A_27 = arith.addi %mul3A_25, %add3A_26 : i32
      %dma_start3A_28 = arith.constant 0 : i32
      %dma_start3A_29 = tpu.memref_slice %arg8[%add3A_27, %dma_start3A_28] : memref<16x128xi32, #tpu.memory_space<vmem>> -> memref<1x128xi32, #tpu.memory_space<vmem>>
      %dma_start3A_30 = tpu.memref_squeeze %dma_start3A_29 : memref<1x128xi32, #tpu.memory_space<vmem>> -> memref<128xi32, #tpu.memory_space<vmem>>
      %dma_start3A_31 = arith.constant 0 : i32
      %dma_start3A_32 = arith.constant 0 : i32
      %dma_start3A_33 = tpu.memref_slice %arg2[%dma_start3A_31, %dma_start3A_32] : memref<10000x64xi32, #tpu.memory_space<hbm>> -> memref<10000x64xi32, #tpu.memory_space<hbm>>
      tpu.enqueue_indirect_dma source(%dma_start3A_33 : memref<10000x64xi32, #tpu.memory_space<hbm>>) target(%arg11 : memref<128x64xi32, #tpu.memory_space<vmem>>) offsets(%dma_start3A_30 : memref<128xi32, #tpu.memory_space<vmem>>) semaphore(%arg15 : memref<!tpu.dma_semaphore, #tpu.memory_space<semaphore_mem>>)
      %add3A_34 = arith.constant 1 : i32
      %add3A_35 = arith.addi %mul3A_25, %add3A_34 : i32
      %dma_start3A_36 = arith.constant 0 : i32
      %dma_start3A_37 = tpu.memref_slice %arg9[%add3A_35, %dma_start3A_36] : memref<16x128xi32, #tpu.memory_space<vmem>> -> memref<1x128xi32, #tpu.memory_space<vmem>>
      %dma_start3A_38 = tpu.memref_squeeze %dma_start3A_37 : memref<1x128xi32, #tpu.memory_space<vmem>> -> memref<128xi32, #tpu.memory_space<vmem>>
      %dma_start3A_39 = arith.constant 0 : i32
      %dma_start3A_40 = arith.constant 0 : i32
      %dma_start3A_41 = tpu.memref_slice %arg3[%dma_start3A_39, %dma_start3A_40] : memref<10000x64xi32, #tpu.memory_space<hbm>> -> memref<10000x64xi32, #tpu.memory_space<hbm>>
      tpu.enqueue_indirect_dma source(%dma_start3A_41 : memref<10000x64xi32, #tpu.memory_space<hbm>>) target(%arg13 : memref<128x64xi32, #tpu.memory_space<vmem>>) offsets(%dma_start3A_38 : memref<128xi32, #tpu.memory_space<vmem>>) semaphore(%arg17 : memref<!tpu.dma_semaphore, #tpu.memory_space<semaphore_mem>>)
      %dma_wait3A = arith.constant 0 : i32
      %dma_wait3A_42 = arith.constant 0 : i32
      %dma_wait3A_43 = tpu.memref_slice %arg8[%dma_wait3A, %dma_wait3A_42] : memref<16x128xi32, #tpu.memory_space<vmem>> -> memref<1x128xi32, #tpu.memory_space<vmem>>
      %dma_wait3A_44 = tpu.memref_squeeze %dma_wait3A_43 : memref<1x128xi32, #tpu.memory_space<vmem>> -> memref<128xi32, #tpu.memory_space<vmem>>
      %dma_wait3A_45 = arith.constant 0 : i32
      %dma_wait3A_46 = arith.constant 0 : i32
      %dma_wait3A_47 = tpu.memref_slice %arg2[%dma_wait3A_45, %dma_wait3A_46] : memref<10000x64xi32, #tpu.memory_space<hbm>> -> memref<10000x64xi32, #tpu.memory_space<hbm>>
      tpu.wait_indirect_dma semaphore(%arg14 : memref<!tpu.dma_semaphore, #tpu.memory_space<semaphore_mem>>) src(%dma_wait3A_47 : memref<10000x64xi32, #tpu.memory_space<hbm>>) dst(%arg10 : memref<128x64xi32, #tpu.memory_space<vmem>>)
      %add3A_48 = arith.addi %mul3A_2, %mul3A_25 : i32
      %mul3A_49 = arith.constant 128 : i32
      %mul3A_50 = arith.muli %add3A_48, %mul3A_49 : i32
      "tpu.region"() ({
        %run_scoped3A = tpu.sem_alloc : memref<!tpu.dma_semaphore, #tpu.memory_space<semaphore_mem>>
        %dma_start3A_90 = arith.constant 0 : i32
        %dma_start3A_91 = tpu.memref_slice %arg6[%mul3A_50, %dma_start3A_90] : memref<65536x64xi32, #tpu.memory_space<hbm>> -> memref<128x64xi32, #tpu.memory_space<hbm>>
        %dma_start3A_92 = arith.constant 0 : i32
        %dma_start3A_93 = tpu.memref_slice %arg6[%mul3A_50, %dma_start3A_92] : memref<65536x64xi32, #tpu.memory_space<hbm>> -> memref<128x64xi32, #tpu.memory_space<hbm>>
        tpu.enqueue_dma source(%arg10 : memref<128x64xi32, #tpu.memory_space<vmem>>) target(%dma_start3A_93 : memref<128x64xi32, #tpu.memory_space<hbm>>) target_semaphore(%run_scoped3A : memref<!tpu.dma_semaphore, #tpu.memory_space<semaphore_mem>>)
        %dma_wait3A_94 = arith.constant 0 : i32
        %dma_wait3A_95 = tpu.memref_slice %arg6[%mul3A_50, %dma_wait3A_94] : memref<65536x64xi32, #tpu.memory_space<hbm>> -> memref<128x64xi32, #tpu.memory_space<hbm>>
        %dma_wait3A_96 = arith.constant 0 : i32
        %dma_wait3A_97 = tpu.memref_slice %arg6[%mul3A_50, %dma_wait3A_96] : memref<65536x64xi32, #tpu.memory_space<hbm>> -> memref<128x64xi32, #tpu.memory_space<hbm>>
        tpu.wait_dma2 semaphore(%run_scoped3A : memref<!tpu.dma_semaphore, #tpu.memory_space<semaphore_mem>>) src(%arg10 : memref<128x64xi32, #tpu.memory_space<vmem>>) dst(%dma_wait3A_97 : memref<128x64xi32, #tpu.memory_space<hbm>>)
        tpu.yield
      }) : () -> ()
      %dma_wait3A_51 = arith.constant 0 : i32
      %dma_wait3A_52 = arith.constant 0 : i32
      %dma_wait3A_53 = tpu.memref_slice %arg9[%dma_wait3A_51, %dma_wait3A_52] : memref<16x128xi32, #tpu.memory_space<vmem>> -> memref<1x128xi32, #tpu.memory_space<vmem>>
      %dma_wait3A_54 = tpu.memref_squeeze %dma_wait3A_53 : memref<1x128xi32, #tpu.memory_space<vmem>> -> memref<128xi32, #tpu.memory_space<vmem>>
      %dma_wait3A_55 = arith.constant 0 : i32
      %dma_wait3A_56 = arith.constant 0 : i32
      %dma_wait3A_57 = tpu.memref_slice %arg3[%dma_wait3A_55, %dma_wait3A_56] : memref<10000x64xi32, #tpu.memory_space<hbm>> -> memref<10000x64xi32, #tpu.memory_space<hbm>>
      tpu.wait_indirect_dma semaphore(%arg16 : memref<!tpu.dma_semaphore, #tpu.memory_space<semaphore_mem>>) src(%dma_wait3A_57 : memref<10000x64xi32, #tpu.memory_space<hbm>>) dst(%arg12 : memref<128x64xi32, #tpu.memory_space<vmem>>)
      %add3A_58 = arith.addi %mul3A_2, %mul3A_25 : i32
      %mul3A_59 = arith.constant 128 : i32
      %mul3A_60 = arith.muli %add3A_58, %mul3A_59 : i32
      "tpu.region"() ({
        %run_scoped3A = tpu.sem_alloc : memref<!tpu.dma_semaphore, #tpu.memory_space<semaphore_mem>>
        %dma_start3A_90 = arith.constant 0 : i32
        %dma_start3A_91 = tpu.memref_slice %arg7[%mul3A_60, %dma_start3A_90] : memref<65536x64xi32, #tpu.memory_space<hbm>> -> memref<128x64xi32, #tpu.memory_space<hbm>>
        %dma_start3A_92 = arith.constant 0 : i32
        %dma_start3A_93 = tpu.memref_slice %arg7[%mul3A_60, %dma_start3A_92] : memref<65536x64xi32, #tpu.memory_space<hbm>> -> memref<128x64xi32, #tpu.memory_space<hbm>>
        tpu.enqueue_dma source(%arg12 : memref<128x64xi32, #tpu.memory_space<vmem>>) target(%dma_start3A_93 : memref<128x64xi32, #tpu.memory_space<hbm>>) target_semaphore(%run_scoped3A : memref<!tpu.dma_semaphore, #tpu.memory_space<semaphore_mem>>)
        %dma_wait3A_94 = arith.constant 0 : i32
        %dma_wait3A_95 = tpu.memref_slice %arg7[%mul3A_60, %dma_wait3A_94] : memref<65536x64xi32, #tpu.memory_space<hbm>> -> memref<128x64xi32, #tpu.memory_space<hbm>>
        %dma_wait3A_96 = arith.constant 0 : i32
        %dma_wait3A_97 = tpu.memref_slice %arg7[%mul3A_60, %dma_wait3A_96] : memref<65536x64xi32, #tpu.memory_space<hbm>> -> memref<128x64xi32, #tpu.memory_space<hbm>>
        tpu.wait_dma2 semaphore(%run_scoped3A : memref<!tpu.dma_semaphore, #tpu.memory_space<semaphore_mem>>) src(%arg12 : memref<128x64xi32, #tpu.memory_space<vmem>>) dst(%dma_wait3A_97 : memref<128x64xi32, #tpu.memory_space<hbm>>)
        tpu.yield
      }) : () -> ()
      %add3A_61 = arith.constant 1 : i32
      %add3A_62 = arith.addi %scan3A_22, %add3A_61 : i32
      %lt3A = arith.constant 8 : i32
      %lt3A_63 = arith.cmpi slt, %add3A_62, %lt3A : i32
      %convert_element_type3A = arith.extui %lt3A_63 : i1 to i32
      %cond3A = arith.constant 0 : i32
      %cond3A_64 = arith.cmpi ne, %convert_element_type3A, %cond3A : i32
      scf.if %cond3A_64 {
        %add3A_90 = arith.constant 2 : i32
        %add3A_91 = arith.addi %mul3A_25, %add3A_90 : i32
        %dma_start3A_92 = arith.constant 0 : i32
        %dma_start3A_93 = tpu.memref_slice %arg8[%add3A_91, %dma_start3A_92] : memref<16x128xi32, #tpu.memory_space<vmem>> -> memref<1x128xi32, #tpu.memory_space<vmem>>
        %dma_start3A_94 = tpu.memref_squeeze %dma_start3A_93 : memref<1x128xi32, #tpu.memory_space<vmem>> -> memref<128xi32, #tpu.memory_space<vmem>>
        %dma_start3A_95 = arith.constant 0 : i32
        %dma_start3A_96 = arith.constant 0 : i32
        %dma_start3A_97 = tpu.memref_slice %arg2[%dma_start3A_95, %dma_start3A_96] : memref<10000x64xi32, #tpu.memory_space<hbm>> -> memref<10000x64xi32, #tpu.memory_space<hbm>>
        tpu.enqueue_indirect_dma source(%dma_start3A_97 : memref<10000x64xi32, #tpu.memory_space<hbm>>) target(%arg10 : memref<128x64xi32, #tpu.memory_space<vmem>>) offsets(%dma_start3A_94 : memref<128xi32, #tpu.memory_space<vmem>>) semaphore(%arg14 : memref<!tpu.dma_semaphore, #tpu.memory_space<semaphore_mem>>)
        %add3A_98 = arith.constant 2 : i32
        %add3A_99 = arith.addi %mul3A_25, %add3A_98 : i32
        %dma_start3A_100 = arith.constant 0 : i32
        %dma_start3A_101 = tpu.memref_slice %arg9[%add3A_99, %dma_start3A_100] : memref<16x128xi32, #tpu.memory_space<vmem>> -> memref<1x128xi32, #tpu.memory_space<vmem>>
        %dma_start3A_102 = tpu.memref_squeeze %dma_start3A_101 : memref<1x128xi32, #tpu.memory_space<vmem>> -> memref<128xi32, #tpu.memory_space<vmem>>
        %dma_start3A_103 = arith.constant 0 : i32
        %dma_start3A_104 = arith.constant 0 : i32
        %dma_start3A_105 = tpu.memref_slice %arg3[%dma_start3A_103, %dma_start3A_104] : memref<10000x64xi32, #tpu.memory_space<hbm>> -> memref<10000x64xi32, #tpu.memory_space<hbm>>
        tpu.enqueue_indirect_dma source(%dma_start3A_105 : memref<10000x64xi32, #tpu.memory_space<hbm>>) target(%arg12 : memref<128x64xi32, #tpu.memory_space<vmem>>) offsets(%dma_start3A_102 : memref<128xi32, #tpu.memory_space<vmem>>) semaphore(%arg16 : memref<!tpu.dma_semaphore, #tpu.memory_space<semaphore_mem>>)
      } else {
      }
      %dma_wait3A_65 = arith.constant 0 : i32
      %dma_wait3A_66 = arith.constant 0 : i32
      %dma_wait3A_67 = tpu.memref_slice %arg8[%dma_wait3A_65, %dma_wait3A_66] : memref<16x128xi32, #tpu.memory_space<vmem>> -> memref<1x128xi32, #tpu.memory_space<vmem>>
      %dma_wait3A_68 = tpu.memref_squeeze %dma_wait3A_67 : memref<1x128xi32, #tpu.memory_space<vmem>> -> memref<128xi32, #tpu.memory_space<vmem>>
      %dma_wait3A_69 = arith.constant 0 : i32
      %dma_wait3A_70 = arith.constant 0 : i32
      %dma_wait3A_71 = tpu.memref_slice %arg2[%dma_wait3A_69, %dma_wait3A_70] : memref<10000x64xi32, #tpu.memory_space<hbm>> -> memref<10000x64xi32, #tpu.memory_space<hbm>>
      tpu.wait_indirect_dma semaphore(%arg15 : memref<!tpu.dma_semaphore, #tpu.memory_space<semaphore_mem>>) src(%dma_wait3A_71 : memref<10000x64xi32, #tpu.memory_space<hbm>>) dst(%arg11 : memref<128x64xi32, #tpu.memory_space<vmem>>)
      %add3A_72 = arith.addi %mul3A_2, %mul3A_25 : i32
      %add3A_73 = arith.constant 1 : i32
      %add3A_74 = arith.addi %add3A_72, %add3A_73 : i32
      %mul3A_75 = arith.constant 128 : i32
      %mul3A_76 = arith.muli %add3A_74, %mul3A_75 : i32
      "tpu.region"() ({
        %run_scoped3A = tpu.sem_alloc : memref<!tpu.dma_semaphore, #tpu.memory_space<semaphore_mem>>
        %dma_start3A_90 = arith.constant 0 : i32
        %dma_start3A_91 = tpu.memref_slice %arg6[%mul3A_76, %dma_start3A_90] : memref<65536x64xi32, #tpu.memory_space<hbm>> -> memref<128x64xi32, #tpu.memory_space<hbm>>
        %dma_start3A_92 = arith.constant 0 : i32
        %dma_start3A_93 = tpu.memref_slice %arg6[%mul3A_76, %dma_start3A_92] : memref<65536x64xi32, #tpu.memory_space<hbm>> -> memref<128x64xi32, #tpu.memory_space<hbm>>
        tpu.enqueue_dma source(%arg11 : memref<128x64xi32, #tpu.memory_space<vmem>>) target(%dma_start3A_93 : memref<128x64xi32, #tpu.memory_space<hbm>>) target_semaphore(%run_scoped3A : memref<!tpu.dma_semaphore, #tpu.memory_space<semaphore_mem>>)
        %dma_wait3A_94 = arith.constant 0 : i32
        %dma_wait3A_95 = tpu.memref_slice %arg6[%mul3A_76, %dma_wait3A_94] : memref<65536x64xi32, #tpu.memory_space<hbm>> -> memref<128x64xi32, #tpu.memory_space<hbm>>
        %dma_wait3A_96 = arith.constant 0 : i32
        %dma_wait3A_97 = tpu.memref_slice %arg6[%mul3A_76, %dma_wait3A_96] : memref<65536x64xi32, #tpu.memory_space<hbm>> -> memref<128x64xi32, #tpu.memory_space<hbm>>
        tpu.wait_dma2 semaphore(%run_scoped3A : memref<!tpu.dma_semaphore, #tpu.memory_space<semaphore_mem>>) src(%arg11 : memref<128x64xi32, #tpu.memory_space<vmem>>) dst(%dma_wait3A_97 : memref<128x64xi32, #tpu.memory_space<hbm>>)
        tpu.yield
      }) : () -> ()
      %dma_wait3A_77 = arith.constant 0 : i32
      %dma_wait3A_78 = arith.constant 0 : i32
      %dma_wait3A_79 = tpu.memref_slice %arg9[%dma_wait3A_77, %dma_wait3A_78] : memref<16x128xi32, #tpu.memory_space<vmem>> -> memref<1x128xi32, #tpu.memory_space<vmem>>
      %dma_wait3A_80 = tpu.memref_squeeze %dma_wait3A_79 : memref<1x128xi32, #tpu.memory_space<vmem>> -> memref<128xi32, #tpu.memory_space<vmem>>
      %dma_wait3A_81 = arith.constant 0 : i32
      %dma_wait3A_82 = arith.constant 0 : i32
      %dma_wait3A_83 = tpu.memref_slice %arg3[%dma_wait3A_81, %dma_wait3A_82] : memref<10000x64xi32, #tpu.memory_space<hbm>> -> memref<10000x64xi32, #tpu.memory_space<hbm>>
      tpu.wait_indirect_dma semaphore(%arg17 : memref<!tpu.dma_semaphore, #tpu.memory_space<semaphore_mem>>) src(%dma_wait3A_83 : memref<10000x64xi32, #tpu.memory_space<hbm>>) dst(%arg13 : memref<128x64xi32, #tpu.memory_space<vmem>>)
      %add3A_84 = arith.addi %mul3A_2, %mul3A_25 : i32
      %add3A_85 = arith.constant 1 : i32
      %add3A_86 = arith.addi %add3A_84, %add3A_85 : i32
      %mul3A_87 = arith.constant 128 : i32
      %mul3A_88 = arith.muli %add3A_86, %mul3A_87 : i32
      "tpu.region"() ({
        %run_scoped3A = tpu.sem_alloc : memref<!tpu.dma_semaphore, #tpu.memory_space<semaphore_mem>>
        %dma_start3A_90 = arith.constant 0 : i32
        %dma_start3A_91 = tpu.memref_slice %arg7[%mul3A_88, %dma_start3A_90] : memref<65536x64xi32, #tpu.memory_space<hbm>> -> memref<128x64xi32, #tpu.memory_space<hbm>>
        %dma_start3A_92 = arith.constant 0 : i32
        %dma_start3A_93 = tpu.memref_slice %arg7[%mul3A_88, %dma_start3A_92] : memref<65536x64xi32, #tpu.memory_space<hbm>> -> memref<128x64xi32, #tpu.memory_space<hbm>>
        tpu.enqueue_dma source(%arg13 : memref<128x64xi32, #tpu.memory_space<vmem>>) target(%dma_start3A_93 : memref<128x64xi32, #tpu.memory_space<hbm>>) target_semaphore(%run_scoped3A : memref<!tpu.dma_semaphore, #tpu.memory_space<semaphore_mem>>)
        %dma_wait3A_94 = arith.constant 0 : i32
        %dma_wait3A_95 = tpu.memref_slice %arg7[%mul3A_88, %dma_wait3A_94] : memref<65536x64xi32, #tpu.memory_space<hbm>> -> memref<128x64xi32, #tpu.memory_space<hbm>>
        %dma_wait3A_96 = arith.constant 0 : i32
        %dma_wait3A_97 = tpu.memref_slice %arg7[%mul3A_88, %dma_wait3A_96] : memref<65536x64xi32, #tpu.memory_space<hbm>> -> memref<128x64xi32, #tpu.memory_space<hbm>>
        tpu.wait_dma2 semaphore(%run_scoped3A : memref<!tpu.dma_semaphore, #tpu.memory_space<semaphore_mem>>) src(%arg13 : memref<128x64xi32, #tpu.memory_space<vmem>>) dst(%dma_wait3A_97 : memref<128x64xi32, #tpu.memory_space<hbm>>)
        tpu.yield
      }) : () -> ()
      %scan3A_89 = arith.constant 0 : i32
      scf.yield %scan3A_89 : i32
    }
    %scan3A_21 = arith.constant 8 : i32
    return
  }
}

#map = affine_map<(d0, d1) -> (0, 0)>
module attributes {stable_mosaic.version = 14 : i64} {
  func.func @_gather2_body(%arg0: i32, %arg1: i32, %arg2: memref<10000x64xi32, #tpu.memory_space<hbm>>, %arg3: memref<10000x64xi32, #tpu.memory_space<hbm>>, %arg4: memref<512x128xi32, #tpu.memory_space<hbm>>, %arg5: memref<512x128xi32, #tpu.memory_space<hbm>>, %arg6: memref<65536x64xi32, #tpu.memory_space<hbm>>, %arg7: memref<65536x64xi32, #tpu.memory_space<hbm>>, %arg8: memref<16x128xi32, #tpu.memory_space<vmem>>, %arg9: memref<16x128xi32, #tpu.memory_space<vmem>>, %arg10: memref<128x64xi32, #tpu.memory_space<vmem>>, %arg11: memref<128x64xi32, #tpu.memory_space<vmem>>, %arg12: memref<128x64xi32, #tpu.memory_space<vmem>>, %arg13: memref<128x64xi32, #tpu.memory_space<vmem>>, %arg14: memref<!tpu.dma_semaphore, #tpu.memory_space<semaphore_mem>>, %arg15: memref<!tpu.dma_semaphore, #tpu.memory_space<semaphore_mem>>, %arg16: memref<!tpu.dma_semaphore, #tpu.memory_space<semaphore_mem>>, %arg17: memref<!tpu.dma_semaphore, #tpu.memory_space<semaphore_mem>>) attributes {dimension_semantics = [#tpu.dimension_semantics<core_parallel>, #tpu.dimension_semantics<subcore_parallel>], iteration_bounds = array<i64: 2, 16>, scalar_prefetch = 0 : i64, scratch_operands = 10 : i64, tpu.core_type = #tpu.core_type<sc_vector_subcore>, window_params = [{transform_indices = #map}, {transform_indices = #map}, {transform_indices = #map}, {transform_indices = #map}, {transform_indices = #map}, {transform_indices = #map}]} {
    %mul3A = arith.constant 2 : i32
    %mul3A_0 = arith.muli %arg1, %mul3A : i32
    %add3A = arith.addi %mul3A_0, %arg0 : i32
    %mul3A_1 = arith.constant 16 : i32
    %mul3A_2 = arith.muli %add3A, %mul3A_1 : i32
    "tpu.region"() ({
      %run_scoped3A = tpu.sem_alloc : memref<!tpu.dma_semaphore, #tpu.memory_space<semaphore_mem>>
      %dma_start3A_22 = arith.constant 0 : i32
      %dma_start3A_23 = tpu.memref_slice %arg4[%mul3A_2, %dma_start3A_22] : memref<512x128xi32, #tpu.memory_space<hbm>> -> memref<16x128xi32, #tpu.memory_space<hbm>>
      %dma_start3A_24 = arith.constant 0 : i32
      %dma_start3A_25 = tpu.memref_slice %arg4[%mul3A_2, %dma_start3A_24] : memref<512x128xi32, #tpu.memory_space<hbm>> -> memref<16x128xi32, #tpu.memory_space<hbm>>
      tpu.enqueue_dma source(%dma_start3A_25 : memref<16x128xi32, #tpu.memory_space<hbm>>) target(%arg8 : memref<16x128xi32, #tpu.memory_space<vmem>>) target_semaphore(%run_scoped3A : memref<!tpu.dma_semaphore, #tpu.memory_space<semaphore_mem>>)
      %dma_wait3A = arith.constant 0 : i32
      %dma_wait3A_26 = tpu.memref_slice %arg4[%mul3A_2, %dma_wait3A] : memref<512x128xi32, #tpu.memory_space<hbm>> -> memref<16x128xi32, #tpu.memory_space<hbm>>
      %dma_wait3A_27 = arith.constant 0 : i32
      %dma_wait3A_28 = tpu.memref_slice %arg4[%mul3A_2, %dma_wait3A_27] : memref<512x128xi32, #tpu.memory_space<hbm>> -> memref<16x128xi32, #tpu.memory_space<hbm>>
      tpu.wait_dma2 semaphore(%run_scoped3A : memref<!tpu.dma_semaphore, #tpu.memory_space<semaphore_mem>>) src(%dma_wait3A_28 : memref<16x128xi32, #tpu.memory_space<hbm>>) dst(%arg8 : memref<16x128xi32, #tpu.memory_space<vmem>>)
      tpu.yield
    }) : () -> ()
    "tpu.region"() ({
      %run_scoped3A = tpu.sem_alloc : memref<!tpu.dma_semaphore, #tpu.memory_space<semaphore_mem>>
      %dma_start3A_22 = arith.constant 0 : i32
      %dma_start3A_23 = tpu.memref_slice %arg5[%mul3A_2, %dma_start3A_22] : memref<512x128xi32, #tpu.memory_space<hbm>> -> memref<16x128xi32, #tpu.memory_space<hbm>>
      %dma_start3A_24 = arith.constant 0 : i32
      %dma_start3A_25 = tpu.memref_slice %arg5[%mul3A_2, %dma_start3A_24] : memref<512x128xi32, #tpu.memory_space<hbm>> -> memref<16x128xi32, #tpu.memory_space<hbm>>
      tpu.enqueue_dma source(%dma_start3A_25 : memref<16x128xi32, #tpu.memory_space<hbm>>) target(%arg9 : memref<16x128xi32, #tpu.memory_space<vmem>>) target_semaphore(%run_scoped3A : memref<!tpu.dma_semaphore, #tpu.memory_space<semaphore_mem>>)
      %dma_wait3A = arith.constant 0 : i32
      %dma_wait3A_26 = tpu.memref_slice %arg5[%mul3A_2, %dma_wait3A] : memref<512x128xi32, #tpu.memory_space<hbm>> -> memref<16x128xi32, #tpu.memory_space<hbm>>
      %dma_wait3A_27 = arith.constant 0 : i32
      %dma_wait3A_28 = tpu.memref_slice %arg5[%mul3A_2, %dma_wait3A_27] : memref<512x128xi32, #tpu.memory_space<hbm>> -> memref<16x128xi32, #tpu.memory_space<hbm>>
      tpu.wait_dma2 semaphore(%run_scoped3A : memref<!tpu.dma_semaphore, #tpu.memory_space<semaphore_mem>>) src(%dma_wait3A_28 : memref<16x128xi32, #tpu.memory_space<hbm>>) dst(%arg9 : memref<16x128xi32, #tpu.memory_space<vmem>>)
      tpu.yield
    }) : () -> ()
    %dma_start3A = arith.constant 0 : i32
    %dma_start3A_3 = arith.constant 0 : i32
    %dma_start3A_4 = tpu.memref_slice %arg8[%dma_start3A, %dma_start3A_3] : memref<16x128xi32, #tpu.memory_space<vmem>> -> memref<1x128xi32, #tpu.memory_space<vmem>>
    %dma_start3A_5 = tpu.memref_squeeze %dma_start3A_4 : memref<1x128xi32, #tpu.memory_space<vmem>> -> memref<128xi32, #tpu.memory_space<vmem>>
    %dma_start3A_6 = arith.constant 0 : i32
    %dma_start3A_7 = arith.constant 0 : i32
    %dma_start3A_8 = tpu.memref_slice %arg2[%dma_start3A_6, %dma_start3A_7] : memref<10000x64xi32, #tpu.memory_space<hbm>> -> memref<10000x64xi32, #tpu.memory_space<hbm>>
    tpu.enqueue_indirect_dma source(%dma_start3A_8 : memref<10000x64xi32, #tpu.memory_space<hbm>>) target(%arg10 : memref<128x64xi32, #tpu.memory_space<vmem>>) offsets(%dma_start3A_5 : memref<128xi32, #tpu.memory_space<vmem>>) semaphore(%arg14 : memref<!tpu.dma_semaphore, #tpu.memory_space<semaphore_mem>>)
    %dma_start3A_9 = arith.constant 0 : i32
    %dma_start3A_10 = arith.constant 0 : i32
    %dma_start3A_11 = tpu.memref_slice %arg9[%dma_start3A_9, %dma_start3A_10] : memref<16x128xi32, #tpu.memory_space<vmem>> -> memref<1x128xi32, #tpu.memory_space<vmem>>
    %dma_start3A_12 = tpu.memref_squeeze %dma_start3A_11 : memref<1x128xi32, #tpu.memory_space<vmem>> -> memref<128xi32, #tpu.memory_space<vmem>>
    %dma_start3A_13 = arith.constant 0 : i32
    %dma_start3A_14 = arith.constant 0 : i32
    %dma_start3A_15 = tpu.memref_slice %arg3[%dma_start3A_13, %dma_start3A_14] : memref<10000x64xi32, #tpu.memory_space<hbm>> -> memref<10000x64xi32, #tpu.memory_space<hbm>>
    tpu.enqueue_indirect_dma source(%dma_start3A_15 : memref<10000x64xi32, #tpu.memory_space<hbm>>) target(%arg12 : memref<128x64xi32, #tpu.memory_space<vmem>>) offsets(%dma_start3A_12 : memref<128xi32, #tpu.memory_space<vmem>>) semaphore(%arg16 : memref<!tpu.dma_semaphore, #tpu.memory_space<semaphore_mem>>)
    %scan3A = arith.constant 0 : i32
    %scan3A_16 = arith.constant 0 : i32
    %scan3A_17 = arith.constant 8 : i32
    %scan3A_18 = arith.addi %scan3A_16, %scan3A_17 : i32
    %scan3A_19 = arith.constant 1 : i32
    %scan3A_20 = scf.for %scan3A_22 = %scan3A_16 to %scan3A_18 step %scan3A_19 iter_args(%scan3A_23 = %scan3A) -> (i32)  : i32 {
      %mul3A_24 = arith.constant 2 : i32
      %mul3A_25 = arith.muli %mul3A_24, %scan3A_22 : i32
      %add3A_26 = arith.constant 1 : i32
      %add3A_27 = arith.addi %mul3A_25, %add3A_26 : i32
      %dma_start3A_28 = arith.constant 0 : i32
      %dma_start3A_29 = tpu.memref_slice %arg8[%add3A_27, %dma_start3A_28] : memref<16x128xi32, #tpu.memory_space<vmem>> -> memref<1x128xi32, #tpu.memory_space<vmem>>
      %dma_start3A_30 = tpu.memref_squeeze %dma_start3A_29 : memref<1x128xi32, #tpu.memory_space<vmem>> -> memref<128xi32, #tpu.memory_space<vmem>>
      %dma_start3A_31 = arith.constant 0 : i32
      %dma_start3A_32 = arith.constant 0 : i32
      %dma_start3A_33 = tpu.memref_slice %arg2[%dma_start3A_31, %dma_start3A_32] : memref<10000x64xi32, #tpu.memory_space<hbm>> -> memref<10000x64xi32, #tpu.memory_space<hbm>>
      tpu.enqueue_indirect_dma source(%dma_start3A_33 : memref<10000x64xi32, #tpu.memory_space<hbm>>) target(%arg11 : memref<128x64xi32, #tpu.memory_space<vmem>>) offsets(%dma_start3A_30 : memref<128xi32, #tpu.memory_space<vmem>>) semaphore(%arg15 : memref<!tpu.dma_semaphore, #tpu.memory_space<semaphore_mem>>)
      %add3A_34 = arith.constant 1 : i32
      %add3A_35 = arith.addi %mul3A_25, %add3A_34 : i32
      %dma_start3A_36 = arith.constant 0 : i32
      %dma_start3A_37 = tpu.memref_slice %arg9[%add3A_35, %dma_start3A_36] : memref<16x128xi32, #tpu.memory_space<vmem>> -> memref<1x128xi32, #tpu.memory_space<vmem>>
      %dma_start3A_38 = tpu.memref_squeeze %dma_start3A_37 : memref<1x128xi32, #tpu.memory_space<vmem>> -> memref<128xi32, #tpu.memory_space<vmem>>
      %dma_start3A_39 = arith.constant 0 : i32
      %dma_start3A_40 = arith.constant 0 : i32
      %dma_start3A_41 = tpu.memref_slice %arg3[%dma_start3A_39, %dma_start3A_40] : memref<10000x64xi32, #tpu.memory_space<hbm>> -> memref<10000x64xi32, #tpu.memory_space<hbm>>
      tpu.enqueue_indirect_dma source(%dma_start3A_41 : memref<10000x64xi32, #tpu.memory_space<hbm>>) target(%arg13 : memref<128x64xi32, #tpu.memory_space<vmem>>) offsets(%dma_start3A_38 : memref<128xi32, #tpu.memory_space<vmem>>) semaphore(%arg17 : memref<!tpu.dma_semaphore, #tpu.memory_space<semaphore_mem>>)
      %dma_wait3A = arith.constant 0 : i32
      %dma_wait3A_42 = arith.constant 0 : i32
      %dma_wait3A_43 = tpu.memref_slice %arg8[%dma_wait3A, %dma_wait3A_42] : memref<16x128xi32, #tpu.memory_space<vmem>> -> memref<1x128xi32, #tpu.memory_space<vmem>>
      %dma_wait3A_44 = tpu.memref_squeeze %dma_wait3A_43 : memref<1x128xi32, #tpu.memory_space<vmem>> -> memref<128xi32, #tpu.memory_space<vmem>>
      %dma_wait3A_45 = arith.constant 0 : i32
      %dma_wait3A_46 = arith.constant 0 : i32
      %dma_wait3A_47 = tpu.memref_slice %arg2[%dma_wait3A_45, %dma_wait3A_46] : memref<10000x64xi32, #tpu.memory_space<hbm>> -> memref<10000x64xi32, #tpu.memory_space<hbm>>
      tpu.wait_indirect_dma semaphore(%arg14 : memref<!tpu.dma_semaphore, #tpu.memory_space<semaphore_mem>>) src(%dma_wait3A_47 : memref<10000x64xi32, #tpu.memory_space<hbm>>) dst(%arg10 : memref<128x64xi32, #tpu.memory_space<vmem>>)
      %add3A_48 = arith.addi %mul3A_2, %mul3A_25 : i32
      %mul3A_49 = arith.constant 128 : i32
      %mul3A_50 = arith.muli %add3A_48, %mul3A_49 : i32
      "tpu.region"() ({
        %run_scoped3A = tpu.sem_alloc : memref<!tpu.dma_semaphore, #tpu.memory_space<semaphore_mem>>
        %dma_start3A_90 = arith.constant 0 : i32
        %dma_start3A_91 = tpu.memref_slice %arg6[%mul3A_50, %dma_start3A_90] : memref<65536x64xi32, #tpu.memory_space<hbm>> -> memref<128x64xi32, #tpu.memory_space<hbm>>
        %dma_start3A_92 = arith.constant 0 : i32
        %dma_start3A_93 = tpu.memref_slice %arg6[%mul3A_50, %dma_start3A_92] : memref<65536x64xi32, #tpu.memory_space<hbm>> -> memref<128x64xi32, #tpu.memory_space<hbm>>
        tpu.enqueue_dma source(%arg10 : memref<128x64xi32, #tpu.memory_space<vmem>>) target(%dma_start3A_93 : memref<128x64xi32, #tpu.memory_space<hbm>>) target_semaphore(%run_scoped3A : memref<!tpu.dma_semaphore, #tpu.memory_space<semaphore_mem>>)
        %dma_wait3A_94 = arith.constant 0 : i32
        %dma_wait3A_95 = tpu.memref_slice %arg6[%mul3A_50, %dma_wait3A_94] : memref<65536x64xi32, #tpu.memory_space<hbm>> -> memref<128x64xi32, #tpu.memory_space<hbm>>
        %dma_wait3A_96 = arith.constant 0 : i32
        %dma_wait3A_97 = tpu.memref_slice %arg6[%mul3A_50, %dma_wait3A_96] : memref<65536x64xi32, #tpu.memory_space<hbm>> -> memref<128x64xi32, #tpu.memory_space<hbm>>
        tpu.wait_dma2 semaphore(%run_scoped3A : memref<!tpu.dma_semaphore, #tpu.memory_space<semaphore_mem>>) src(%arg10 : memref<128x64xi32, #tpu.memory_space<vmem>>) dst(%dma_wait3A_97 : memref<128x64xi32, #tpu.memory_space<hbm>>)
        tpu.yield
      }) : () -> ()
      %dma_wait3A_51 = arith.constant 0 : i32
      %dma_wait3A_52 = arith.constant 0 : i32
      %dma_wait3A_53 = tpu.memref_slice %arg9[%dma_wait3A_51, %dma_wait3A_52] : memref<16x128xi32, #tpu.memory_space<vmem>> -> memref<1x128xi32, #tpu.memory_space<vmem>>
      %dma_wait3A_54 = tpu.memref_squeeze %dma_wait3A_53 : memref<1x128xi32, #tpu.memory_space<vmem>> -> memref<128xi32, #tpu.memory_space<vmem>>
      %dma_wait3A_55 = arith.constant 0 : i32
      %dma_wait3A_56 = arith.constant 0 : i32
      %dma_wait3A_57 = tpu.memref_slice %arg3[%dma_wait3A_55, %dma_wait3A_56] : memref<10000x64xi32, #tpu.memory_space<hbm>> -> memref<10000x64xi32, #tpu.memory_space<hbm>>
      tpu.wait_indirect_dma semaphore(%arg16 : memref<!tpu.dma_semaphore, #tpu.memory_space<semaphore_mem>>) src(%dma_wait3A_57 : memref<10000x64xi32, #tpu.memory_space<hbm>>) dst(%arg12 : memref<128x64xi32, #tpu.memory_space<vmem>>)
      %add3A_58 = arith.addi %mul3A_2, %mul3A_25 : i32
      %mul3A_59 = arith.constant 128 : i32
      %mul3A_60 = arith.muli %add3A_58, %mul3A_59 : i32
      "tpu.region"() ({
        %run_scoped3A = tpu.sem_alloc : memref<!tpu.dma_semaphore, #tpu.memory_space<semaphore_mem>>
        %dma_start3A_90 = arith.constant 0 : i32
        %dma_start3A_91 = tpu.memref_slice %arg7[%mul3A_60, %dma_start3A_90] : memref<65536x64xi32, #tpu.memory_space<hbm>> -> memref<128x64xi32, #tpu.memory_space<hbm>>
        %dma_start3A_92 = arith.constant 0 : i32
        %dma_start3A_93 = tpu.memref_slice %arg7[%mul3A_60, %dma_start3A_92] : memref<65536x64xi32, #tpu.memory_space<hbm>> -> memref<128x64xi32, #tpu.memory_space<hbm>>
        tpu.enqueue_dma source(%arg12 : memref<128x64xi32, #tpu.memory_space<vmem>>) target(%dma_start3A_93 : memref<128x64xi32, #tpu.memory_space<hbm>>) target_semaphore(%run_scoped3A : memref<!tpu.dma_semaphore, #tpu.memory_space<semaphore_mem>>)
        %dma_wait3A_94 = arith.constant 0 : i32
        %dma_wait3A_95 = tpu.memref_slice %arg7[%mul3A_60, %dma_wait3A_94] : memref<65536x64xi32, #tpu.memory_space<hbm>> -> memref<128x64xi32, #tpu.memory_space<hbm>>
        %dma_wait3A_96 = arith.constant 0 : i32
        %dma_wait3A_97 = tpu.memref_slice %arg7[%mul3A_60, %dma_wait3A_96] : memref<65536x64xi32, #tpu.memory_space<hbm>> -> memref<128x64xi32, #tpu.memory_space<hbm>>
        tpu.wait_dma2 semaphore(%run_scoped3A : memref<!tpu.dma_semaphore, #tpu.memory_space<semaphore_mem>>) src(%arg12 : memref<128x64xi32, #tpu.memory_space<vmem>>) dst(%dma_wait3A_97 : memref<128x64xi32, #tpu.memory_space<hbm>>)
        tpu.yield
      }) : () -> ()
      %add3A_61 = arith.constant 1 : i32
      %add3A_62 = arith.addi %scan3A_22, %add3A_61 : i32
      %lt3A = arith.constant 8 : i32
      %lt3A_63 = arith.cmpi slt, %add3A_62, %lt3A : i32
      %convert_element_type3A = arith.extui %lt3A_63 : i1 to i32
      %cond3A = arith.constant 0 : i32
      %cond3A_64 = arith.cmpi ne, %convert_element_type3A, %cond3A : i32
      scf.if %cond3A_64 {
        %add3A_90 = arith.constant 2 : i32
        %add3A_91 = arith.addi %mul3A_25, %add3A_90 : i32
        %dma_start3A_92 = arith.constant 0 : i32
        %dma_start3A_93 = tpu.memref_slice %arg8[%add3A_91, %dma_start3A_92] : memref<16x128xi32, #tpu.memory_space<vmem>> -> memref<1x128xi32, #tpu.memory_space<vmem>>
        %dma_start3A_94 = tpu.memref_squeeze %dma_start3A_93 : memref<1x128xi32, #tpu.memory_space<vmem>> -> memref<128xi32, #tpu.memory_space<vmem>>
        %dma_start3A_95 = arith.constant 0 : i32
        %dma_start3A_96 = arith.constant 0 : i32
        %dma_start3A_97 = tpu.memref_slice %arg2[%dma_start3A_95, %dma_start3A_96] : memref<10000x64xi32, #tpu.memory_space<hbm>> -> memref<10000x64xi32, #tpu.memory_space<hbm>>
        tpu.enqueue_indirect_dma source(%dma_start3A_97 : memref<10000x64xi32, #tpu.memory_space<hbm>>) target(%arg10 : memref<128x64xi32, #tpu.memory_space<vmem>>) offsets(%dma_start3A_94 : memref<128xi32, #tpu.memory_space<vmem>>) semaphore(%arg14 : memref<!tpu.dma_semaphore, #tpu.memory_space<semaphore_mem>>)
        %add3A_98 = arith.constant 2 : i32
        %add3A_99 = arith.addi %mul3A_25, %add3A_98 : i32
        %dma_start3A_100 = arith.constant 0 : i32
        %dma_start3A_101 = tpu.memref_slice %arg9[%add3A_99, %dma_start3A_100] : memref<16x128xi32, #tpu.memory_space<vmem>> -> memref<1x128xi32, #tpu.memory_space<vmem>>
        %dma_start3A_102 = tpu.memref_squeeze %dma_start3A_101 : memref<1x128xi32, #tpu.memory_space<vmem>> -> memref<128xi32, #tpu.memory_space<vmem>>
        %dma_start3A_103 = arith.constant 0 : i32
        %dma_start3A_104 = arith.constant 0 : i32
        %dma_start3A_105 = tpu.memref_slice %arg3[%dma_start3A_103, %dma_start3A_104] : memref<10000x64xi32, #tpu.memory_space<hbm>> -> memref<10000x64xi32, #tpu.memory_space<hbm>>
        tpu.enqueue_indirect_dma source(%dma_start3A_105 : memref<10000x64xi32, #tpu.memory_space<hbm>>) target(%arg12 : memref<128x64xi32, #tpu.memory_space<vmem>>) offsets(%dma_start3A_102 : memref<128xi32, #tpu.memory_space<vmem>>) semaphore(%arg16 : memref<!tpu.dma_semaphore, #tpu.memory_space<semaphore_mem>>)
      } else {
      }
      %dma_wait3A_65 = arith.constant 0 : i32
      %dma_wait3A_66 = arith.constant 0 : i32
      %dma_wait3A_67 = tpu.memref_slice %arg8[%dma_wait3A_65, %dma_wait3A_66] : memref<16x128xi32, #tpu.memory_space<vmem>> -> memref<1x128xi32, #tpu.memory_space<vmem>>
      %dma_wait3A_68 = tpu.memref_squeeze %dma_wait3A_67 : memref<1x128xi32, #tpu.memory_space<vmem>> -> memref<128xi32, #tpu.memory_space<vmem>>
      %dma_wait3A_69 = arith.constant 0 : i32
      %dma_wait3A_70 = arith.constant 0 : i32
      %dma_wait3A_71 = tpu.memref_slice %arg2[%dma_wait3A_69, %dma_wait3A_70] : memref<10000x64xi32, #tpu.memory_space<hbm>> -> memref<10000x64xi32, #tpu.memory_space<hbm>>
      tpu.wait_indirect_dma semaphore(%arg15 : memref<!tpu.dma_semaphore, #tpu.memory_space<semaphore_mem>>) src(%dma_wait3A_71 : memref<10000x64xi32, #tpu.memory_space<hbm>>) dst(%arg11 : memref<128x64xi32, #tpu.memory_space<vmem>>)
      %add3A_72 = arith.addi %mul3A_2, %mul3A_25 : i32
      %add3A_73 = arith.constant 1 : i32
      %add3A_74 = arith.addi %add3A_72, %add3A_73 : i32
      %mul3A_75 = arith.constant 128 : i32
      %mul3A_76 = arith.muli %add3A_74, %mul3A_75 : i32
      "tpu.region"() ({
        %run_scoped3A = tpu.sem_alloc : memref<!tpu.dma_semaphore, #tpu.memory_space<semaphore_mem>>
        %dma_start3A_90 = arith.constant 0 : i32
        %dma_start3A_91 = tpu.memref_slice %arg6[%mul3A_76, %dma_start3A_90] : memref<65536x64xi32, #tpu.memory_space<hbm>> -> memref<128x64xi32, #tpu.memory_space<hbm>>
        %dma_start3A_92 = arith.constant 0 : i32
        %dma_start3A_93 = tpu.memref_slice %arg6[%mul3A_76, %dma_start3A_92] : memref<65536x64xi32, #tpu.memory_space<hbm>> -> memref<128x64xi32, #tpu.memory_space<hbm>>
        tpu.enqueue_dma source(%arg11 : memref<128x64xi32, #tpu.memory_space<vmem>>) target(%dma_start3A_93 : memref<128x64xi32, #tpu.memory_space<hbm>>) target_semaphore(%run_scoped3A : memref<!tpu.dma_semaphore, #tpu.memory_space<semaphore_mem>>)
        %dma_wait3A_94 = arith.constant 0 : i32
        %dma_wait3A_95 = tpu.memref_slice %arg6[%mul3A_76, %dma_wait3A_94] : memref<65536x64xi32, #tpu.memory_space<hbm>> -> memref<128x64xi32, #tpu.memory_space<hbm>>
        %dma_wait3A_96 = arith.constant 0 : i32
        %dma_wait3A_97 = tpu.memref_slice %arg6[%mul3A_76, %dma_wait3A_96] : memref<65536x64xi32, #tpu.memory_space<hbm>> -> memref<128x64xi32, #tpu.memory_space<hbm>>
        tpu.wait_dma2 semaphore(%run_scoped3A : memref<!tpu.dma_semaphore, #tpu.memory_space<semaphore_mem>>) src(%arg11 : memref<128x64xi32, #tpu.memory_space<vmem>>) dst(%dma_wait3A_97 : memref<128x64xi32, #tpu.memory_space<hbm>>)
        tpu.yield
      }) : () -> ()
      %dma_wait3A_77 = arith.constant 0 : i32
      %dma_wait3A_78 = arith.constant 0 : i32
      %dma_wait3A_79 = tpu.memref_slice %arg9[%dma_wait3A_77, %dma_wait3A_78] : memref<16x128xi32, #tpu.memory_space<vmem>> -> memref<1x128xi32, #tpu.memory_space<vmem>>
      %dma_wait3A_80 = tpu.memref_squeeze %dma_wait3A_79 : memref<1x128xi32, #tpu.memory_space<vmem>> -> memref<128xi32, #tpu.memory_space<vmem>>
      %dma_wait3A_81 = arith.constant 0 : i32
      %dma_wait3A_82 = arith.constant 0 : i32
      %dma_wait3A_83 = tpu.memref_slice %arg3[%dma_wait3A_81, %dma_wait3A_82] : memref<10000x64xi32, #tpu.memory_space<hbm>> -> memref<10000x64xi32, #tpu.memory_space<hbm>>
      tpu.wait_indirect_dma semaphore(%arg17 : memref<!tpu.dma_semaphore, #tpu.memory_space<semaphore_mem>>) src(%dma_wait3A_83 : memref<10000x64xi32, #tpu.memory_space<hbm>>) dst(%arg13 : memref<128x64xi32, #tpu.memory_space<vmem>>)
      %add3A_84 = arith.addi %mul3A_2, %mul3A_25 : i32
      %add3A_85 = arith.constant 1 : i32
      %add3A_86 = arith.addi %add3A_84, %add3A_85 : i32
      %mul3A_87 = arith.constant 128 : i32
      %mul3A_88 = arith.muli %add3A_86, %mul3A_87 : i32
      "tpu.region"() ({
        %run_scoped3A = tpu.sem_alloc : memref<!tpu.dma_semaphore, #tpu.memory_space<semaphore_mem>>
        %dma_start3A_90 = arith.constant 0 : i32
        %dma_start3A_91 = tpu.memref_slice %arg7[%mul3A_88, %dma_start3A_90] : memref<65536x64xi32, #tpu.memory_space<hbm>> -> memref<128x64xi32, #tpu.memory_space<hbm>>
        %dma_start3A_92 = arith.constant 0 : i32
        %dma_start3A_93 = tpu.memref_slice %arg7[%mul3A_88, %dma_start3A_92] : memref<65536x64xi32, #tpu.memory_space<hbm>> -> memref<128x64xi32, #tpu.memory_space<hbm>>
        tpu.enqueue_dma source(%arg13 : memref<128x64xi32, #tpu.memory_space<vmem>>) target(%dma_start3A_93 : memref<128x64xi32, #tpu.memory_space<hbm>>) target_semaphore(%run_scoped3A : memref<!tpu.dma_semaphore, #tpu.memory_space<semaphore_mem>>)
        %dma_wait3A_94 = arith.constant 0 : i32
        %dma_wait3A_95 = tpu.memref_slice %arg7[%mul3A_88, %dma_wait3A_94] : memref<65536x64xi32, #tpu.memory_space<hbm>> -> memref<128x64xi32, #tpu.memory_space<hbm>>
        %dma_wait3A_96 = arith.constant 0 : i32
        %dma_wait3A_97 = tpu.memref_slice %arg7[%mul3A_88, %dma_wait3A_96] : memref<65536x64xi32, #tpu.memory_space<hbm>> -> memref<128x64xi32, #tpu.memory_space<hbm>>
        tpu.wait_dma2 semaphore(%run_scoped3A : memref<!tpu.dma_semaphore, #tpu.memory_space<semaphore_mem>>) src(%arg13 : memref<128x64xi32, #tpu.memory_space<vmem>>) dst(%dma_wait3A_97 : memref<128x64xi32, #tpu.memory_space<hbm>>)
        tpu.yield
      }) : () -> ()
      %scan3A_89 = arith.constant 0 : i32
      scf.yield %scan3A_89 : i32
    }
    %scan3A_21 = arith.constant 8 : i32
    return
  }
}

#map = affine_map<(d0, d1) -> (0, 0)>
module attributes {stable_mosaic.version = 14 : i64} {
  func.func @_gather2_body(%arg0: i32, %arg1: i32, %arg2: memref<10000x64xi32, #tpu.memory_space<hbm>>, %arg3: memref<10000x64xi32, #tpu.memory_space<hbm>>, %arg4: memref<512x128xi32, #tpu.memory_space<hbm>>, %arg5: memref<512x128xi32, #tpu.memory_space<hbm>>, %arg6: memref<65536x64xi32, #tpu.memory_space<hbm>>, %arg7: memref<65536x64xi32, #tpu.memory_space<hbm>>, %arg8: memref<16x128xi32, #tpu.memory_space<vmem>>, %arg9: memref<16x128xi32, #tpu.memory_space<vmem>>, %arg10: memref<128x64xi32, #tpu.memory_space<vmem>>, %arg11: memref<128x64xi32, #tpu.memory_space<vmem>>, %arg12: memref<128x64xi32, #tpu.memory_space<vmem>>, %arg13: memref<128x64xi32, #tpu.memory_space<vmem>>, %arg14: memref<!tpu.dma_semaphore, #tpu.memory_space<semaphore_mem>>, %arg15: memref<!tpu.dma_semaphore, #tpu.memory_space<semaphore_mem>>, %arg16: memref<!tpu.dma_semaphore, #tpu.memory_space<semaphore_mem>>, %arg17: memref<!tpu.dma_semaphore, #tpu.memory_space<semaphore_mem>>) attributes {dimension_semantics = [#tpu.dimension_semantics<core_parallel>, #tpu.dimension_semantics<subcore_parallel>], iteration_bounds = array<i64: 2, 16>, scalar_prefetch = 0 : i64, scratch_operands = 10 : i64, tpu.core_type = #tpu.core_type<sc_vector_subcore>, window_params = [{transform_indices = #map}, {transform_indices = #map}, {transform_indices = #map}, {transform_indices = #map}, {transform_indices = #map}, {transform_indices = #map}]} {
    %mul3A = arith.constant 2 : i32
    %mul3A_0 = arith.muli %arg1, %mul3A : i32
    %add3A = arith.addi %mul3A_0, %arg0 : i32
    %mul3A_1 = arith.constant 16 : i32
    %mul3A_2 = arith.muli %add3A, %mul3A_1 : i32
    "tpu.region"() ({
      %run_scoped3A = tpu.sem_alloc : memref<!tpu.dma_semaphore, #tpu.memory_space<semaphore_mem>>
      %dma_start3A_22 = arith.constant 0 : i32
      %dma_start3A_23 = tpu.memref_slice %arg4[%mul3A_2, %dma_start3A_22] : memref<512x128xi32, #tpu.memory_space<hbm>> -> memref<16x128xi32, #tpu.memory_space<hbm>>
      %dma_start3A_24 = arith.constant 0 : i32
      %dma_start3A_25 = tpu.memref_slice %arg4[%mul3A_2, %dma_start3A_24] : memref<512x128xi32, #tpu.memory_space<hbm>> -> memref<16x128xi32, #tpu.memory_space<hbm>>
      tpu.enqueue_dma source(%dma_start3A_25 : memref<16x128xi32, #tpu.memory_space<hbm>>) target(%arg8 : memref<16x128xi32, #tpu.memory_space<vmem>>) target_semaphore(%run_scoped3A : memref<!tpu.dma_semaphore, #tpu.memory_space<semaphore_mem>>)
      %dma_wait3A = arith.constant 0 : i32
      %dma_wait3A_26 = tpu.memref_slice %arg4[%mul3A_2, %dma_wait3A] : memref<512x128xi32, #tpu.memory_space<hbm>> -> memref<16x128xi32, #tpu.memory_space<hbm>>
      %dma_wait3A_27 = arith.constant 0 : i32
      %dma_wait3A_28 = tpu.memref_slice %arg4[%mul3A_2, %dma_wait3A_27] : memref<512x128xi32, #tpu.memory_space<hbm>> -> memref<16x128xi32, #tpu.memory_space<hbm>>
      tpu.wait_dma2 semaphore(%run_scoped3A : memref<!tpu.dma_semaphore, #tpu.memory_space<semaphore_mem>>) src(%dma_wait3A_28 : memref<16x128xi32, #tpu.memory_space<hbm>>) dst(%arg8 : memref<16x128xi32, #tpu.memory_space<vmem>>)
      tpu.yield
    }) : () -> ()
    "tpu.region"() ({
      %run_scoped3A = tpu.sem_alloc : memref<!tpu.dma_semaphore, #tpu.memory_space<semaphore_mem>>
      %dma_start3A_22 = arith.constant 0 : i32
      %dma_start3A_23 = tpu.memref_slice %arg5[%mul3A_2, %dma_start3A_22] : memref<512x128xi32, #tpu.memory_space<hbm>> -> memref<16x128xi32, #tpu.memory_space<hbm>>
      %dma_start3A_24 = arith.constant 0 : i32
      %dma_start3A_25 = tpu.memref_slice %arg5[%mul3A_2, %dma_start3A_24] : memref<512x128xi32, #tpu.memory_space<hbm>> -> memref<16x128xi32, #tpu.memory_space<hbm>>
      tpu.enqueue_dma source(%dma_start3A_25 : memref<16x128xi32, #tpu.memory_space<hbm>>) target(%arg9 : memref<16x128xi32, #tpu.memory_space<vmem>>) target_semaphore(%run_scoped3A : memref<!tpu.dma_semaphore, #tpu.memory_space<semaphore_mem>>)
      %dma_wait3A = arith.constant 0 : i32
      %dma_wait3A_26 = tpu.memref_slice %arg5[%mul3A_2, %dma_wait3A] : memref<512x128xi32, #tpu.memory_space<hbm>> -> memref<16x128xi32, #tpu.memory_space<hbm>>
      %dma_wait3A_27 = arith.constant 0 : i32
      %dma_wait3A_28 = tpu.memref_slice %arg5[%mul3A_2, %dma_wait3A_27] : memref<512x128xi32, #tpu.memory_space<hbm>> -> memref<16x128xi32, #tpu.memory_space<hbm>>
      tpu.wait_dma2 semaphore(%run_scoped3A : memref<!tpu.dma_semaphore, #tpu.memory_space<semaphore_mem>>) src(%dma_wait3A_28 : memref<16x128xi32, #tpu.memory_space<hbm>>) dst(%arg9 : memref<16x128xi32, #tpu.memory_space<vmem>>)
      tpu.yield
    }) : () -> ()
    %dma_start3A = arith.constant 0 : i32
    %dma_start3A_3 = arith.constant 0 : i32
    %dma_start3A_4 = tpu.memref_slice %arg8[%dma_start3A, %dma_start3A_3] : memref<16x128xi32, #tpu.memory_space<vmem>> -> memref<1x128xi32, #tpu.memory_space<vmem>>
    %dma_start3A_5 = tpu.memref_squeeze %dma_start3A_4 : memref<1x128xi32, #tpu.memory_space<vmem>> -> memref<128xi32, #tpu.memory_space<vmem>>
    %dma_start3A_6 = arith.constant 0 : i32
    %dma_start3A_7 = arith.constant 0 : i32
    %dma_start3A_8 = tpu.memref_slice %arg2[%dma_start3A_6, %dma_start3A_7] : memref<10000x64xi32, #tpu.memory_space<hbm>> -> memref<10000x64xi32, #tpu.memory_space<hbm>>
    tpu.enqueue_indirect_dma source(%dma_start3A_8 : memref<10000x64xi32, #tpu.memory_space<hbm>>) target(%arg10 : memref<128x64xi32, #tpu.memory_space<vmem>>) offsets(%dma_start3A_5 : memref<128xi32, #tpu.memory_space<vmem>>) semaphore(%arg14 : memref<!tpu.dma_semaphore, #tpu.memory_space<semaphore_mem>>)
    %dma_start3A_9 = arith.constant 0 : i32
    %dma_start3A_10 = arith.constant 0 : i32
    %dma_start3A_11 = tpu.memref_slice %arg9[%dma_start3A_9, %dma_start3A_10] : memref<16x128xi32, #tpu.memory_space<vmem>> -> memref<1x128xi32, #tpu.memory_space<vmem>>
    %dma_start3A_12 = tpu.memref_squeeze %dma_start3A_11 : memref<1x128xi32, #tpu.memory_space<vmem>> -> memref<128xi32, #tpu.memory_space<vmem>>
    %dma_start3A_13 = arith.constant 0 : i32
    %dma_start3A_14 = arith.constant 0 : i32
    %dma_start3A_15 = tpu.memref_slice %arg3[%dma_start3A_13, %dma_start3A_14] : memref<10000x64xi32, #tpu.memory_space<hbm>> -> memref<10000x64xi32, #tpu.memory_space<hbm>>
    tpu.enqueue_indirect_dma source(%dma_start3A_15 : memref<10000x64xi32, #tpu.memory_space<hbm>>) target(%arg12 : memref<128x64xi32, #tpu.memory_space<vmem>>) offsets(%dma_start3A_12 : memref<128xi32, #tpu.memory_space<vmem>>) semaphore(%arg16 : memref<!tpu.dma_semaphore, #tpu.memory_space<semaphore_mem>>)
    %scan3A = arith.constant 0 : i32
    %scan3A_16 = arith.constant 0 : i32
    %scan3A_17 = arith.constant 8 : i32
    %scan3A_18 = arith.addi %scan3A_16, %scan3A_17 : i32
    %scan3A_19 = arith.constant 1 : i32
    %scan3A_20 = scf.for %scan3A_22 = %scan3A_16 to %scan3A_18 step %scan3A_19 iter_args(%scan3A_23 = %scan3A) -> (i32)  : i32 {
      %mul3A_24 = arith.constant 2 : i32
      %mul3A_25 = arith.muli %mul3A_24, %scan3A_22 : i32
      %add3A_26 = arith.constant 1 : i32
      %add3A_27 = arith.addi %mul3A_25, %add3A_26 : i32
      %dma_start3A_28 = arith.constant 0 : i32
      %dma_start3A_29 = tpu.memref_slice %arg8[%add3A_27, %dma_start3A_28] : memref<16x128xi32, #tpu.memory_space<vmem>> -> memref<1x128xi32, #tpu.memory_space<vmem>>
      %dma_start3A_30 = tpu.memref_squeeze %dma_start3A_29 : memref<1x128xi32, #tpu.memory_space<vmem>> -> memref<128xi32, #tpu.memory_space<vmem>>
      %dma_start3A_31 = arith.constant 0 : i32
      %dma_start3A_32 = arith.constant 0 : i32
      %dma_start3A_33 = tpu.memref_slice %arg2[%dma_start3A_31, %dma_start3A_32] : memref<10000x64xi32, #tpu.memory_space<hbm>> -> memref<10000x64xi32, #tpu.memory_space<hbm>>
      tpu.enqueue_indirect_dma source(%dma_start3A_33 : memref<10000x64xi32, #tpu.memory_space<hbm>>) target(%arg11 : memref<128x64xi32, #tpu.memory_space<vmem>>) offsets(%dma_start3A_30 : memref<128xi32, #tpu.memory_space<vmem>>) semaphore(%arg15 : memref<!tpu.dma_semaphore, #tpu.memory_space<semaphore_mem>>)
      %add3A_34 = arith.constant 1 : i32
      %add3A_35 = arith.addi %mul3A_25, %add3A_34 : i32
      %dma_start3A_36 = arith.constant 0 : i32
      %dma_start3A_37 = tpu.memref_slice %arg9[%add3A_35, %dma_start3A_36] : memref<16x128xi32, #tpu.memory_space<vmem>> -> memref<1x128xi32, #tpu.memory_space<vmem>>
      %dma_start3A_38 = tpu.memref_squeeze %dma_start3A_37 : memref<1x128xi32, #tpu.memory_space<vmem>> -> memref<128xi32, #tpu.memory_space<vmem>>
      %dma_start3A_39 = arith.constant 0 : i32
      %dma_start3A_40 = arith.constant 0 : i32
      %dma_start3A_41 = tpu.memref_slice %arg3[%dma_start3A_39, %dma_start3A_40] : memref<10000x64xi32, #tpu.memory_space<hbm>> -> memref<10000x64xi32, #tpu.memory_space<hbm>>
      tpu.enqueue_indirect_dma source(%dma_start3A_41 : memref<10000x64xi32, #tpu.memory_space<hbm>>) target(%arg13 : memref<128x64xi32, #tpu.memory_space<vmem>>) offsets(%dma_start3A_38 : memref<128xi32, #tpu.memory_space<vmem>>) semaphore(%arg17 : memref<!tpu.dma_semaphore, #tpu.memory_space<semaphore_mem>>)
      %dma_wait3A = arith.constant 0 : i32
      %dma_wait3A_42 = arith.constant 0 : i32
      %dma_wait3A_43 = tpu.memref_slice %arg8[%dma_wait3A, %dma_wait3A_42] : memref<16x128xi32, #tpu.memory_space<vmem>> -> memref<1x128xi32, #tpu.memory_space<vmem>>
      %dma_wait3A_44 = tpu.memref_squeeze %dma_wait3A_43 : memref<1x128xi32, #tpu.memory_space<vmem>> -> memref<128xi32, #tpu.memory_space<vmem>>
      %dma_wait3A_45 = arith.constant 0 : i32
      %dma_wait3A_46 = arith.constant 0 : i32
      %dma_wait3A_47 = tpu.memref_slice %arg2[%dma_wait3A_45, %dma_wait3A_46] : memref<10000x64xi32, #tpu.memory_space<hbm>> -> memref<10000x64xi32, #tpu.memory_space<hbm>>
      tpu.wait_indirect_dma semaphore(%arg14 : memref<!tpu.dma_semaphore, #tpu.memory_space<semaphore_mem>>) src(%dma_wait3A_47 : memref<10000x64xi32, #tpu.memory_space<hbm>>) dst(%arg10 : memref<128x64xi32, #tpu.memory_space<vmem>>)
      %add3A_48 = arith.addi %mul3A_2, %mul3A_25 : i32
      %mul3A_49 = arith.constant 128 : i32
      %mul3A_50 = arith.muli %add3A_48, %mul3A_49 : i32
      "tpu.region"() ({
        %run_scoped3A = tpu.sem_alloc : memref<!tpu.dma_semaphore, #tpu.memory_space<semaphore_mem>>
        %dma_start3A_90 = arith.constant 0 : i32
        %dma_start3A_91 = tpu.memref_slice %arg6[%mul3A_50, %dma_start3A_90] : memref<65536x64xi32, #tpu.memory_space<hbm>> -> memref<128x64xi32, #tpu.memory_space<hbm>>
        %dma_start3A_92 = arith.constant 0 : i32
        %dma_start3A_93 = tpu.memref_slice %arg6[%mul3A_50, %dma_start3A_92] : memref<65536x64xi32, #tpu.memory_space<hbm>> -> memref<128x64xi32, #tpu.memory_space<hbm>>
        tpu.enqueue_dma source(%arg10 : memref<128x64xi32, #tpu.memory_space<vmem>>) target(%dma_start3A_93 : memref<128x64xi32, #tpu.memory_space<hbm>>) target_semaphore(%run_scoped3A : memref<!tpu.dma_semaphore, #tpu.memory_space<semaphore_mem>>)
        %dma_wait3A_94 = arith.constant 0 : i32
        %dma_wait3A_95 = tpu.memref_slice %arg6[%mul3A_50, %dma_wait3A_94] : memref<65536x64xi32, #tpu.memory_space<hbm>> -> memref<128x64xi32, #tpu.memory_space<hbm>>
        %dma_wait3A_96 = arith.constant 0 : i32
        %dma_wait3A_97 = tpu.memref_slice %arg6[%mul3A_50, %dma_wait3A_96] : memref<65536x64xi32, #tpu.memory_space<hbm>> -> memref<128x64xi32, #tpu.memory_space<hbm>>
        tpu.wait_dma2 semaphore(%run_scoped3A : memref<!tpu.dma_semaphore, #tpu.memory_space<semaphore_mem>>) src(%arg10 : memref<128x64xi32, #tpu.memory_space<vmem>>) dst(%dma_wait3A_97 : memref<128x64xi32, #tpu.memory_space<hbm>>)
        tpu.yield
      }) : () -> ()
      %dma_wait3A_51 = arith.constant 0 : i32
      %dma_wait3A_52 = arith.constant 0 : i32
      %dma_wait3A_53 = tpu.memref_slice %arg9[%dma_wait3A_51, %dma_wait3A_52] : memref<16x128xi32, #tpu.memory_space<vmem>> -> memref<1x128xi32, #tpu.memory_space<vmem>>
      %dma_wait3A_54 = tpu.memref_squeeze %dma_wait3A_53 : memref<1x128xi32, #tpu.memory_space<vmem>> -> memref<128xi32, #tpu.memory_space<vmem>>
      %dma_wait3A_55 = arith.constant 0 : i32
      %dma_wait3A_56 = arith.constant 0 : i32
      %dma_wait3A_57 = tpu.memref_slice %arg3[%dma_wait3A_55, %dma_wait3A_56] : memref<10000x64xi32, #tpu.memory_space<hbm>> -> memref<10000x64xi32, #tpu.memory_space<hbm>>
      tpu.wait_indirect_dma semaphore(%arg16 : memref<!tpu.dma_semaphore, #tpu.memory_space<semaphore_mem>>) src(%dma_wait3A_57 : memref<10000x64xi32, #tpu.memory_space<hbm>>) dst(%arg12 : memref<128x64xi32, #tpu.memory_space<vmem>>)
      %add3A_58 = arith.addi %mul3A_2, %mul3A_25 : i32
      %mul3A_59 = arith.constant 128 : i32
      %mul3A_60 = arith.muli %add3A_58, %mul3A_59 : i32
      "tpu.region"() ({
        %run_scoped3A = tpu.sem_alloc : memref<!tpu.dma_semaphore, #tpu.memory_space<semaphore_mem>>
        %dma_start3A_90 = arith.constant 0 : i32
        %dma_start3A_91 = tpu.memref_slice %arg7[%mul3A_60, %dma_start3A_90] : memref<65536x64xi32, #tpu.memory_space<hbm>> -> memref<128x64xi32, #tpu.memory_space<hbm>>
        %dma_start3A_92 = arith.constant 0 : i32
        %dma_start3A_93 = tpu.memref_slice %arg7[%mul3A_60, %dma_start3A_92] : memref<65536x64xi32, #tpu.memory_space<hbm>> -> memref<128x64xi32, #tpu.memory_space<hbm>>
        tpu.enqueue_dma source(%arg12 : memref<128x64xi32, #tpu.memory_space<vmem>>) target(%dma_start3A_93 : memref<128x64xi32, #tpu.memory_space<hbm>>) target_semaphore(%run_scoped3A : memref<!tpu.dma_semaphore, #tpu.memory_space<semaphore_mem>>)
        %dma_wait3A_94 = arith.constant 0 : i32
        %dma_wait3A_95 = tpu.memref_slice %arg7[%mul3A_60, %dma_wait3A_94] : memref<65536x64xi32, #tpu.memory_space<hbm>> -> memref<128x64xi32, #tpu.memory_space<hbm>>
        %dma_wait3A_96 = arith.constant 0 : i32
        %dma_wait3A_97 = tpu.memref_slice %arg7[%mul3A_60, %dma_wait3A_96] : memref<65536x64xi32, #tpu.memory_space<hbm>> -> memref<128x64xi32, #tpu.memory_space<hbm>>
        tpu.wait_dma2 semaphore(%run_scoped3A : memref<!tpu.dma_semaphore, #tpu.memory_space<semaphore_mem>>) src(%arg12 : memref<128x64xi32, #tpu.memory_space<vmem>>) dst(%dma_wait3A_97 : memref<128x64xi32, #tpu.memory_space<hbm>>)
        tpu.yield
      }) : () -> ()
      %add3A_61 = arith.constant 1 : i32
      %add3A_62 = arith.addi %scan3A_22, %add3A_61 : i32
      %lt3A = arith.constant 8 : i32
      %lt3A_63 = arith.cmpi slt, %add3A_62, %lt3A : i32
      %convert_element_type3A = arith.extui %lt3A_63 : i1 to i32
      %cond3A = arith.constant 0 : i32
      %cond3A_64 = arith.cmpi ne, %convert_element_type3A, %cond3A : i32
      scf.if %cond3A_64 {
        %add3A_90 = arith.constant 2 : i32
        %add3A_91 = arith.addi %mul3A_25, %add3A_90 : i32
        %dma_start3A_92 = arith.constant 0 : i32
        %dma_start3A_93 = tpu.memref_slice %arg8[%add3A_91, %dma_start3A_92] : memref<16x128xi32, #tpu.memory_space<vmem>> -> memref<1x128xi32, #tpu.memory_space<vmem>>
        %dma_start3A_94 = tpu.memref_squeeze %dma_start3A_93 : memref<1x128xi32, #tpu.memory_space<vmem>> -> memref<128xi32, #tpu.memory_space<vmem>>
        %dma_start3A_95 = arith.constant 0 : i32
        %dma_start3A_96 = arith.constant 0 : i32
        %dma_start3A_97 = tpu.memref_slice %arg2[%dma_start3A_95, %dma_start3A_96] : memref<10000x64xi32, #tpu.memory_space<hbm>> -> memref<10000x64xi32, #tpu.memory_space<hbm>>
        tpu.enqueue_indirect_dma source(%dma_start3A_97 : memref<10000x64xi32, #tpu.memory_space<hbm>>) target(%arg10 : memref<128x64xi32, #tpu.memory_space<vmem>>) offsets(%dma_start3A_94 : memref<128xi32, #tpu.memory_space<vmem>>) semaphore(%arg14 : memref<!tpu.dma_semaphore, #tpu.memory_space<semaphore_mem>>)
        %add3A_98 = arith.constant 2 : i32
        %add3A_99 = arith.addi %mul3A_25, %add3A_98 : i32
        %dma_start3A_100 = arith.constant 0 : i32
        %dma_start3A_101 = tpu.memref_slice %arg9[%add3A_99, %dma_start3A_100] : memref<16x128xi32, #tpu.memory_space<vmem>> -> memref<1x128xi32, #tpu.memory_space<vmem>>
        %dma_start3A_102 = tpu.memref_squeeze %dma_start3A_101 : memref<1x128xi32, #tpu.memory_space<vmem>> -> memref<128xi32, #tpu.memory_space<vmem>>
        %dma_start3A_103 = arith.constant 0 : i32
        %dma_start3A_104 = arith.constant 0 : i32
        %dma_start3A_105 = tpu.memref_slice %arg3[%dma_start3A_103, %dma_start3A_104] : memref<10000x64xi32, #tpu.memory_space<hbm>> -> memref<10000x64xi32, #tpu.memory_space<hbm>>
        tpu.enqueue_indirect_dma source(%dma_start3A_105 : memref<10000x64xi32, #tpu.memory_space<hbm>>) target(%arg12 : memref<128x64xi32, #tpu.memory_space<vmem>>) offsets(%dma_start3A_102 : memref<128xi32, #tpu.memory_space<vmem>>) semaphore(%arg16 : memref<!tpu.dma_semaphore, #tpu.memory_space<semaphore_mem>>)
      } else {
      }
      %dma_wait3A_65 = arith.constant 0 : i32
      %dma_wait3A_66 = arith.constant 0 : i32
      %dma_wait3A_67 = tpu.memref_slice %arg8[%dma_wait3A_65, %dma_wait3A_66] : memref<16x128xi32, #tpu.memory_space<vmem>> -> memref<1x128xi32, #tpu.memory_space<vmem>>
      %dma_wait3A_68 = tpu.memref_squeeze %dma_wait3A_67 : memref<1x128xi32, #tpu.memory_space<vmem>> -> memref<128xi32, #tpu.memory_space<vmem>>
      %dma_wait3A_69 = arith.constant 0 : i32
      %dma_wait3A_70 = arith.constant 0 : i32
      %dma_wait3A_71 = tpu.memref_slice %arg2[%dma_wait3A_69, %dma_wait3A_70] : memref<10000x64xi32, #tpu.memory_space<hbm>> -> memref<10000x64xi32, #tpu.memory_space<hbm>>
      tpu.wait_indirect_dma semaphore(%arg15 : memref<!tpu.dma_semaphore, #tpu.memory_space<semaphore_mem>>) src(%dma_wait3A_71 : memref<10000x64xi32, #tpu.memory_space<hbm>>) dst(%arg11 : memref<128x64xi32, #tpu.memory_space<vmem>>)
      %add3A_72 = arith.addi %mul3A_2, %mul3A_25 : i32
      %add3A_73 = arith.constant 1 : i32
      %add3A_74 = arith.addi %add3A_72, %add3A_73 : i32
      %mul3A_75 = arith.constant 128 : i32
      %mul3A_76 = arith.muli %add3A_74, %mul3A_75 : i32
      "tpu.region"() ({
        %run_scoped3A = tpu.sem_alloc : memref<!tpu.dma_semaphore, #tpu.memory_space<semaphore_mem>>
        %dma_start3A_90 = arith.constant 0 : i32
        %dma_start3A_91 = tpu.memref_slice %arg6[%mul3A_76, %dma_start3A_90] : memref<65536x64xi32, #tpu.memory_space<hbm>> -> memref<128x64xi32, #tpu.memory_space<hbm>>
        %dma_start3A_92 = arith.constant 0 : i32
        %dma_start3A_93 = tpu.memref_slice %arg6[%mul3A_76, %dma_start3A_92] : memref<65536x64xi32, #tpu.memory_space<hbm>> -> memref<128x64xi32, #tpu.memory_space<hbm>>
        tpu.enqueue_dma source(%arg11 : memref<128x64xi32, #tpu.memory_space<vmem>>) target(%dma_start3A_93 : memref<128x64xi32, #tpu.memory_space<hbm>>) target_semaphore(%run_scoped3A : memref<!tpu.dma_semaphore, #tpu.memory_space<semaphore_mem>>)
        %dma_wait3A_94 = arith.constant 0 : i32
        %dma_wait3A_95 = tpu.memref_slice %arg6[%mul3A_76, %dma_wait3A_94] : memref<65536x64xi32, #tpu.memory_space<hbm>> -> memref<128x64xi32, #tpu.memory_space<hbm>>
        %dma_wait3A_96 = arith.constant 0 : i32
        %dma_wait3A_97 = tpu.memref_slice %arg6[%mul3A_76, %dma_wait3A_96] : memref<65536x64xi32, #tpu.memory_space<hbm>> -> memref<128x64xi32, #tpu.memory_space<hbm>>
        tpu.wait_dma2 semaphore(%run_scoped3A : memref<!tpu.dma_semaphore, #tpu.memory_space<semaphore_mem>>) src(%arg11 : memref<128x64xi32, #tpu.memory_space<vmem>>) dst(%dma_wait3A_97 : memref<128x64xi32, #tpu.memory_space<hbm>>)
        tpu.yield
      }) : () -> ()
      %dma_wait3A_77 = arith.constant 0 : i32
      %dma_wait3A_78 = arith.constant 0 : i32
      %dma_wait3A_79 = tpu.memref_slice %arg9[%dma_wait3A_77, %dma_wait3A_78] : memref<16x128xi32, #tpu.memory_space<vmem>> -> memref<1x128xi32, #tpu.memory_space<vmem>>
      %dma_wait3A_80 = tpu.memref_squeeze %dma_wait3A_79 : memref<1x128xi32, #tpu.memory_space<vmem>> -> memref<128xi32, #tpu.memory_space<vmem>>
      %dma_wait3A_81 = arith.constant 0 : i32
      %dma_wait3A_82 = arith.constant 0 : i32
      %dma_wait3A_83 = tpu.memref_slice %arg3[%dma_wait3A_81, %dma_wait3A_82] : memref<10000x64xi32, #tpu.memory_space<hbm>> -> memref<10000x64xi32, #tpu.memory_space<hbm>>
      tpu.wait_indirect_dma semaphore(%arg17 : memref<!tpu.dma_semaphore, #tpu.memory_space<semaphore_mem>>) src(%dma_wait3A_83 : memref<10000x64xi32, #tpu.memory_space<hbm>>) dst(%arg13 : memref<128x64xi32, #tpu.memory_space<vmem>>)
      %add3A_84 = arith.addi %mul3A_2, %mul3A_25 : i32
      %add3A_85 = arith.constant 1 : i32
      %add3A_86 = arith.addi %add3A_84, %add3A_85 : i32
      %mul3A_87 = arith.constant 128 : i32
      %mul3A_88 = arith.muli %add3A_86, %mul3A_87 : i32
      "tpu.region"() ({
        %run_scoped3A = tpu.sem_alloc : memref<!tpu.dma_semaphore, #tpu.memory_space<semaphore_mem>>
        %dma_start3A_90 = arith.constant 0 : i32
        %dma_start3A_91 = tpu.memref_slice %arg7[%mul3A_88, %dma_start3A_90] : memref<65536x64xi32, #tpu.memory_space<hbm>> -> memref<128x64xi32, #tpu.memory_space<hbm>>
        %dma_start3A_92 = arith.constant 0 : i32
        %dma_start3A_93 = tpu.memref_slice %arg7[%mul3A_88, %dma_start3A_92] : memref<65536x64xi32, #tpu.memory_space<hbm>> -> memref<128x64xi32, #tpu.memory_space<hbm>>
        tpu.enqueue_dma source(%arg13 : memref<128x64xi32, #tpu.memory_space<vmem>>) target(%dma_start3A_93 : memref<128x64xi32, #tpu.memory_space<hbm>>) target_semaphore(%run_scoped3A : memref<!tpu.dma_semaphore, #tpu.memory_space<semaphore_mem>>)
        %dma_wait3A_94 = arith.constant 0 : i32
        %dma_wait3A_95 = tpu.memref_slice %arg7[%mul3A_88, %dma_wait3A_94] : memref<65536x64xi32, #tpu.memory_space<hbm>> -> memref<128x64xi32, #tpu.memory_space<hbm>>
        %dma_wait3A_96 = arith.constant 0 : i32
        %dma_wait3A_97 = tpu.memref_slice %arg7[%mul3A_88, %dma_wait3A_96] : memref<65536x64xi32, #tpu.memory_space<hbm>> -> memref<128x64xi32, #tpu.memory_space<hbm>>
        tpu.wait_dma2 semaphore(%run_scoped3A : memref<!tpu.dma_semaphore, #tpu.memory_space<semaphore_mem>>) src(%arg13 : memref<128x64xi32, #tpu.memory_space<vmem>>) dst(%dma_wait3A_97 : memref<128x64xi32, #tpu.memory_space<hbm>>)
        tpu.yield
      }) : () -> ()
      %scan3A_89 = arith.constant 0 : i32
      scf.yield %scan3A_89 : i32
    }
    %scan3A_21 = arith.constant 8 : i32
    return
  }
}

#map = affine_map<(d0, d1) -> (0, 0)>
#map1 = affine_map<(d0, d1) -> (0, 0, 0)>
module attributes {stable_mosaic.version = 14 : i64} {
  func.func @_scatter_body(%arg0: i32, %arg1: i32, %arg2: memref<65536x128xf32, #tpu.memory_space<hbm>>, %arg3: memref<65536x128xf32, #tpu.memory_space<hbm>>, %arg4: memref<512x128xi32, #tpu.memory_space<hbm>>, %arg5: memref<512x128xi32, #tpu.memory_space<hbm>>, %arg6: memref<2x10000x128xf32, #tpu.memory_space<hbm>>, %arg7: memref<16x128xi32, #tpu.memory_space<vmem>>, %arg8: memref<128x128xf32, #tpu.memory_space<vmem>>, %arg9: memref<128x128xf32, #tpu.memory_space<vmem>>, %arg10: memref<16x128xf32, #tpu.memory_space<vmem>>, %arg11: memref<10000x128xf32, #tpu.memory_space<vmem_shared>>, %arg12: memref<!tpu.dma_semaphore, #tpu.memory_space<semaphore_mem>>, %arg13: memref<!tpu.dma_semaphore, #tpu.memory_space<semaphore_mem>>) attributes {dimension_semantics = [#tpu.dimension_semantics<core_parallel>, #tpu.dimension_semantics<subcore_parallel>], iteration_bounds = array<i64: 2, 16>, scalar_prefetch = 0 : i64, scratch_operands = 7 : i64, tpu.core_type = #tpu.core_type<sc_vector_subcore>, window_params = [{transform_indices = #map}, {transform_indices = #map}, {transform_indices = #map}, {transform_indices = #map}, {transform_indices = #map1}]} {
    %mul3A = arith.constant 2 : i32
    %mul3A_0 = arith.muli %arg1, %mul3A : i32
    %add3A = arith.addi %mul3A_0, %arg0 : i32
    %mul3A_1 = arith.constant 624 : i32
    %mul3A_2 = arith.muli %arg1, %mul3A_1 : i32
    %broadcast_in_dim3A = arith.constant 0.000000e+00 : f32
    %broadcast_in_dim3A_3 = vector.broadcast %broadcast_in_dim3A : f32 to vector<16xf32>
    %scan3A = arith.constant 0 : i32
    %scan3A_4 = arith.constant 0 : i32
    %scan3A_5 = arith.constant 128 : i32
    %scan3A_6 = arith.addi %scan3A_4, %scan3A_5 : i32
    %scan3A_7 = arith.constant 1 : i32
    %scan3A_8 = scf.for %scan3A_58 = %scan3A_4 to %scan3A_6 step %scan3A_7 iter_args(%scan3A_59 = %scan3A) -> (i32)  : i32 {
      %jit3A_60 = arith.constant 8 : i32
      %div3A = arith.divsi %scan3A_58, %jit3A_60 : i32
      %sign3A = arith.constant 0 : i32
      %sign3A_61 = arith.cmpi sgt, %scan3A_58, %sign3A : i32
      %sign3A_62 = arith.extui %sign3A_61 : i1 to i32
      %sign3A_63 = arith.constant 0 : i32
      %sign3A_64 = arith.cmpi slt, %scan3A_58, %sign3A_63 : i32
      %sign3A_65 = arith.extui %sign3A_64 : i1 to i32
      %sign3A_66 = arith.subi %sign3A_62, %sign3A_65 : i32
      %sign3A_67 = arith.constant 0 : i32
      %sign3A_68 = arith.cmpi sgt, %jit3A_60, %sign3A_67 : i32
      %sign3A_69 = arith.extui %sign3A_68 : i1 to i32
      %sign3A_70 = arith.constant 0 : i32
      %sign3A_71 = arith.cmpi slt, %jit3A_60, %sign3A_70 : i32
      %sign3A_72 = arith.extui %sign3A_71 : i1 to i32
      %sign3A_73 = arith.subi %sign3A_69, %sign3A_72 : i32
      %ne3A = arith.cmpi ne, %sign3A_66, %sign3A_73 : i32
      %rem3A = arith.remsi %scan3A_58, %jit3A_60 : i32
      %ne3A_74 = arith.constant 0 : i32
      %ne3A_75 = arith.cmpi ne, %rem3A, %ne3A_74 : i32
      %and3A = arith.andi %ne3A, %ne3A_75 : i1
      %sub3A = arith.constant 1 : i32
      %sub3A_76 = arith.subi %div3A, %sub3A : i32
      %select_n3A_77 = arith.select %and3A, %sub3A_76, %div3A : i32
      %jit3A_78 = arith.constant 8 : i32
      %eq3A_79 = arith.constant 0 : i32
      %eq3A_80 = arith.cmpi eq, %jit3A_78, %eq3A_79 : i32
      %jit3A_81 = arith.constant 1 : i32
      %select_n3A_82 = arith.select %eq3A_80, %jit3A_81, %jit3A_78 : i32
      %rem3A_83 = arith.remsi %scan3A_58, %select_n3A_82 : i32
      %ne3A_84 = arith.constant 0 : i32
      %ne3A_85 = arith.cmpi ne, %rem3A_83, %ne3A_84 : i32
      %lt3A_86 = arith.constant 0 : i32
      %lt3A_87 = arith.cmpi slt, %rem3A_83, %lt3A_86 : i32
      %lt3A_88 = arith.constant 0 : i32
      %lt3A_89 = arith.cmpi slt, %select_n3A_82, %lt3A_88 : i32
      %ne3A_90 = arith.xori %lt3A_87, %lt3A_89 : i1
      %and3A_91 = arith.andi %ne3A_90, %ne3A_85 : i1
      %add3A_92 = arith.addi %rem3A_83, %select_n3A_82 : i32
      %select_n3A_93 = arith.select %and3A_91, %add3A_92, %rem3A_83 : i32
      %mul3A_94 = arith.constant 16 : i32
      %mul3A_95 = arith.muli %select_n3A_93, %mul3A_94 : i32
      %swap3A = arith.index_cast %select_n3A_77 : i32 to index
      %swap3A_96 = arith.index_cast %mul3A_95 : i32 to index
      %swap3A_97 = tpu.vector_load %arg10[%swap3A, %swap3A_96] {strides = array<i32>} : memref<16x128xf32, #tpu.memory_space<vmem>>, vector<1x16xf32>,
      %swap3A_98 = vector.shape_cast %swap3A_97 : vector<1x16xf32> to vector<16xf32>
      %swap3A_99 = vector.shape_cast %broadcast_in_dim3A_3 : vector<16xf32> to vector<1x16xf32>
      tpu.vector_store %arg10[%swap3A, %swap3A_96], %swap3A_99 {strides = array<i32>} : memref<16x128xf32, #tpu.memory_space<vmem>>, vector<1x16xf32>,
      %scan3A_100 = arith.constant 0 : i32
      scf.yield %scan3A_100 : i32
    }
    %scan3A_9 = arith.constant 128 : i32
    %lt3A = arith.constant 15 : i32
    %lt3A_10 = arith.cmpi slt, %arg1, %lt3A : i32
    %jit3A = arith.constant 39 : i32
    %jit3A_11 = arith.constant 40 : i32
    %select_n3A = arith.select %lt3A_10, %jit3A, %jit3A_11 : i32
    %while3A = arith.constant 0 : i32
    %while3A_12 = arith.constant 0 : i32
    %while3A_13 = arith.subi %select_n3A, %while3A : i32
    %while3A_14 = arith.addi %while3A, %while3A_13 : i32
    %while3A_15 = arith.constant 1 : i32
    %while3A_16 = arith.divsi %while3A_13, %while3A_15 : i32
    %while3A_17 = arith.muli %while3A_16, %while3A_15 : i32
    %while3A_18 = arith.addi %while3A, %while3A_17 : i32
    %while3A_19 = arith.constant 1 : i32
    %while3A_20 = scf.for %while3A_58 = %while3A to %while3A_18 step %while3A_19 iter_args(%while3A_59 = %while3A_12) -> (i32)  : i32 {
      %mul3A_60 = arith.constant 16 : i32
      %mul3A_61 = arith.muli %while3A_58, %mul3A_60 : i32
      %add3A_62 = arith.addi %mul3A_2, %mul3A_61 : i32
      "tpu.region"() ({
        %run_scoped3A = tpu.sem_alloc : memref<!tpu.dma_semaphore, #tpu.memory_space<semaphore_mem>>
        %dma_start3A_64 = arith.constant 0 : i32
        %dma_start3A_65 = tpu.memref_slice %arg11[%add3A_62, %dma_start3A_64] : memref<10000x128xf32, #tpu.memory_space<vmem_shared>> -> memref<16x128xf32, #tpu.memory_space<vmem_shared>>
        %dma_start3A_66 = arith.constant 0 : i32
        %dma_start3A_67 = tpu.memref_slice %arg11[%add3A_62, %dma_start3A_66] : memref<10000x128xf32, #tpu.memory_space<vmem_shared>> -> memref<16x128xf32, #tpu.memory_space<vmem_shared>>
        tpu.enqueue_dma source(%arg10 : memref<16x128xf32, #tpu.memory_space<vmem>>) target(%dma_start3A_67 : memref<16x128xf32, #tpu.memory_space<vmem_shared>>) target_semaphore(%run_scoped3A : memref<!tpu.dma_semaphore, #tpu.memory_space<semaphore_mem>>)
        %dma_wait3A = arith.constant 0 : i32
        %dma_wait3A_68 = tpu.memref_slice %arg11[%add3A_62, %dma_wait3A] : memref<10000x128xf32, #tpu.memory_space<vmem_shared>> -> memref<16x128xf32, #tpu.memory_space<vmem_shared>>
        %dma_wait3A_69 = arith.constant 0 : i32
        %dma_wait3A_70 = tpu.memref_slice %arg11[%add3A_62, %dma_wait3A_69] : memref<10000x128xf32, #tpu.memory_space<vmem_shared>> -> memref<16x128xf32, #tpu.memory_space<vmem_shared>>
        tpu.wait_dma2 semaphore(%run_scoped3A : memref<!tpu.dma_semaphore, #tpu.memory_space<semaphore_mem>>) src(%arg10 : memref<16x128xf32, #tpu.memory_space<vmem>>) dst(%dma_wait3A_70 : memref<16x128xf32, #tpu.memory_space<vmem_shared>>)
        tpu.yield
      }) : () -> ()
      %while3A_63 = arith.constant 0 : i32
      scf.yield %while3A_63 : i32
    }
    %while3A_21 = arith.constant 1 : i32
    %while3A_22 = scf.for %while3A_58 = %while3A_18 to %while3A_14 step %while3A_21 iter_args(%while3A_59 = %while3A_20) -> (i32)  : i32 {
      %mul3A_60 = arith.constant 16 : i32
      %mul3A_61 = arith.muli %while3A_58, %mul3A_60 : i32
      %add3A_62 = arith.addi %mul3A_2, %mul3A_61 : i32
      "tpu.region"() ({
        %run_scoped3A = tpu.sem_alloc : memref<!tpu.dma_semaphore, #tpu.memory_space<semaphore_mem>>
        %dma_start3A_64 = arith.constant 0 : i32
        %dma_start3A_65 = tpu.memref_slice %arg11[%add3A_62, %dma_start3A_64] : memref<10000x128xf32, #tpu.memory_space<vmem_shared>> -> memref<16x128xf32, #tpu.memory_space<vmem_shared>>
        %dma_start3A_66 = arith.constant 0 : i32
        %dma_start3A_67 = tpu.memref_slice %arg11[%add3A_62, %dma_start3A_66] : memref<10000x128xf32, #tpu.memory_space<vmem_shared>> -> memref<16x128xf32, #tpu.memory_space<vmem_shared>>
        tpu.enqueue_dma source(%arg10 : memref<16x128xf32, #tpu.memory_space<vmem>>) target(%dma_start3A_67 : memref<16x128xf32, #tpu.memory_space<vmem_shared>>) target_semaphore(%run_scoped3A : memref<!tpu.dma_semaphore, #tpu.memory_space<semaphore_mem>>)
        %dma_wait3A = arith.constant 0 : i32
        %dma_wait3A_68 = tpu.memref_slice %arg11[%add3A_62, %dma_wait3A] : memref<10000x128xf32, #tpu.memory_space<vmem_shared>> -> memref<16x128xf32, #tpu.memory_space<vmem_shared>>
        %dma_wait3A_69 = arith.constant 0 : i32
        %dma_wait3A_70 = tpu.memref_slice %arg11[%add3A_62, %dma_wait3A_69] : memref<10000x128xf32, #tpu.memory_space<vmem_shared>> -> memref<16x128xf32, #tpu.memory_space<vmem_shared>>
        tpu.wait_dma2 semaphore(%run_scoped3A : memref<!tpu.dma_semaphore, #tpu.memory_space<semaphore_mem>>) src(%arg10 : memref<16x128xf32, #tpu.memory_space<vmem>>) dst(%dma_wait3A_70 : memref<16x128xf32, #tpu.memory_space<vmem_shared>>)
        tpu.yield
      }) : () -> ()
      %while3A_63 = arith.constant 0 : i32
      scf.yield %while3A_63 : i32
    }
    %barrier3A = arith.constant 0 : index
    tpu.barrier barrier_id(%barrier3A)
    %mul3A_23 = arith.constant 16 : i32
    %mul3A_24 = arith.muli %add3A, %mul3A_23 : i32
    "tpu.region"() ({
      %run_scoped3A = tpu.sem_alloc : memref<!tpu.dma_semaphore, #tpu.memory_space<semaphore_mem>>
      %dma_start3A_58 = arith.constant 0 : i32
      %dma_start3A_59 = tpu.memref_slice %arg4[%mul3A_24, %dma_start3A_58] : memref<512x128xi32, #tpu.memory_space<hbm>> -> memref<16x128xi32, #tpu.memory_space<hbm>>
      %dma_start3A_60 = arith.constant 0 : i32
      %dma_start3A_61 = tpu.memref_slice %arg4[%mul3A_24, %dma_start3A_60] : memref<512x128xi32, #tpu.memory_space<hbm>> -> memref<16x128xi32, #tpu.memory_space<hbm>>
      tpu.enqueue_dma source(%dma_start3A_61 : memref<16x128xi32, #tpu.memory_space<hbm>>) target(%arg7 : memref<16x128xi32, #tpu.memory_space<vmem>>) target_semaphore(%run_scoped3A : memref<!tpu.dma_semaphore, #tpu.memory_space<semaphore_mem>>)
      %dma_wait3A = arith.constant 0 : i32
      %dma_wait3A_62 = tpu.memref_slice %arg4[%mul3A_24, %dma_wait3A] : memref<512x128xi32, #tpu.memory_space<hbm>> -> memref<16x128xi32, #tpu.memory_space<hbm>>
      %dma_wait3A_63 = arith.constant 0 : i32
      %dma_wait3A_64 = tpu.memref_slice %arg4[%mul3A_24, %dma_wait3A_63] : memref<512x128xi32, #tpu.memory_space<hbm>> -> memref<16x128xi32, #tpu.memory_space<hbm>>
      tpu.wait_dma2 semaphore(%run_scoped3A : memref<!tpu.dma_semaphore, #tpu.memory_space<semaphore_mem>>) src(%dma_wait3A_64 : memref<16x128xi32, #tpu.memory_space<hbm>>) dst(%arg7 : memref<16x128xi32, #tpu.memory_space<vmem>>)
      tpu.yield
    }) : () -> ()
    %mul3A_25 = arith.constant 128 : i32
    %mul3A_26 = arith.muli %mul3A_24, %mul3A_25 : i32
    %dma_start3A = arith.constant 0 : i32
    %dma_start3A_27 = tpu.memref_slice %arg2[%mul3A_26, %dma_start3A] : memref<65536x128xf32, #tpu.memory_space<hbm>> -> memref<128x128xf32, #tpu.memory_space<hbm>>
    %dma_start3A_28 = arith.constant 0 : i32
    %dma_start3A_29 = tpu.memref_slice %arg2[%mul3A_26, %dma_start3A_28] : memref<65536x128xf32, #tpu.memory_space<hbm>> -> memref<128x128xf32, #tpu.memory_space<hbm>>
    tpu.enqueue_dma source(%dma_start3A_29 : memref<128x128xf32, #tpu.memory_space<hbm>>) target(%arg8 : memref<128x128xf32, #tpu.memory_space<vmem>>) target_semaphore(%arg12 : memref<!tpu.dma_semaphore, #tpu.memory_space<semaphore_mem>>)
    %scan3A_30 = arith.constant 0 : i32
    %scan3A_31 = arith.constant 0 : i32
    %scan3A_32 = arith.constant 8 : i32
    %scan3A_33 = arith.addi %scan3A_31, %scan3A_32 : i32
    %scan3A_34 = arith.constant 1 : i32
    %scan3A_35 = scf.for %scan3A_58 = %scan3A_31 to %scan3A_33 step %scan3A_34 iter_args(%scan3A_59 = %scan3A_30) -> (i32)  : i32 {
      %mul3A_60 = arith.constant 2 : i32
      %mul3A_61 = arith.muli %mul3A_60, %scan3A_58 : i32
      %add3A_62 = arith.addi %mul3A_24, %mul3A_61 : i32
      %add3A_63 = arith.constant 1 : i32
      %add3A_64 = arith.addi %add3A_62, %add3A_63 : i32
      %mul3A_65 = arith.constant 128 : i32
      %mul3A_66 = arith.muli %add3A_64, %mul3A_65 : i32
      %dma_start3A_67 = arith.constant 0 : i32
      %dma_start3A_68 = tpu.memref_slice %arg2[%mul3A_66, %dma_start3A_67] : memref<65536x128xf32, #tpu.memory_space<hbm>> -> memref<128x128xf32, #tpu.memory_space<hbm>>
      %dma_start3A_69 = arith.constant 0 : i32
      %dma_start3A_70 = tpu.memref_slice %arg2[%mul3A_66, %dma_start3A_69] : memref<65536x128xf32, #tpu.memory_space<hbm>> -> memref<128x128xf32, #tpu.memory_space<hbm>>
      tpu.enqueue_dma source(%dma_start3A_70 : memref<128x128xf32, #tpu.memory_space<hbm>>) target(%arg9 : memref<128x128xf32, #tpu.memory_space<vmem>>) target_semaphore(%arg13 : memref<!tpu.dma_semaphore, #tpu.memory_space<semaphore_mem>>)
      %dma_wait3A = arith.constant 0 : i32
      %dma_wait3A_71 = arith.constant 0 : i32
      %dma_wait3A_72 = tpu.memref_slice %arg2[%dma_wait3A, %dma_wait3A_71] : memref<65536x128xf32, #tpu.memory_space<hbm>> -> memref<128x128xf32, #tpu.memory_space<hbm>>
      %dma_wait3A_73 = arith.constant 0 : i32
      %dma_wait3A_74 = arith.constant 0 : i32
      %dma_wait3A_75 = tpu.memref_slice %arg2[%dma_wait3A_73, %dma_wait3A_74] : memref<65536x128xf32, #tpu.memory_space<hbm>> -> memref<128x128xf32, #tpu.memory_space<hbm>>
      tpu.wait_dma2 semaphore(%arg12 : memref<!tpu.dma_semaphore, #tpu.memory_space<semaphore_mem>>) src(%dma_wait3A_75 : memref<128x128xf32, #tpu.memory_space<hbm>>) dst(%arg8 : memref<128x128xf32, #tpu.memory_space<vmem>>)
      "tpu.region"() ({
        %run_scoped3A = tpu.sem_alloc : memref<!tpu.dma_semaphore, #tpu.memory_space<semaphore_mem>>
        %dma_start3A_92 = arith.constant 0 : i32
        %dma_start3A_93 = tpu.memref_slice %arg7[%mul3A_61, %dma_start3A_92] : memref<16x128xi32, #tpu.memory_space<vmem>> -> memref<1x128xi32, #tpu.memory_space<vmem>>
        %dma_start3A_94 = tpu.memref_squeeze %dma_start3A_93 : memref<1x128xi32, #tpu.memory_space<vmem>> -> memref<128xi32, #tpu.memory_space<vmem>>
        %dma_start3A_95 = arith.constant 0 : i32
        %dma_start3A_96 = arith.constant 0 : i32
        %dma_start3A_97 = tpu.memref_slice %arg11[%dma_start3A_95, %dma_start3A_96] : memref<10000x128xf32, #tpu.memory_space<vmem_shared>> -> memref<10000x128xf32, #tpu.memory_space<vmem_shared>>
        tpu.enqueue_indirect_dma source(%arg8 : memref<128x128xf32, #tpu.memory_space<vmem>>) target(%dma_start3A_97 : memref<10000x128xf32, #tpu.memory_space<vmem_shared>>) offsets(%dma_start3A_94 : memref<128xi32, #tpu.memory_space<vmem>>) semaphore(%run_scoped3A : memref<!tpu.dma_semaphore, #tpu.memory_space<semaphore_mem>>) {add = true}
        %dma_wait3A_98 = arith.constant 0 : i32
        %dma_wait3A_99 = tpu.memref_slice %arg7[%mul3A_61, %dma_wait3A_98] : memref<16x128xi32, #tpu.memory_space<vmem>> -> memref<1x128xi32, #tpu.memory_space<vmem>>
        %dma_wait3A_100 = tpu.memref_squeeze %dma_wait3A_99 : memref<1x128xi32, #tpu.memory_space<vmem>> -> memref<128xi32, #tpu.memory_space<vmem>>
        %dma_wait3A_101 = arith.constant 0 : i32
        %dma_wait3A_102 = arith.constant 0 : i32
        %dma_wait3A_103 = tpu.memref_slice %arg11[%dma_wait3A_101, %dma_wait3A_102] : memref<10000x128xf32, #tpu.memory_space<vmem_shared>> -> memref<10000x128xf32, #tpu.memory_space<vmem_shared>>
        tpu.wait_indirect_dma semaphore(%run_scoped3A : memref<!tpu.dma_semaphore, #tpu.memory_space<semaphore_mem>>) src(%arg8 : memref<128x128xf32, #tpu.memory_space<vmem>>) dst(%dma_wait3A_103 : memref<10000x128xf32, #tpu.memory_space<vmem_shared>>)
        tpu.yield
      }) : () -> ()
      %add3A_76 = arith.constant 1 : i32
      %add3A_77 = arith.addi %scan3A_58, %add3A_76 : i32
      %lt3A_78 = arith.constant 8 : i32
      %lt3A_79 = arith.cmpi slt, %add3A_77, %lt3A_78 : i32
      %convert_element_type3A_80 = arith.extui %lt3A_79 : i1 to i32
      %cond3A_81 = arith.constant 0 : i32
      %cond3A_82 = arith.cmpi ne, %convert_element_type3A_80, %cond3A_81 : i32
      scf.if %cond3A_82 {
        %add3A_92 = arith.addi %mul3A_24, %mul3A_61 : i32
        %add3A_93 = arith.constant 2 : i32
        %add3A_94 = arith.addi %add3A_92, %add3A_93 : i32
        %mul3A_95 = arith.constant 128 : i32
        %mul3A_96 = arith.muli %add3A_94, %mul3A_95 : i32
        %dma_start3A_97 = arith.constant 0 : i32
        %dma_start3A_98 = tpu.memref_slice %arg2[%mul3A_96, %dma_start3A_97] : memref<65536x128xf32, #tpu.memory_space<hbm>> -> memref<128x128xf32, #tpu.memory_space<hbm>>
        %dma_start3A_99 = arith.constant 0 : i32
        %dma_start3A_100 = tpu.memref_slice %arg2[%mul3A_96, %dma_start3A_99] : memref<65536x128xf32, #tpu.memory_space<hbm>> -> memref<128x128xf32, #tpu.memory_space<hbm>>
        tpu.enqueue_dma source(%dma_start3A_100 : memref<128x128xf32, #tpu.memory_space<hbm>>) target(%arg8 : memref<128x128xf32, #tpu.memory_space<vmem>>) target_semaphore(%arg12 : memref<!tpu.dma_semaphore, #tpu.memory_space<semaphore_mem>>)
      } else {
      }
      %dma_wait3A_83 = arith.constant 0 : i32
      %dma_wait3A_84 = arith.constant 0 : i32
      %dma_wait3A_85 = tpu.memref_slice %arg2[%dma_wait3A_83, %dma_wait3A_84] : memref<65536x128xf32, #tpu.memory_space<hbm>> -> memref<128x128xf32, #tpu.memory_space<hbm>>
      %dma_wait3A_86 = arith.constant 0 : i32
      %dma_wait3A_87 = arith.constant 0 : i32
      %dma_wait3A_88 = tpu.memref_slice %arg2[%dma_wait3A_86, %dma_wait3A_87] : memref<65536x128xf32, #tpu.memory_space<hbm>> -> memref<128x128xf32, #tpu.memory_space<hbm>>
      tpu.wait_dma2 semaphore(%arg13 : memref<!tpu.dma_semaphore, #tpu.memory_space<semaphore_mem>>) src(%dma_wait3A_88 : memref<128x128xf32, #tpu.memory_space<hbm>>) dst(%arg9 : memref<128x128xf32, #tpu.memory_space<vmem>>)
      %add3A_89 = arith.constant 1 : i32
      %add3A_90 = arith.addi %mul3A_61, %add3A_89 : i32
      "tpu.region"() ({
        %run_scoped3A = tpu.sem_alloc : memref<!tpu.dma_semaphore, #tpu.memory_space<semaphore_mem>>
        %dma_start3A_92 = arith.constant 0 : i32
        %dma_start3A_93 = tpu.memref_slice %arg7[%add3A_90, %dma_start3A_92] : memref<16x128xi32, #tpu.memory_space<vmem>> -> memref<1x128xi32, #tpu.memory_space<vmem>>
        %dma_start3A_94 = tpu.memref_squeeze %dma_start3A_93 : memref<1x128xi32, #tpu.memory_space<vmem>> -> memref<128xi32, #tpu.memory_space<vmem>>
        %dma_start3A_95 = arith.constant 0 : i32
        %dma_start3A_96 = arith.constant 0 : i32
        %dma_start3A_97 = tpu.memref_slice %arg11[%dma_start3A_95, %dma_start3A_96] : memref<10000x128xf32, #tpu.memory_space<vmem_shared>> -> memref<10000x128xf32, #tpu.memory_space<vmem_shared>>
        tpu.enqueue_indirect_dma source(%arg9 : memref<128x128xf32, #tpu.memory_space<vmem>>) target(%dma_start3A_97 : memref<10000x128xf32, #tpu.memory_space<vmem_shared>>) offsets(%dma_start3A_94 : memref<128xi32, #tpu.memory_space<vmem>>) semaphore(%run_scoped3A : memref<!tpu.dma_semaphore, #tpu.memory_space<semaphore_mem>>) {add = true}
        %dma_wait3A_98 = arith.constant 0 : i32
        %dma_wait3A_99 = tpu.memref_slice %arg7[%add3A_90, %dma_wait3A_98] : memref<16x128xi32, #tpu.memory_space<vmem>> -> memref<1x128xi32, #tpu.memory_space<vmem>>
        %dma_wait3A_100 = tpu.memref_squeeze %dma_wait3A_99 : memref<1x128xi32, #tpu.memory_space<vmem>> -> memref<128xi32, #tpu.memory_space<vmem>>
        %dma_wait3A_101 = arith.constant 0 : i32
        %dma_wait3A_102 = arith.constant 0 : i32
        %dma_wait3A_103 = tpu.memref_slice %arg11[%dma_wait3A_101, %dma_wait3A_102] : memref<10000x128xf32, #tpu.memory_space<vmem_shared>> -> memref<10000x128xf32, #tpu.memory_space<vmem_shared>>
        tpu.wait_indirect_dma semaphore(%run_scoped3A : memref<!tpu.dma_semaphore, #tpu.memory_space<semaphore_mem>>) src(%arg9 : memref<128x128xf32, #tpu.memory_space<vmem>>) dst(%dma_wait3A_103 : memref<10000x128xf32, #tpu.memory_space<vmem_shared>>)
        tpu.yield
      }) : () -> ()
      %scan3A_91 = arith.constant 0 : i32
      scf.yield %scan3A_91 : i32
    }
    %scan3A_36 = arith.constant 8 : i32
    "tpu.region"() ({
      %run_scoped3A = tpu.sem_alloc : memref<!tpu.dma_semaphore, #tpu.memory_space<semaphore_mem>>
      %dma_start3A_58 = arith.constant 0 : i32
      %dma_start3A_59 = tpu.memref_slice %arg5[%mul3A_24, %dma_start3A_58] : memref<512x128xi32, #tpu.memory_space<hbm>> -> memref<16x128xi32, #tpu.memory_space<hbm>>
      %dma_start3A_60 = arith.constant 0 : i32
      %dma_start3A_61 = tpu.memref_slice %arg5[%mul3A_24, %dma_start3A_60] : memref<512x128xi32, #tpu.memory_space<hbm>> -> memref<16x128xi32, #tpu.memory_space<hbm>>
      tpu.enqueue_dma source(%dma_start3A_61 : memref<16x128xi32, #tpu.memory_space<hbm>>) target(%arg7 : memref<16x128xi32, #tpu.memory_space<vmem>>) target_semaphore(%run_scoped3A : memref<!tpu.dma_semaphore, #tpu.memory_space<semaphore_mem>>)
      %dma_wait3A = arith.constant 0 : i32
      %dma_wait3A_62 = tpu.memref_slice %arg5[%mul3A_24, %dma_wait3A] : memref<512x128xi32, #tpu.memory_space<hbm>> -> memref<16x128xi32, #tpu.memory_space<hbm>>
      %dma_wait3A_63 = arith.constant 0 : i32
      %dma_wait3A_64 = tpu.memref_slice %arg5[%mul3A_24, %dma_wait3A_63] : memref<512x128xi32, #tpu.memory_space<hbm>> -> memref<16x128xi32, #tpu.memory_space<hbm>>
      tpu.wait_dma2 semaphore(%run_scoped3A : memref<!tpu.dma_semaphore, #tpu.memory_space<semaphore_mem>>) src(%dma_wait3A_64 : memref<16x128xi32, #tpu.memory_space<hbm>>) dst(%arg7 : memref<16x128xi32, #tpu.memory_space<vmem>>)
      tpu.yield
    }) : () -> ()
    %mul3A_37 = arith.constant 128 : i32
    %mul3A_38 = arith.muli %mul3A_24, %mul3A_37 : i32
    %dma_start3A_39 = arith.constant 0 : i32
    %dma_start3A_40 = tpu.memref_slice %arg3[%mul3A_38, %dma_start3A_39] : memref<65536x128xf32, #tpu.memory_space<hbm>> -> memref<128x128xf32, #tpu.memory_space<hbm>>
    %dma_start3A_41 = arith.constant 0 : i32
    %dma_start3A_42 = tpu.memref_slice %arg3[%mul3A_38, %dma_start3A_41] : memref<65536x128xf32, #tpu.memory_space<hbm>> -> memref<128x128xf32, #tpu.memory_space<hbm>>
    tpu.enqueue_dma source(%dma_start3A_42 : memref<128x128xf32, #tpu.memory_space<hbm>>) target(%arg8 : memref<128x128xf32, #tpu.memory_space<vmem>>) target_semaphore(%arg12 : memref<!tpu.dma_semaphore, #tpu.memory_space<semaphore_mem>>)
    %scan3A_43 = arith.constant 0 : i32
    %scan3A_44 = arith.constant 0 : i32
    %scan3A_45 = arith.constant 8 : i32
    %scan3A_46 = arith.addi %scan3A_44, %scan3A_45 : i32
    %scan3A_47 = arith.constant 1 : i32
    %scan3A_48 = scf.for %scan3A_58 = %scan3A_44 to %scan3A_46 step %scan3A_47 iter_args(%scan3A_59 = %scan3A_43) -> (i32)  : i32 {
      %mul3A_60 = arith.constant 2 : i32
      %mul3A_61 = arith.muli %mul3A_60, %scan3A_58 : i32
      %add3A_62 = arith.addi %mul3A_24, %mul3A_61 : i32
      %add3A_63 = arith.constant 1 : i32
      %add3A_64 = arith.addi %add3A_62, %add3A_63 : i32
      %mul3A_65 = arith.constant 128 : i32
      %mul3A_66 = arith.muli %add3A_64, %mul3A_65 : i32
      %dma_start3A_67 = arith.constant 0 : i32
      %dma_start3A_68 = tpu.memref_slice %arg3[%mul3A_66, %dma_start3A_67] : memref<65536x128xf32, #tpu.memory_space<hbm>> -> memref<128x128xf32, #tpu.memory_space<hbm>>
      %dma_start3A_69 = arith.constant 0 : i32
      %dma_start3A_70 = tpu.memref_slice %arg3[%mul3A_66, %dma_start3A_69] : memref<65536x128xf32, #tpu.memory_space<hbm>> -> memref<128x128xf32, #tpu.memory_space<hbm>>
      tpu.enqueue_dma source(%dma_start3A_70 : memref<128x128xf32, #tpu.memory_space<hbm>>) target(%arg9 : memref<128x128xf32, #tpu.memory_space<vmem>>) target_semaphore(%arg13 : memref<!tpu.dma_semaphore, #tpu.memory_space<semaphore_mem>>)
      %dma_wait3A = arith.constant 0 : i32
      %dma_wait3A_71 = arith.constant 0 : i32
      %dma_wait3A_72 = tpu.memref_slice %arg3[%dma_wait3A, %dma_wait3A_71] : memref<65536x128xf32, #tpu.memory_space<hbm>> -> memref<128x128xf32, #tpu.memory_space<hbm>>
      %dma_wait3A_73 = arith.constant 0 : i32
      %dma_wait3A_74 = arith.constant 0 : i32
      %dma_wait3A_75 = tpu.memref_slice %arg3[%dma_wait3A_73, %dma_wait3A_74] : memref<65536x128xf32, #tpu.memory_space<hbm>> -> memref<128x128xf32, #tpu.memory_space<hbm>>
      tpu.wait_dma2 semaphore(%arg12 : memref<!tpu.dma_semaphore, #tpu.memory_space<semaphore_mem>>) src(%dma_wait3A_75 : memref<128x128xf32, #tpu.memory_space<hbm>>) dst(%arg8 : memref<128x128xf32, #tpu.memory_space<vmem>>)
      "tpu.region"() ({
        %run_scoped3A = tpu.sem_alloc : memref<!tpu.dma_semaphore, #tpu.memory_space<semaphore_mem>>
        %dma_start3A_92 = arith.constant 0 : i32
        %dma_start3A_93 = tpu.memref_slice %arg7[%mul3A_61, %dma_start3A_92] : memref<16x128xi32, #tpu.memory_space<vmem>> -> memref<1x128xi32, #tpu.memory_space<vmem>>
        %dma_start3A_94 = tpu.memref_squeeze %dma_start3A_93 : memref<1x128xi32, #tpu.memory_space<vmem>> -> memref<128xi32, #tpu.memory_space<vmem>>
        %dma_start3A_95 = arith.constant 0 : i32
        %dma_start3A_96 = arith.constant 0 : i32
        %dma_start3A_97 = tpu.memref_slice %arg11[%dma_start3A_95, %dma_start3A_96] : memref<10000x128xf32, #tpu.memory_space<vmem_shared>> -> memref<10000x128xf32, #tpu.memory_space<vmem_shared>>
        tpu.enqueue_indirect_dma source(%arg8 : memref<128x128xf32, #tpu.memory_space<vmem>>) target(%dma_start3A_97 : memref<10000x128xf32, #tpu.memory_space<vmem_shared>>) offsets(%dma_start3A_94 : memref<128xi32, #tpu.memory_space<vmem>>) semaphore(%run_scoped3A : memref<!tpu.dma_semaphore, #tpu.memory_space<semaphore_mem>>) {add = true}
        %dma_wait3A_98 = arith.constant 0 : i32
        %dma_wait3A_99 = tpu.memref_slice %arg7[%mul3A_61, %dma_wait3A_98] : memref<16x128xi32, #tpu.memory_space<vmem>> -> memref<1x128xi32, #tpu.memory_space<vmem>>
        %dma_wait3A_100 = tpu.memref_squeeze %dma_wait3A_99 : memref<1x128xi32, #tpu.memory_space<vmem>> -> memref<128xi32, #tpu.memory_space<vmem>>
        %dma_wait3A_101 = arith.constant 0 : i32
        %dma_wait3A_102 = arith.constant 0 : i32
        %dma_wait3A_103 = tpu.memref_slice %arg11[%dma_wait3A_101, %dma_wait3A_102] : memref<10000x128xf32, #tpu.memory_space<vmem_shared>> -> memref<10000x128xf32, #tpu.memory_space<vmem_shared>>
        tpu.wait_indirect_dma semaphore(%run_scoped3A : memref<!tpu.dma_semaphore, #tpu.memory_space<semaphore_mem>>) src(%arg8 : memref<128x128xf32, #tpu.memory_space<vmem>>) dst(%dma_wait3A_103 : memref<10000x128xf32, #tpu.memory_space<vmem_shared>>)
        tpu.yield
      }) : () -> ()
      %add3A_76 = arith.constant 1 : i32
      %add3A_77 = arith.addi %scan3A_58, %add3A_76 : i32
      %lt3A_78 = arith.constant 8 : i32
      %lt3A_79 = arith.cmpi slt, %add3A_77, %lt3A_78 : i32
      %convert_element_type3A_80 = arith.extui %lt3A_79 : i1 to i32
      %cond3A_81 = arith.constant 0 : i32
      %cond3A_82 = arith.cmpi ne, %convert_element_type3A_80, %cond3A_81 : i32
      scf.if %cond3A_82 {
        %add3A_92 = arith.addi %mul3A_24, %mul3A_61 : i32
        %add3A_93 = arith.constant 2 : i32
        %add3A_94 = arith.addi %add3A_92, %add3A_93 : i32
        %mul3A_95 = arith.constant 128 : i32
        %mul3A_96 = arith.muli %add3A_94, %mul3A_95 : i32
        %dma_start3A_97 = arith.constant 0 : i32
        %dma_start3A_98 = tpu.memref_slice %arg3[%mul3A_96, %dma_start3A_97] : memref<65536x128xf32, #tpu.memory_space<hbm>> -> memref<128x128xf32, #tpu.memory_space<hbm>>
        %dma_start3A_99 = arith.constant 0 : i32
        %dma_start3A_100 = tpu.memref_slice %arg3[%mul3A_96, %dma_start3A_99] : memref<65536x128xf32, #tpu.memory_space<hbm>> -> memref<128x128xf32, #tpu.memory_space<hbm>>
        tpu.enqueue_dma source(%dma_start3A_100 : memref<128x128xf32, #tpu.memory_space<hbm>>) target(%arg8 : memref<128x128xf32, #tpu.memory_space<vmem>>) target_semaphore(%arg12 : memref<!tpu.dma_semaphore, #tpu.memory_space<semaphore_mem>>)
      } else {
      }
      %dma_wait3A_83 = arith.constant 0 : i32
      %dma_wait3A_84 = arith.constant 0 : i32
      %dma_wait3A_85 = tpu.memref_slice %arg3[%dma_wait3A_83, %dma_wait3A_84] : memref<65536x128xf32, #tpu.memory_space<hbm>> -> memref<128x128xf32, #tpu.memory_space<hbm>>
      %dma_wait3A_86 = arith.constant 0 : i32
      %dma_wait3A_87 = arith.constant 0 : i32
      %dma_wait3A_88 = tpu.memref_slice %arg3[%dma_wait3A_86, %dma_wait3A_87] : memref<65536x128xf32, #tpu.memory_space<hbm>> -> memref<128x128xf32, #tpu.memory_space<hbm>>
      tpu.wait_dma2 semaphore(%arg13 : memref<!tpu.dma_semaphore, #tpu.memory_space<semaphore_mem>>) src(%dma_wait3A_88 : memref<128x128xf32, #tpu.memory_space<hbm>>) dst(%arg9 : memref<128x128xf32, #tpu.memory_space<vmem>>)
      %add3A_89 = arith.constant 1 : i32
      %add3A_90 = arith.addi %mul3A_61, %add3A_89 : i32
      "tpu.region"() ({
        %run_scoped3A = tpu.sem_alloc : memref<!tpu.dma_semaphore, #tpu.memory_space<semaphore_mem>>
        %dma_start3A_92 = arith.constant 0 : i32
        %dma_start3A_93 = tpu.memref_slice %arg7[%add3A_90, %dma_start3A_92] : memref<16x128xi32, #tpu.memory_space<vmem>> -> memref<1x128xi32, #tpu.memory_space<vmem>>
        %dma_start3A_94 = tpu.memref_squeeze %dma_start3A_93 : memref<1x128xi32, #tpu.memory_space<vmem>> -> memref<128xi32, #tpu.memory_space<vmem>>
        %dma_start3A_95 = arith.constant 0 : i32
        %dma_start3A_96 = arith.constant 0 : i32
        %dma_start3A_97 = tpu.memref_slice %arg11[%dma_start3A_95, %dma_start3A_96] : memref<10000x128xf32, #tpu.memory_space<vmem_shared>> -> memref<10000x128xf32, #tpu.memory_space<vmem_shared>>
        tpu.enqueue_indirect_dma source(%arg9 : memref<128x128xf32, #tpu.memory_space<vmem>>) target(%dma_start3A_97 : memref<10000x128xf32, #tpu.memory_space<vmem_shared>>) offsets(%dma_start3A_94 : memref<128xi32, #tpu.memory_space<vmem>>) semaphore(%run_scoped3A : memref<!tpu.dma_semaphore, #tpu.memory_space<semaphore_mem>>) {add = true}
        %dma_wait3A_98 = arith.constant 0 : i32
        %dma_wait3A_99 = tpu.memref_slice %arg7[%add3A_90, %dma_wait3A_98] : memref<16x128xi32, #tpu.memory_space<vmem>> -> memref<1x128xi32, #tpu.memory_space<vmem>>
        %dma_wait3A_100 = tpu.memref_squeeze %dma_wait3A_99 : memref<1x128xi32, #tpu.memory_space<vmem>> -> memref<128xi32, #tpu.memory_space<vmem>>
        %dma_wait3A_101 = arith.constant 0 : i32
        %dma_wait3A_102 = arith.constant 0 : i32
        %dma_wait3A_103 = tpu.memref_slice %arg11[%dma_wait3A_101, %dma_wait3A_102] : memref<10000x128xf32, #tpu.memory_space<vmem_shared>> -> memref<10000x128xf32, #tpu.memory_space<vmem_shared>>
        tpu.wait_indirect_dma semaphore(%run_scoped3A : memref<!tpu.dma_semaphore, #tpu.memory_space<semaphore_mem>>) src(%arg9 : memref<128x128xf32, #tpu.memory_space<vmem>>) dst(%dma_wait3A_103 : memref<10000x128xf32, #tpu.memory_space<vmem_shared>>)
        tpu.yield
      }) : () -> ()
      %scan3A_91 = arith.constant 0 : i32
      scf.yield %scan3A_91 : i32
    }
    %scan3A_49 = arith.constant 8 : i32
    %barrier3A_50 = arith.constant 0 : index
    tpu.barrier barrier_id(%barrier3A_50)
    %lt3A_51 = arith.constant 15 : i32
    %lt3A_52 = arith.cmpi slt, %arg1, %lt3A_51 : i32
    %convert_element_type3A = arith.extui %lt3A_52 : i1 to i32
    %cond3A = arith.constant 0 : i32
    %cond3A_53 = arith.cmpi ne, %convert_element_type3A, %cond3A : i32
    scf.if %cond3A_53 {
      "tpu.region"() ({
        %run_scoped3A = tpu.sem_alloc : memref<!tpu.dma_semaphore, #tpu.memory_space<semaphore_mem>>
        %dma_start3A_58 = arith.constant 0 : i32
        %dma_start3A_59 = tpu.memref_slice %arg6[%arg0, %mul3A_2, %dma_start3A_58] : memref<2x10000x128xf32, #tpu.memory_space<hbm>> -> memref<1x624x128xf32, #tpu.memory_space<hbm>>
        %dma_start3A_60 = tpu.memref_squeeze %dma_start3A_59 : memref<1x624x128xf32, #tpu.memory_space<hbm>> -> memref<624x128xf32, #tpu.memory_space<hbm>>
        %dma_start3A_61 = arith.constant 0 : i32
        %dma_start3A_62 = tpu.memref_slice %arg11[%mul3A_2, %dma_start3A_61] : memref<10000x128xf32, #tpu.memory_space<vmem_shared>> -> memref<624x128xf32, #tpu.memory_space<vmem_shared>>
        tpu.enqueue_dma source(%dma_start3A_62 : memref<624x128xf32, #tpu.memory_space<vmem_shared>>) target(%dma_start3A_60 : memref<624x128xf32, #tpu.memory_space<hbm>>) target_semaphore(%run_scoped3A : memref<!tpu.dma_semaphore, #tpu.memory_space<semaphore_mem>>)
        %dma_wait3A = arith.constant 0 : i32
        %dma_wait3A_63 = tpu.memref_slice %arg6[%arg0, %mul3A_2, %dma_wait3A] : memref<2x10000x128xf32, #tpu.memory_space<hbm>> -> memref<1x624x128xf32, #tpu.memory_space<hbm>>
        %dma_wait3A_64 = tpu.memref_squeeze %dma_wait3A_63 : memref<1x624x128xf32, #tpu.memory_space<hbm>> -> memref<624x128xf32, #tpu.memory_space<hbm>>
        %dma_wait3A_65 = arith.constant 0 : i32
        %dma_wait3A_66 = tpu.memref_slice %arg11[%mul3A_2, %dma_wait3A_65] : memref<10000x128xf32, #tpu.memory_space<vmem_shared>> -> memref<624x128xf32, #tpu.memory_space<vmem_shared>>
        tpu.wait_dma2 semaphore(%run_scoped3A : memref<!tpu.dma_semaphore, #tpu.memory_space<semaphore_mem>>) src(%dma_wait3A_66 : memref<624x128xf32, #tpu.memory_space<vmem_shared>>) dst(%dma_wait3A_64 : memref<624x128xf32, #tpu.memory_space<hbm>>)
        tpu.yield
      }) : () -> ()
    } else {
    }
    %eq3A = arith.constant 15 : i32
    %eq3A_54 = arith.cmpi eq, %arg1, %eq3A : i32
    %convert_element_type3A_55 = arith.extui %eq3A_54 : i1 to i32
    %cond3A_56 = arith.constant 0 : i32
    %cond3A_57 = arith.cmpi ne, %convert_element_type3A_55, %cond3A_56 : i32
    scf.if %cond3A_57 {
      "tpu.region"() ({
        %run_scoped3A = tpu.sem_alloc : memref<!tpu.dma_semaphore, #tpu.memory_space<semaphore_mem>>
        %dma_start3A_58 = arith.constant 9360 : i32
        %dma_start3A_59 = arith.constant 0 : i32
        %dma_start3A_60 = tpu.memref_slice %arg6[%arg0, %dma_start3A_58, %dma_start3A_59] : memref<2x10000x128xf32, #tpu.memory_space<hbm>> -> memref<1x640x128xf32, #tpu.memory_space<hbm>>
        %dma_start3A_61 = tpu.memref_squeeze %dma_start3A_60 : memref<1x640x128xf32, #tpu.memory_space<hbm>> -> memref<640x128xf32, #tpu.memory_space<hbm>>
        %dma_start3A_62 = arith.constant 9360 : i32
        %dma_start3A_63 = arith.constant 0 : i32
        %dma_start3A_64 = tpu.memref_slice %arg11[%dma_start3A_62, %dma_start3A_63] : memref<10000x128xf32, #tpu.memory_space<vmem_shared>> -> memref<640x128xf32, #tpu.memory_space<vmem_shared>>
        tpu.enqueue_dma source(%dma_start3A_64 : memref<640x128xf32, #tpu.memory_space<vmem_shared>>) target(%dma_start3A_61 : memref<640x128xf32, #tpu.memory_space<hbm>>) target_semaphore(%run_scoped3A : memref<!tpu.dma_semaphore, #tpu.memory_space<semaphore_mem>>)
        %dma_wait3A = arith.constant 9360 : i32
        %dma_wait3A_65 = arith.constant 0 : i32
        %dma_wait3A_66 = tpu.memref_slice %arg6[%arg0, %dma_wait3A, %dma_wait3A_65] : memref<2x10000x128xf32, #tpu.memory_space<hbm>> -> memref<1x640x128xf32, #tpu.memory_space<hbm>>
        %dma_wait3A_67 = tpu.memref_squeeze %dma_wait3A_66 : memref<1x640x128xf32, #tpu.memory_space<hbm>> -> memref<640x128xf32, #tpu.memory_space<hbm>>
        %dma_wait3A_68 = arith.constant 9360 : i32
        %dma_wait3A_69 = arith.constant 0 : i32
        %dma_wait3A_70 = tpu.memref_slice %arg11[%dma_wait3A_68, %dma_wait3A_69] : memref<10000x128xf32, #tpu.memory_space<vmem_shared>> -> memref<640x128xf32, #tpu.memory_space<vmem_shared>>
        tpu.wait_dma2 semaphore(%run_scoped3A : memref<!tpu.dma_semaphore, #tpu.memory_space<semaphore_mem>>) src(%dma_wait3A_70 : memref<640x128xf32, #tpu.memory_space<vmem_shared>>) dst(%dma_wait3A_67 : memref<640x128xf32, #tpu.memory_space<hbm>>)
        tpu.yield
      }) : () -> ()
    } else {
    }
    return
  }
}

#map = affine_map<(d0, d1) -> (0, 0)>
#map1 = affine_map<(d0, d1) -> (0, 0, 0)>
module attributes {stable_mosaic.version = 14 : i64} {
  func.func @_scatter_body(%arg0: i32, %arg1: i32, %arg2: memref<65536x128xf32, #tpu.memory_space<hbm>>, %arg3: memref<65536x128xf32, #tpu.memory_space<hbm>>, %arg4: memref<512x128xi32, #tpu.memory_space<hbm>>, %arg5: memref<512x128xi32, #tpu.memory_space<hbm>>, %arg6: memref<2x10000x128xf32, #tpu.memory_space<hbm>>, %arg7: memref<16x128xi32, #tpu.memory_space<vmem>>, %arg8: memref<128x128xf32, #tpu.memory_space<vmem>>, %arg9: memref<128x128xf32, #tpu.memory_space<vmem>>, %arg10: memref<16x128xf32, #tpu.memory_space<vmem>>, %arg11: memref<10000x128xf32, #tpu.memory_space<vmem_shared>>, %arg12: memref<!tpu.dma_semaphore, #tpu.memory_space<semaphore_mem>>, %arg13: memref<!tpu.dma_semaphore, #tpu.memory_space<semaphore_mem>>) attributes {dimension_semantics = [#tpu.dimension_semantics<core_parallel>, #tpu.dimension_semantics<subcore_parallel>], iteration_bounds = array<i64: 2, 16>, scalar_prefetch = 0 : i64, scratch_operands = 7 : i64, tpu.core_type = #tpu.core_type<sc_vector_subcore>, window_params = [{transform_indices = #map}, {transform_indices = #map}, {transform_indices = #map}, {transform_indices = #map}, {transform_indices = #map1}]} {
    %mul3A = arith.constant 2 : i32
    %mul3A_0 = arith.muli %arg1, %mul3A : i32
    %add3A = arith.addi %mul3A_0, %arg0 : i32
    %mul3A_1 = arith.constant 624 : i32
    %mul3A_2 = arith.muli %arg1, %mul3A_1 : i32
    %broadcast_in_dim3A = arith.constant 0.000000e+00 : f32
    %broadcast_in_dim3A_3 = vector.broadcast %broadcast_in_dim3A : f32 to vector<16xf32>
    %scan3A = arith.constant 0 : i32
    %scan3A_4 = arith.constant 0 : i32
    %scan3A_5 = arith.constant 128 : i32
    %scan3A_6 = arith.addi %scan3A_4, %scan3A_5 : i32
    %scan3A_7 = arith.constant 1 : i32
    %scan3A_8 = scf.for %scan3A_58 = %scan3A_4 to %scan3A_6 step %scan3A_7 iter_args(%scan3A_59 = %scan3A) -> (i32)  : i32 {
      %jit3A_60 = arith.constant 8 : i32
      %div3A = arith.divsi %scan3A_58, %jit3A_60 : i32
      %sign3A = arith.constant 0 : i32
      %sign3A_61 = arith.cmpi sgt, %scan3A_58, %sign3A : i32
      %sign3A_62 = arith.extui %sign3A_61 : i1 to i32
      %sign3A_63 = arith.constant 0 : i32
      %sign3A_64 = arith.cmpi slt, %scan3A_58, %sign3A_63 : i32
      %sign3A_65 = arith.extui %sign3A_64 : i1 to i32
      %sign3A_66 = arith.subi %sign3A_62, %sign3A_65 : i32
      %sign3A_67 = arith.constant 0 : i32
      %sign3A_68 = arith.cmpi sgt, %jit3A_60, %sign3A_67 : i32
      %sign3A_69 = arith.extui %sign3A_68 : i1 to i32
      %sign3A_70 = arith.constant 0 : i32
      %sign3A_71 = arith.cmpi slt, %jit3A_60, %sign3A_70 : i32
      %sign3A_72 = arith.extui %sign3A_71 : i1 to i32
      %sign3A_73 = arith.subi %sign3A_69, %sign3A_72 : i32
      %ne3A = arith.cmpi ne, %sign3A_66, %sign3A_73 : i32
      %rem3A = arith.remsi %scan3A_58, %jit3A_60 : i32
      %ne3A_74 = arith.constant 0 : i32
      %ne3A_75 = arith.cmpi ne, %rem3A, %ne3A_74 : i32
      %and3A = arith.andi %ne3A, %ne3A_75 : i1
      %sub3A = arith.constant 1 : i32
      %sub3A_76 = arith.subi %div3A, %sub3A : i32
      %select_n3A_77 = arith.select %and3A, %sub3A_76, %div3A : i32
      %jit3A_78 = arith.constant 8 : i32
      %eq3A_79 = arith.constant 0 : i32
      %eq3A_80 = arith.cmpi eq, %jit3A_78, %eq3A_79 : i32
      %jit3A_81 = arith.constant 1 : i32
      %select_n3A_82 = arith.select %eq3A_80, %jit3A_81, %jit3A_78 : i32
      %rem3A_83 = arith.remsi %scan3A_58, %select_n3A_82 : i32
      %ne3A_84 = arith.constant 0 : i32
      %ne3A_85 = arith.cmpi ne, %rem3A_83, %ne3A_84 : i32
      %lt3A_86 = arith.constant 0 : i32
      %lt3A_87 = arith.cmpi slt, %rem3A_83, %lt3A_86 : i32
      %lt3A_88 = arith.constant 0 : i32
      %lt3A_89 = arith.cmpi slt, %select_n3A_82, %lt3A_88 : i32
      %ne3A_90 = arith.xori %lt3A_87, %lt3A_89 : i1
      %and3A_91 = arith.andi %ne3A_90, %ne3A_85 : i1
      %add3A_92 = arith.addi %rem3A_83, %select_n3A_82 : i32
      %select_n3A_93 = arith.select %and3A_91, %add3A_92, %rem3A_83 : i32
      %mul3A_94 = arith.constant 16 : i32
      %mul3A_95 = arith.muli %select_n3A_93, %mul3A_94 : i32
      %swap3A = arith.index_cast %select_n3A_77 : i32 to index
      %swap3A_96 = arith.index_cast %mul3A_95 : i32 to index
      %swap3A_97 = tpu.vector_load %arg10[%swap3A, %swap3A_96] {strides = array<i32>} : memref<16x128xf32, #tpu.memory_space<vmem>>, vector<1x16xf32>,
      %swap3A_98 = vector.shape_cast %swap3A_97 : vector<1x16xf32> to vector<16xf32>
      %swap3A_99 = vector.shape_cast %broadcast_in_dim3A_3 : vector<16xf32> to vector<1x16xf32>
      tpu.vector_store %arg10[%swap3A, %swap3A_96], %swap3A_99 {strides = array<i32>} : memref<16x128xf32, #tpu.memory_space<vmem>>, vector<1x16xf32>,
      %scan3A_100 = arith.constant 0 : i32
      scf.yield %scan3A_100 : i32
    }
    %scan3A_9 = arith.constant 128 : i32
    %lt3A = arith.constant 15 : i32
    %lt3A_10 = arith.cmpi slt, %arg1, %lt3A : i32
    %jit3A = arith.constant 39 : i32
    %jit3A_11 = arith.constant 40 : i32
    %select_n3A = arith.select %lt3A_10, %jit3A, %jit3A_11 : i32
    %while3A = arith.constant 0 : i32
    %while3A_12 = arith.constant 0 : i32
    %while3A_13 = arith.subi %select_n3A, %while3A : i32
    %while3A_14 = arith.addi %while3A, %while3A_13 : i32
    %while3A_15 = arith.constant 1 : i32
    %while3A_16 = arith.divsi %while3A_13, %while3A_15 : i32
    %while3A_17 = arith.muli %while3A_16, %while3A_15 : i32
    %while3A_18 = arith.addi %while3A, %while3A_17 : i32
    %while3A_19 = arith.constant 1 : i32
    %while3A_20 = scf.for %while3A_58 = %while3A to %while3A_18 step %while3A_19 iter_args(%while3A_59 = %while3A_12) -> (i32)  : i32 {
      %mul3A_60 = arith.constant 16 : i32
      %mul3A_61 = arith.muli %while3A_58, %mul3A_60 : i32
      %add3A_62 = arith.addi %mul3A_2, %mul3A_61 : i32
      "tpu.region"() ({
        %run_scoped3A = tpu.sem_alloc : memref<!tpu.dma_semaphore, #tpu.memory_space<semaphore_mem>>
        %dma_start3A_64 = arith.constant 0 : i32
        %dma_start3A_65 = tpu.memref_slice %arg11[%add3A_62, %dma_start3A_64] : memref<10000x128xf32, #tpu.memory_space<vmem_shared>> -> memref<16x128xf32, #tpu.memory_space<vmem_shared>>
        %dma_start3A_66 = arith.constant 0 : i32
        %dma_start3A_67 = tpu.memref_slice %arg11[%add3A_62, %dma_start3A_66] : memref<10000x128xf32, #tpu.memory_space<vmem_shared>> -> memref<16x128xf32, #tpu.memory_space<vmem_shared>>
        tpu.enqueue_dma source(%arg10 : memref<16x128xf32, #tpu.memory_space<vmem>>) target(%dma_start3A_67 : memref<16x128xf32, #tpu.memory_space<vmem_shared>>) target_semaphore(%run_scoped3A : memref<!tpu.dma_semaphore, #tpu.memory_space<semaphore_mem>>)
        %dma_wait3A = arith.constant 0 : i32
        %dma_wait3A_68 = tpu.memref_slice %arg11[%add3A_62, %dma_wait3A] : memref<10000x128xf32, #tpu.memory_space<vmem_shared>> -> memref<16x128xf32, #tpu.memory_space<vmem_shared>>
        %dma_wait3A_69 = arith.constant 0 : i32
        %dma_wait3A_70 = tpu.memref_slice %arg11[%add3A_62, %dma_wait3A_69] : memref<10000x128xf32, #tpu.memory_space<vmem_shared>> -> memref<16x128xf32, #tpu.memory_space<vmem_shared>>
        tpu.wait_dma2 semaphore(%run_scoped3A : memref<!tpu.dma_semaphore, #tpu.memory_space<semaphore_mem>>) src(%arg10 : memref<16x128xf32, #tpu.memory_space<vmem>>) dst(%dma_wait3A_70 : memref<16x128xf32, #tpu.memory_space<vmem_shared>>)
        tpu.yield
      }) : () -> ()
      %while3A_63 = arith.constant 0 : i32
      scf.yield %while3A_63 : i32
    }
    %while3A_21 = arith.constant 1 : i32
    %while3A_22 = scf.for %while3A_58 = %while3A_18 to %while3A_14 step %while3A_21 iter_args(%while3A_59 = %while3A_20) -> (i32)  : i32 {
      %mul3A_60 = arith.constant 16 : i32
      %mul3A_61 = arith.muli %while3A_58, %mul3A_60 : i32
      %add3A_62 = arith.addi %mul3A_2, %mul3A_61 : i32
      "tpu.region"() ({
        %run_scoped3A = tpu.sem_alloc : memref<!tpu.dma_semaphore, #tpu.memory_space<semaphore_mem>>
        %dma_start3A_64 = arith.constant 0 : i32
        %dma_start3A_65 = tpu.memref_slice %arg11[%add3A_62, %dma_start3A_64] : memref<10000x128xf32, #tpu.memory_space<vmem_shared>> -> memref<16x128xf32, #tpu.memory_space<vmem_shared>>
        %dma_start3A_66 = arith.constant 0 : i32
        %dma_start3A_67 = tpu.memref_slice %arg11[%add3A_62, %dma_start3A_66] : memref<10000x128xf32, #tpu.memory_space<vmem_shared>> -> memref<16x128xf32, #tpu.memory_space<vmem_shared>>
        tpu.enqueue_dma source(%arg10 : memref<16x128xf32, #tpu.memory_space<vmem>>) target(%dma_start3A_67 : memref<16x128xf32, #tpu.memory_space<vmem_shared>>) target_semaphore(%run_scoped3A : memref<!tpu.dma_semaphore, #tpu.memory_space<semaphore_mem>>)
        %dma_wait3A = arith.constant 0 : i32
        %dma_wait3A_68 = tpu.memref_slice %arg11[%add3A_62, %dma_wait3A] : memref<10000x128xf32, #tpu.memory_space<vmem_shared>> -> memref<16x128xf32, #tpu.memory_space<vmem_shared>>
        %dma_wait3A_69 = arith.constant 0 : i32
        %dma_wait3A_70 = tpu.memref_slice %arg11[%add3A_62, %dma_wait3A_69] : memref<10000x128xf32, #tpu.memory_space<vmem_shared>> -> memref<16x128xf32, #tpu.memory_space<vmem_shared>>
        tpu.wait_dma2 semaphore(%run_scoped3A : memref<!tpu.dma_semaphore, #tpu.memory_space<semaphore_mem>>) src(%arg10 : memref<16x128xf32, #tpu.memory_space<vmem>>) dst(%dma_wait3A_70 : memref<16x128xf32, #tpu.memory_space<vmem_shared>>)
        tpu.yield
      }) : () -> ()
      %while3A_63 = arith.constant 0 : i32
      scf.yield %while3A_63 : i32
    }
    %barrier3A = arith.constant 0 : index
    tpu.barrier barrier_id(%barrier3A)
    %mul3A_23 = arith.constant 16 : i32
    %mul3A_24 = arith.muli %add3A, %mul3A_23 : i32
    "tpu.region"() ({
      %run_scoped3A = tpu.sem_alloc : memref<!tpu.dma_semaphore, #tpu.memory_space<semaphore_mem>>
      %dma_start3A_58 = arith.constant 0 : i32
      %dma_start3A_59 = tpu.memref_slice %arg4[%mul3A_24, %dma_start3A_58] : memref<512x128xi32, #tpu.memory_space<hbm>> -> memref<16x128xi32, #tpu.memory_space<hbm>>
      %dma_start3A_60 = arith.constant 0 : i32
      %dma_start3A_61 = tpu.memref_slice %arg4[%mul3A_24, %dma_start3A_60] : memref<512x128xi32, #tpu.memory_space<hbm>> -> memref<16x128xi32, #tpu.memory_space<hbm>>
      tpu.enqueue_dma source(%dma_start3A_61 : memref<16x128xi32, #tpu.memory_space<hbm>>) target(%arg7 : memref<16x128xi32, #tpu.memory_space<vmem>>) target_semaphore(%run_scoped3A : memref<!tpu.dma_semaphore, #tpu.memory_space<semaphore_mem>>)
      %dma_wait3A = arith.constant 0 : i32
      %dma_wait3A_62 = tpu.memref_slice %arg4[%mul3A_24, %dma_wait3A] : memref<512x128xi32, #tpu.memory_space<hbm>> -> memref<16x128xi32, #tpu.memory_space<hbm>>
      %dma_wait3A_63 = arith.constant 0 : i32
      %dma_wait3A_64 = tpu.memref_slice %arg4[%mul3A_24, %dma_wait3A_63] : memref<512x128xi32, #tpu.memory_space<hbm>> -> memref<16x128xi32, #tpu.memory_space<hbm>>
      tpu.wait_dma2 semaphore(%run_scoped3A : memref<!tpu.dma_semaphore, #tpu.memory_space<semaphore_mem>>) src(%dma_wait3A_64 : memref<16x128xi32, #tpu.memory_space<hbm>>) dst(%arg7 : memref<16x128xi32, #tpu.memory_space<vmem>>)
      tpu.yield
    }) : () -> ()
    %mul3A_25 = arith.constant 128 : i32
    %mul3A_26 = arith.muli %mul3A_24, %mul3A_25 : i32
    %dma_start3A = arith.constant 0 : i32
    %dma_start3A_27 = tpu.memref_slice %arg2[%mul3A_26, %dma_start3A] : memref<65536x128xf32, #tpu.memory_space<hbm>> -> memref<128x128xf32, #tpu.memory_space<hbm>>
    %dma_start3A_28 = arith.constant 0 : i32
    %dma_start3A_29 = tpu.memref_slice %arg2[%mul3A_26, %dma_start3A_28] : memref<65536x128xf32, #tpu.memory_space<hbm>> -> memref<128x128xf32, #tpu.memory_space<hbm>>
    tpu.enqueue_dma source(%dma_start3A_29 : memref<128x128xf32, #tpu.memory_space<hbm>>) target(%arg8 : memref<128x128xf32, #tpu.memory_space<vmem>>) target_semaphore(%arg12 : memref<!tpu.dma_semaphore, #tpu.memory_space<semaphore_mem>>)
    %scan3A_30 = arith.constant 0 : i32
    %scan3A_31 = arith.constant 0 : i32
    %scan3A_32 = arith.constant 8 : i32
    %scan3A_33 = arith.addi %scan3A_31, %scan3A_32 : i32
    %scan3A_34 = arith.constant 1 : i32
    %scan3A_35 = scf.for %scan3A_58 = %scan3A_31 to %scan3A_33 step %scan3A_34 iter_args(%scan3A_59 = %scan3A_30) -> (i32)  : i32 {
      %mul3A_60 = arith.constant 2 : i32
      %mul3A_61 = arith.muli %mul3A_60, %scan3A_58 : i32
      %add3A_62 = arith.addi %mul3A_24, %mul3A_61 : i32
      %add3A_63 = arith.constant 1 : i32
      %add3A_64 = arith.addi %add3A_62, %add3A_63 : i32
      %mul3A_65 = arith.constant 128 : i32
      %mul3A_66 = arith.muli %add3A_64, %mul3A_65 : i32
      %dma_start3A_67 = arith.constant 0 : i32
      %dma_start3A_68 = tpu.memref_slice %arg2[%mul3A_66, %dma_start3A_67] : memref<65536x128xf32, #tpu.memory_space<hbm>> -> memref<128x128xf32, #tpu.memory_space<hbm>>
      %dma_start3A_69 = arith.constant 0 : i32
      %dma_start3A_70 = tpu.memref_slice %arg2[%mul3A_66, %dma_start3A_69] : memref<65536x128xf32, #tpu.memory_space<hbm>> -> memref<128x128xf32, #tpu.memory_space<hbm>>
      tpu.enqueue_dma source(%dma_start3A_70 : memref<128x128xf32, #tpu.memory_space<hbm>>) target(%arg9 : memref<128x128xf32, #tpu.memory_space<vmem>>) target_semaphore(%arg13 : memref<!tpu.dma_semaphore, #tpu.memory_space<semaphore_mem>>)
      %dma_wait3A = arith.constant 0 : i32
      %dma_wait3A_71 = arith.constant 0 : i32
      %dma_wait3A_72 = tpu.memref_slice %arg2[%dma_wait3A, %dma_wait3A_71] : memref<65536x128xf32, #tpu.memory_space<hbm>> -> memref<128x128xf32, #tpu.memory_space<hbm>>
      %dma_wait3A_73 = arith.constant 0 : i32
      %dma_wait3A_74 = arith.constant 0 : i32
      %dma_wait3A_75 = tpu.memref_slice %arg2[%dma_wait3A_73, %dma_wait3A_74] : memref<65536x128xf32, #tpu.memory_space<hbm>> -> memref<128x128xf32, #tpu.memory_space<hbm>>
      tpu.wait_dma2 semaphore(%arg12 : memref<!tpu.dma_semaphore, #tpu.memory_space<semaphore_mem>>) src(%dma_wait3A_75 : memref<128x128xf32, #tpu.memory_space<hbm>>) dst(%arg8 : memref<128x128xf32, #tpu.memory_space<vmem>>)
      "tpu.region"() ({
        %run_scoped3A = tpu.sem_alloc : memref<!tpu.dma_semaphore, #tpu.memory_space<semaphore_mem>>
        %dma_start3A_92 = arith.constant 0 : i32
        %dma_start3A_93 = tpu.memref_slice %arg7[%mul3A_61, %dma_start3A_92] : memref<16x128xi32, #tpu.memory_space<vmem>> -> memref<1x128xi32, #tpu.memory_space<vmem>>
        %dma_start3A_94 = tpu.memref_squeeze %dma_start3A_93 : memref<1x128xi32, #tpu.memory_space<vmem>> -> memref<128xi32, #tpu.memory_space<vmem>>
        %dma_start3A_95 = arith.constant 0 : i32
        %dma_start3A_96 = arith.constant 0 : i32
        %dma_start3A_97 = tpu.memref_slice %arg11[%dma_start3A_95, %dma_start3A_96] : memref<10000x128xf32, #tpu.memory_space<vmem_shared>> -> memref<10000x128xf32, #tpu.memory_space<vmem_shared>>
        tpu.enqueue_indirect_dma source(%arg8 : memref<128x128xf32, #tpu.memory_space<vmem>>) target(%dma_start3A_97 : memref<10000x128xf32, #tpu.memory_space<vmem_shared>>) offsets(%dma_start3A_94 : memref<128xi32, #tpu.memory_space<vmem>>) semaphore(%run_scoped3A : memref<!tpu.dma_semaphore, #tpu.memory_space<semaphore_mem>>) {add = true}
        %dma_wait3A_98 = arith.constant 0 : i32
        %dma_wait3A_99 = tpu.memref_slice %arg7[%mul3A_61, %dma_wait3A_98] : memref<16x128xi32, #tpu.memory_space<vmem>> -> memref<1x128xi32, #tpu.memory_space<vmem>>
        %dma_wait3A_100 = tpu.memref_squeeze %dma_wait3A_99 : memref<1x128xi32, #tpu.memory_space<vmem>> -> memref<128xi32, #tpu.memory_space<vmem>>
        %dma_wait3A_101 = arith.constant 0 : i32
        %dma_wait3A_102 = arith.constant 0 : i32
        %dma_wait3A_103 = tpu.memref_slice %arg11[%dma_wait3A_101, %dma_wait3A_102] : memref<10000x128xf32, #tpu.memory_space<vmem_shared>> -> memref<10000x128xf32, #tpu.memory_space<vmem_shared>>
        tpu.wait_indirect_dma semaphore(%run_scoped3A : memref<!tpu.dma_semaphore, #tpu.memory_space<semaphore_mem>>) src(%arg8 : memref<128x128xf32, #tpu.memory_space<vmem>>) dst(%dma_wait3A_103 : memref<10000x128xf32, #tpu.memory_space<vmem_shared>>)
        tpu.yield
      }) : () -> ()
      %add3A_76 = arith.constant 1 : i32
      %add3A_77 = arith.addi %scan3A_58, %add3A_76 : i32
      %lt3A_78 = arith.constant 8 : i32
      %lt3A_79 = arith.cmpi slt, %add3A_77, %lt3A_78 : i32
      %convert_element_type3A_80 = arith.extui %lt3A_79 : i1 to i32
      %cond3A_81 = arith.constant 0 : i32
      %cond3A_82 = arith.cmpi ne, %convert_element_type3A_80, %cond3A_81 : i32
      scf.if %cond3A_82 {
        %add3A_92 = arith.addi %mul3A_24, %mul3A_61 : i32
        %add3A_93 = arith.constant 2 : i32
        %add3A_94 = arith.addi %add3A_92, %add3A_93 : i32
        %mul3A_95 = arith.constant 128 : i32
        %mul3A_96 = arith.muli %add3A_94, %mul3A_95 : i32
        %dma_start3A_97 = arith.constant 0 : i32
        %dma_start3A_98 = tpu.memref_slice %arg2[%mul3A_96, %dma_start3A_97] : memref<65536x128xf32, #tpu.memory_space<hbm>> -> memref<128x128xf32, #tpu.memory_space<hbm>>
        %dma_start3A_99 = arith.constant 0 : i32
        %dma_start3A_100 = tpu.memref_slice %arg2[%mul3A_96, %dma_start3A_99] : memref<65536x128xf32, #tpu.memory_space<hbm>> -> memref<128x128xf32, #tpu.memory_space<hbm>>
        tpu.enqueue_dma source(%dma_start3A_100 : memref<128x128xf32, #tpu.memory_space<hbm>>) target(%arg8 : memref<128x128xf32, #tpu.memory_space<vmem>>) target_semaphore(%arg12 : memref<!tpu.dma_semaphore, #tpu.memory_space<semaphore_mem>>)
      } else {
      }
      %dma_wait3A_83 = arith.constant 0 : i32
      %dma_wait3A_84 = arith.constant 0 : i32
      %dma_wait3A_85 = tpu.memref_slice %arg2[%dma_wait3A_83, %dma_wait3A_84] : memref<65536x128xf32, #tpu.memory_space<hbm>> -> memref<128x128xf32, #tpu.memory_space<hbm>>
      %dma_wait3A_86 = arith.constant 0 : i32
      %dma_wait3A_87 = arith.constant 0 : i32
      %dma_wait3A_88 = tpu.memref_slice %arg2[%dma_wait3A_86, %dma_wait3A_87] : memref<65536x128xf32, #tpu.memory_space<hbm>> -> memref<128x128xf32, #tpu.memory_space<hbm>>
      tpu.wait_dma2 semaphore(%arg13 : memref<!tpu.dma_semaphore, #tpu.memory_space<semaphore_mem>>) src(%dma_wait3A_88 : memref<128x128xf32, #tpu.memory_space<hbm>>) dst(%arg9 : memref<128x128xf32, #tpu.memory_space<vmem>>)
      %add3A_89 = arith.constant 1 : i32
      %add3A_90 = arith.addi %mul3A_61, %add3A_89 : i32
      "tpu.region"() ({
        %run_scoped3A = tpu.sem_alloc : memref<!tpu.dma_semaphore, #tpu.memory_space<semaphore_mem>>
        %dma_start3A_92 = arith.constant 0 : i32
        %dma_start3A_93 = tpu.memref_slice %arg7[%add3A_90, %dma_start3A_92] : memref<16x128xi32, #tpu.memory_space<vmem>> -> memref<1x128xi32, #tpu.memory_space<vmem>>
        %dma_start3A_94 = tpu.memref_squeeze %dma_start3A_93 : memref<1x128xi32, #tpu.memory_space<vmem>> -> memref<128xi32, #tpu.memory_space<vmem>>
        %dma_start3A_95 = arith.constant 0 : i32
        %dma_start3A_96 = arith.constant 0 : i32
        %dma_start3A_97 = tpu.memref_slice %arg11[%dma_start3A_95, %dma_start3A_96] : memref<10000x128xf32, #tpu.memory_space<vmem_shared>> -> memref<10000x128xf32, #tpu.memory_space<vmem_shared>>
        tpu.enqueue_indirect_dma source(%arg9 : memref<128x128xf32, #tpu.memory_space<vmem>>) target(%dma_start3A_97 : memref<10000x128xf32, #tpu.memory_space<vmem_shared>>) offsets(%dma_start3A_94 : memref<128xi32, #tpu.memory_space<vmem>>) semaphore(%run_scoped3A : memref<!tpu.dma_semaphore, #tpu.memory_space<semaphore_mem>>) {add = true}
        %dma_wait3A_98 = arith.constant 0 : i32
        %dma_wait3A_99 = tpu.memref_slice %arg7[%add3A_90, %dma_wait3A_98] : memref<16x128xi32, #tpu.memory_space<vmem>> -> memref<1x128xi32, #tpu.memory_space<vmem>>
        %dma_wait3A_100 = tpu.memref_squeeze %dma_wait3A_99 : memref<1x128xi32, #tpu.memory_space<vmem>> -> memref<128xi32, #tpu.memory_space<vmem>>
        %dma_wait3A_101 = arith.constant 0 : i32
        %dma_wait3A_102 = arith.constant 0 : i32
        %dma_wait3A_103 = tpu.memref_slice %arg11[%dma_wait3A_101, %dma_wait3A_102] : memref<10000x128xf32, #tpu.memory_space<vmem_shared>> -> memref<10000x128xf32, #tpu.memory_space<vmem_shared>>
        tpu.wait_indirect_dma semaphore(%run_scoped3A : memref<!tpu.dma_semaphore, #tpu.memory_space<semaphore_mem>>) src(%arg9 : memref<128x128xf32, #tpu.memory_space<vmem>>) dst(%dma_wait3A_103 : memref<10000x128xf32, #tpu.memory_space<vmem_shared>>)
        tpu.yield
      }) : () -> ()
      %scan3A_91 = arith.constant 0 : i32
      scf.yield %scan3A_91 : i32
    }
    %scan3A_36 = arith.constant 8 : i32
    "tpu.region"() ({
      %run_scoped3A = tpu.sem_alloc : memref<!tpu.dma_semaphore, #tpu.memory_space<semaphore_mem>>
      %dma_start3A_58 = arith.constant 0 : i32
      %dma_start3A_59 = tpu.memref_slice %arg5[%mul3A_24, %dma_start3A_58] : memref<512x128xi32, #tpu.memory_space<hbm>> -> memref<16x128xi32, #tpu.memory_space<hbm>>
      %dma_start3A_60 = arith.constant 0 : i32
      %dma_start3A_61 = tpu.memref_slice %arg5[%mul3A_24, %dma_start3A_60] : memref<512x128xi32, #tpu.memory_space<hbm>> -> memref<16x128xi32, #tpu.memory_space<hbm>>
      tpu.enqueue_dma source(%dma_start3A_61 : memref<16x128xi32, #tpu.memory_space<hbm>>) target(%arg7 : memref<16x128xi32, #tpu.memory_space<vmem>>) target_semaphore(%run_scoped3A : memref<!tpu.dma_semaphore, #tpu.memory_space<semaphore_mem>>)
      %dma_wait3A = arith.constant 0 : i32
      %dma_wait3A_62 = tpu.memref_slice %arg5[%mul3A_24, %dma_wait3A] : memref<512x128xi32, #tpu.memory_space<hbm>> -> memref<16x128xi32, #tpu.memory_space<hbm>>
      %dma_wait3A_63 = arith.constant 0 : i32
      %dma_wait3A_64 = tpu.memref_slice %arg5[%mul3A_24, %dma_wait3A_63] : memref<512x128xi32, #tpu.memory_space<hbm>> -> memref<16x128xi32, #tpu.memory_space<hbm>>
      tpu.wait_dma2 semaphore(%run_scoped3A : memref<!tpu.dma_semaphore, #tpu.memory_space<semaphore_mem>>) src(%dma_wait3A_64 : memref<16x128xi32, #tpu.memory_space<hbm>>) dst(%arg7 : memref<16x128xi32, #tpu.memory_space<vmem>>)
      tpu.yield
    }) : () -> ()
    %mul3A_37 = arith.constant 128 : i32
    %mul3A_38 = arith.muli %mul3A_24, %mul3A_37 : i32
    %dma_start3A_39 = arith.constant 0 : i32
    %dma_start3A_40 = tpu.memref_slice %arg3[%mul3A_38, %dma_start3A_39] : memref<65536x128xf32, #tpu.memory_space<hbm>> -> memref<128x128xf32, #tpu.memory_space<hbm>>
    %dma_start3A_41 = arith.constant 0 : i32
    %dma_start3A_42 = tpu.memref_slice %arg3[%mul3A_38, %dma_start3A_41] : memref<65536x128xf32, #tpu.memory_space<hbm>> -> memref<128x128xf32, #tpu.memory_space<hbm>>
    tpu.enqueue_dma source(%dma_start3A_42 : memref<128x128xf32, #tpu.memory_space<hbm>>) target(%arg8 : memref<128x128xf32, #tpu.memory_space<vmem>>) target_semaphore(%arg12 : memref<!tpu.dma_semaphore, #tpu.memory_space<semaphore_mem>>)
    %scan3A_43 = arith.constant 0 : i32
    %scan3A_44 = arith.constant 0 : i32
    %scan3A_45 = arith.constant 8 : i32
    %scan3A_46 = arith.addi %scan3A_44, %scan3A_45 : i32
    %scan3A_47 = arith.constant 1 : i32
    %scan3A_48 = scf.for %scan3A_58 = %scan3A_44 to %scan3A_46 step %scan3A_47 iter_args(%scan3A_59 = %scan3A_43) -> (i32)  : i32 {
      %mul3A_60 = arith.constant 2 : i32
      %mul3A_61 = arith.muli %mul3A_60, %scan3A_58 : i32
      %add3A_62 = arith.addi %mul3A_24, %mul3A_61 : i32
      %add3A_63 = arith.constant 1 : i32
      %add3A_64 = arith.addi %add3A_62, %add3A_63 : i32
      %mul3A_65 = arith.constant 128 : i32
      %mul3A_66 = arith.muli %add3A_64, %mul3A_65 : i32
      %dma_start3A_67 = arith.constant 0 : i32
      %dma_start3A_68 = tpu.memref_slice %arg3[%mul3A_66, %dma_start3A_67] : memref<65536x128xf32, #tpu.memory_space<hbm>> -> memref<128x128xf32, #tpu.memory_space<hbm>>
      %dma_start3A_69 = arith.constant 0 : i32
      %dma_start3A_70 = tpu.memref_slice %arg3[%mul3A_66, %dma_start3A_69] : memref<65536x128xf32, #tpu.memory_space<hbm>> -> memref<128x128xf32, #tpu.memory_space<hbm>>
      tpu.enqueue_dma source(%dma_start3A_70 : memref<128x128xf32, #tpu.memory_space<hbm>>) target(%arg9 : memref<128x128xf32, #tpu.memory_space<vmem>>) target_semaphore(%arg13 : memref<!tpu.dma_semaphore, #tpu.memory_space<semaphore_mem>>)
      %dma_wait3A = arith.constant 0 : i32
      %dma_wait3A_71 = arith.constant 0 : i32
      %dma_wait3A_72 = tpu.memref_slice %arg3[%dma_wait3A, %dma_wait3A_71] : memref<65536x128xf32, #tpu.memory_space<hbm>> -> memref<128x128xf32, #tpu.memory_space<hbm>>
      %dma_wait3A_73 = arith.constant 0 : i32
      %dma_wait3A_74 = arith.constant 0 : i32
      %dma_wait3A_75 = tpu.memref_slice %arg3[%dma_wait3A_73, %dma_wait3A_74] : memref<65536x128xf32, #tpu.memory_space<hbm>> -> memref<128x128xf32, #tpu.memory_space<hbm>>
      tpu.wait_dma2 semaphore(%arg12 : memref<!tpu.dma_semaphore, #tpu.memory_space<semaphore_mem>>) src(%dma_wait3A_75 : memref<128x128xf32, #tpu.memory_space<hbm>>) dst(%arg8 : memref<128x128xf32, #tpu.memory_space<vmem>>)
      "tpu.region"() ({
        %run_scoped3A = tpu.sem_alloc : memref<!tpu.dma_semaphore, #tpu.memory_space<semaphore_mem>>
        %dma_start3A_92 = arith.constant 0 : i32
        %dma_start3A_93 = tpu.memref_slice %arg7[%mul3A_61, %dma_start3A_92] : memref<16x128xi32, #tpu.memory_space<vmem>> -> memref<1x128xi32, #tpu.memory_space<vmem>>
        %dma_start3A_94 = tpu.memref_squeeze %dma_start3A_93 : memref<1x128xi32, #tpu.memory_space<vmem>> -> memref<128xi32, #tpu.memory_space<vmem>>
        %dma_start3A_95 = arith.constant 0 : i32
        %dma_start3A_96 = arith.constant 0 : i32
        %dma_start3A_97 = tpu.memref_slice %arg11[%dma_start3A_95, %dma_start3A_96] : memref<10000x128xf32, #tpu.memory_space<vmem_shared>> -> memref<10000x128xf32, #tpu.memory_space<vmem_shared>>
        tpu.enqueue_indirect_dma source(%arg8 : memref<128x128xf32, #tpu.memory_space<vmem>>) target(%dma_start3A_97 : memref<10000x128xf32, #tpu.memory_space<vmem_shared>>) offsets(%dma_start3A_94 : memref<128xi32, #tpu.memory_space<vmem>>) semaphore(%run_scoped3A : memref<!tpu.dma_semaphore, #tpu.memory_space<semaphore_mem>>) {add = true}
        %dma_wait3A_98 = arith.constant 0 : i32
        %dma_wait3A_99 = tpu.memref_slice %arg7[%mul3A_61, %dma_wait3A_98] : memref<16x128xi32, #tpu.memory_space<vmem>> -> memref<1x128xi32, #tpu.memory_space<vmem>>
        %dma_wait3A_100 = tpu.memref_squeeze %dma_wait3A_99 : memref<1x128xi32, #tpu.memory_space<vmem>> -> memref<128xi32, #tpu.memory_space<vmem>>
        %dma_wait3A_101 = arith.constant 0 : i32
        %dma_wait3A_102 = arith.constant 0 : i32
        %dma_wait3A_103 = tpu.memref_slice %arg11[%dma_wait3A_101, %dma_wait3A_102] : memref<10000x128xf32, #tpu.memory_space<vmem_shared>> -> memref<10000x128xf32, #tpu.memory_space<vmem_shared>>
        tpu.wait_indirect_dma semaphore(%run_scoped3A : memref<!tpu.dma_semaphore, #tpu.memory_space<semaphore_mem>>) src(%arg8 : memref<128x128xf32, #tpu.memory_space<vmem>>) dst(%dma_wait3A_103 : memref<10000x128xf32, #tpu.memory_space<vmem_shared>>)
        tpu.yield
      }) : () -> ()
      %add3A_76 = arith.constant 1 : i32
      %add3A_77 = arith.addi %scan3A_58, %add3A_76 : i32
      %lt3A_78 = arith.constant 8 : i32
      %lt3A_79 = arith.cmpi slt, %add3A_77, %lt3A_78 : i32
      %convert_element_type3A_80 = arith.extui %lt3A_79 : i1 to i32
      %cond3A_81 = arith.constant 0 : i32
      %cond3A_82 = arith.cmpi ne, %convert_element_type3A_80, %cond3A_81 : i32
      scf.if %cond3A_82 {
        %add3A_92 = arith.addi %mul3A_24, %mul3A_61 : i32
        %add3A_93 = arith.constant 2 : i32
        %add3A_94 = arith.addi %add3A_92, %add3A_93 : i32
        %mul3A_95 = arith.constant 128 : i32
        %mul3A_96 = arith.muli %add3A_94, %mul3A_95 : i32
        %dma_start3A_97 = arith.constant 0 : i32
        %dma_start3A_98 = tpu.memref_slice %arg3[%mul3A_96, %dma_start3A_97] : memref<65536x128xf32, #tpu.memory_space<hbm>> -> memref<128x128xf32, #tpu.memory_space<hbm>>
        %dma_start3A_99 = arith.constant 0 : i32
        %dma_start3A_100 = tpu.memref_slice %arg3[%mul3A_96, %dma_start3A_99] : memref<65536x128xf32, #tpu.memory_space<hbm>> -> memref<128x128xf32, #tpu.memory_space<hbm>>
        tpu.enqueue_dma source(%dma_start3A_100 : memref<128x128xf32, #tpu.memory_space<hbm>>) target(%arg8 : memref<128x128xf32, #tpu.memory_space<vmem>>) target_semaphore(%arg12 : memref<!tpu.dma_semaphore, #tpu.memory_space<semaphore_mem>>)
      } else {
      }
      %dma_wait3A_83 = arith.constant 0 : i32
      %dma_wait3A_84 = arith.constant 0 : i32
      %dma_wait3A_85 = tpu.memref_slice %arg3[%dma_wait3A_83, %dma_wait3A_84] : memref<65536x128xf32, #tpu.memory_space<hbm>> -> memref<128x128xf32, #tpu.memory_space<hbm>>
      %dma_wait3A_86 = arith.constant 0 : i32
      %dma_wait3A_87 = arith.constant 0 : i32
      %dma_wait3A_88 = tpu.memref_slice %arg3[%dma_wait3A_86, %dma_wait3A_87] : memref<65536x128xf32, #tpu.memory_space<hbm>> -> memref<128x128xf32, #tpu.memory_space<hbm>>
      tpu.wait_dma2 semaphore(%arg13 : memref<!tpu.dma_semaphore, #tpu.memory_space<semaphore_mem>>) src(%dma_wait3A_88 : memref<128x128xf32, #tpu.memory_space<hbm>>) dst(%arg9 : memref<128x128xf32, #tpu.memory_space<vmem>>)
      %add3A_89 = arith.constant 1 : i32
      %add3A_90 = arith.addi %mul3A_61, %add3A_89 : i32
      "tpu.region"() ({
        %run_scoped3A = tpu.sem_alloc : memref<!tpu.dma_semaphore, #tpu.memory_space<semaphore_mem>>
        %dma_start3A_92 = arith.constant 0 : i32
        %dma_start3A_93 = tpu.memref_slice %arg7[%add3A_90, %dma_start3A_92] : memref<16x128xi32, #tpu.memory_space<vmem>> -> memref<1x128xi32, #tpu.memory_space<vmem>>
        %dma_start3A_94 = tpu.memref_squeeze %dma_start3A_93 : memref<1x128xi32, #tpu.memory_space<vmem>> -> memref<128xi32, #tpu.memory_space<vmem>>
        %dma_start3A_95 = arith.constant 0 : i32
        %dma_start3A_96 = arith.constant 0 : i32
        %dma_start3A_97 = tpu.memref_slice %arg11[%dma_start3A_95, %dma_start3A_96] : memref<10000x128xf32, #tpu.memory_space<vmem_shared>> -> memref<10000x128xf32, #tpu.memory_space<vmem_shared>>
        tpu.enqueue_indirect_dma source(%arg9 : memref<128x128xf32, #tpu.memory_space<vmem>>) target(%dma_start3A_97 : memref<10000x128xf32, #tpu.memory_space<vmem_shared>>) offsets(%dma_start3A_94 : memref<128xi32, #tpu.memory_space<vmem>>) semaphore(%run_scoped3A : memref<!tpu.dma_semaphore, #tpu.memory_space<semaphore_mem>>) {add = true}
        %dma_wait3A_98 = arith.constant 0 : i32
        %dma_wait3A_99 = tpu.memref_slice %arg7[%add3A_90, %dma_wait3A_98] : memref<16x128xi32, #tpu.memory_space<vmem>> -> memref<1x128xi32, #tpu.memory_space<vmem>>
        %dma_wait3A_100 = tpu.memref_squeeze %dma_wait3A_99 : memref<1x128xi32, #tpu.memory_space<vmem>> -> memref<128xi32, #tpu.memory_space<vmem>>
        %dma_wait3A_101 = arith.constant 0 : i32
        %dma_wait3A_102 = arith.constant 0 : i32
        %dma_wait3A_103 = tpu.memref_slice %arg11[%dma_wait3A_101, %dma_wait3A_102] : memref<10000x128xf32, #tpu.memory_space<vmem_shared>> -> memref<10000x128xf32, #tpu.memory_space<vmem_shared>>
        tpu.wait_indirect_dma semaphore(%run_scoped3A : memref<!tpu.dma_semaphore, #tpu.memory_space<semaphore_mem>>) src(%arg9 : memref<128x128xf32, #tpu.memory_space<vmem>>) dst(%dma_wait3A_103 : memref<10000x128xf32, #tpu.memory_space<vmem_shared>>)
        tpu.yield
      }) : () -> ()
      %scan3A_91 = arith.constant 0 : i32
      scf.yield %scan3A_91 : i32
    }
    %scan3A_49 = arith.constant 8 : i32
    %barrier3A_50 = arith.constant 0 : index
    tpu.barrier barrier_id(%barrier3A_50)
    %lt3A_51 = arith.constant 15 : i32
    %lt3A_52 = arith.cmpi slt, %arg1, %lt3A_51 : i32
    %convert_element_type3A = arith.extui %lt3A_52 : i1 to i32
    %cond3A = arith.constant 0 : i32
    %cond3A_53 = arith.cmpi ne, %convert_element_type3A, %cond3A : i32
    scf.if %cond3A_53 {
      "tpu.region"() ({
        %run_scoped3A = tpu.sem_alloc : memref<!tpu.dma_semaphore, #tpu.memory_space<semaphore_mem>>
        %dma_start3A_58 = arith.constant 0 : i32
        %dma_start3A_59 = tpu.memref_slice %arg6[%arg0, %mul3A_2, %dma_start3A_58] : memref<2x10000x128xf32, #tpu.memory_space<hbm>> -> memref<1x624x128xf32, #tpu.memory_space<hbm>>
        %dma_start3A_60 = tpu.memref_squeeze %dma_start3A_59 : memref<1x624x128xf32, #tpu.memory_space<hbm>> -> memref<624x128xf32, #tpu.memory_space<hbm>>
        %dma_start3A_61 = arith.constant 0 : i32
        %dma_start3A_62 = tpu.memref_slice %arg11[%mul3A_2, %dma_start3A_61] : memref<10000x128xf32, #tpu.memory_space<vmem_shared>> -> memref<624x128xf32, #tpu.memory_space<vmem_shared>>
        tpu.enqueue_dma source(%dma_start3A_62 : memref<624x128xf32, #tpu.memory_space<vmem_shared>>) target(%dma_start3A_60 : memref<624x128xf32, #tpu.memory_space<hbm>>) target_semaphore(%run_scoped3A : memref<!tpu.dma_semaphore, #tpu.memory_space<semaphore_mem>>)
        %dma_wait3A = arith.constant 0 : i32
        %dma_wait3A_63 = tpu.memref_slice %arg6[%arg0, %mul3A_2, %dma_wait3A] : memref<2x10000x128xf32, #tpu.memory_space<hbm>> -> memref<1x624x128xf32, #tpu.memory_space<hbm>>
        %dma_wait3A_64 = tpu.memref_squeeze %dma_wait3A_63 : memref<1x624x128xf32, #tpu.memory_space<hbm>> -> memref<624x128xf32, #tpu.memory_space<hbm>>
        %dma_wait3A_65 = arith.constant 0 : i32
        %dma_wait3A_66 = tpu.memref_slice %arg11[%mul3A_2, %dma_wait3A_65] : memref<10000x128xf32, #tpu.memory_space<vmem_shared>> -> memref<624x128xf32, #tpu.memory_space<vmem_shared>>
        tpu.wait_dma2 semaphore(%run_scoped3A : memref<!tpu.dma_semaphore, #tpu.memory_space<semaphore_mem>>) src(%dma_wait3A_66 : memref<624x128xf32, #tpu.memory_space<vmem_shared>>) dst(%dma_wait3A_64 : memref<624x128xf32, #tpu.memory_space<hbm>>)
        tpu.yield
      }) : () -> ()
    } else {
    }
    %eq3A = arith.constant 15 : i32
    %eq3A_54 = arith.cmpi eq, %arg1, %eq3A : i32
    %convert_element_type3A_55 = arith.extui %eq3A_54 : i1 to i32
    %cond3A_56 = arith.constant 0 : i32
    %cond3A_57 = arith.cmpi ne, %convert_element_type3A_55, %cond3A_56 : i32
    scf.if %cond3A_57 {
      "tpu.region"() ({
        %run_scoped3A = tpu.sem_alloc : memref<!tpu.dma_semaphore, #tpu.memory_space<semaphore_mem>>
        %dma_start3A_58 = arith.constant 9360 : i32
        %dma_start3A_59 = arith.constant 0 : i32
        %dma_start3A_60 = tpu.memref_slice %arg6[%arg0, %dma_start3A_58, %dma_start3A_59] : memref<2x10000x128xf32, #tpu.memory_space<hbm>> -> memref<1x640x128xf32, #tpu.memory_space<hbm>>
        %dma_start3A_61 = tpu.memref_squeeze %dma_start3A_60 : memref<1x640x128xf32, #tpu.memory_space<hbm>> -> memref<640x128xf32, #tpu.memory_space<hbm>>
        %dma_start3A_62 = arith.constant 9360 : i32
        %dma_start3A_63 = arith.constant 0 : i32
        %dma_start3A_64 = tpu.memref_slice %arg11[%dma_start3A_62, %dma_start3A_63] : memref<10000x128xf32, #tpu.memory_space<vmem_shared>> -> memref<640x128xf32, #tpu.memory_space<vmem_shared>>
        tpu.enqueue_dma source(%dma_start3A_64 : memref<640x128xf32, #tpu.memory_space<vmem_shared>>) target(%dma_start3A_61 : memref<640x128xf32, #tpu.memory_space<hbm>>) target_semaphore(%run_scoped3A : memref<!tpu.dma_semaphore, #tpu.memory_space<semaphore_mem>>)
        %dma_wait3A = arith.constant 9360 : i32
        %dma_wait3A_65 = arith.constant 0 : i32
        %dma_wait3A_66 = tpu.memref_slice %arg6[%arg0, %dma_wait3A, %dma_wait3A_65] : memref<2x10000x128xf32, #tpu.memory_space<hbm>> -> memref<1x640x128xf32, #tpu.memory_space<hbm>>
        %dma_wait3A_67 = tpu.memref_squeeze %dma_wait3A_66 : memref<1x640x128xf32, #tpu.memory_space<hbm>> -> memref<640x128xf32, #tpu.memory_space<hbm>>
        %dma_wait3A_68 = arith.constant 9360 : i32
        %dma_wait3A_69 = arith.constant 0 : i32
        %dma_wait3A_70 = tpu.memref_slice %arg11[%dma_wait3A_68, %dma_wait3A_69] : memref<10000x128xf32, #tpu.memory_space<vmem_shared>> -> memref<640x128xf32, #tpu.memory_space<vmem_shared>>
        tpu.wait_dma2 semaphore(%run_scoped3A : memref<!tpu.dma_semaphore, #tpu.memory_space<semaphore_mem>>) src(%dma_wait3A_70 : memref<640x128xf32, #tpu.memory_space<vmem_shared>>) dst(%dma_wait3A_67 : memref<640x128xf32, #tpu.memory_space<hbm>>)
        tpu.yield
      }) : () -> ()
    } else {
    }
    return
  }
}

#map = affine_map<(d0, d1) -> (0, 0)>
#map1 = affine_map<(d0, d1) -> (0, 0, 0)>
module attributes {stable_mosaic.version = 14 : i64} {
  func.func @_scatter_body(%arg0: i32, %arg1: i32, %arg2: memref<65536x128xf32, #tpu.memory_space<hbm>>, %arg3: memref<512x128xi32, #tpu.memory_space<hbm>>, %arg4: memref<2x10000x128xf32, #tpu.memory_space<hbm>>, %arg5: memref<16x128xi32, #tpu.memory_space<vmem>>, %arg6: memref<128x128xf32, #tpu.memory_space<vmem>>, %arg7: memref<128x128xf32, #tpu.memory_space<vmem>>, %arg8: memref<16x128xf32, #tpu.memory_space<vmem>>, %arg9: memref<10000x128xf32, #tpu.memory_space<vmem_shared>>, %arg10: memref<!tpu.dma_semaphore, #tpu.memory_space<semaphore_mem>>, %arg11: memref<!tpu.dma_semaphore, #tpu.memory_space<semaphore_mem>>) attributes {dimension_semantics = [#tpu.dimension_semantics<core_parallel>, #tpu.dimension_semantics<subcore_parallel>], iteration_bounds = array<i64: 2, 16>, scalar_prefetch = 0 : i64, scratch_operands = 7 : i64, tpu.core_type = #tpu.core_type<sc_vector_subcore>, window_params = [{transform_indices = #map}, {transform_indices = #map}, {transform_indices = #map1}]} {
    %mul3A = arith.constant 2 : i32
    %mul3A_0 = arith.muli %arg1, %mul3A : i32
    %add3A = arith.addi %mul3A_0, %arg0 : i32
    %mul3A_1 = arith.constant 624 : i32
    %mul3A_2 = arith.muli %arg1, %mul3A_1 : i32
    %broadcast_in_dim3A = arith.constant 0.000000e+00 : f32
    %broadcast_in_dim3A_3 = vector.broadcast %broadcast_in_dim3A : f32 to vector<16xf32>
    %scan3A = arith.constant 0 : i32
    %scan3A_4 = arith.constant 0 : i32
    %scan3A_5 = arith.constant 128 : i32
    %scan3A_6 = arith.addi %scan3A_4, %scan3A_5 : i32
    %scan3A_7 = arith.constant 1 : i32
    %scan3A_8 = scf.for %scan3A_45 = %scan3A_4 to %scan3A_6 step %scan3A_7 iter_args(%scan3A_46 = %scan3A) -> (i32)  : i32 {
      %jit3A_47 = arith.constant 8 : i32
      %div3A = arith.divsi %scan3A_45, %jit3A_47 : i32
      %sign3A = arith.constant 0 : i32
      %sign3A_48 = arith.cmpi sgt, %scan3A_45, %sign3A : i32
      %sign3A_49 = arith.extui %sign3A_48 : i1 to i32
      %sign3A_50 = arith.constant 0 : i32
      %sign3A_51 = arith.cmpi slt, %scan3A_45, %sign3A_50 : i32
      %sign3A_52 = arith.extui %sign3A_51 : i1 to i32
      %sign3A_53 = arith.subi %sign3A_49, %sign3A_52 : i32
      %sign3A_54 = arith.constant 0 : i32
      %sign3A_55 = arith.cmpi sgt, %jit3A_47, %sign3A_54 : i32
      %sign3A_56 = arith.extui %sign3A_55 : i1 to i32
      %sign3A_57 = arith.constant 0 : i32
      %sign3A_58 = arith.cmpi slt, %jit3A_47, %sign3A_57 : i32
      %sign3A_59 = arith.extui %sign3A_58 : i1 to i32
      %sign3A_60 = arith.subi %sign3A_56, %sign3A_59 : i32
      %ne3A = arith.cmpi ne, %sign3A_53, %sign3A_60 : i32
      %rem3A = arith.remsi %scan3A_45, %jit3A_47 : i32
      %ne3A_61 = arith.constant 0 : i32
      %ne3A_62 = arith.cmpi ne, %rem3A, %ne3A_61 : i32
      %and3A = arith.andi %ne3A, %ne3A_62 : i1
      %sub3A = arith.constant 1 : i32
      %sub3A_63 = arith.subi %div3A, %sub3A : i32
      %select_n3A_64 = arith.select %and3A, %sub3A_63, %div3A : i32
      %jit3A_65 = arith.constant 8 : i32
      %eq3A_66 = arith.constant 0 : i32
      %eq3A_67 = arith.cmpi eq, %jit3A_65, %eq3A_66 : i32
      %jit3A_68 = arith.constant 1 : i32
      %select_n3A_69 = arith.select %eq3A_67, %jit3A_68, %jit3A_65 : i32
      %rem3A_70 = arith.remsi %scan3A_45, %select_n3A_69 : i32
      %ne3A_71 = arith.constant 0 : i32
      %ne3A_72 = arith.cmpi ne, %rem3A_70, %ne3A_71 : i32
      %lt3A_73 = arith.constant 0 : i32
      %lt3A_74 = arith.cmpi slt, %rem3A_70, %lt3A_73 : i32
      %lt3A_75 = arith.constant 0 : i32
      %lt3A_76 = arith.cmpi slt, %select_n3A_69, %lt3A_75 : i32
      %ne3A_77 = arith.xori %lt3A_74, %lt3A_76 : i1
      %and3A_78 = arith.andi %ne3A_77, %ne3A_72 : i1
      %add3A_79 = arith.addi %rem3A_70, %select_n3A_69 : i32
      %select_n3A_80 = arith.select %and3A_78, %add3A_79, %rem3A_70 : i32
      %mul3A_81 = arith.constant 16 : i32
      %mul3A_82 = arith.muli %select_n3A_80, %mul3A_81 : i32
      %swap3A = arith.index_cast %select_n3A_64 : i32 to index
      %swap3A_83 = arith.index_cast %mul3A_82 : i32 to index
      %swap3A_84 = tpu.vector_load %arg8[%swap3A, %swap3A_83] {strides = array<i32>} : memref<16x128xf32, #tpu.memory_space<vmem>>, vector<1x16xf32>,
      %swap3A_85 = vector.shape_cast %swap3A_84 : vector<1x16xf32> to vector<16xf32>
      %swap3A_86 = vector.shape_cast %broadcast_in_dim3A_3 : vector<16xf32> to vector<1x16xf32>
      tpu.vector_store %arg8[%swap3A, %swap3A_83], %swap3A_86 {strides = array<i32>} : memref<16x128xf32, #tpu.memory_space<vmem>>, vector<1x16xf32>,
      %scan3A_87 = arith.constant 0 : i32
      scf.yield %scan3A_87 : i32
    }
    %scan3A_9 = arith.constant 128 : i32
    %lt3A = arith.constant 15 : i32
    %lt3A_10 = arith.cmpi slt, %arg1, %lt3A : i32
    %jit3A = arith.constant 39 : i32
    %jit3A_11 = arith.constant 40 : i32
    %select_n3A = arith.select %lt3A_10, %jit3A, %jit3A_11 : i32
    %while3A = arith.constant 0 : i32
    %while3A_12 = arith.constant 0 : i32
    %while3A_13 = arith.subi %select_n3A, %while3A : i32
    %while3A_14 = arith.addi %while3A, %while3A_13 : i32
    %while3A_15 = arith.constant 1 : i32
    %while3A_16 = arith.divsi %while3A_13, %while3A_15 : i32
    %while3A_17 = arith.muli %while3A_16, %while3A_15 : i32
    %while3A_18 = arith.addi %while3A, %while3A_17 : i32
    %while3A_19 = arith.constant 1 : i32
    %while3A_20 = scf.for %while3A_45 = %while3A to %while3A_18 step %while3A_19 iter_args(%while3A_46 = %while3A_12) -> (i32)  : i32 {
      %mul3A_47 = arith.constant 16 : i32
      %mul3A_48 = arith.muli %while3A_45, %mul3A_47 : i32
      %add3A_49 = arith.addi %mul3A_2, %mul3A_48 : i32
      "tpu.region"() ({
        %run_scoped3A = tpu.sem_alloc : memref<!tpu.dma_semaphore, #tpu.memory_space<semaphore_mem>>
        %dma_start3A_51 = arith.constant 0 : i32
        %dma_start3A_52 = tpu.memref_slice %arg9[%add3A_49, %dma_start3A_51] : memref<10000x128xf32, #tpu.memory_space<vmem_shared>> -> memref<16x128xf32, #tpu.memory_space<vmem_shared>>
        %dma_start3A_53 = arith.constant 0 : i32
        %dma_start3A_54 = tpu.memref_slice %arg9[%add3A_49, %dma_start3A_53] : memref<10000x128xf32, #tpu.memory_space<vmem_shared>> -> memref<16x128xf32, #tpu.memory_space<vmem_shared>>
        tpu.enqueue_dma source(%arg8 : memref<16x128xf32, #tpu.memory_space<vmem>>) target(%dma_start3A_54 : memref<16x128xf32, #tpu.memory_space<vmem_shared>>) target_semaphore(%run_scoped3A : memref<!tpu.dma_semaphore, #tpu.memory_space<semaphore_mem>>)
        %dma_wait3A = arith.constant 0 : i32
        %dma_wait3A_55 = tpu.memref_slice %arg9[%add3A_49, %dma_wait3A] : memref<10000x128xf32, #tpu.memory_space<vmem_shared>> -> memref<16x128xf32, #tpu.memory_space<vmem_shared>>
        %dma_wait3A_56 = arith.constant 0 : i32
        %dma_wait3A_57 = tpu.memref_slice %arg9[%add3A_49, %dma_wait3A_56] : memref<10000x128xf32, #tpu.memory_space<vmem_shared>> -> memref<16x128xf32, #tpu.memory_space<vmem_shared>>
        tpu.wait_dma2 semaphore(%run_scoped3A : memref<!tpu.dma_semaphore, #tpu.memory_space<semaphore_mem>>) src(%arg8 : memref<16x128xf32, #tpu.memory_space<vmem>>) dst(%dma_wait3A_57 : memref<16x128xf32, #tpu.memory_space<vmem_shared>>)
        tpu.yield
      }) : () -> ()
      %while3A_50 = arith.constant 0 : i32
      scf.yield %while3A_50 : i32
    }
    %while3A_21 = arith.constant 1 : i32
    %while3A_22 = scf.for %while3A_45 = %while3A_18 to %while3A_14 step %while3A_21 iter_args(%while3A_46 = %while3A_20) -> (i32)  : i32 {
      %mul3A_47 = arith.constant 16 : i32
      %mul3A_48 = arith.muli %while3A_45, %mul3A_47 : i32
      %add3A_49 = arith.addi %mul3A_2, %mul3A_48 : i32
      "tpu.region"() ({
        %run_scoped3A = tpu.sem_alloc : memref<!tpu.dma_semaphore, #tpu.memory_space<semaphore_mem>>
        %dma_start3A_51 = arith.constant 0 : i32
        %dma_start3A_52 = tpu.memref_slice %arg9[%add3A_49, %dma_start3A_51] : memref<10000x128xf32, #tpu.memory_space<vmem_shared>> -> memref<16x128xf32, #tpu.memory_space<vmem_shared>>
        %dma_start3A_53 = arith.constant 0 : i32
        %dma_start3A_54 = tpu.memref_slice %arg9[%add3A_49, %dma_start3A_53] : memref<10000x128xf32, #tpu.memory_space<vmem_shared>> -> memref<16x128xf32, #tpu.memory_space<vmem_shared>>
        tpu.enqueue_dma source(%arg8 : memref<16x128xf32, #tpu.memory_space<vmem>>) target(%dma_start3A_54 : memref<16x128xf32, #tpu.memory_space<vmem_shared>>) target_semaphore(%run_scoped3A : memref<!tpu.dma_semaphore, #tpu.memory_space<semaphore_mem>>)
        %dma_wait3A = arith.constant 0 : i32
        %dma_wait3A_55 = tpu.memref_slice %arg9[%add3A_49, %dma_wait3A] : memref<10000x128xf32, #tpu.memory_space<vmem_shared>> -> memref<16x128xf32, #tpu.memory_space<vmem_shared>>
        %dma_wait3A_56 = arith.constant 0 : i32
        %dma_wait3A_57 = tpu.memref_slice %arg9[%add3A_49, %dma_wait3A_56] : memref<10000x128xf32, #tpu.memory_space<vmem_shared>> -> memref<16x128xf32, #tpu.memory_space<vmem_shared>>
        tpu.wait_dma2 semaphore(%run_scoped3A : memref<!tpu.dma_semaphore, #tpu.memory_space<semaphore_mem>>) src(%arg8 : memref<16x128xf32, #tpu.memory_space<vmem>>) dst(%dma_wait3A_57 : memref<16x128xf32, #tpu.memory_space<vmem_shared>>)
        tpu.yield
      }) : () -> ()
      %while3A_50 = arith.constant 0 : i32
      scf.yield %while3A_50 : i32
    }
    %barrier3A = arith.constant 0 : index
    tpu.barrier barrier_id(%barrier3A)
    %mul3A_23 = arith.constant 16 : i32
    %mul3A_24 = arith.muli %add3A, %mul3A_23 : i32
    "tpu.region"() ({
      %run_scoped3A = tpu.sem_alloc : memref<!tpu.dma_semaphore, #tpu.memory_space<semaphore_mem>>
      %dma_start3A_45 = arith.constant 0 : i32
      %dma_start3A_46 = tpu.memref_slice %arg3[%mul3A_24, %dma_start3A_45] : memref<512x128xi32, #tpu.memory_space<hbm>> -> memref<16x128xi32, #tpu.memory_space<hbm>>
      %dma_start3A_47 = arith.constant 0 : i32
      %dma_start3A_48 = tpu.memref_slice %arg3[%mul3A_24, %dma_start3A_47] : memref<512x128xi32, #tpu.memory_space<hbm>> -> memref<16x128xi32, #tpu.memory_space<hbm>>
      tpu.enqueue_dma source(%dma_start3A_48 : memref<16x128xi32, #tpu.memory_space<hbm>>) target(%arg5 : memref<16x128xi32, #tpu.memory_space<vmem>>) target_semaphore(%run_scoped3A : memref<!tpu.dma_semaphore, #tpu.memory_space<semaphore_mem>>)
      %dma_wait3A = arith.constant 0 : i32
      %dma_wait3A_49 = tpu.memref_slice %arg3[%mul3A_24, %dma_wait3A] : memref<512x128xi32, #tpu.memory_space<hbm>> -> memref<16x128xi32, #tpu.memory_space<hbm>>
      %dma_wait3A_50 = arith.constant 0 : i32
      %dma_wait3A_51 = tpu.memref_slice %arg3[%mul3A_24, %dma_wait3A_50] : memref<512x128xi32, #tpu.memory_space<hbm>> -> memref<16x128xi32, #tpu.memory_space<hbm>>
      tpu.wait_dma2 semaphore(%run_scoped3A : memref<!tpu.dma_semaphore, #tpu.memory_space<semaphore_mem>>) src(%dma_wait3A_51 : memref<16x128xi32, #tpu.memory_space<hbm>>) dst(%arg5 : memref<16x128xi32, #tpu.memory_space<vmem>>)
      tpu.yield
    }) : () -> ()
    %mul3A_25 = arith.constant 128 : i32
    %mul3A_26 = arith.muli %mul3A_24, %mul3A_25 : i32
    %dma_start3A = arith.constant 0 : i32
    %dma_start3A_27 = tpu.memref_slice %arg2[%mul3A_26, %dma_start3A] : memref<65536x128xf32, #tpu.memory_space<hbm>> -> memref<128x128xf32, #tpu.memory_space<hbm>>
    %dma_start3A_28 = arith.constant 0 : i32
    %dma_start3A_29 = tpu.memref_slice %arg2[%mul3A_26, %dma_start3A_28] : memref<65536x128xf32, #tpu.memory_space<hbm>> -> memref<128x128xf32, #tpu.memory_space<hbm>>
    tpu.enqueue_dma source(%dma_start3A_29 : memref<128x128xf32, #tpu.memory_space<hbm>>) target(%arg6 : memref<128x128xf32, #tpu.memory_space<vmem>>) target_semaphore(%arg10 : memref<!tpu.dma_semaphore, #tpu.memory_space<semaphore_mem>>)
    %scan3A_30 = arith.constant 0 : i32
    %scan3A_31 = arith.constant 0 : i32
    %scan3A_32 = arith.constant 8 : i32
    %scan3A_33 = arith.addi %scan3A_31, %scan3A_32 : i32
    %scan3A_34 = arith.constant 1 : i32
    %scan3A_35 = scf.for %scan3A_45 = %scan3A_31 to %scan3A_33 step %scan3A_34 iter_args(%scan3A_46 = %scan3A_30) -> (i32)  : i32 {
      %mul3A_47 = arith.constant 2 : i32
      %mul3A_48 = arith.muli %mul3A_47, %scan3A_45 : i32
      %add3A_49 = arith.addi %mul3A_24, %mul3A_48 : i32
      %add3A_50 = arith.constant 1 : i32
      %add3A_51 = arith.addi %add3A_49, %add3A_50 : i32
      %mul3A_52 = arith.constant 128 : i32
      %mul3A_53 = arith.muli %add3A_51, %mul3A_52 : i32
      %dma_start3A_54 = arith.constant 0 : i32
      %dma_start3A_55 = tpu.memref_slice %arg2[%mul3A_53, %dma_start3A_54] : memref<65536x128xf32, #tpu.memory_space<hbm>> -> memref<128x128xf32, #tpu.memory_space<hbm>>
      %dma_start3A_56 = arith.constant 0 : i32
      %dma_start3A_57 = tpu.memref_slice %arg2[%mul3A_53, %dma_start3A_56] : memref<65536x128xf32, #tpu.memory_space<hbm>> -> memref<128x128xf32, #tpu.memory_space<hbm>>
      tpu.enqueue_dma source(%dma_start3A_57 : memref<128x128xf32, #tpu.memory_space<hbm>>) target(%arg7 : memref<128x128xf32, #tpu.memory_space<vmem>>) target_semaphore(%arg11 : memref<!tpu.dma_semaphore, #tpu.memory_space<semaphore_mem>>)
      %dma_wait3A = arith.constant 0 : i32
      %dma_wait3A_58 = arith.constant 0 : i32
      %dma_wait3A_59 = tpu.memref_slice %arg2[%dma_wait3A, %dma_wait3A_58] : memref<65536x128xf32, #tpu.memory_space<hbm>> -> memref<128x128xf32, #tpu.memory_space<hbm>>
      %dma_wait3A_60 = arith.constant 0 : i32
      %dma_wait3A_61 = arith.constant 0 : i32
      %dma_wait3A_62 = tpu.memref_slice %arg2[%dma_wait3A_60, %dma_wait3A_61] : memref<65536x128xf32, #tpu.memory_space<hbm>> -> memref<128x128xf32, #tpu.memory_space<hbm>>
      tpu.wait_dma2 semaphore(%arg10 : memref<!tpu.dma_semaphore, #tpu.memory_space<semaphore_mem>>) src(%dma_wait3A_62 : memref<128x128xf32, #tpu.memory_space<hbm>>) dst(%arg6 : memref<128x128xf32, #tpu.memory_space<vmem>>)
      "tpu.region"() ({
        %run_scoped3A = tpu.sem_alloc : memref<!tpu.dma_semaphore, #tpu.memory_space<semaphore_mem>>
        %dma_start3A_79 = arith.constant 0 : i32
        %dma_start3A_80 = tpu.memref_slice %arg5[%mul3A_48, %dma_start3A_79] : memref<16x128xi32, #tpu.memory_space<vmem>> -> memref<1x128xi32, #tpu.memory_space<vmem>>
        %dma_start3A_81 = tpu.memref_squeeze %dma_start3A_80 : memref<1x128xi32, #tpu.memory_space<vmem>> -> memref<128xi32, #tpu.memory_space<vmem>>
        %dma_start3A_82 = arith.constant 0 : i32
        %dma_start3A_83 = arith.constant 0 : i32
        %dma_start3A_84 = tpu.memref_slice %arg9[%dma_start3A_82, %dma_start3A_83] : memref<10000x128xf32, #tpu.memory_space<vmem_shared>> -> memref<10000x128xf32, #tpu.memory_space<vmem_shared>>
        tpu.enqueue_indirect_dma source(%arg6 : memref<128x128xf32, #tpu.memory_space<vmem>>) target(%dma_start3A_84 : memref<10000x128xf32, #tpu.memory_space<vmem_shared>>) offsets(%dma_start3A_81 : memref<128xi32, #tpu.memory_space<vmem>>) semaphore(%run_scoped3A : memref<!tpu.dma_semaphore, #tpu.memory_space<semaphore_mem>>) {add = true}
        %dma_wait3A_85 = arith.constant 0 : i32
        %dma_wait3A_86 = tpu.memref_slice %arg5[%mul3A_48, %dma_wait3A_85] : memref<16x128xi32, #tpu.memory_space<vmem>> -> memref<1x128xi32, #tpu.memory_space<vmem>>
        %dma_wait3A_87 = tpu.memref_squeeze %dma_wait3A_86 : memref<1x128xi32, #tpu.memory_space<vmem>> -> memref<128xi32, #tpu.memory_space<vmem>>
        %dma_wait3A_88 = arith.constant 0 : i32
        %dma_wait3A_89 = arith.constant 0 : i32
        %dma_wait3A_90 = tpu.memref_slice %arg9[%dma_wait3A_88, %dma_wait3A_89] : memref<10000x128xf32, #tpu.memory_space<vmem_shared>> -> memref<10000x128xf32, #tpu.memory_space<vmem_shared>>
        tpu.wait_indirect_dma semaphore(%run_scoped3A : memref<!tpu.dma_semaphore, #tpu.memory_space<semaphore_mem>>) src(%arg6 : memref<128x128xf32, #tpu.memory_space<vmem>>) dst(%dma_wait3A_90 : memref<10000x128xf32, #tpu.memory_space<vmem_shared>>)
        tpu.yield
      }) : () -> ()
      %add3A_63 = arith.constant 1 : i32
      %add3A_64 = arith.addi %scan3A_45, %add3A_63 : i32
      %lt3A_65 = arith.constant 8 : i32
      %lt3A_66 = arith.cmpi slt, %add3A_64, %lt3A_65 : i32
      %convert_element_type3A_67 = arith.extui %lt3A_66 : i1 to i32
      %cond3A_68 = arith.constant 0 : i32
      %cond3A_69 = arith.cmpi ne, %convert_element_type3A_67, %cond3A_68 : i32
      scf.if %cond3A_69 {
        %add3A_79 = arith.addi %mul3A_24, %mul3A_48 : i32
        %add3A_80 = arith.constant 2 : i32
        %add3A_81 = arith.addi %add3A_79, %add3A_80 : i32
        %mul3A_82 = arith.constant 128 : i32
        %mul3A_83 = arith.muli %add3A_81, %mul3A_82 : i32
        %dma_start3A_84 = arith.constant 0 : i32
        %dma_start3A_85 = tpu.memref_slice %arg2[%mul3A_83, %dma_start3A_84] : memref<65536x128xf32, #tpu.memory_space<hbm>> -> memref<128x128xf32, #tpu.memory_space<hbm>>
        %dma_start3A_86 = arith.constant 0 : i32
        %dma_start3A_87 = tpu.memref_slice %arg2[%mul3A_83, %dma_start3A_86] : memref<65536x128xf32, #tpu.memory_space<hbm>> -> memref<128x128xf32, #tpu.memory_space<hbm>>
        tpu.enqueue_dma source(%dma_start3A_87 : memref<128x128xf32, #tpu.memory_space<hbm>>) target(%arg6 : memref<128x128xf32, #tpu.memory_space<vmem>>) target_semaphore(%arg10 : memref<!tpu.dma_semaphore, #tpu.memory_space<semaphore_mem>>)
      } else {
      }
      %dma_wait3A_70 = arith.constant 0 : i32
      %dma_wait3A_71 = arith.constant 0 : i32
      %dma_wait3A_72 = tpu.memref_slice %arg2[%dma_wait3A_70, %dma_wait3A_71] : memref<65536x128xf32, #tpu.memory_space<hbm>> -> memref<128x128xf32, #tpu.memory_space<hbm>>
      %dma_wait3A_73 = arith.constant 0 : i32
      %dma_wait3A_74 = arith.constant 0 : i32
      %dma_wait3A_75 = tpu.memref_slice %arg2[%dma_wait3A_73, %dma_wait3A_74] : memref<65536x128xf32, #tpu.memory_space<hbm>> -> memref<128x128xf32, #tpu.memory_space<hbm>>
      tpu.wait_dma2 semaphore(%arg11 : memref<!tpu.dma_semaphore, #tpu.memory_space<semaphore_mem>>) src(%dma_wait3A_75 : memref<128x128xf32, #tpu.memory_space<hbm>>) dst(%arg7 : memref<128x128xf32, #tpu.memory_space<vmem>>)
      %add3A_76 = arith.constant 1 : i32
      %add3A_77 = arith.addi %mul3A_48, %add3A_76 : i32
      "tpu.region"() ({
        %run_scoped3A = tpu.sem_alloc : memref<!tpu.dma_semaphore, #tpu.memory_space<semaphore_mem>>
        %dma_start3A_79 = arith.constant 0 : i32
        %dma_start3A_80 = tpu.memref_slice %arg5[%add3A_77, %dma_start3A_79] : memref<16x128xi32, #tpu.memory_space<vmem>> -> memref<1x128xi32, #tpu.memory_space<vmem>>
        %dma_start3A_81 = tpu.memref_squeeze %dma_start3A_80 : memref<1x128xi32, #tpu.memory_space<vmem>> -> memref<128xi32, #tpu.memory_space<vmem>>
        %dma_start3A_82 = arith.constant 0 : i32
        %dma_start3A_83 = arith.constant 0 : i32
        %dma_start3A_84 = tpu.memref_slice %arg9[%dma_start3A_82, %dma_start3A_83] : memref<10000x128xf32, #tpu.memory_space<vmem_shared>> -> memref<10000x128xf32, #tpu.memory_space<vmem_shared>>
        tpu.enqueue_indirect_dma source(%arg7 : memref<128x128xf32, #tpu.memory_space<vmem>>) target(%dma_start3A_84 : memref<10000x128xf32, #tpu.memory_space<vmem_shared>>) offsets(%dma_start3A_81 : memref<128xi32, #tpu.memory_space<vmem>>) semaphore(%run_scoped3A : memref<!tpu.dma_semaphore, #tpu.memory_space<semaphore_mem>>) {add = true}
        %dma_wait3A_85 = arith.constant 0 : i32
        %dma_wait3A_86 = tpu.memref_slice %arg5[%add3A_77, %dma_wait3A_85] : memref<16x128xi32, #tpu.memory_space<vmem>> -> memref<1x128xi32, #tpu.memory_space<vmem>>
        %dma_wait3A_87 = tpu.memref_squeeze %dma_wait3A_86 : memref<1x128xi32, #tpu.memory_space<vmem>> -> memref<128xi32, #tpu.memory_space<vmem>>
        %dma_wait3A_88 = arith.constant 0 : i32
        %dma_wait3A_89 = arith.constant 0 : i32
        %dma_wait3A_90 = tpu.memref_slice %arg9[%dma_wait3A_88, %dma_wait3A_89] : memref<10000x128xf32, #tpu.memory_space<vmem_shared>> -> memref<10000x128xf32, #tpu.memory_space<vmem_shared>>
        tpu.wait_indirect_dma semaphore(%run_scoped3A : memref<!tpu.dma_semaphore, #tpu.memory_space<semaphore_mem>>) src(%arg7 : memref<128x128xf32, #tpu.memory_space<vmem>>) dst(%dma_wait3A_90 : memref<10000x128xf32, #tpu.memory_space<vmem_shared>>)
        tpu.yield
      }) : () -> ()
      %scan3A_78 = arith.constant 0 : i32
      scf.yield %scan3A_78 : i32
    }
    %scan3A_36 = arith.constant 8 : i32
    %barrier3A_37 = arith.constant 0 : index
    tpu.barrier barrier_id(%barrier3A_37)
    %lt3A_38 = arith.constant 15 : i32
    %lt3A_39 = arith.cmpi slt, %arg1, %lt3A_38 : i32
    %convert_element_type3A = arith.extui %lt3A_39 : i1 to i32
    %cond3A = arith.constant 0 : i32
    %cond3A_40 = arith.cmpi ne, %convert_element_type3A, %cond3A : i32
    scf.if %cond3A_40 {
      "tpu.region"() ({
        %run_scoped3A = tpu.sem_alloc : memref<!tpu.dma_semaphore, #tpu.memory_space<semaphore_mem>>
        %dma_start3A_45 = arith.constant 0 : i32
        %dma_start3A_46 = tpu.memref_slice %arg4[%arg0, %mul3A_2, %dma_start3A_45] : memref<2x10000x128xf32, #tpu.memory_space<hbm>> -> memref<1x624x128xf32, #tpu.memory_space<hbm>>
        %dma_start3A_47 = tpu.memref_squeeze %dma_start3A_46 : memref<1x624x128xf32, #tpu.memory_space<hbm>> -> memref<624x128xf32, #tpu.memory_space<hbm>>
        %dma_start3A_48 = arith.constant 0 : i32
        %dma_start3A_49 = tpu.memref_slice %arg9[%mul3A_2, %dma_start3A_48] : memref<10000x128xf32, #tpu.memory_space<vmem_shared>> -> memref<624x128xf32, #tpu.memory_space<vmem_shared>>
        tpu.enqueue_dma source(%dma_start3A_49 : memref<624x128xf32, #tpu.memory_space<vmem_shared>>) target(%dma_start3A_47 : memref<624x128xf32, #tpu.memory_space<hbm>>) target_semaphore(%run_scoped3A : memref<!tpu.dma_semaphore, #tpu.memory_space<semaphore_mem>>)
        %dma_wait3A = arith.constant 0 : i32
        %dma_wait3A_50 = tpu.memref_slice %arg4[%arg0, %mul3A_2, %dma_wait3A] : memref<2x10000x128xf32, #tpu.memory_space<hbm>> -> memref<1x624x128xf32, #tpu.memory_space<hbm>>
        %dma_wait3A_51 = tpu.memref_squeeze %dma_wait3A_50 : memref<1x624x128xf32, #tpu.memory_space<hbm>> -> memref<624x128xf32, #tpu.memory_space<hbm>>
        %dma_wait3A_52 = arith.constant 0 : i32
        %dma_wait3A_53 = tpu.memref_slice %arg9[%mul3A_2, %dma_wait3A_52] : memref<10000x128xf32, #tpu.memory_space<vmem_shared>> -> memref<624x128xf32, #tpu.memory_space<vmem_shared>>
        tpu.wait_dma2 semaphore(%run_scoped3A : memref<!tpu.dma_semaphore, #tpu.memory_space<semaphore_mem>>) src(%dma_wait3A_53 : memref<624x128xf32, #tpu.memory_space<vmem_shared>>) dst(%dma_wait3A_51 : memref<624x128xf32, #tpu.memory_space<hbm>>)
        tpu.yield
      }) : () -> ()
    } else {
    }
    %eq3A = arith.constant 15 : i32
    %eq3A_41 = arith.cmpi eq, %arg1, %eq3A : i32
    %convert_element_type3A_42 = arith.extui %eq3A_41 : i1 to i32
    %cond3A_43 = arith.constant 0 : i32
    %cond3A_44 = arith.cmpi ne, %convert_element_type3A_42, %cond3A_43 : i32
    scf.if %cond3A_44 {
      "tpu.region"() ({
        %run_scoped3A = tpu.sem_alloc : memref<!tpu.dma_semaphore, #tpu.memory_space<semaphore_mem>>
        %dma_start3A_45 = arith.constant 9360 : i32
        %dma_start3A_46 = arith.constant 0 : i32
        %dma_start3A_47 = tpu.memref_slice %arg4[%arg0, %dma_start3A_45, %dma_start3A_46] : memref<2x10000x128xf32, #tpu.memory_space<hbm>> -> memref<1x640x128xf32, #tpu.memory_space<hbm>>
        %dma_start3A_48 = tpu.memref_squeeze %dma_start3A_47 : memref<1x640x128xf32, #tpu.memory_space<hbm>> -> memref<640x128xf32, #tpu.memory_space<hbm>>
        %dma_start3A_49 = arith.constant 9360 : i32
        %dma_start3A_50 = arith.constant 0 : i32
        %dma_start3A_51 = tpu.memref_slice %arg9[%dma_start3A_49, %dma_start3A_50] : memref<10000x128xf32, #tpu.memory_space<vmem_shared>> -> memref<640x128xf32, #tpu.memory_space<vmem_shared>>
        tpu.enqueue_dma source(%dma_start3A_51 : memref<640x128xf32, #tpu.memory_space<vmem_shared>>) target(%dma_start3A_48 : memref<640x128xf32, #tpu.memory_space<hbm>>) target_semaphore(%run_scoped3A : memref<!tpu.dma_semaphore, #tpu.memory_space<semaphore_mem>>)
        %dma_wait3A = arith.constant 9360 : i32
        %dma_wait3A_52 = arith.constant 0 : i32
        %dma_wait3A_53 = tpu.memref_slice %arg4[%arg0, %dma_wait3A, %dma_wait3A_52] : memref<2x10000x128xf32, #tpu.memory_space<hbm>> -> memref<1x640x128xf32, #tpu.memory_space<hbm>>
        %dma_wait3A_54 = tpu.memref_squeeze %dma_wait3A_53 : memref<1x640x128xf32, #tpu.memory_space<hbm>> -> memref<640x128xf32, #tpu.memory_space<hbm>>
        %dma_wait3A_55 = arith.constant 9360 : i32
        %dma_wait3A_56 = arith.constant 0 : i32
        %dma_wait3A_57 = tpu.memref_slice %arg9[%dma_wait3A_55, %dma_wait3A_56] : memref<10000x128xf32, #tpu.memory_space<vmem_shared>> -> memref<640x128xf32, #tpu.memory_space<vmem_shared>>
        tpu.wait_dma2 semaphore(%run_scoped3A : memref<!tpu.dma_semaphore, #tpu.memory_space<semaphore_mem>>) src(%dma_wait3A_57 : memref<640x128xf32, #tpu.memory_space<vmem_shared>>) dst(%dma_wait3A_54 : memref<640x128xf32, #tpu.memory_space<hbm>>)
        tpu.yield
      }) : () -> ()
    } else {
    }
    return
  }
}

module attributes {stable_mosaic.version = 14 : i64} {
  func.func @_pre_body(%arg0: i32, %arg1: memref<2000x128xf32, #tpu.memory_space<vmem>>, %arg2: memref<128x128xf32, #tpu.memory_space<vmem>>, %arg3: memref<128x128xf32, #tpu.memory_space<vmem>>, %arg4: memref<1x128xf32, #tpu.memory_space<vmem>>, %arg5: memref<2000x64xi32, #tpu.memory_space<vmem>>, %arg6: memref<2000x64xi32, #tpu.memory_space<vmem>>) attributes {dimension_semantics = [#tpu.dimension_semantics<arbitrary>], iteration_bounds = array<i64: 5>, scalar_prefetch = 0 : i64, scratch_operands = 0 : i64, tpu.core_type = #tpu.core_type<tc>, window_params = [{transform_indices = @transform_0, window_bounds = array<i64: 2000, 128>}, {pipeline_mode = #tpu.pipeline_mode<synchronous>, transform_indices = @transform_1, window_bounds = array<i64: 128, 128>}, {pipeline_mode = #tpu.pipeline_mode<synchronous>, transform_indices = @transform_2, window_bounds = array<i64: 128, 128>}, {pipeline_mode = #tpu.pipeline_mode<synchronous>, transform_indices = @transform_3, window_bounds = array<i64: 1, 128>}, {transform_indices = @transform_4, window_bounds = array<i64: 2000, 64>}, {transform_indices = @transform_5, window_bounds = array<i64: 2000, 64>}]} {
    %get3A = arith.constant 0 : index
    %get3A_0 = arith.constant 0 : index
    %get3A_1 = vector.load %arg1[%get3A, %get3A_0] : memref<2000x128xf32, #tpu.memory_space<vmem>>, vector<2000x128xf32>
    %get3A_2 = arith.constant 0 : index
    %get3A_3 = arith.constant 0 : index
    %get3A_4 = vector.load %arg2[%get3A_2, %get3A_3] : memref<128x128xf32, #tpu.memory_space<vmem>>, vector<128x128xf32>
    %dot_general3A = arith.constant dense<0.000000e+00> : vector<2000x128xf32>
    %dot_general3A_5 = tpu.matmul %get3A_1, %get3A_4, %dot_general3A {dimension_numbers = #tpu.dot_dimension_numbers<[1], [0], [0], [1], [0, 0, 1, 1], [], []>, transpose_lhs_hint = false} : vector<2000x128xf32>, vector<128x128xf32>, vector<2000x128xf32> -> vector<2000x128xf32>
    %slice3A = vector.extract_strided_slice %dot_general3A_5 {offsets = [0, 0], sizes = [2000, 64], strides = [1, 1]} : vector<2000x128xf32> to vector<2000x64xf32>
    %convert_element_type3A = arith.truncf %slice3A : vector<2000x64xf32> to vector<2000x64xbf16>
    %bitcast_convert_type3A = tpu.bitcast %convert_element_type3A : vector<2000x64xbf16> -> vector<2000x64xi16>
    %slice3A_6 = vector.extract_strided_slice %dot_general3A_5 {offsets = [0, 64], sizes = [2000, 64], strides = [1, 1]} : vector<2000x128xf32> to vector<2000x64xf32>
    %convert_element_type3A_7 = arith.truncf %slice3A_6 : vector<2000x64xf32> to vector<2000x64xbf16>
    %bitcast_convert_type3A_8 = tpu.bitcast %convert_element_type3A_7 : vector<2000x64xbf16> -> vector<2000x64xi16>
    %convert_element_type3A_9 = arith.extui %bitcast_convert_type3A : vector<2000x64xi16> to vector<2000x64xi32>
    %convert_element_type3A_10 = arith.extui %bitcast_convert_type3A_8 : vector<2000x64xi16> to vector<2000x64xi32>
    %shift_left3A = arith.constant 16 : i32
    %shift_left3A_11 = vector.broadcast %shift_left3A : i32 to vector<2000x64xi32>
    %shift_left3A_12 = arith.shli %convert_element_type3A_10, %shift_left3A_11 : vector<2000x64xi32>
    %or3A = arith.ori %convert_element_type3A_9, %shift_left3A_12 : vector<2000x64xi32>
    %bitcast_convert_type3A_13 = tpu.bitcast %or3A : vector<2000x64xi32> -> vector<2000x64xi32>
    %swap3A = arith.constant 0 : index
    %swap3A_14 = arith.constant 0 : index
    %swap3A_15 = vector.load %arg5[%swap3A, %swap3A_14] : memref<2000x64xi32, #tpu.memory_space<vmem>>, vector<2000x64xi32>
    tpu.vector_store %arg5[%swap3A, %swap3A_14], %bitcast_convert_type3A_13 {strides = array<i32>} : memref<2000x64xi32, #tpu.memory_space<vmem>>, vector<2000x64xi32>,
    %get3A_16 = arith.constant 0 : index
    %get3A_17 = arith.constant 0 : index
    %get3A_18 = vector.load %arg3[%get3A_16, %get3A_17] : memref<128x128xf32, #tpu.memory_space<vmem>>, vector<128x128xf32>
    %dot_general3A_19 = arith.constant dense<0.000000e+00> : vector<2000x128xf32>
    %dot_general3A_20 = tpu.matmul %get3A_1, %get3A_18, %dot_general3A_19 {dimension_numbers = #tpu.dot_dimension_numbers<[1], [0], [0], [1], [0, 0, 1, 1], [], []>, transpose_lhs_hint = false} : vector<2000x128xf32>, vector<128x128xf32>, vector<2000x128xf32> -> vector<2000x128xf32>
    %get3A_21 = arith.constant 0 : index
    %get3A_22 = arith.constant 0 : index
    %get3A_23 = vector.load %arg4[%get3A_21, %get3A_22] : memref<1x128xf32, #tpu.memory_space<vmem>>, vector<1x128xf32>
    %add3A = vector.broadcast %get3A_23 : vector<1x128xf32> to vector<2000x128xf32>
    %add3A_24 = arith.addf %dot_general3A_20, %add3A : vector<2000x128xf32>
    %slice3A_25 = vector.extract_strided_slice %add3A_24 {offsets = [0, 0], sizes = [2000, 64], strides = [1, 1]} : vector<2000x128xf32> to vector<2000x64xf32>
    %convert_element_type3A_26 = arith.truncf %slice3A_25 : vector<2000x64xf32> to vector<2000x64xbf16>
    %bitcast_convert_type3A_27 = tpu.bitcast %convert_element_type3A_26 : vector<2000x64xbf16> -> vector<2000x64xi16>
    %slice3A_28 = vector.extract_strided_slice %add3A_24 {offsets = [0, 64], sizes = [2000, 64], strides = [1, 1]} : vector<2000x128xf32> to vector<2000x64xf32>
    %convert_element_type3A_29 = arith.truncf %slice3A_28 : vector<2000x64xf32> to vector<2000x64xbf16>
    %bitcast_convert_type3A_30 = tpu.bitcast %convert_element_type3A_29 : vector<2000x64xbf16> -> vector<2000x64xi16>
    %convert_element_type3A_31 = arith.extui %bitcast_convert_type3A_27 : vector<2000x64xi16> to vector<2000x64xi32>
    %convert_element_type3A_32 = arith.extui %bitcast_convert_type3A_30 : vector<2000x64xi16> to vector<2000x64xi32>
    %shift_left3A_33 = arith.constant 16 : i32
    %shift_left3A_34 = vector.broadcast %shift_left3A_33 : i32 to vector<2000x64xi32>
    %shift_left3A_35 = arith.shli %convert_element_type3A_32, %shift_left3A_34 : vector<2000x64xi32>
    %or3A_36 = arith.ori %convert_element_type3A_31, %shift_left3A_35 : vector<2000x64xi32>
    %bitcast_convert_type3A_37 = tpu.bitcast %or3A_36 : vector<2000x64xi32> -> vector<2000x64xi32>
    %swap3A_38 = arith.constant 0 : index
    %swap3A_39 = arith.constant 0 : index
    %swap3A_40 = vector.load %arg6[%swap3A_38, %swap3A_39] : memref<2000x64xi32, #tpu.memory_space<vmem>>, vector<2000x64xi32>
    tpu.vector_store %arg6[%swap3A_38, %swap3A_39], %bitcast_convert_type3A_37 {strides = array<i32>} : memref<2000x64xi32, #tpu.memory_space<vmem>>, vector<2000x64xi32>,
    return
  }
  func.func @transform_0(%arg0: i32) -> (i32, i32) {
    %c0_i32 = arith.constant 0 : i32
    %c0_i32_0 = arith.constant 0 : i32
    return %arg0, %c0_i32 : i32, i32
  }
  func.func @transform_1(%arg0: i32) -> (i32, i32) {
    %c0_i32 = arith.constant 0 : i32
    %c0_i32_0 = arith.constant 0 : i32
    %c0_i32_1 = arith.constant 0 : i32
    return %c0_i32, %c0_i32_0 : i32, i32
  }
  func.func @transform_2(%arg0: i32) -> (i32, i32) {
    %c0_i32 = arith.constant 0 : i32
    %c0_i32_0 = arith.constant 0 : i32
    %c0_i32_1 = arith.constant 0 : i32
    return %c0_i32, %c0_i32_0 : i32, i32
  }
  func.func @transform_3(%arg0: i32) -> (i32, i32) {
    %c0_i32 = arith.constant 0 : i32
    %c0_i32_0 = arith.constant 0 : i32
    %c0_i32_1 = arith.constant 0 : i32
    return %c0_i32, %c0_i32_0 : i32, i32
  }
  func.func @transform_4(%arg0: i32) -> (i32, i32) {
    %c0_i32 = arith.constant 0 : i32
    %c0_i32_0 = arith.constant 0 : i32
    return %arg0, %c0_i32 : i32, i32
  }
  func.func @transform_5(%arg0: i32) -> (i32, i32) {
    %c0_i32 = arith.constant 0 : i32
    %c0_i32_0 = arith.constant 0 : i32
    return %arg0, %c0_i32 : i32, i32
  }
}

module attributes {stable_mosaic.version = 14 : i64} {
  func.func @_mlp_body(%arg0: i32, %arg1: memref<1024x128xi32, #tpu.memory_space<vmem>>, %arg2: memref<1024x128xi32, #tpu.memory_space<vmem>>, %arg3: memref<1x128x16xf32, #tpu.memory_space<vmem>>, %arg4: memref<128x256xf32, #tpu.memory_space<vmem>>, %arg5: memref<128x256xf32, #tpu.memory_space<vmem>>, %arg6: memref<128x128xf32, #tpu.memory_space<vmem>>, %arg7: memref<256x256xf32, #tpu.memory_space<vmem>>, %arg8: memref<1x256xf32, #tpu.memory_space<vmem>>, %arg9: memref<1x128xf32, #tpu.memory_space<vmem>>, %arg10: memref<1x128xf32, #tpu.memory_space<vmem>>, %arg11: memref<1x128xf32, #tpu.memory_space<vmem>>, %arg12: memref<1x128xf32, #tpu.memory_space<vmem>>, %arg13: memref<1x256xf32, #tpu.memory_space<vmem>>, %arg14: memref<1x256xf32, #tpu.memory_space<vmem>>, %arg15: memref<2048x128xf32, #tpu.memory_space<vmem>>) attributes {dimension_semantics = [#tpu.dimension_semantics<arbitrary>], iteration_bounds = array<i64: 32>, scalar_prefetch = 0 : i64, scratch_operands = 0 : i64, tpu.core_type = #tpu.core_type<tc>, window_params = [{transform_indices = @transform_0, window_bounds = array<i64: 1024, 128>}, {transform_indices = @transform_1, window_bounds = array<i64: 1024, 128>}, {transform_indices = @transform_2, window_bounds = array<i64: 1, 128, 16>}, {pipeline_mode = #tpu.pipeline_mode<synchronous>, transform_indices = @transform_3, window_bounds = array<i64: 128, 256>}, {pipeline_mode = #tpu.pipeline_mode<synchronous>, transform_indices = @transform_4, window_bounds = array<i64: 128, 256>}, {pipeline_mode = #tpu.pipeline_mode<synchronous>, transform_indices = @transform_5, window_bounds = array<i64: 128, 128>}, {pipeline_mode = #tpu.pipeline_mode<synchronous>, transform_indices = @transform_6, window_bounds = array<i64: 256, 256>}, {pipeline_mode = #tpu.pipeline_mode<synchronous>, transform_indices = @transform_7, window_bounds = array<i64: 1, 256>}, {pipeline_mode = #tpu.pipeline_mode<synchronous>, transform_indices = @transform_8, window_bounds = array<i64: 1, 128>}, {pipeline_mode = #tpu.pipeline_mode<synchronous>, transform_indices = @transform_9, window_bounds = array<i64: 1, 128>}, {pipeline_mode = #tpu.pipeline_mode<synchronous>, transform_indices = @transform_10, window_bounds = array<i64: 1, 128>}, {pipeline_mode = #tpu.pipeline_mode<synchronous>, transform_indices = @transform_11, window_bounds = array<i64: 1, 128>}, {pipeline_mode = #tpu.pipeline_mode<synchronous>, transform_indices = @transform_12, window_bounds = array<i64: 1, 256>}, {pipeline_mode = #tpu.pipeline_mode<synchronous>, transform_indices = @transform_13, window_bounds = array<i64: 1, 256>}, {transform_indices = @transform_14, window_bounds = array<i64: 2048, 128>}]} {
    %get3A = arith.constant 0 : index
    %get3A_0 = arith.constant 0 : index
    %get3A_1 = vector.load %arg6[%get3A, %get3A_0] : memref<128x128xf32, #tpu.memory_space<vmem>>, vector<128x128xf32>
    %get3A_2 = vector.shape_cast %get3A_1 : vector<128x128xf32> to vector<128x128xf32>
    %get3A_3 = arith.constant 0 : index
    %get3A_4 = arith.constant 0 : index
    %get3A_5 = vector.load %arg7[%get3A_3, %get3A_4] : memref<256x256xf32, #tpu.memory_space<vmem>>, vector<256x256xf32>
    %get3A_6 = vector.shape_cast %get3A_5 : vector<256x256xf32> to vector<256x256xf32>
    %get3A_7 = arith.constant 0 : index
    %get3A_8 = arith.constant 0 : index
    %get3A_9 = vector.load %arg1[%get3A_7, %get3A_8] : memref<1024x128xi32, #tpu.memory_space<vmem>>, vector<1024x128xi32>
    %shift_left3A = arith.constant 16 : i32
    %shift_left3A_10 = vector.broadcast %shift_left3A : i32 to vector<1024x128xi32>
    %shift_left3A_11 = arith.shli %get3A_9, %shift_left3A_10 : vector<1024x128xi32>
    %bitcast_convert_type3A = tpu.bitcast %shift_left3A_11 : vector<1024x128xi32> -> vector<1024x128xf32>
    %and3A = arith.constant -65536 : i32
    %and3A_12 = vector.broadcast %and3A : i32 to vector<1024x128xi32>
    %and3A_13 = arith.andi %get3A_9, %and3A_12 : vector<1024x128xi32>
    %bitcast_convert_type3A_14 = tpu.bitcast %and3A_13 : vector<1024x128xi32> -> vector<1024x128xf32>
    %get3A_15 = arith.constant 0 : index
    %get3A_16 = arith.constant 0 : index
    %get3A_17 = vector.load %arg2[%get3A_15, %get3A_16] : memref<1024x128xi32, #tpu.memory_space<vmem>>, vector<1024x128xi32>
    %shift_left3A_18 = arith.constant 16 : i32
    %shift_left3A_19 = vector.broadcast %shift_left3A_18 : i32 to vector<1024x128xi32>
    %shift_left3A_20 = arith.shli %get3A_17, %shift_left3A_19 : vector<1024x128xi32>
    %bitcast_convert_type3A_21 = tpu.bitcast %shift_left3A_20 : vector<1024x128xi32> -> vector<1024x128xf32>
    %and3A_22 = arith.constant -65536 : i32
    %and3A_23 = vector.broadcast %and3A_22 : i32 to vector<1024x128xi32>
    %and3A_24 = arith.andi %get3A_17, %and3A_23 : vector<1024x128xi32>
    %bitcast_convert_type3A_25 = tpu.bitcast %and3A_24 : vector<1024x128xi32> -> vector<1024x128xf32>
    %add3A = arith.addf %bitcast_convert_type3A, %bitcast_convert_type3A_21 : vector<1024x128xf32>
    %add3A_26 = arith.addf %bitcast_convert_type3A_14, %bitcast_convert_type3A_25 : vector<1024x128xf32>
    %add3A_27 = arith.addf %add3A, %add3A_26 : vector<1024x128xf32>
    %dot_general3A = arith.constant dense<0.000000e+00> : vector<1024x128xf32>
    %dot_general3A_28 = tpu.matmul %add3A_27, %get3A_2, %dot_general3A {dimension_numbers = #tpu.dot_dimension_numbers<[1], [0], [0], [1], [0, 0, 1, 1], [], []>, transpose_lhs_hint = false} : vector<1024x128xf32>, vector<128x128xf32>, vector<1024x128xf32> -> vector<1024x128xf32>
    %sub3A = arith.subf %add3A, %dot_general3A_28 : vector<1024x128xf32>
    %sub3A_29 = arith.subf %add3A_26, %dot_general3A_28 : vector<1024x128xf32>
    %mul3A = arith.mulf %sub3A, %sub3A : vector<1024x128xf32>
    %mul3A_30 = arith.mulf %sub3A_29, %sub3A_29 : vector<1024x128xf32>
    %add3A_31 = arith.addf %mul3A, %mul3A_30 : vector<1024x128xf32>
    %dot_general3A_32 = arith.constant dense<0.000000e+00> : vector<1024x128xf32>
    %dot_general3A_33 = tpu.matmul %add3A_31, %get3A_2, %dot_general3A_32 {dimension_numbers = #tpu.dot_dimension_numbers<[1], [0], [0], [1], [0, 0, 1, 1], [], []>, transpose_lhs_hint = false} : vector<1024x128xf32>, vector<128x128xf32>, vector<1024x128xf32> -> vector<1024x128xf32>
    %add3A_34 = arith.constant 9.99999974E-6 : f32
    %add3A_35 = vector.broadcast %add3A_34 : f32 to vector<1024x128xf32>
    %add3A_36 = arith.addf %dot_general3A_33, %add3A_35 : vector<1024x128xf32>
    %rsqrt3A = math.rsqrt %add3A_36 : vector<1024x128xf32>
    %mul3A_37 = arith.mulf %sub3A, %rsqrt3A : vector<1024x128xf32>
    %get3A_38 = arith.constant 0 : index
    %get3A_39 = arith.constant 0 : index
    %get3A_40 = vector.load %arg9[%get3A_38, %get3A_39] : memref<1x128xf32, #tpu.memory_space<vmem>>, vector<1x128xf32>
    %mul3A_41 = vector.broadcast %get3A_40 : vector<1x128xf32> to vector<1024x128xf32>
    %mul3A_42 = arith.mulf %mul3A_37, %mul3A_41 : vector<1024x128xf32>
    %get3A_43 = arith.constant 0 : index
    %get3A_44 = arith.constant 0 : index
    %get3A_45 = vector.load %arg11[%get3A_43, %get3A_44] : memref<1x128xf32, #tpu.memory_space<vmem>>, vector<1x128xf32>
    %add3A_46 = vector.broadcast %get3A_45 : vector<1x128xf32> to vector<1024x128xf32>
    %add3A_47 = arith.addf %mul3A_42, %add3A_46 : vector<1024x128xf32>
    %mul3A_48 = arith.mulf %sub3A_29, %rsqrt3A : vector<1024x128xf32>
    %get3A_49 = arith.constant 0 : index
    %get3A_50 = arith.constant 0 : index
    %get3A_51 = vector.load %arg10[%get3A_49, %get3A_50] : memref<1x128xf32, #tpu.memory_space<vmem>>, vector<1x128xf32>
    %mul3A_52 = vector.broadcast %get3A_51 : vector<1x128xf32> to vector<1024x128xf32>
    %mul3A_53 = arith.mulf %mul3A_48, %mul3A_52 : vector<1024x128xf32>
    %get3A_54 = arith.constant 0 : index
    %get3A_55 = arith.constant 0 : index
    %get3A_56 = vector.load %arg12[%get3A_54, %get3A_55] : memref<1x128xf32, #tpu.memory_space<vmem>>, vector<1x128xf32>
    %add3A_57 = vector.broadcast %get3A_56 : vector<1x128xf32> to vector<1024x128xf32>
    %add3A_58 = arith.addf %mul3A_53, %add3A_57 : vector<1024x128xf32>
    %mul3A_59 = arith.constant 2.000000e-01 : f32
    %mul3A_60 = vector.broadcast %mul3A_59 : f32 to vector<1024x128xf32>
    %mul3A_61 = arith.mulf %mul3A_60, %add3A_47 : vector<1024x128xf32>
    %max3A = arith.maximumf %add3A_47, %mul3A_61 : vector<1024x128xf32>
    %mul3A_62 = arith.constant 2.000000e-01 : f32
    %mul3A_63 = vector.broadcast %mul3A_62 : f32 to vector<1024x128xf32>
    %mul3A_64 = arith.mulf %mul3A_63, %add3A_58 : vector<1024x128xf32>
    %max3A_65 = arith.maximumf %add3A_58, %mul3A_64 : vector<1024x128xf32>
    %get3A_66 = arith.constant 0 : index
    %get3A_67 = arith.constant 0 : index
    %get3A_68 = vector.load %arg4[%get3A_66, %get3A_67] : memref<128x256xf32, #tpu.memory_space<vmem>>, vector<128x256xf32>
    %dot_general3A_69 = arith.constant dense<0.000000e+00> : vector<1024x256xf32>
    %dot_general3A_70 = tpu.matmul %max3A, %get3A_68, %dot_general3A_69 {dimension_numbers = #tpu.dot_dimension_numbers<[1], [0], [0], [1], [0, 0, 1, 1], [], []>, transpose_lhs_hint = false} : vector<1024x128xf32>, vector<128x256xf32>, vector<1024x256xf32> -> vector<1024x256xf32>
    %get3A_71 = arith.constant 0 : index
    %get3A_72 = arith.constant 0 : index
    %get3A_73 = vector.load %arg5[%get3A_71, %get3A_72] : memref<128x256xf32, #tpu.memory_space<vmem>>, vector<128x256xf32>
    %dot_general3A_74 = arith.constant dense<0.000000e+00> : vector<1024x256xf32>
    %dot_general3A_75 = tpu.matmul %max3A_65, %get3A_73, %dot_general3A_74 {dimension_numbers = #tpu.dot_dimension_numbers<[1], [0], [0], [1], [0, 0, 1, 1], [], []>, transpose_lhs_hint = false} : vector<1024x128xf32>, vector<128x256xf32>, vector<1024x256xf32> -> vector<1024x256xf32>
    %add3A_76 = arith.addf %dot_general3A_70, %dot_general3A_75 : vector<1024x256xf32>
    %get3A_77 = arith.constant 0 : index
    %get3A_78 = arith.constant 0 : index
    %get3A_79 = vector.load %arg8[%get3A_77, %get3A_78] : memref<1x256xf32, #tpu.memory_space<vmem>>, vector<1x256xf32>
    %add3A_80 = vector.broadcast %get3A_79 : vector<1x256xf32> to vector<1024x256xf32>
    %add3A_81 = arith.addf %add3A_76, %add3A_80 : vector<1024x256xf32>
    %dot_general3A_82 = arith.constant dense<0.000000e+00> : vector<1024x256xf32>
    %dot_general3A_83 = tpu.matmul %add3A_81, %get3A_6, %dot_general3A_82 {dimension_numbers = #tpu.dot_dimension_numbers<[1], [0], [0], [1], [0, 0, 1, 1], [], []>, transpose_lhs_hint = false} : vector<1024x256xf32>, vector<256x256xf32>, vector<1024x256xf32> -> vector<1024x256xf32>
    %sub3A_84 = arith.subf %add3A_81, %dot_general3A_83 : vector<1024x256xf32>
    %mul3A_85 = arith.mulf %sub3A_84, %sub3A_84 : vector<1024x256xf32>
    %dot_general3A_86 = arith.constant dense<0.000000e+00> : vector<1024x256xf32>
    %dot_general3A_87 = tpu.matmul %mul3A_85, %get3A_6, %dot_general3A_86 {dimension_numbers = #tpu.dot_dimension_numbers<[1], [0], [0], [1], [0, 0, 1, 1], [], []>, transpose_lhs_hint = false} : vector<1024x256xf32>, vector<256x256xf32>, vector<1024x256xf32> -> vector<1024x256xf32>
    %add3A_88 = arith.constant 9.99999974E-6 : f32
    %add3A_89 = vector.broadcast %add3A_88 : f32 to vector<1024x256xf32>
    %add3A_90 = arith.addf %dot_general3A_87, %add3A_89 : vector<1024x256xf32>
    %rsqrt3A_91 = math.rsqrt %add3A_90 : vector<1024x256xf32>
    %mul3A_92 = arith.mulf %sub3A_84, %rsqrt3A_91 : vector<1024x256xf32>
    %get3A_93 = arith.constant 0 : index
    %get3A_94 = arith.constant 0 : index
    %get3A_95 = vector.load %arg13[%get3A_93, %get3A_94] : memref<1x256xf32, #tpu.memory_space<vmem>>, vector<1x256xf32>
    %mul3A_96 = vector.broadcast %get3A_95 : vector<1x256xf32> to vector<1024x256xf32>
    %mul3A_97 = arith.mulf %mul3A_92, %mul3A_96 : vector<1024x256xf32>
    %get3A_98 = arith.constant 0 : index
    %get3A_99 = arith.constant 0 : index
    %get3A_100 = vector.load %arg14[%get3A_98, %get3A_99] : memref<1x256xf32, #tpu.memory_space<vmem>>, vector<1x256xf32>
    %add3A_101 = vector.broadcast %get3A_100 : vector<1x256xf32> to vector<1024x256xf32>
    %add3A_102 = arith.addf %mul3A_97, %add3A_101 : vector<1024x256xf32>
    %mul3A_103 = arith.constant 2.000000e-01 : f32
    %mul3A_104 = vector.broadcast %mul3A_103 : f32 to vector<1024x256xf32>
    %mul3A_105 = arith.mulf %mul3A_104, %add3A_102 : vector<1024x256xf32>
    %max3A_106 = arith.maximumf %add3A_102, %mul3A_105 : vector<1024x256xf32>
    %get3A_107 = arith.constant 0 : index
    %get3A_108 = arith.constant 0 : index
    %get3A_109 = arith.constant 0 : index
    %get3A_110 = vector.load %arg3[%get3A_107, %get3A_108, %get3A_109] : memref<1x128x16xf32, #tpu.memory_space<vmem>>, vector<1x128x16xf32>
    %get3A_111 = vector.shape_cast %get3A_110 : vector<1x128x16xf32> to vector<128x16xf32>
    %slice3A = vector.extract_strided_slice %max3A_106 {offsets = [0, 0], sizes = [64, 256], strides = [1, 1]} : vector<1024x256xf32> to vector<64x256xf32>
    %slice3A_112 = vector.extract_strided_slice %slice3A {offsets = [0, 0], sizes = [64, 128], strides = [1, 1]} : vector<64x256xf32> to vector<64x128xf32>
    %slice3A_113 = vector.extract_strided_slice %slice3A {offsets = [0, 128], sizes = [64, 128], strides = [1, 1]} : vector<64x256xf32> to vector<64x128xf32>
    %concatenate3A = tpu.concatenate %slice3A_112, %slice3A_113 in 0 : vector<64x128xf32>, vector<64x128xf32> -> vector<128x128xf32>
    %slice3A_114 = vector.extract_strided_slice %get3A_111 {offsets = [0, 0], sizes = [128, 1], strides = [1, 1]} : vector<128x16xf32> to vector<128x1xf32>
    %mul3A_115 = vector.broadcast %slice3A_114 : vector<128x1xf32> to vector<128x128xf32>
    %mul3A_116 = arith.mulf %concatenate3A, %mul3A_115 : vector<128x128xf32>
    %swap3A = arith.constant 0 : index
    %swap3A_117 = arith.constant 0 : index
    %swap3A_118 = vector.load %arg15[%swap3A, %swap3A_117] : memref<2048x128xf32, #tpu.memory_space<vmem>>, vector<128x128xf32>
    tpu.vector_store %arg15[%swap3A, %swap3A_117], %mul3A_116 {strides = array<i32>} : memref<2048x128xf32, #tpu.memory_space<vmem>>, vector<128x128xf32>,
    %slice3A_119 = vector.extract_strided_slice %max3A_106 {offsets = [64, 0], sizes = [64, 256], strides = [1, 1]} : vector<1024x256xf32> to vector<64x256xf32>
    %slice3A_120 = vector.extract_strided_slice %slice3A_119 {offsets = [0, 0], sizes = [64, 128], strides = [1, 1]} : vector<64x256xf32> to vector<64x128xf32>
    %slice3A_121 = vector.extract_strided_slice %slice3A_119 {offsets = [0, 128], sizes = [64, 128], strides = [1, 1]} : vector<64x256xf32> to vector<64x128xf32>
    %concatenate3A_122 = tpu.concatenate %slice3A_120, %slice3A_121 in 0 : vector<64x128xf32>, vector<64x128xf32> -> vector<128x128xf32>
    %slice3A_123 = vector.extract_strided_slice %get3A_111 {offsets = [0, 1], sizes = [128, 1], strides = [1, 1]} : vector<128x16xf32> to vector<128x1xf32>
    %mul3A_124 = vector.broadcast %slice3A_123 : vector<128x1xf32> to vector<128x128xf32>
    %mul3A_125 = arith.mulf %concatenate3A_122, %mul3A_124 : vector<128x128xf32>
    %swap3A_126 = arith.constant 128 : index
    %swap3A_127 = arith.constant 0 : index
    %swap3A_128 = vector.load %arg15[%swap3A_126, %swap3A_127] : memref<2048x128xf32, #tpu.memory_space<vmem>>, vector<128x128xf32>
    tpu.vector_store %arg15[%swap3A_126, %swap3A_127], %mul3A_125 {strides = array<i32>} : memref<2048x128xf32, #tpu.memory_space<vmem>>, vector<128x128xf32>,
    %slice3A_129 = vector.extract_strided_slice %max3A_106 {offsets = [128, 0], sizes = [64, 256], strides = [1, 1]} : vector<1024x256xf32> to vector<64x256xf32>
    %slice3A_130 = vector.extract_strided_slice %slice3A_129 {offsets = [0, 0], sizes = [64, 128], strides = [1, 1]} : vector<64x256xf32> to vector<64x128xf32>
    %slice3A_131 = vector.extract_strided_slice %slice3A_129 {offsets = [0, 128], sizes = [64, 128], strides = [1, 1]} : vector<64x256xf32> to vector<64x128xf32>
    %concatenate3A_132 = tpu.concatenate %slice3A_130, %slice3A_131 in 0 : vector<64x128xf32>, vector<64x128xf32> -> vector<128x128xf32>
    %slice3A_133 = vector.extract_strided_slice %get3A_111 {offsets = [0, 2], sizes = [128, 1], strides = [1, 1]} : vector<128x16xf32> to vector<128x1xf32>
    %mul3A_134 = vector.broadcast %slice3A_133 : vector<128x1xf32> to vector<128x128xf32>
    %mul3A_135 = arith.mulf %concatenate3A_132, %mul3A_134 : vector<128x128xf32>
    %swap3A_136 = arith.constant 256 : index
    %swap3A_137 = arith.constant 0 : index
    %swap3A_138 = vector.load %arg15[%swap3A_136, %swap3A_137] : memref<2048x128xf32, #tpu.memory_space<vmem>>, vector<128x128xf32>
    tpu.vector_store %arg15[%swap3A_136, %swap3A_137], %mul3A_135 {strides = array<i32>} : memref<2048x128xf32, #tpu.memory_space<vmem>>, vector<128x128xf32>,
    %slice3A_139 = vector.extract_strided_slice %max3A_106 {offsets = [192, 0], sizes = [64, 256], strides = [1, 1]} : vector<1024x256xf32> to vector<64x256xf32>
    %slice3A_140 = vector.extract_strided_slice %slice3A_139 {offsets = [0, 0], sizes = [64, 128], strides = [1, 1]} : vector<64x256xf32> to vector<64x128xf32>
    %slice3A_141 = vector.extract_strided_slice %slice3A_139 {offsets = [0, 128], sizes = [64, 128], strides = [1, 1]} : vector<64x256xf32> to vector<64x128xf32>
    %concatenate3A_142 = tpu.concatenate %slice3A_140, %slice3A_141 in 0 : vector<64x128xf32>, vector<64x128xf32> -> vector<128x128xf32>
    %slice3A_143 = vector.extract_strided_slice %get3A_111 {offsets = [0, 3], sizes = [128, 1], strides = [1, 1]} : vector<128x16xf32> to vector<128x1xf32>
    %mul3A_144 = vector.broadcast %slice3A_143 : vector<128x1xf32> to vector<128x128xf32>
    %mul3A_145 = arith.mulf %concatenate3A_142, %mul3A_144 : vector<128x128xf32>
    %swap3A_146 = arith.constant 384 : index
    %swap3A_147 = arith.constant 0 : index
    %swap3A_148 = vector.load %arg15[%swap3A_146, %swap3A_147] : memref<2048x128xf32, #tpu.memory_space<vmem>>, vector<128x128xf32>
    tpu.vector_store %arg15[%swap3A_146, %swap3A_147], %mul3A_145 {strides = array<i32>} : memref<2048x128xf32, #tpu.memory_space<vmem>>, vector<128x128xf32>,
    %slice3A_149 = vector.extract_strided_slice %max3A_106 {offsets = [256, 0], sizes = [64, 256], strides = [1, 1]} : vector<1024x256xf32> to vector<64x256xf32>
    %slice3A_150 = vector.extract_strided_slice %slice3A_149 {offsets = [0, 0], sizes = [64, 128], strides = [1, 1]} : vector<64x256xf32> to vector<64x128xf32>
    %slice3A_151 = vector.extract_strided_slice %slice3A_149 {offsets = [0, 128], sizes = [64, 128], strides = [1, 1]} : vector<64x256xf32> to vector<64x128xf32>
    %concatenate3A_152 = tpu.concatenate %slice3A_150, %slice3A_151 in 0 : vector<64x128xf32>, vector<64x128xf32> -> vector<128x128xf32>
    %slice3A_153 = vector.extract_strided_slice %get3A_111 {offsets = [0, 4], sizes = [128, 1], strides = [1, 1]} : vector<128x16xf32> to vector<128x1xf32>
    %mul3A_154 = vector.broadcast %slice3A_153 : vector<128x1xf32> to vector<128x128xf32>
    %mul3A_155 = arith.mulf %concatenate3A_152, %mul3A_154 : vector<128x128xf32>
    %swap3A_156 = arith.constant 512 : index
    %swap3A_157 = arith.constant 0 : index
    %swap3A_158 = vector.load %arg15[%swap3A_156, %swap3A_157] : memref<2048x128xf32, #tpu.memory_space<vmem>>, vector<128x128xf32>
    tpu.vector_store %arg15[%swap3A_156, %swap3A_157], %mul3A_155 {strides = array<i32>} : memref<2048x128xf32, #tpu.memory_space<vmem>>, vector<128x128xf32>,
    %slice3A_159 = vector.extract_strided_slice %max3A_106 {offsets = [320, 0], sizes = [64, 256], strides = [1, 1]} : vector<1024x256xf32> to vector<64x256xf32>
    %slice3A_160 = vector.extract_strided_slice %slice3A_159 {offsets = [0, 0], sizes = [64, 128], strides = [1, 1]} : vector<64x256xf32> to vector<64x128xf32>
    %slice3A_161 = vector.extract_strided_slice %slice3A_159 {offsets = [0, 128], sizes = [64, 128], strides = [1, 1]} : vector<64x256xf32> to vector<64x128xf32>
    %concatenate3A_162 = tpu.concatenate %slice3A_160, %slice3A_161 in 0 : vector<64x128xf32>, vector<64x128xf32> -> vector<128x128xf32>
    %slice3A_163 = vector.extract_strided_slice %get3A_111 {offsets = [0, 5], sizes = [128, 1], strides = [1, 1]} : vector<128x16xf32> to vector<128x1xf32>
    %mul3A_164 = vector.broadcast %slice3A_163 : vector<128x1xf32> to vector<128x128xf32>
    %mul3A_165 = arith.mulf %concatenate3A_162, %mul3A_164 : vector<128x128xf32>
    %swap3A_166 = arith.constant 640 : index
    %swap3A_167 = arith.constant 0 : index
    %swap3A_168 = vector.load %arg15[%swap3A_166, %swap3A_167] : memref<2048x128xf32, #tpu.memory_space<vmem>>, vector<128x128xf32>
    tpu.vector_store %arg15[%swap3A_166, %swap3A_167], %mul3A_165 {strides = array<i32>} : memref<2048x128xf32, #tpu.memory_space<vmem>>, vector<128x128xf32>,
    %slice3A_169 = vector.extract_strided_slice %max3A_106 {offsets = [384, 0], sizes = [64, 256], strides = [1, 1]} : vector<1024x256xf32> to vector<64x256xf32>
    %slice3A_170 = vector.extract_strided_slice %slice3A_169 {offsets = [0, 0], sizes = [64, 128], strides = [1, 1]} : vector<64x256xf32> to vector<64x128xf32>
    %slice3A_171 = vector.extract_strided_slice %slice3A_169 {offsets = [0, 128], sizes = [64, 128], strides = [1, 1]} : vector<64x256xf32> to vector<64x128xf32>
    %concatenate3A_172 = tpu.concatenate %slice3A_170, %slice3A_171 in 0 : vector<64x128xf32>, vector<64x128xf32> -> vector<128x128xf32>
    %slice3A_173 = vector.extract_strided_slice %get3A_111 {offsets = [0, 6], sizes = [128, 1], strides = [1, 1]} : vector<128x16xf32> to vector<128x1xf32>
    %mul3A_174 = vector.broadcast %slice3A_173 : vector<128x1xf32> to vector<128x128xf32>
    %mul3A_175 = arith.mulf %concatenate3A_172, %mul3A_174 : vector<128x128xf32>
    %swap3A_176 = arith.constant 768 : index
    %swap3A_177 = arith.constant 0 : index
    %swap3A_178 = vector.load %arg15[%swap3A_176, %swap3A_177] : memref<2048x128xf32, #tpu.memory_space<vmem>>, vector<128x128xf32>
    tpu.vector_store %arg15[%swap3A_176, %swap3A_177], %mul3A_175 {strides = array<i32>} : memref<2048x128xf32, #tpu.memory_space<vmem>>, vector<128x128xf32>,
    %slice3A_179 = vector.extract_strided_slice %max3A_106 {offsets = [448, 0], sizes = [64, 256], strides = [1, 1]} : vector<1024x256xf32> to vector<64x256xf32>
    %slice3A_180 = vector.extract_strided_slice %slice3A_179 {offsets = [0, 0], sizes = [64, 128], strides = [1, 1]} : vector<64x256xf32> to vector<64x128xf32>
    %slice3A_181 = vector.extract_strided_slice %slice3A_179 {offsets = [0, 128], sizes = [64, 128], strides = [1, 1]} : vector<64x256xf32> to vector<64x128xf32>
    %concatenate3A_182 = tpu.concatenate %slice3A_180, %slice3A_181 in 0 : vector<64x128xf32>, vector<64x128xf32> -> vector<128x128xf32>
    %slice3A_183 = vector.extract_strided_slice %get3A_111 {offsets = [0, 7], sizes = [128, 1], strides = [1, 1]} : vector<128x16xf32> to vector<128x1xf32>
    %mul3A_184 = vector.broadcast %slice3A_183 : vector<128x1xf32> to vector<128x128xf32>
    %mul3A_185 = arith.mulf %concatenate3A_182, %mul3A_184 : vector<128x128xf32>
    %swap3A_186 = arith.constant 896 : index
    %swap3A_187 = arith.constant 0 : index
    %swap3A_188 = vector.load %arg15[%swap3A_186, %swap3A_187] : memref<2048x128xf32, #tpu.memory_space<vmem>>, vector<128x128xf32>
    tpu.vector_store %arg15[%swap3A_186, %swap3A_187], %mul3A_185 {strides = array<i32>} : memref<2048x128xf32, #tpu.memory_space<vmem>>, vector<128x128xf32>,
    %slice3A_189 = vector.extract_strided_slice %max3A_106 {offsets = [512, 0], sizes = [64, 256], strides = [1, 1]} : vector<1024x256xf32> to vector<64x256xf32>
    %slice3A_190 = vector.extract_strided_slice %slice3A_189 {offsets = [0, 0], sizes = [64, 128], strides = [1, 1]} : vector<64x256xf32> to vector<64x128xf32>
    %slice3A_191 = vector.extract_strided_slice %slice3A_189 {offsets = [0, 128], sizes = [64, 128], strides = [1, 1]} : vector<64x256xf32> to vector<64x128xf32>
    %concatenate3A_192 = tpu.concatenate %slice3A_190, %slice3A_191 in 0 : vector<64x128xf32>, vector<64x128xf32> -> vector<128x128xf32>
    %slice3A_193 = vector.extract_strided_slice %get3A_111 {offsets = [0, 8], sizes = [128, 1], strides = [1, 1]} : vector<128x16xf32> to vector<128x1xf32>
    %mul3A_194 = vector.broadcast %slice3A_193 : vector<128x1xf32> to vector<128x128xf32>
    %mul3A_195 = arith.mulf %concatenate3A_192, %mul3A_194 : vector<128x128xf32>
    %swap3A_196 = arith.constant 1024 : index
    %swap3A_197 = arith.constant 0 : index
    %swap3A_198 = vector.load %arg15[%swap3A_196, %swap3A_197] : memref<2048x128xf32, #tpu.memory_space<vmem>>, vector<128x128xf32>
    tpu.vector_store %arg15[%swap3A_196, %swap3A_197], %mul3A_195 {strides = array<i32>} : memref<2048x128xf32, #tpu.memory_space<vmem>>, vector<128x128xf32>,
    %slice3A_199 = vector.extract_strided_slice %max3A_106 {offsets = [576, 0], sizes = [64, 256], strides = [1, 1]} : vector<1024x256xf32> to vector<64x256xf32>
    %slice3A_200 = vector.extract_strided_slice %slice3A_199 {offsets = [0, 0], sizes = [64, 128], strides = [1, 1]} : vector<64x256xf32> to vector<64x128xf32>
    %slice3A_201 = vector.extract_strided_slice %slice3A_199 {offsets = [0, 128], sizes = [64, 128], strides = [1, 1]} : vector<64x256xf32> to vector<64x128xf32>
    %concatenate3A_202 = tpu.concatenate %slice3A_200, %slice3A_201 in 0 : vector<64x128xf32>, vector<64x128xf32> -> vector<128x128xf32>
    %slice3A_203 = vector.extract_strided_slice %get3A_111 {offsets = [0, 9], sizes = [128, 1], strides = [1, 1]} : vector<128x16xf32> to vector<128x1xf32>
    %mul3A_204 = vector.broadcast %slice3A_203 : vector<128x1xf32> to vector<128x128xf32>
    %mul3A_205 = arith.mulf %concatenate3A_202, %mul3A_204 : vector<128x128xf32>
    %swap3A_206 = arith.constant 1152 : index
    %swap3A_207 = arith.constant 0 : index
    %swap3A_208 = vector.load %arg15[%swap3A_206, %swap3A_207] : memref<2048x128xf32, #tpu.memory_space<vmem>>, vector<128x128xf32>
    tpu.vector_store %arg15[%swap3A_206, %swap3A_207], %mul3A_205 {strides = array<i32>} : memref<2048x128xf32, #tpu.memory_space<vmem>>, vector<128x128xf32>,
    %slice3A_209 = vector.extract_strided_slice %max3A_106 {offsets = [640, 0], sizes = [64, 256], strides = [1, 1]} : vector<1024x256xf32> to vector<64x256xf32>
    %slice3A_210 = vector.extract_strided_slice %slice3A_209 {offsets = [0, 0], sizes = [64, 128], strides = [1, 1]} : vector<64x256xf32> to vector<64x128xf32>
    %slice3A_211 = vector.extract_strided_slice %slice3A_209 {offsets = [0, 128], sizes = [64, 128], strides = [1, 1]} : vector<64x256xf32> to vector<64x128xf32>
    %concatenate3A_212 = tpu.concatenate %slice3A_210, %slice3A_211 in 0 : vector<64x128xf32>, vector<64x128xf32> -> vector<128x128xf32>
    %slice3A_213 = vector.extract_strided_slice %get3A_111 {offsets = [0, 10], sizes = [128, 1], strides = [1, 1]} : vector<128x16xf32> to vector<128x1xf32>
    %mul3A_214 = vector.broadcast %slice3A_213 : vector<128x1xf32> to vector<128x128xf32>
    %mul3A_215 = arith.mulf %concatenate3A_212, %mul3A_214 : vector<128x128xf32>
    %swap3A_216 = arith.constant 1280 : index
    %swap3A_217 = arith.constant 0 : index
    %swap3A_218 = vector.load %arg15[%swap3A_216, %swap3A_217] : memref<2048x128xf32, #tpu.memory_space<vmem>>, vector<128x128xf32>
    tpu.vector_store %arg15[%swap3A_216, %swap3A_217], %mul3A_215 {strides = array<i32>} : memref<2048x128xf32, #tpu.memory_space<vmem>>, vector<128x128xf32>,
    %slice3A_219 = vector.extract_strided_slice %max3A_106 {offsets = [704, 0], sizes = [64, 256], strides = [1, 1]} : vector<1024x256xf32> to vector<64x256xf32>
    %slice3A_220 = vector.extract_strided_slice %slice3A_219 {offsets = [0, 0], sizes = [64, 128], strides = [1, 1]} : vector<64x256xf32> to vector<64x128xf32>
    %slice3A_221 = vector.extract_strided_slice %slice3A_219 {offsets = [0, 128], sizes = [64, 128], strides = [1, 1]} : vector<64x256xf32> to vector<64x128xf32>
    %concatenate3A_222 = tpu.concatenate %slice3A_220, %slice3A_221 in 0 : vector<64x128xf32>, vector<64x128xf32> -> vector<128x128xf32>
    %slice3A_223 = vector.extract_strided_slice %get3A_111 {offsets = [0, 11], sizes = [128, 1], strides = [1, 1]} : vector<128x16xf32> to vector<128x1xf32>
    %mul3A_224 = vector.broadcast %slice3A_223 : vector<128x1xf32> to vector<128x128xf32>
    %mul3A_225 = arith.mulf %concatenate3A_222, %mul3A_224 : vector<128x128xf32>
    %swap3A_226 = arith.constant 1408 : index
    %swap3A_227 = arith.constant 0 : index
    %swap3A_228 = vector.load %arg15[%swap3A_226, %swap3A_227] : memref<2048x128xf32, #tpu.memory_space<vmem>>, vector<128x128xf32>
    tpu.vector_store %arg15[%swap3A_226, %swap3A_227], %mul3A_225 {strides = array<i32>} : memref<2048x128xf32, #tpu.memory_space<vmem>>, vector<128x128xf32>,
    %slice3A_229 = vector.extract_strided_slice %max3A_106 {offsets = [768, 0], sizes = [64, 256], strides = [1, 1]} : vector<1024x256xf32> to vector<64x256xf32>
    %slice3A_230 = vector.extract_strided_slice %slice3A_229 {offsets = [0, 0], sizes = [64, 128], strides = [1, 1]} : vector<64x256xf32> to vector<64x128xf32>
    %slice3A_231 = vector.extract_strided_slice %slice3A_229 {offsets = [0, 128], sizes = [64, 128], strides = [1, 1]} : vector<64x256xf32> to vector<64x128xf32>
    %concatenate3A_232 = tpu.concatenate %slice3A_230, %slice3A_231 in 0 : vector<64x128xf32>, vector<64x128xf32> -> vector<128x128xf32>
    %slice3A_233 = vector.extract_strided_slice %get3A_111 {offsets = [0, 12], sizes = [128, 1], strides = [1, 1]} : vector<128x16xf32> to vector<128x1xf32>
    %mul3A_234 = vector.broadcast %slice3A_233 : vector<128x1xf32> to vector<128x128xf32>
    %mul3A_235 = arith.mulf %concatenate3A_232, %mul3A_234 : vector<128x128xf32>
    %swap3A_236 = arith.constant 1536 : index
    %swap3A_237 = arith.constant 0 : index
    %swap3A_238 = vector.load %arg15[%swap3A_236, %swap3A_237] : memref<2048x128xf32, #tpu.memory_space<vmem>>, vector<128x128xf32>
    tpu.vector_store %arg15[%swap3A_236, %swap3A_237], %mul3A_235 {strides = array<i32>} : memref<2048x128xf32, #tpu.memory_space<vmem>>, vector<128x128xf32>,
    %slice3A_239 = vector.extract_strided_slice %max3A_106 {offsets = [832, 0], sizes = [64, 256], strides = [1, 1]} : vector<1024x256xf32> to vector<64x256xf32>
    %slice3A_240 = vector.extract_strided_slice %slice3A_239 {offsets = [0, 0], sizes = [64, 128], strides = [1, 1]} : vector<64x256xf32> to vector<64x128xf32>
    %slice3A_241 = vector.extract_strided_slice %slice3A_239 {offsets = [0, 128], sizes = [64, 128], strides = [1, 1]} : vector<64x256xf32> to vector<64x128xf32>
    %concatenate3A_242 = tpu.concatenate %slice3A_240, %slice3A_241 in 0 : vector<64x128xf32>, vector<64x128xf32> -> vector<128x128xf32>
    %slice3A_243 = vector.extract_strided_slice %get3A_111 {offsets = [0, 13], sizes = [128, 1], strides = [1, 1]} : vector<128x16xf32> to vector<128x1xf32>
    %mul3A_244 = vector.broadcast %slice3A_243 : vector<128x1xf32> to vector<128x128xf32>
    %mul3A_245 = arith.mulf %concatenate3A_242, %mul3A_244 : vector<128x128xf32>
    %swap3A_246 = arith.constant 1664 : index
    %swap3A_247 = arith.constant 0 : index
    %swap3A_248 = vector.load %arg15[%swap3A_246, %swap3A_247] : memref<2048x128xf32, #tpu.memory_space<vmem>>, vector<128x128xf32>
    tpu.vector_store %arg15[%swap3A_246, %swap3A_247], %mul3A_245 {strides = array<i32>} : memref<2048x128xf32, #tpu.memory_space<vmem>>, vector<128x128xf32>,
    %slice3A_249 = vector.extract_strided_slice %max3A_106 {offsets = [896, 0], sizes = [64, 256], strides = [1, 1]} : vector<1024x256xf32> to vector<64x256xf32>
    %slice3A_250 = vector.extract_strided_slice %slice3A_249 {offsets = [0, 0], sizes = [64, 128], strides = [1, 1]} : vector<64x256xf32> to vector<64x128xf32>
    %slice3A_251 = vector.extract_strided_slice %slice3A_249 {offsets = [0, 128], sizes = [64, 128], strides = [1, 1]} : vector<64x256xf32> to vector<64x128xf32>
    %concatenate3A_252 = tpu.concatenate %slice3A_250, %slice3A_251 in 0 : vector<64x128xf32>, vector<64x128xf32> -> vector<128x128xf32>
    %slice3A_253 = vector.extract_strided_slice %get3A_111 {offsets = [0, 14], sizes = [128, 1], strides = [1, 1]} : vector<128x16xf32> to vector<128x1xf32>
    %mul3A_254 = vector.broadcast %slice3A_253 : vector<128x1xf32> to vector<128x128xf32>
    %mul3A_255 = arith.mulf %concatenate3A_252, %mul3A_254 : vector<128x128xf32>
    %swap3A_256 = arith.constant 1792 : index
    %swap3A_257 = arith.constant 0 : index
    %swap3A_258 = vector.load %arg15[%swap3A_256, %swap3A_257] : memref<2048x128xf32, #tpu.memory_space<vmem>>, vector<128x128xf32>
    tpu.vector_store %arg15[%swap3A_256, %swap3A_257], %mul3A_255 {strides = array<i32>} : memref<2048x128xf32, #tpu.memory_space<vmem>>, vector<128x128xf32>,
    %slice3A_259 = vector.extract_strided_slice %max3A_106 {offsets = [960, 0], sizes = [64, 256], strides = [1, 1]} : vector<1024x256xf32> to vector<64x256xf32>
    %slice3A_260 = vector.extract_strided_slice %slice3A_259 {offsets = [0, 0], sizes = [64, 128], strides = [1, 1]} : vector<64x256xf32> to vector<64x128xf32>
    %slice3A_261 = vector.extract_strided_slice %slice3A_259 {offsets = [0, 128], sizes = [64, 128], strides = [1, 1]} : vector<64x256xf32> to vector<64x128xf32>
    %concatenate3A_262 = tpu.concatenate %slice3A_260, %slice3A_261 in 0 : vector<64x128xf32>, vector<64x128xf32> -> vector<128x128xf32>
    %slice3A_263 = vector.extract_strided_slice %get3A_111 {offsets = [0, 15], sizes = [128, 1], strides = [1, 1]} : vector<128x16xf32> to vector<128x1xf32>
    %mul3A_264 = vector.broadcast %slice3A_263 : vector<128x1xf32> to vector<128x128xf32>
    %mul3A_265 = arith.mulf %concatenate3A_262, %mul3A_264 : vector<128x128xf32>
    %swap3A_266 = arith.constant 1920 : index
    %swap3A_267 = arith.constant 0 : index
    %swap3A_268 = vector.load %arg15[%swap3A_266, %swap3A_267] : memref<2048x128xf32, #tpu.memory_space<vmem>>, vector<128x128xf32>
    tpu.vector_store %arg15[%swap3A_266, %swap3A_267], %mul3A_265 {strides = array<i32>} : memref<2048x128xf32, #tpu.memory_space<vmem>>, vector<128x128xf32>,
    return
  }
  func.func @transform_0(%arg0: i32) -> (i32, i32) {
    %c0_i32 = arith.constant 0 : i32
    %c0_i32_0 = arith.constant 0 : i32
    return %arg0, %c0_i32 : i32, i32
  }
  func.func @transform_1(%arg0: i32) -> (i32, i32) {
    %c0_i32 = arith.constant 0 : i32
    %c0_i32_0 = arith.constant 0 : i32
    return %arg0, %c0_i32 : i32, i32
  }
  func.func @transform_2(%arg0: i32) -> (i32, i32, i32) {
    %c0_i32 = arith.constant 0 : i32
    %c0_i32_0 = arith.constant 0 : i32
    %c0_i32_1 = arith.constant 0 : i32
    return %arg0, %c0_i32, %c0_i32_0 : i32, i32, i32
  }
  func.func @transform_3(%arg0: i32) -> (i32, i32) {
    %c0_i32 = arith.constant 0 : i32
    %c0_i32_0 = arith.constant 0 : i32
    %c0_i32_1 = arith.constant 0 : i32
    return %c0_i32, %c0_i32_0 : i32, i32
  }
  func.func @transform_4(%arg0: i32) -> (i32, i32) {
    %c0_i32 = arith.constant 0 : i32
    %c0_i32_0 = arith.constant 0 : i32
    %c0_i32_1 = arith.constant 0 : i32
    return %c0_i32, %c0_i32_0 : i32, i32
  }
  func.func @transform_5(%arg0: i32) -> (i32, i32) {
    %c0_i32 = arith.constant 0 : i32
    %c0_i32_0 = arith.constant 0 : i32
    %c0_i32_1 = arith.constant 0 : i32
    return %c0_i32, %c0_i32_0 : i32, i32
  }
  func.func @transform_6(%arg0: i32) -> (i32, i32) {
    %c0_i32 = arith.constant 0 : i32
    %c0_i32_0 = arith.constant 0 : i32
    %c0_i32_1 = arith.constant 0 : i32
    return %c0_i32, %c0_i32_0 : i32, i32
  }
  func.func @transform_7(%arg0: i32) -> (i32, i32) {
    %c0_i32 = arith.constant 0 : i32
    %c0_i32_0 = arith.constant 0 : i32
    %c0_i32_1 = arith.constant 0 : i32
    return %c0_i32, %c0_i32_0 : i32, i32
  }
  func.func @transform_8(%arg0: i32) -> (i32, i32) {
    %c0_i32 = arith.constant 0 : i32
    %c0_i32_0 = arith.constant 0 : i32
    %c0_i32_1 = arith.constant 0 : i32
    return %c0_i32, %c0_i32_0 : i32, i32
  }
  func.func @transform_9(%arg0: i32) -> (i32, i32) {
    %c0_i32 = arith.constant 0 : i32
    %c0_i32_0 = arith.constant 0 : i32
    %c0_i32_1 = arith.constant 0 : i32
    return %c0_i32, %c0_i32_0 : i32, i32
  }
  func.func @transform_10(%arg0: i32) -> (i32, i32) {
    %c0_i32 = arith.constant 0 : i32
    %c0_i32_0 = arith.constant 0 : i32
    %c0_i32_1 = arith.constant 0 : i32
    return %c0_i32, %c0_i32_0 : i32, i32
  }
  func.func @transform_11(%arg0: i32) -> (i32, i32) {
    %c0_i32 = arith.constant 0 : i32
    %c0_i32_0 = arith.constant 0 : i32
    %c0_i32_1 = arith.constant 0 : i32
    return %c0_i32, %c0_i32_0 : i32, i32
  }
  func.func @transform_12(%arg0: i32) -> (i32, i32) {
    %c0_i32 = arith.constant 0 : i32
    %c0_i32_0 = arith.constant 0 : i32
    %c0_i32_1 = arith.constant 0 : i32
    return %c0_i32, %c0_i32_0 : i32, i32
  }
  func.func @transform_13(%arg0: i32) -> (i32, i32) {
    %c0_i32 = arith.constant 0 : i32
    %c0_i32_0 = arith.constant 0 : i32
    %c0_i32_1 = arith.constant 0 : i32
    return %c0_i32, %c0_i32_0 : i32, i32
  }
  func.func @transform_14(%arg0: i32) -> (i32, i32) {
    %c0_i32 = arith.constant 0 : i32
    %c0_i32_0 = arith.constant 0 : i32
    return %arg0, %c0_i32 : i32, i32
  }
}

module attributes {stable_mosaic.version = 14 : i64} {
  func.func @_sum_body(%arg0: i32, %arg1: memref<2x2000x128xf32, #tpu.memory_space<vmem>>, %arg2: memref<2x2000x128xf32, #tpu.memory_space<vmem>>, %arg3: memref<2x2000x128xf32, #tpu.memory_space<vmem>>, %arg4: memref<2000x128xf32, #tpu.memory_space<vmem>>) attributes {dimension_semantics = [#tpu.dimension_semantics<arbitrary>], iteration_bounds = array<i64: 5>, scalar_prefetch = 0 : i64, scratch_operands = 0 : i64, tpu.core_type = #tpu.core_type<tc>, window_params = [{transform_indices = @transform_0, window_bounds = array<i64: 2, 2000, 128>}, {transform_indices = @transform_1, window_bounds = array<i64: 2, 2000, 128>}, {transform_indices = @transform_2, window_bounds = array<i64: 2, 2000, 128>}, {transform_indices = @transform_3, window_bounds = array<i64: 2000, 128>}]} {
    %get3A = arith.constant 0 : index
    %get3A_0 = arith.constant 0 : index
    %get3A_1 = arith.constant 0 : index
    %get3A_2 = vector.load %arg1[%get3A, %get3A_0, %get3A_1] : memref<2x2000x128xf32, #tpu.memory_space<vmem>>, vector<1x2000x128xf32>
    %get3A_3 = vector.shape_cast %get3A_2 : vector<1x2000x128xf32> to vector<2000x128xf32>
    %add3A = arith.constant 0.000000e+00 : f32
    %add3A_4 = vector.broadcast %add3A : f32 to vector<2000x128xf32>
    %add3A_5 = arith.addf %add3A_4, %get3A_3 : vector<2000x128xf32>
    %get3A_6 = arith.constant 1 : index
    %get3A_7 = arith.constant 0 : index
    %get3A_8 = arith.constant 0 : index
    %get3A_9 = vector.load %arg1[%get3A_6, %get3A_7, %get3A_8] : memref<2x2000x128xf32, #tpu.memory_space<vmem>>, vector<1x2000x128xf32>
    %get3A_10 = vector.shape_cast %get3A_9 : vector<1x2000x128xf32> to vector<2000x128xf32>
    %add3A_11 = arith.addf %add3A_5, %get3A_10 : vector<2000x128xf32>
    %get3A_12 = arith.constant 0 : index
    %get3A_13 = arith.constant 0 : index
    %get3A_14 = arith.constant 0 : index
    %get3A_15 = vector.load %arg2[%get3A_12, %get3A_13, %get3A_14] : memref<2x2000x128xf32, #tpu.memory_space<vmem>>, vector<1x2000x128xf32>
    %get3A_16 = vector.shape_cast %get3A_15 : vector<1x2000x128xf32> to vector<2000x128xf32>
    %add3A_17 = arith.addf %add3A_11, %get3A_16 : vector<2000x128xf32>
    %get3A_18 = arith.constant 1 : index
    %get3A_19 = arith.constant 0 : index
    %get3A_20 = arith.constant 0 : index
    %get3A_21 = vector.load %arg2[%get3A_18, %get3A_19, %get3A_20] : memref<2x2000x128xf32, #tpu.memory_space<vmem>>, vector<1x2000x128xf32>
    %get3A_22 = vector.shape_cast %get3A_21 : vector<1x2000x128xf32> to vector<2000x128xf32>
    %add3A_23 = arith.addf %add3A_17, %get3A_22 : vector<2000x128xf32>
    %get3A_24 = arith.constant 0 : index
    %get3A_25 = arith.constant 0 : index
    %get3A_26 = arith.constant 0 : index
    %get3A_27 = vector.load %arg3[%get3A_24, %get3A_25, %get3A_26] : memref<2x2000x128xf32, #tpu.memory_space<vmem>>, vector<1x2000x128xf32>
    %get3A_28 = vector.shape_cast %get3A_27 : vector<1x2000x128xf32> to vector<2000x128xf32>
    %add3A_29 = arith.addf %add3A_23, %get3A_28 : vector<2000x128xf32>
    %get3A_30 = arith.constant 1 : index
    %get3A_31 = arith.constant 0 : index
    %get3A_32 = arith.constant 0 : index
    %get3A_33 = vector.load %arg3[%get3A_30, %get3A_31, %get3A_32] : memref<2x2000x128xf32, #tpu.memory_space<vmem>>, vector<1x2000x128xf32>
    %get3A_34 = vector.shape_cast %get3A_33 : vector<1x2000x128xf32> to vector<2000x128xf32>
    %add3A_35 = arith.addf %add3A_29, %get3A_34 : vector<2000x128xf32>
    %swap3A = arith.constant 0 : index
    %swap3A_36 = arith.constant 0 : index
    %swap3A_37 = vector.load %arg4[%swap3A, %swap3A_36] : memref<2000x128xf32, #tpu.memory_space<vmem>>, vector<2000x128xf32>
    tpu.vector_store %arg4[%swap3A, %swap3A_36], %add3A_35 {strides = array<i32>} : memref<2000x128xf32, #tpu.memory_space<vmem>>, vector<2000x128xf32>,
    return
  }
  func.func @transform_0(%arg0: i32) -> (i32, i32, i32) {
    %c0_i32 = arith.constant 0 : i32
    %c0_i32_0 = arith.constant 0 : i32
    %c0_i32_1 = arith.constant 0 : i32
    return %c0_i32, %arg0, %c0_i32_0 : i32, i32, i32
  }
  func.func @transform_1(%arg0: i32) -> (i32, i32, i32) {
    %c0_i32 = arith.constant 0 : i32
    %c0_i32_0 = arith.constant 0 : i32
    %c0_i32_1 = arith.constant 0 : i32
    return %c0_i32, %arg0, %c0_i32_0 : i32, i32, i32
  }
  func.func @transform_2(%arg0: i32) -> (i32, i32, i32) {
    %c0_i32 = arith.constant 0 : i32
    %c0_i32_0 = arith.constant 0 : i32
    %c0_i32_1 = arith.constant 0 : i32
    return %c0_i32, %arg0, %c0_i32_0 : i32, i32, i32
  }
  func.func @transform_3(%arg0: i32) -> (i32, i32) {
    %c0_i32 = arith.constant 0 : i32
    %c0_i32_0 = arith.constant 0 : i32
    return %arg0, %c0_i32 : i32, i32
  }
}

</mosaic_0001>

<sc_bundles>
// kernel: kernel.17.cloned.1.call-start
scs
__scs_entry_jumppad:
0x0: {  	(pc) =	sbr.rel $0x88, $3  }
0x1: {  	(tag) =	ssettag $0x0;
	lr =	simm.s32 $0x1  }
0x2: {  	[smem:$0x3F96] =	sst lr;
	_ =	strace $0xD0000000  }
0x3: {  	_ = 	snop  }
0x4: {  	_ = 	snop  }
0x5: {  	_ = 	snop  }
0x6: {  	_ = 	snop  }
0x7: {  	_ = 	snop  }
__scs_overlays_trampoline_lowered:
0x8: {  	[smem:$0x3FA5] =	sst s0  }
0x9: {  	[smem:$0x3FA6] =	sst s1  }
0xa: {  	[smem:$0x3FA7] =	sst s2  }
0xb: {  	[smem:$0x3FA8] =	sst s3  }
0xc: {  	[smem:$0x3FA9] =	sst s4  }
0xd: {  	[smem:$0x3FAA] =	sst s5  }
0xe: {  	[smem:$0x3FAB] =	sst s6  }
0xf: {  	[smem:$0x3FAC] =	sst s7  }
0x10: {  	[smem:$0x3FAD] =	sst s8  }
0x11: {  	[smem:$0x3FAE] =	sst s9;
	s0 =	simm.s32 @!p0 $0x0  }
0x12: {  	s1 =	sld [smem:$0x3F94];
	s0 =	simm.s32 @p0 $0x1  }
0x13: {  	[smem:$0x3FAF] =	sst s0;
	s0 =	simm.s32 @!p1 $0x0  }
0x14: {  	s2 =	sld [smem:$0x3F93];
	s0 =	simm.s32 @p1 $0x1  }
0x15: {  	[smem:$0x3FB0] =	sst s0;
	s0 =	simm.s32 @!p2 $0x0  }
0x16: {  	s3 =	sld [smem:$0x3FDB];
	s0 =	simm.s32 @p2 $0x1  }
0x17: {  	s4 =	simm.s32 $0x1BF5;
	[smem:$0x3FB2] =	sst s0  }
0x18: {  	s0 =	sld [smem:$0x3F95];
	_ =	swait.ge [sflag:s4], $0x0  }
0x19: {  	s7 =	sld [smem:$0x3F96]  }
0x1a: {  	s8 =	sadd.s32 $0xFFFFE003, lr  }
0x1b: {  	s9 =	sadd.s32 $0xFFFFFEF7, lr;
	s5 =	simm.s32 $0xFFFFFFFF;
	p2 =	slt.u32 s8, $0xFFFFF086  }
0x1c: {  	p1 =	slt.u32 s9, $0xF7A;
	s5 =	simm.s32 @!p2 $0x0  }
0x1d: {  	s5 =	simm.s32 @p1 $0x1;
	p0 =	seq.s32 s7, s2  }
0x1e: {  	s7 =	smul.u32 @!p0 $0xF7A, s2;
	p2 =	seq.s32 @!p0 s5, $0x0  }
0x1f: {  	s9 =	smul.u32 $0xF7A, s1;
	s8 =	simm.s32 @!p0 $0x1BF5;
	p2 =	por !p2, p0  }
0x20: {  	[sflag:s8] =	ssyncset.s32 @!p0 $0xFFFFF086;
	s6 =	sadd.s32 @!p0 s3, s7;
	s7 =	simm.s32 @!p0 $0x108  }
0x21: {  	s3 =	sadd.s32 s3, s9;
	s6 =	sadd.s32 @!p0 $0x88, s6;
	s7 =	simm.s32 @p2 $0x1082  }
0x22: {  	[simem:s7], [sflag:s8] =	dma.local @!p0 [hbm:s6], $0xF7A  }
0x23: {  	s9 =	sor.u32 $0xD0000000, s2;
	s6 =	simm.s32 $0x108;
	_ =	swait.ge @!p0 [sflag:s8], $0x0  }
0x24: {  	s3 =	sadd.s32 $0x88, s3;
	s6 =	simm.s32 @!p1 $0x1082;
	[sflag:s4] =	ssyncset.s32 $0xFFFFF086  }
0x25: {  	[simem:s6], [sflag:s4] =	dma.local [hbm:s3], $0xF7A  }
0x26: {  	[smem:$0x3F96] =	sst s1;
	(tag) =	ssettag s2;
	_ =	strace s9  }
0x27: {  	s1 =	sld [smem:$0x3FA6]  }
0x28: {  	s2 =	sld [smem:$0x3FA7]  }
0x29: {  	s4 =	sld [smem:$0x3FA9]  }
0x2a: {  	p0 =	seq.s32 s5, $0x0;
	s5 =	sld [smem:$0x3FAA]  }
0x2b: {  	s6 =	sld [smem:$0x3FAB]  }
0x2c: {  	s7 =	sld [smem:$0x3FAC]  }
0x2d: {  	s3 =	simm.s32 $0x108;
	s8 =	sld [smem:$0x3FAD]  }
0x2e: {  	s3 =	simm.s32 @!p0 $0x1082;
	s9 =	sld [smem:$0x3FAE]  }
0x2f: {  	lr =	sadd.s32 s0, s3;
	s0 =	sld [smem:$0x3FA5]  }
0x30: {  	s3 =	sld [smem:$0x3FA8]  }
0x31: {  	[smem:$0x3FB1] =	sst s10  }
0x32: {  	s10 =	sld [smem:$0x3FAF];
	_ =	sdelay $0x3  }
0x33: {  	p0 =	seq.s32 s10, $0x1;
	s10 =	sld [smem:$0x3FB1];
	_ =	sdelay $0x3  }
0x34: {  	[smem:$0x3FB1] =	sst s10  }
0x35: {  	s10 =	sld [smem:$0x3FB0];
	_ =	sdelay $0x3  }
0x36: {  	p1 =	seq.s32 s10, $0x1;
	s10 =	sld [smem:$0x3FB1];
	_ =	sdelay $0x3  }
0x37: {  	[smem:$0x3FB1] =	sst s10  }
0x38: {  	s10 =	sld [smem:$0x3FB2]  }
0x39: {  	_ = 	snop;
	(pc) =	sbr.ind lr, $3  }
0x3a: {  	_ = 	snop  }
0x3b: {  	_ = 	snop  }
0x3c: {  	p2 =	seq.s32 s10, $0x1;
	s10 =	sld [smem:$0x3FB1]  }
0x3d: {  	_ =	shalt  }
0x3e: {  	_ =	shalt  }
0x3f: {  	_ =	shalt  }
0x40: {  	_ =	shalt  }
0x41: {  	_ =	shalt  }
0x42: {  	_ =	shalt  }
0x43: {  	_ =	shalt  }
0x44: {  	_ =	shalt  }
0x45: {  	_ =	shalt  }
0x46: {  	_ =	shalt  }
0x47: {  	_ =	shalt  }
0x48: {  	_ =	shalt  }
0x49: {  	_ =	shalt  }
0x4a: {  	_ =	shalt  }
0x4b: {  	_ =	shalt  }
0x4c: {  	_ =	shalt  }
0x4d: {  	_ =	shalt  }
0x4e: {  	_ =	shalt  }
0x4f: {  	_ =	shalt  }
0x50: {  	_ =	shalt  }
0x51: {  	_ =	shalt  }
0x52: {  	_ =	shalt  }
0x53: {  	_ =	shalt  }
0x54: {  	_ =	shalt  }
0x55: {  	_ =	shalt  }
0x56: {  	_ =	shalt  }
0x57: {  	_ =	shalt  }
0x58: {  	_ =	shalt  }
0x59: {  	_ =	shalt  }
0x5a: {  	_ =	shalt  }
0x5b: {  	_ =	shalt  }
0x5c: {  	_ =	shalt  }
0x5d: {  	_ =	shalt  }
0x5e: {  	_ =	shalt  }
0x5f: {  	_ =	shalt  }
0x60: {  	_ =	shalt  }
0x61: {  	_ =	shalt  }
0x62: {  	_ =	shalt  }
0x63: {  	_ =	shalt  }
0x64: {  	_ =	shalt  }
0x65: {  	_ =	shalt  }
0x66: {  	_ =	shalt  }
0x67: {  	_ =	shalt  }
0x68: {  	_ =	shalt  }
0x69: {  	_ =	shalt  }
0x6a: {  	_ =	shalt  }
0x6b: {  	_ =	shalt  }
0x6c: {  	_ =	shalt  }
0x6d: {  	_ =	shalt  }
0x6e: {  	_ =	shalt  }
0x6f: {  	_ =	shalt  }
0x70: {  	_ =	shalt  }
0x71: {  	_ =	shalt  }
0x72: {  	_ =	shalt  }
0x73: {  	_ =	shalt  }
0x74: {  	_ =	shalt  }
0x75: {  	_ =	shalt  }
0x76: {  	_ =	shalt  }
0x77: {  	_ =	shalt  }
0x78: {  	_ =	shalt  }
0x79: {  	_ =	shalt  }
0x7a: {  	_ =	shalt  }
0x7b: {  	_ =	shalt  }
0x7c: {  	_ =	shalt  }
0x7d: {  	_ =	shalt  }
0x7e: {  	_ =	shalt  }
0x7f: {  	_ =	shalt  }
0x80: {  	_ =	shalt  }
0x81: {  	_ =	shalt  }
0x82: {  	_ =	shalt  }
0x83: {  	_ =	shalt  }
0x84: {  	_ =	shalt  }
0x85: {  	_ =	shalt  }
0x86: {  	_ =	shalt  }
0x87: {  	_ =	shalt  }
.Lfunc_end0:
.L_simem_size_0:
called_computation_lowered:
.L_overlay_start_0:
0x88: {  	s2 =	sld [smem:$0x3FD9]  }
0x89: {  	s3 =	sld [smem:$0x3FFE];
	_ =	sdelay $0x1  }
0x8a: {  	s1 =	srdreg.scid  }
0x8b: {  	s0 =	sand.u32 $0x1, s1  }
0x8c: {  	s17 =	sshll.u32 s0, $0xA;
	s2 =	sadd.s32 s3, s2  }
0x8d: {  	s2 =	sadd.s32 s2, s17  }
0x8e: {  	[smem:$0x3FBD] =	sst s2  }
0x8f: {  	_ = 	snop  }
0x90: {  	s2 =	sld [smem:$0x3FD0];
	(tm) =	ssettm $0x1  }
0x91: {  	s18 =	sld [smem:$0x3FFB];
	_ =	sdelay $0x3  }
0x92: {  	_ =	strace s18  }
0x93: {  	s3 =	sld [smem:$0x3FFC];
	_ =	sdelay $0x3  }
0x94: {  	_ =	strace s3  }
0x95: {  	s3 =	sld [smem:$0x3FFD];
	_ =	sdelay $0x3  }
0x96: {  	_ =	strace s3  }
0x97: {  	_ =	strace $0x8FFFFFFF  }
0x98: {  	s19 =	sld [smem:$0x3FDB];
	_ =	sdelay $0x1  }
0x99: {  	s4 =	simm.s32 $_scs_section_size  }
0x9a: {  	s5 =	simm.s32 $_size__tile_overlayer_lowered;
	s6 =	simm.s32 $_tile_overlayer_lowered  }
0x9b: {  	s22 =	simm.s32 $0x1BFF;
	s21 =	sshll.u32 s6, $0x1;
	s3 =	sadd.s32 s4, s19  }
0x9c: {  	s7 =	simm.s32 $0x0;
	s20 =	sshll.u32 s5, $0x1;
	s5 =	sadd.s32 s21, s3  }
0x9d: {  	[timem:s7], [sflag:s22] =	dma.local [hbm:s5], s20  }
0x9e: {  	_ =	swait.ge [sflag:s22], s20  }
0x9f: {  	s4 =	ssub.s32 $0x0, s20;
	[sflag:s22] =	ssyncset.done $0x0  }
0xa0: {  	[sflag:s22] =	ssyncadd.s32 s4;
	_ =	sdelay $0x1  }
0xa1: {  	s23 =	simm.s32 $0x1B8B  }
0xa2: {  	_ =	swait.ge [sflag:s23], $0x1  }
0xa3: {  	[sflag:s23] =	ssyncset.done $0x0  }
0xa4: {  	s25 =	simm.s32 $0x1B8E;
	s24 =	sld [smem:$0x3FFE];
	[sflag:s23] =	ssyncadd.s32 $0xFFFFFFFF  }
0xa5: {  	s26 =	simm.s32 $execute0_lowered;
	[smem:$0x3FD2] =	sst s25  }
0xa6: {  	s5 =	sshll.u32 s26, $0x1;
	_ =	strace $0x80000046;
	[dreg:$0x1] =	wrdreg $0xFFFFFFFF  }
0xa7: {  	s28 =	simm.s32 $_size_execute0_lowered;
	s3 =	sadd.s32 s3, s5;
	[dreg:$0x0] =	wrdreg $0x0  }
0xa8: {  	s5 =	sshll.u32 s28, $0x1;
	[dreg:$0x2] =	wrdreg s3  }
0xa9: {  	[dreg:$0x3] =	wrdreg s5  }
0xaa: {  	[dreg:$0x4] =	wrdreg $0xC0  }
0xab: {  	_ =	task [dreg:s7], $0x5FFFF  }
0xac: {  	[dreg:$0x1] =	wrdreg $0xFFFFFFFF  }
0xad: {  	[dreg:$0x0] =	wrdreg $0x60  }
0xae: {  	[dreg:$0x2] =	wrdreg s2  }
0xaf: {  	[dreg:$0x3] =	wrdreg s24  }
0xb0: {  	[dreg:$0x4] =	wrdreg $0xC  }
0xb1: {  	_ =	task.clear_ibuf [dreg:s7], $0x5FFFF;
	_ =	strace $0x90000046  }
0xb2: {  	s29 =	simm.s32 $0xC;
	_ =	strace $0x80000048  }
0xb3: {  	_ =	swait.ge [sflag:s29], $0x1  }
0xb4: {  	[sflag:s29] =	ssyncadd.s32 $0xFFFFFFFF  }
0xb5: {  	_ =	strace $0x90000048  }
0xb6: {  	_ =	sfence  }
0xb7: {  	s30 =	sld [smem:$0x0];
	_ =	sdelay $0x2  }
0xb8: {  	s31 =	sshll.u32 s1, $0xD;
	s1 =	sshrl.u32 s1, $0x2  }
0xb9: {  	s3 =	sand.u32 $0x4000, s31;
	s1 =	sadd.s32 s1, s30  }
0xba: {  	s0 =	sor.u32 s3, s0;
	s1 =	sshll.u32 s1, $0x11  }
0xbb: {  	s0 =	sor.u32 s1, s0  }
0xbc: {  	s0 =	sadd.s32 $0x8F2B, s0  }
0xbd: {  	[sflag:s0] =	ssyncadd.remote.s32 $0x1  }
0xbe: {  	_ =	sfence.sel $0xFFFF  }
0xbf: {  	[dreg:$0x0] =	wrdreg $0xFFFFFFFF;
	(pc) =	sbr.abs _section_cstart, $3  }
0xc0: {  	[dreg:$0x1] =	wrdreg $0xFFFFFFFF  }
0xc1: {  	_ =	task.clear_ibuf [dreg:s7], $0x2FFFF;
	_ =	strace $0x9FFFFFFF  }
0xc2: {  	(tm) =	ssettm $0x7FFFFFFF  }
0xc3: {  	_ =	shalt  }
tec
execute0_lowered:
.L_overlay_start_1:
0x0: {  	(tag) =	ssettag $0x1  }
0x1: {  	s2 =	rddreg [dreg:$0x0]  }
0x2: {  	s0 =	rddreg [dreg:$0x1]  }
0x3: {  	s1 =	srdreg.scid;
	s12 =	stileid.u32  }
0x4: {  	s3 =	simm.s32 $0x0;
	s15 =	simm.s32 $0x800;
	s16 =	simm.s32 $0x80  }
0x5: {  	s17 =	simm.s32 $0x1000;
	s18 =	simm.s32 $0x5000;
	s19 =	simm.s32 $0x3000  }
0x6: {  	s20 =	simm.s32 $0x7000;
	s21 =	simm.s32 $0x1;
	s22 =	simm.s32 $0x3  }
0x7: {  	s23 =	simm.s32 $0x2;
	s24 =	simm.s32 $0x4;
	s28 =	simm.s32 $0x0  }
0x8: {  	s1 =	sand.u32 $0x1, s1;
	s4 =	sshll.u32 s12, $0x5;
	[smem:$0x7FF] =	sst s3  }
0x9: {  	s10 =	sadd.s32 $0x1E600, s0;
	s12 =	sshll.u32 s12, $0xF;
	s5 =	sshll.u32 s1, $0x4  }
0xa: {  	_ =	strace $0x80000047;
	s30 =	ssub.s32 $0x2, s1;
	s13 =	sadd.s32 s12, s10  }
0xb: {  	s1 =	sshll.u32 s1, $0xE;
	s6 =	sor.u32 s5, s4;
	s4 =	sadd.s32 $0x6C00, s0  }
0xc: {  	s8 =	sshrl.u32 s30, $0x1;
	s13 =	sadd.s32 s1, s13;
	s5 =	sshll.u32 s6, $0x4  }
0xd: {  	s8 =	ssub.s32 s30, s8;
	s11 =	sshll.u32 s6, $0xA;
	s7 =	sadd.s32 s5, s0  }
0xe: {  	s0 =	sadd.s32 $0x9E600, s0;
	s9 =	sor.u32 $0x3800, s11;
	s11 =	sor.u32 $0x3C00, s11  }
0xf: {  	s5 =	sadd.s32 $0x1C600, s7;
	s6 =	sadd.s32 $0x1A600, s7;
	s7 =	smax.u32 s8, $0x1  }
0x10: {  	s8 =	sadd.s32 s10, s9;
	s9 =	sadd.s32 s0, s9;
	s14 =	sadd.s32 s12, s0  }
0x11: {  	s10 =	sadd.s32 s10, s11;
	s11 =	sadd.s32 s0, s11;
	s31 =	sadd.s32 s1, s14  }
0x12: {  	s12 =	sadd.s32 $0x400, s13;
	s14 =	simm.s32 $0x5;
	s13 =	sadd.s32 $0x400, s31  }
.LBB2_1:
0x13: {  	[tilespmem:s3], [sflag:$0x5] =	stream.linear.gather [hbm4b:s5+s3], $0x800, $0x38;
	[tilespmem:$0x9000] =	vst v63  }
0x14: {  	_ =	swait.ge [sflag:s14], $0x800  }
0x15: {  	[sflag:s14] =	ssyncset.done $0x0  }
0x16: {  	[sflag:s14] =	ssyncadd.s32 $0xFFFFF800  }
0x17: {  	[tilespmem:s15], [sflag:$0x5] =	stream.linear.gather [hbm4b:s6+s3], $0x800, $0x38;
	[tilespmem:$0x9000] =	vst v63  }
0x18: {  	_ =	swait.ge [sflag:s14], $0x800  }
0x19: {  	[sflag:s14] =	ssyncset.done $0x0  }
0x1a: {  	[sflag:s14] =	ssyncadd.s32 $0xFFFFF800  }
0x1b: {  	[tilespmem:s17], [sflag:$0x1] =	stream.indirect.gather [hbm4b:s2+s16], $0x40, s3, s16, $0xb8;
	[tilespmem:$0x9000] =	vst v63  }
0x1c: {  	_ = 	snop  }
0x1d: {  	[tilespmem:s18], [sflag:$0x3] =	stream.indirect.gather [hbm4b:s4+s16], $0x40, s15, s16, $0xb8;
	[tilespmem:$0x9000] =	vst v63  }
0x1e: {  	s0 =	simm.s32 $0x80  }
0x1f: {  	[tilespmem:s19], [sflag:$0x2] =	stream.indirect.gather [hbm4b:s2+s16], $0x40, s0, s16, $0xb8;
	[tilespmem:$0x9000] =	vst v63  }
0x20: {  	s25 =	simm.s32 $0x880  }
0x21: {  	[tilespmem:s20], [sflag:$0x4] =	stream.indirect.gather [hbm4b:s4+s16], $0x40, s25, s16, $0xb8;
	[tilespmem:$0x9000] =	vst v63  }
0x22: {  	_ =	swait.ge [sflag:s21], $0x2000  }
0x23: {  	[sflag:s21] =	ssyncset.done $0x0  }
0x24: {  	s26 =	sadd.s32 $0xFFFFFC00, s12;
	[sflag:s21] =	ssyncadd.s32 $0xFFFFE000  }
0x25: {  	[hbm4b:s26+s3] =	stream.linear.scatter [tilespmem:s17], [sflag:$0x5], $0x2000, $0x38;
	[tilespmem:$0x9000] =	vst v63  }
0x26: {  	_ =	swait.ge [sflag:s14], $0x2000  }
0x27: {  	[sflag:s14] =	ssyncset.done $0x0  }
0x28: {  	[sflag:s14] =	ssyncadd.s32 $0xFFFFE000  }
0x29: {  	_ =	swait.ge [sflag:s22], $0x2000  }
0x2a: {  	[sflag:s22] =	ssyncset.done $0x0  }
0x2b: {  	s1 =	sadd.s32 $0xFFFFFC00, s13;
	[sflag:s22] =	ssyncadd.s32 $0xFFFFE000  }
0x2c: {  	[hbm4b:s1+s3] =	stream.linear.scatter [tilespmem:s18], [sflag:$0x5], $0x2000, $0x38;
	[tilespmem:$0x9000] =	vst v63  }
0x2d: {  	_ =	swait.ge [sflag:s14], $0x2000  }
0x2e: {  	[sflag:s14] =	ssyncset.done $0x0  }
0x2f: {  	s25 =	simm.s32 $0x100;
	[sflag:s14] =	ssyncadd.s32 $0xFFFFE000  }
0x30: {  	[tilespmem:s17], [sflag:$0x1] =	stream.indirect.gather [hbm4b:s2+s16], $0x40, s25, s16, $0xb8;
	[tilespmem:$0x9000] =	vst v63  }
0x31: {  	s26 =	simm.s32 $0x900  }
0x32: {  	[tilespmem:s18], [sflag:$0x3] =	stream.indirect.gather [hbm4b:s4+s16], $0x40, s26, s16, $0xb8;
	[tilespmem:$0x9000] =	vst v63  }
0x33: {  	_ =	swait.ge [sflag:s23], $0x2000  }
0x34: {  	[sflag:s23] =	ssyncset.done $0x0  }
0x35: {  	[sflag:s23] =	ssyncadd.s32 $0xFFFFE000  }
0x36: {  	[hbm4b:s12+s3] =	stream.linear.scatter [tilespmem:s19], [sflag:$0x5], $0x2000, $0x38;
	[tilespmem:$0x9000] =	vst v63  }
0x37: {  	_ =	swait.ge [sflag:s14], $0x2000  }
0x38: {  	[sflag:s14] =	ssyncset.done $0x0  }
0x39: {  	[sflag:s14] =	ssyncadd.s32 $0xFFFFE000  }
0x3a: {  	_ =	swait.ge [sflag:s24], $0x2000  }
0x3b: {  	[sflag:s24] =	ssyncset.done $0x0  }
0x3c: {  	[sflag:s24] =	ssyncadd.s32 $0xFFFFE000  }
0x3d: {  	[hbm4b:s13+s3] =	stream.linear.scatter [tilespmem:s20], [sflag:$0x5], $0x2000, $0x38;
	[tilespmem:$0x9000] =	vst v63  }
0x3e: {  	s29 =	sadd.s32 $0x800, s13;
	s31 =	simm.s32 $0x100;
	_ =	swait.ge [sflag:s14], $0x2000  }
0x3f: {  	s30 =	sadd.s32 $0x800, s12;
	s0 =	simm.s32 $0x800;
	[sflag:s14] =	ssyncset.done $0x0  }
.LBB2_2:
0x40: {  	s26 =	sadd.s32 $0x80, s31  }
0x41: {  	[sflag:s14] =	ssyncadd.s32 $0xFFFFE000;
	s1 =	smov.u32 s0;
	s25 =	sadd.s32 $0x400, s0  }
0x42: {  	[tilespmem:s19], [sflag:$0x2] =	stream.indirect.gather [hbm4b:s2+s16], $0x40, s26, s16, $0xb8;
	[tilespmem:$0x9000] =	vst v63  }
0x43: {  	p0 =	sne.s32 s0, $0x1800;
	s0 =	sadd.s32 $0x880, s31  }
0x44: {  	[tilespmem:s20], [sflag:$0x4] =	stream.indirect.gather [hbm4b:s4+s16], $0x40, s0, s16, $0xb8;
	[tilespmem:$0x9000] =	vst v63  }
0x45: {  	_ =	swait.ge [sflag:s21], $0x2000  }
0x46: {  	[sflag:s21] =	ssyncset.done $0x0  }
0x47: {  	s0 =	sadd.s32 $0xFFFFFC00, s30;
	[sflag:s21] =	ssyncadd.s32 $0xFFFFE000  }
0x48: {  	[hbm4b:s0+s3] =	stream.linear.scatter [tilespmem:s17], [sflag:$0x5], $0x2000, $0x38;
	[tilespmem:$0x9000] =	vst v63  }
0x49: {  	_ =	swait.ge [sflag:s14], $0x2000  }
0x4a: {  	[sflag:s14] =	ssyncset.done $0x0  }
0x4b: {  	[sflag:s14] =	ssyncadd.s32 $0xFFFFE000  }
0x4c: {  	_ =	swait.ge [sflag:s22], $0x2000  }
0x4d: {  	[sflag:s22] =	ssyncset.done $0x0  }
0x4e: {  	s0 =	sadd.s32 $0xFFFFFC00, s29;
	[sflag:s22] =	ssyncadd.s32 $0xFFFFE000  }
0x4f: {  	[hbm4b:s0+s3] =	stream.linear.scatter [tilespmem:s18], [sflag:$0x5], $0x2000, $0x38;
	[tilespmem:$0x9000] =	vst v63  }
0x50: {  	_ =	swait.ge [sflag:s14], $0x2000  }
0x51: {  	[sflag:s14] =	ssyncset.done $0x0  }
0x52: {  	s0 =	sadd.s32 $0x100, s31;
	[sflag:s14] =	ssyncadd.s32 $0xFFFFE000  }
0x53: {  	[tilespmem:s17], [sflag:$0x1] =	stream.indirect.gather [hbm4b:s2+s16], $0x40, s0, s16, $0xb8;
	[tilespmem:$0x9000] =	vst v63  }
0x54: {  	s0 =	sadd.s32 $0x900, s31  }
0x55: {  	[tilespmem:s18], [sflag:$0x3] =	stream.indirect.gather [hbm4b:s4+s16], $0x40, s0, s16, $0xb8;
	[tilespmem:$0x9000] =	vst v63  }
0x56: {  	_ =	swait.ge [sflag:s23], $0x2000  }
0x57: {  	[sflag:s23] =	ssyncset.done $0x0  }
0x58: {  	[sflag:s23] =	ssyncadd.s32 $0xFFFFE000  }
0x59: {  	[hbm4b:s30+s3] =	stream.linear.scatter [tilespmem:s19], [sflag:$0x5], $0x2000, $0x38;
	[tilespmem:$0x9000] =	vst v63  }
0x5a: {  	_ =	swait.ge [sflag:s14], $0x2000  }
0x5b: {  	[sflag:s14] =	ssyncset.done $0x0  }
0x5c: {  	[sflag:s14] =	ssyncadd.s32 $0xFFFFE000  }
0x5d: {  	_ =	swait.ge [sflag:s24], $0x2000  }
.Ltmp0:
0x5e: {  	[sflag:s24] =	ssyncset.done $0x0;
	(pc) =	sbr.rel @p0 .LBB2_2-.Ltmp0, $4  }
0x5f: {  	[sflag:s24] =	ssyncadd.s32 $0xFFFFE000  }
0x60: {  	[hbm4b:s29+s3] =	stream.linear.scatter [tilespmem:s20], [sflag:$0x5], $0x2000, $0x38;
	[tilespmem:$0x9000] =	vst v63  }
0x61: {  	s31 =	sshra.s32 s1, $0x2;
	s29 =	sadd.s32 $0x800, s29;
	_ =	swait.ge [sflag:s14], $0x2000  }
0x62: {  	s0 =	smov.u32 s25;
	s30 =	sadd.s32 $0x800, s30;
	[sflag:s14] =	ssyncset.done $0x0  }
0x63: {  	s0 =	sadd.s32 $0x80, s31;
	[sflag:s14] =	ssyncadd.s32 $0xFFFFE000  }
0x64: {  	[tilespmem:s19], [sflag:$0x2] =	stream.indirect.gather [hbm4b:s2+s16], $0x40, s0, s16, $0xb8;
	[tilespmem:$0x9000] =	vst v63  }
0x65: {  	s25 =	sadd.s32 $0x880, s31  }
0x66: {  	[tilespmem:s20], [sflag:$0x4] =	stream.indirect.gather [hbm4b:s4+s16], $0x40, s25, s16, $0xb8;
	[tilespmem:$0x9000] =	vst v63  }
0x67: {  	_ =	swait.ge [sflag:s21], $0x2000  }
0x68: {  	[sflag:s21] =	ssyncset.done $0x0  }
0x69: {  	s26 =	sadd.s32 $0xFFFFFC00, s30;
	[sflag:s21] =	ssyncadd.s32 $0xFFFFE000  }
0x6a: {  	[hbm4b:s26+s3] =	stream.linear.scatter [tilespmem:s17], [sflag:$0x5], $0x2000, $0x38;
	[tilespmem:$0x9000] =	vst v63  }
0x6b: {  	_ =	swait.ge [sflag:s14], $0x2000  }
0x6c: {  	[sflag:s14] =	ssyncset.done $0x0  }
0x6d: {  	[sflag:s14] =	ssyncadd.s32 $0xFFFFE000  }
0x6e: {  	_ =	swait.ge [sflag:s22], $0x2000  }
0x6f: {  	[sflag:s22] =	ssyncset.done $0x0  }
0x70: {  	s1 =	sadd.s32 $0xFFFFFC00, s29;
	[sflag:s22] =	ssyncadd.s32 $0xFFFFE000  }
0x71: {  	[hbm4b:s1+s3] =	stream.linear.scatter [tilespmem:s18], [sflag:$0x5], $0x2000, $0x38;
	[tilespmem:$0x9000] =	vst v63  }
0x72: {  	_ =	swait.ge [sflag:s14], $0x2000  }
0x73: {  	[sflag:s14] =	ssyncset.done $0x0  }
0x74: {  	s25 =	sadd.s32 $0x100, s31;
	[sflag:s14] =	ssyncadd.s32 $0xFFFFE000  }
0x75: {  	[tilespmem:s17], [sflag:$0x1] =	stream.indirect.gather [hbm4b:s2+s16], $0x40, s25, s16, $0xb8;
	[tilespmem:$0x9000] =	vst v63  }
0x76: {  	s26 =	sadd.s32 $0x900, s31  }
0x77: {  	[tilespmem:s18], [sflag:$0x3] =	stream.indirect.gather [hbm4b:s4+s16], $0x40, s26, s16, $0xb8;
	[tilespmem:$0x9000] =	vst v63  }
0x78: {  	_ =	swait.ge [sflag:s23], $0x2000  }
0x79: {  	[sflag:s23] =	ssyncset.done $0x0  }
0x7a: {  	[sflag:s23] =	ssyncadd.s32 $0xFFFFE000  }
0x7b: {  	[hbm4b:s30+s3] =	stream.linear.scatter [tilespmem:s19], [sflag:$0x5], $0x2000, $0x38;
	[tilespmem:$0x9000] =	vst v63  }
0x7c: {  	_ =	swait.ge [sflag:s14], $0x2000  }
0x7d: {  	[sflag:s14] =	ssyncset.done $0x0  }
0x7e: {  	[sflag:s14] =	ssyncadd.s32 $0xFFFFE000  }
0x7f: {  	_ =	swait.ge [sflag:s24], $0x2000  }
0x80: {  	[sflag:s24] =	ssyncset.done $0x0  }
0x81: {  	[sflag:s24] =	ssyncadd.s32 $0xFFFFE000  }
0x82: {  	[hbm4b:s29+s3] =	stream.linear.scatter [tilespmem:s20], [sflag:$0x5], $0x2000, $0x38;
	[tilespmem:$0x9000] =	vst v63  }
0x83: {  	_ =	swait.ge [sflag:s14], $0x2000  }
0x84: {  	[sflag:s14] =	ssyncset.done $0x0  }
0x85: {  	s30 =	simm.s32 $0x780;
	[sflag:s14] =	ssyncadd.s32 $0xFFFFE000  }
0x86: {  	[tilespmem:s19], [sflag:$0x2] =	stream.indirect.gather [hbm4b:s2+s16], $0x40, s30, s16, $0xb8;
	[tilespmem:$0x9000] =	vst v63  }
0x87: {  	s31 =	simm.s32 $0xF80  }
0x88: {  	[tilespmem:s20], [sflag:$0x4] =	stream.indirect.gather [hbm4b:s4+s16], $0x40, s31, s16, $0xb8;
	[tilespmem:$0x9000] =	vst v63  }
0x89: {  	_ =	swait.ge [sflag:s21], $0x2000  }
0x8a: {  	[sflag:s21] =	ssyncset.done $0x0  }
0x8b: {  	[sflag:s21] =	ssyncadd.s32 $0xFFFFE000  }
0x8c: {  	[hbm4b:s8+s3] =	stream.linear.scatter [tilespmem:s17], [sflag:$0x5], $0x2000, $0x38;
	[tilespmem:$0x9000] =	vst v63  }
0x8d: {  	_ =	swait.ge [sflag:s14], $0x2000  }
0x8e: {  	[sflag:s14] =	ssyncset.done $0x0  }
0x8f: {  	[sflag:s14] =	ssyncadd.s32 $0xFFFFE000  }
0x90: {  	_ =	swait.ge [sflag:s22], $0x2000  }
0x91: {  	[sflag:s22] =	ssyncset.done $0x0  }
0x92: {  	[sflag:s22] =	ssyncadd.s32 $0xFFFFE000  }
0x93: {  	[hbm4b:s9+s3] =	stream.linear.scatter [tilespmem:s18], [sflag:$0x5], $0x2000, $0x38;
	[tilespmem:$0x9000] =	vst v63  }
0x94: {  	_ =	swait.ge [sflag:s14], $0x2000  }
0x95: {  	[sflag:s14] =	ssyncset.done $0x0  }
0x96: {  	[sflag:s14] =	ssyncadd.s32 $0xFFFFE000  }
0x97: {  	_ =	swait.ge [sflag:s23], $0x2000  }
0x98: {  	[sflag:s23] =	ssyncset.done $0x0  }
0x99: {  	[sflag:s23] =	ssyncadd.s32 $0xFFFFE000  }
0x9a: {  	[hbm4b:s10+s3] =	stream.linear.scatter [tilespmem:s19], [sflag:$0x5], $0x2000, $0x38;
	[tilespmem:$0x9000] =	vst v63  }
0x9b: {  	_ =	swait.ge [sflag:s14], $0x2000  }
0x9c: {  	[sflag:s14] =	ssyncset.done $0x0  }
0x9d: {  	[sflag:s14] =	ssyncadd.s32 $0xFFFFE000  }
0x9e: {  	s28 =	sadd.s32 $0x1, s28;
	_ =	swait.ge [sflag:s24], $0x2000  }
0x9f: {  	p0 =	sne.s32 s28, s7;
	[sflag:s24] =	ssyncset.done $0x0  }
.Ltmp1:
0xa0: {  	[sflag:s24] =	ssyncadd.s32 $0xFFFFE000;
	(pc) =	sbr.rel @p0 .LBB2_1-.Ltmp1, $4  }
0xa1: {  	[hbm4b:s11+s3] =	stream.linear.scatter [tilespmem:s20], [sflag:$0x5], $0x2000, $0x38;
	[tilespmem:$0x9000] =	vst v63  }
0xa2: {  	_ =	swait.ge [sflag:s14], $0x2000  }
0xa3: {  	[sflag:s14] =	ssyncset.done $0x0  }
0xa4: {  	[sflag:s14] =	ssyncadd.s32 $0xFFFFE000  }
0xa5: {  	_ =	sfence.sel $0x180000  }
0xa6: {  	[bflag:$0x0] =	sbarrier.arrive $0xFFFF  }
0xa7: {  	_ =	strace $0x90000047  }
0xa8: {  	s0 =	stileid.u32;
	[bflag:$0x2] =	sbarrier.arrive $0xFFFF  }
0xa9: {  	p0 =	sne.s32 s0, $0x0;
	s0 =	rddreg [dreg:$0x2]  }
0xaa: {  	s0 =	sadd.s32 @!p0 $0x100000, s0  }
0xab: {  	[sflag:s0] =	ssyncadd.tile.s32 @!p0 $0x1;
	_ =	shalt  }
.Lfunc_end2:
_tile_overlayer_lowered:
.L_overlay_start_2:
0xac: {  	(tag) =	ssettag $0x2  }
0xad: {  	s0 =	rddreg [dreg:$0x0];
	s2 =	stileid.u32  }
0xae: {  	s1 =	rddreg [dreg:$0x1];
	p0 =	sne.s32 s2, $0x0  }
0xaf: {  	s3 =	rddreg [dreg:$0x2];
	[bflag:$0x3] =	sbarrier.arrive $0xFFFF;
	s2 =	simm.s32 @!p0 $0x1C05  }
0xb0: {  	[timem:s3], [sflag:s2] =	dma.local @!p0 [hbm:s0], s1  }
0xb1: {  	s0 =	simm.s32 @!p0 $0x5  }
0xb2: {  	_ =	swait.ge @!p0 [sflag:s0], s1  }
0xb3: {  	s1 =	ssub.s32 @!p0 $0x0, s1;
	[sflag:s0] =	ssyncset.done @!p0 $0x0  }
0xb4: {  	[sflag:s0] =	ssyncadd.s32 @!p0 s1  }
0xb5: {  	[bflag:$0x3] =	sbarrier.arrive $0xFFFF  }
0xb6: {  	_ =	shalt  }

// kernel: kernel.20.cloned.1.call-start
scs
__scs_entry_jumppad:
0x0: {  	(pc) =	sbr.rel $0x88, $3  }
0x1: {  	(tag) =	ssettag $0x0;
	lr =	simm.s32 $0x1  }
0x2: {  	[smem:$0x3F96] =	sst lr;
	_ =	strace $0xD0000000  }
0x3: {  	_ = 	snop  }
0x4: {  	_ = 	snop  }
0x5: {  	_ = 	snop  }
0x6: {  	_ = 	snop  }
0x7: {  	_ = 	snop  }
__scs_overlays_trampoline_lowered:
0x8: {  	[smem:$0x3FA5] =	sst s0  }
0x9: {  	[smem:$0x3FA6] =	sst s1  }
0xa: {  	[smem:$0x3FA7] =	sst s2  }
0xb: {  	[smem:$0x3FA8] =	sst s3  }
0xc: {  	[smem:$0x3FA9] =	sst s4  }
0xd: {  	[smem:$0x3FAA] =	sst s5  }
0xe: {  	[smem:$0x3FAB] =	sst s6  }
0xf: {  	[smem:$0x3FAC] =	sst s7  }
0x10: {  	[smem:$0x3FAD] =	sst s8  }
0x11: {  	[smem:$0x3FAE] =	sst s9;
	s0 =	simm.s32 @!p0 $0x0  }
0x12: {  	s1 =	sld [smem:$0x3F94];
	s0 =	simm.s32 @p0 $0x1  }
0x13: {  	[smem:$0x3FAF] =	sst s0;
	s0 =	simm.s32 @!p1 $0x0  }
0x14: {  	s2 =	sld [smem:$0x3F93];
	s0 =	simm.s32 @p1 $0x1  }
0x15: {  	[smem:$0x3FB0] =	sst s0;
	s0 =	simm.s32 @!p2 $0x0  }
0x16: {  	s3 =	sld [smem:$0x3FDB];
	s0 =	simm.s32 @p2 $0x1  }
0x17: {  	s4 =	simm.s32 $0x1BF5;
	[smem:$0x3FB2] =	sst s0  }
0x18: {  	s0 =	sld [smem:$0x3F95];
	_ =	swait.ge [sflag:s4], $0x0  }
0x19: {  	s7 =	sld [smem:$0x3F96]  }
0x1a: {  	s8 =	sadd.s32 $0xFFFFE003, lr  }
0x1b: {  	s9 =	sadd.s32 $0xFFFFFEF7, lr;
	s5 =	simm.s32 $0xFFFFFFFF;
	p2 =	slt.u32 s8, $0xFFFFF086  }
0x1c: {  	p1 =	slt.u32 s9, $0xF7A;
	s5 =	simm.s32 @!p2 $0x0  }
0x1d: {  	s5 =	simm.s32 @p1 $0x1;
	p0 =	seq.s32 s7, s2  }
0x1e: {  	s7 =	smul.u32 @!p0 $0xF7A, s2;
	p2 =	seq.s32 @!p0 s5, $0x0  }
0x1f: {  	s9 =	smul.u32 $0xF7A, s1;
	s8 =	simm.s32 @!p0 $0x1BF5;
	p2 =	por !p2, p0  }
0x20: {  	[sflag:s8] =	ssyncset.s32 @!p0 $0xFFFFF086;
	s6 =	sadd.s32 @!p0 s3, s7;
	s7 =	simm.s32 @!p0 $0x108  }
0x21: {  	s3 =	sadd.s32 s3, s9;
	s6 =	sadd.s32 @!p0 $0x88, s6;
	s7 =	simm.s32 @p2 $0x1082  }
0x22: {  	[simem:s7], [sflag:s8] =	dma.local @!p0 [hbm:s6], $0xF7A  }
0x23: {  	s9 =	sor.u32 $0xD0000000, s2;
	s6 =	simm.s32 $0x108;
	_ =	swait.ge @!p0 [sflag:s8], $0x0  }
0x24: {  	s3 =	sadd.s32 $0x88, s3;
	s6 =	simm.s32 @!p1 $0x1082;
	[sflag:s4] =	ssyncset.s32 $0xFFFFF086  }
0x25: {  	[simem:s6], [sflag:s4] =	dma.local [hbm:s3], $0xF7A  }
0x26: {  	[smem:$0x3F96] =	sst s1;
	(tag) =	ssettag s2;
	_ =	strace s9  }
0x27: {  	s1 =	sld [smem:$0x3FA6]  }
0x28: {  	s2 =	sld [smem:$0x3FA7]  }
0x29: {  	s4 =	sld [smem:$0x3FA9]  }
0x2a: {  	p0 =	seq.s32 s5, $0x0;
	s5 =	sld [smem:$0x3FAA]  }
0x2b: {  	s6 =	sld [smem:$0x3FAB]  }
0x2c: {  	s7 =	sld [smem:$0x3FAC]  }
0x2d: {  	s3 =	simm.s32 $0x108;
	s8 =	sld [smem:$0x3FAD]  }
0x2e: {  	s3 =	simm.s32 @!p0 $0x1082;
	s9 =	sld [smem:$0x3FAE]  }
0x2f: {  	lr =	sadd.s32 s0, s3;
	s0 =	sld [smem:$0x3FA5]  }
0x30: {  	s3 =	sld [smem:$0x3FA8]  }
0x31: {  	[smem:$0x3FB1] =	sst s10  }
0x32: {  	s10 =	sld [smem:$0x3FAF];
	_ =	sdelay $0x3  }
0x33: {  	p0 =	seq.s32 s10, $0x1;
	s10 =	sld [smem:$0x3FB1];
	_ =	sdelay $0x3  }
0x34: {  	[smem:$0x3FB1] =	sst s10  }
0x35: {  	s10 =	sld [smem:$0x3FB0];
	_ =	sdelay $0x3  }
0x36: {  	p1 =	seq.s32 s10, $0x1;
	s10 =	sld [smem:$0x3FB1];
	_ =	sdelay $0x3  }
0x37: {  	[smem:$0x3FB1] =	sst s10  }
0x38: {  	s10 =	sld [smem:$0x3FB2]  }
0x39: {  	_ = 	snop;
	(pc) =	sbr.ind lr, $3  }
0x3a: {  	_ = 	snop  }
0x3b: {  	_ = 	snop  }
0x3c: {  	p2 =	seq.s32 s10, $0x1;
	s10 =	sld [smem:$0x3FB1]  }
0x3d: {  	_ =	shalt  }
0x3e: {  	_ =	shalt  }
0x3f: {  	_ =	shalt  }
0x40: {  	_ =	shalt  }
0x41: {  	_ =	shalt  }
0x42: {  	_ =	shalt  }
0x43: {  	_ =	shalt  }
0x44: {  	_ =	shalt  }
0x45: {  	_ =	shalt  }
0x46: {  	_ =	shalt  }
0x47: {  	_ =	shalt  }
0x48: {  	_ =	shalt  }
0x49: {  	_ =	shalt  }
0x4a: {  	_ =	shalt  }
0x4b: {  	_ =	shalt  }
0x4c: {  	_ =	shalt  }
0x4d: {  	_ =	shalt  }
0x4e: {  	_ =	shalt  }
0x4f: {  	_ =	shalt  }
0x50: {  	_ =	shalt  }
0x51: {  	_ =	shalt  }
0x52: {  	_ =	shalt  }
0x53: {  	_ =	shalt  }
0x54: {  	_ =	shalt  }
0x55: {  	_ =	shalt  }
0x56: {  	_ =	shalt  }
0x57: {  	_ =	shalt  }
0x58: {  	_ =	shalt  }
0x59: {  	_ =	shalt  }
0x5a: {  	_ =	shalt  }
0x5b: {  	_ =	shalt  }
0x5c: {  	_ =	shalt  }
0x5d: {  	_ =	shalt  }
0x5e: {  	_ =	shalt  }
0x5f: {  	_ =	shalt  }
0x60: {  	_ =	shalt  }
0x61: {  	_ =	shalt  }
0x62: {  	_ =	shalt  }
0x63: {  	_ =	shalt  }
0x64: {  	_ =	shalt  }
0x65: {  	_ =	shalt  }
0x66: {  	_ =	shalt  }
0x67: {  	_ =	shalt  }
0x68: {  	_ =	shalt  }
0x69: {  	_ =	shalt  }
0x6a: {  	_ =	shalt  }
0x6b: {  	_ =	shalt  }
0x6c: {  	_ =	shalt  }
0x6d: {  	_ =	shalt  }
0x6e: {  	_ =	shalt  }
0x6f: {  	_ =	shalt  }
0x70: {  	_ =	shalt  }
0x71: {  	_ =	shalt  }
0x72: {  	_ =	shalt  }
0x73: {  	_ =	shalt  }
0x74: {  	_ =	shalt  }
0x75: {  	_ =	shalt  }
0x76: {  	_ =	shalt  }
0x77: {  	_ =	shalt  }
0x78: {  	_ =	shalt  }
0x79: {  	_ =	shalt  }
0x7a: {  	_ =	shalt  }
0x7b: {  	_ =	shalt  }
0x7c: {  	_ =	shalt  }
0x7d: {  	_ =	shalt  }
0x7e: {  	_ =	shalt  }
0x7f: {  	_ =	shalt  }
0x80: {  	_ =	shalt  }
0x81: {  	_ =	shalt  }
0x82: {  	_ =	shalt  }
0x83: {  	_ =	shalt  }
0x84: {  	_ =	shalt  }
0x85: {  	_ =	shalt  }
0x86: {  	_ =	shalt  }
0x87: {  	_ =	shalt  }
.Lfunc_end0:
.L_simem_size_0:
called_computation.1_lowered:
.L_overlay_start_0:
0x88: {  	s2 =	sld [smem:$0x3FD9]  }
0x89: {  	s3 =	sld [smem:$0x3FFE];
	_ =	sdelay $0x1  }
0x8a: {  	s1 =	srdreg.scid  }
0x8b: {  	s0 =	sand.u32 $0x1, s1  }
0x8c: {  	s17 =	sshll.u32 s0, $0xA;
	s2 =	sadd.s32 s3, s2  }
0x8d: {  	s2 =	sadd.s32 s2, s17  }
0x8e: {  	[smem:$0x3FBD] =	sst s2  }
0x8f: {  	_ = 	snop  }
0x90: {  	s18 =	sld [smem:$0x3FD0];
	(tm) =	ssettm $0x1  }
0x91: {  	s19 =	sld [smem:$0x3FFB];
	_ =	sdelay $0x3  }
0x92: {  	_ =	strace s19  }
0x93: {  	s2 =	sld [smem:$0x3FFC];
	_ =	sdelay $0x3  }
0x94: {  	_ =	strace s2  }
0x95: {  	s2 =	sld [smem:$0x3FFD];
	_ =	sdelay $0x3  }
0x96: {  	_ =	strace s2  }
0x97: {  	_ =	strace $0x8FFFFFFF  }
0x98: {  	s20 =	sld [smem:$0x3FDB];
	_ =	sdelay $0x1  }
0x99: {  	s4 =	simm.s32 $_scs_section_size  }
0x9a: {  	s5 =	simm.s32 $_size__tile_overlayer_lowered;
	s6 =	simm.s32 $_tile_overlayer_lowered  }
0x9b: {  	s7 =	simm.s32 $0x1BFF;
	s21 =	sshll.u32 s6, $0x1;
	s4 =	sadd.s32 s4, s20  }
0x9c: {  	s22 =	simm.s32 $0x0;
	s5 =	sshll.u32 s5, $0x1;
	s6 =	sadd.s32 s21, s4  }
0x9d: {  	[timem:s22], [sflag:s7] =	dma.local [hbm:s6], s5  }
0x9e: {  	_ =	swait.ge [sflag:s7], s5  }
0x9f: {  	s5 =	ssub.s32 $0x0, s5;
	[sflag:s7] =	ssyncset.done $0x0  }
0xa0: {  	[sflag:s7] =	ssyncadd.s32 s5;
	_ =	sdelay $0x1  }
0xa1: {  	s23 =	simm.s32 $0x1B8B  }
0xa2: {  	_ =	swait.ge [sflag:s23], $0x1  }
0xa3: {  	[sflag:s23] =	ssyncset.done $0x0  }
0xa4: {  	[sflag:s23] =	ssyncadd.s32 $0xFFFFFFFF  }
0xa5: {  	s5 =	sld [smem:$0x0]  }
0xa6: {  	s6 =	sand.u32 $0xFFFFFFFE, s1  }
0xa7: {  	p0 =	sne.s32 s1, s6  }
0xa8: {  	s6 =	sshll.u32 @p0 s6, $0xE  }
0xa9: {  	s6 =	sadd.s32 @p0 $0x11B8D, s6;
	s7 =	sshll.u32 @p0 s5, $0x11  }
0xaa: {  	s6 =	sor.u32 @p0 s7, s6  }
0xab: {  	[sflag:s6] =	ssyncadd.remote.s32 @p0 $0x1;
	_ =	sdelay $0x1  }
0xac: {  	s6 =	simm.s32 @p0 $0x1B8D  }
0xad: {  	_ =	swait.eq @p0 [sflag:s6], $0x1  }
0xae: {  	[sflag:s6] =	ssyncadd.s32 @p0 $0xFFFFFFFF  }
0xaf: {  	s7 =	sshll.u32 @!p0 s1, $0xE  }
0xb0: {  	s7 =	sor.u32 @!p0 $0x4000, s7;
	s6 =	simm.s32 @!p0 $0x1B8D  }
0xb1: {  	s5 =	sshll.u32 @!p0 s5, $0x11;
	s7 =	sadd.s32 @!p0 $0x11B8D, s7;
	_ =	swait.eq @!p0 [sflag:s6], $0x1  }
0xb2: {  	s5 =	sor.u32 @!p0 s5, s7;
	[sflag:s6] =	ssyncadd.s32 @!p0 $0xFFFFFFFF  }
0xb3: {  	s25 =	simm.s32 $0x1B8E;
	s24 =	sld [smem:$0x3FFE];
	[sflag:s5] =	ssyncadd.remote.s32 @!p0 $0x1  }
0xb4: {  	s26 =	simm.s32 $execute0_lowered;
	[smem:$0x3FD2] =	sst s25  }
0xb5: {  	s6 =	sshll.u32 s26, $0x1;
	_ =	strace $0x80000049;
	[dreg:$0x1] =	wrdreg $0xFFFFFFFF  }
0xb6: {  	s28 =	simm.s32 $_size_execute0_lowered;
	s4 =	sadd.s32 s4, s6;
	[dreg:$0x0] =	wrdreg $0x0  }
0xb7: {  	s6 =	sshll.u32 s28, $0x1;
	[dreg:$0x2] =	wrdreg s4  }
0xb8: {  	[dreg:$0x3] =	wrdreg s6  }
0xb9: {  	[dreg:$0x4] =	wrdreg $0xC0  }
0xba: {  	_ =	task [dreg:s22], $0x5FFFF  }
0xbb: {  	[dreg:$0x1] =	wrdreg $0xFFFFFFFF  }
0xbc: {  	[dreg:$0x0] =	wrdreg $0x60  }
0xbd: {  	[dreg:$0x2] =	wrdreg s18  }
0xbe: {  	[dreg:$0x3] =	wrdreg s24  }
0xbf: {  	[dreg:$0x4] =	wrdreg $0xD  }
0xc0: {  	_ =	task.clear_ibuf [dreg:s22], $0x5FFFF;
	_ =	strace $0x90000049  }
0xc1: {  	s29 =	simm.s32 $0xD;
	_ =	strace $0x8000004B  }
0xc2: {  	_ =	swait.ge [sflag:s29], $0x1  }
0xc3: {  	[sflag:s29] =	ssyncadd.s32 $0xFFFFFFFF  }
0xc4: {  	_ =	strace $0x9000004B  }
0xc5: {  	_ =	sfence  }
0xc6: {  	s30 =	sld [smem:$0x0];
	_ =	sdelay $0x2  }
0xc7: {  	s31 =	sshll.u32 s1, $0xD;
	s1 =	sshrl.u32 s1, $0x2  }
0xc8: {  	s4 =	sand.u32 $0x4000, s31;
	s1 =	sadd.s32 s1, s30  }
0xc9: {  	s0 =	sor.u32 s4, s0;
	s1 =	sshll.u32 s1, $0x11  }
0xca: {  	s0 =	sor.u32 s1, s0  }
0xcb: {  	s0 =	sadd.s32 $0x8F2B, s0  }
0xcc: {  	[sflag:s0] =	ssyncadd.remote.s32 $0x1  }
0xcd: {  	_ =	sfence.sel $0xFFFF  }
0xce: {  	[dreg:$0x0] =	wrdreg $0xFFFFFFFF;
	(pc) =	sbr.abs _section_cstart, $3  }
0xcf: {  	[dreg:$0x1] =	wrdreg $0xFFFFFFFF  }
0xd0: {  	_ =	task.clear_ibuf [dreg:s22], $0x2FFFF;
	_ =	strace $0x9FFFFFFF  }
0xd1: {  	(tm) =	ssettm $0x7FFFFFFF  }
tec
execute0_lowered:
.L_overlay_start_1:
0x0: {  	(tag) =	ssettag $0x1  }
0x1: {  	s2 =	rddreg [dreg:$0x0]  }
0x2: {  	s0 =	rddreg [dreg:$0x1]  }
0x3: {  	s1 =	srdreg.scid;
	s12 =	stileid.u32  }
0x4: {  	s3 =	simm.s32 $0x0;
	s15 =	simm.s32 $0x800;
	s16 =	simm.s32 $0x80  }
0x5: {  	s17 =	simm.s32 $0x1000;
	s18 =	simm.s32 $0x5000;
	s19 =	simm.s32 $0x3000  }
0x6: {  	s20 =	simm.s32 $0x7000;
	s21 =	simm.s32 $0x1;
	s22 =	simm.s32 $0x3  }
0x7: {  	s23 =	simm.s32 $0x2;
	s24 =	simm.s32 $0x4;
	s28 =	simm.s32 $0x0  }
0x8: {  	s1 =	sand.u32 $0x1, s1;
	s4 =	sshll.u32 s12, $0x5;
	[smem:$0x7FF] =	sst s3  }
0x9: {  	s10 =	sadd.s32 $0x12E600, s0;
	s12 =	sshll.u32 s12, $0xF;
	s5 =	sshll.u32 s1, $0x4  }
0xa: {  	_ =	strace $0x8000004A;
	s30 =	ssub.s32 $0x2, s1;
	s13 =	sadd.s32 s12, s10  }
0xb: {  	s1 =	sshll.u32 s1, $0xE;
	s6 =	sor.u32 s5, s4;
	s4 =	sadd.s32 $0x6C00, s0  }
0xc: {  	s8 =	sshrl.u32 s30, $0x1;
	s13 =	sadd.s32 s1, s13;
	s5 =	sshll.u32 s6, $0x4  }
0xd: {  	s8 =	ssub.s32 s30, s8;
	s11 =	sshll.u32 s6, $0xA;
	s7 =	sadd.s32 s5, s0  }
0xe: {  	s0 =	sadd.s32 $0x1AE600, s0;
	s9 =	sor.u32 $0x3800, s11;
	s11 =	sor.u32 $0x3C00, s11  }
0xf: {  	s5 =	sadd.s32 $0x120600, s7;
	s6 =	sadd.s32 $0x11E600, s7;
	s7 =	smax.u32 s8, $0x1  }
0x10: {  	s8 =	sadd.s32 s10, s9;
	s9 =	sadd.s32 s0, s9;
	s14 =	sadd.s32 s12, s0  }
0x11: {  	s10 =	sadd.s32 s10, s11;
	s11 =	sadd.s32 s0, s11;
	s31 =	sadd.s32 s1, s14  }
0x12: {  	s12 =	sadd.s32 $0x400, s13;
	s14 =	simm.s32 $0x5;
	s13 =	sadd.s32 $0x400, s31  }
.LBB2_1:
0x13: {  	[tilespmem:s3], [sflag:$0x5] =	stream.linear.gather [hbm4b:s5+s3], $0x800, $0x38;
	[tilespmem:$0x9000] =	vst v63  }
0x14: {  	_ =	swait.ge [sflag:s14], $0x800  }
0x15: {  	[sflag:s14] =	ssyncset.done $0x0  }
0x16: {  	[sflag:s14] =	ssyncadd.s32 $0xFFFFF800  }
0x17: {  	[tilespmem:s15], [sflag:$0x5] =	stream.linear.gather [hbm4b:s6+s3], $0x800, $0x38;
	[tilespmem:$0x9000] =	vst v63  }
0x18: {  	_ =	swait.ge [sflag:s14], $0x800  }
0x19: {  	[sflag:s14] =	ssyncset.done $0x0  }
0x1a: {  	[sflag:s14] =	ssyncadd.s32 $0xFFFFF800  }
0x1b: {  	[tilespmem:s17], [sflag:$0x1] =	stream.indirect.gather [hbm4b:s2+s16], $0x40, s3, s16, $0xb8;
	[tilespmem:$0x9000] =	vst v63  }
0x1c: {  	_ = 	snop  }
0x1d: {  	[tilespmem:s18], [sflag:$0x3] =	stream.indirect.gather [hbm4b:s4+s16], $0x40, s15, s16, $0xb8;
	[tilespmem:$0x9000] =	vst v63  }
0x1e: {  	s0 =	simm.s32 $0x80  }
0x1f: {  	[tilespmem:s19], [sflag:$0x2] =	stream.indirect.gather [hbm4b:s2+s16], $0x40, s0, s16, $0xb8;
	[tilespmem:$0x9000] =	vst v63  }
0x20: {  	s25 =	simm.s32 $0x880  }
0x21: {  	[tilespmem:s20], [sflag:$0x4] =	stream.indirect.gather [hbm4b:s4+s16], $0x40, s25, s16, $0xb8;
	[tilespmem:$0x9000] =	vst v63  }
0x22: {  	_ =	swait.ge [sflag:s21], $0x2000  }
0x23: {  	[sflag:s21] =	ssyncset.done $0x0  }
0x24: {  	s26 =	sadd.s32 $0xFFFFFC00, s12;
	[sflag:s21] =	ssyncadd.s32 $0xFFFFE000  }
0x25: {  	[hbm4b:s26+s3] =	stream.linear.scatter [tilespmem:s17], [sflag:$0x5], $0x2000, $0x38;
	[tilespmem:$0x9000] =	vst v63  }
0x26: {  	_ =	swait.ge [sflag:s14], $0x2000  }
0x27: {  	[sflag:s14] =	ssyncset.done $0x0  }
0x28: {  	[sflag:s14] =	ssyncadd.s32 $0xFFFFE000  }
0x29: {  	_ =	swait.ge [sflag:s22], $0x2000  }
0x2a: {  	[sflag:s22] =	ssyncset.done $0x0  }
0x2b: {  	s1 =	sadd.s32 $0xFFFFFC00, s13;
	[sflag:s22] =	ssyncadd.s32 $0xFFFFE000  }
0x2c: {  	[hbm4b:s1+s3] =	stream.linear.scatter [tilespmem:s18], [sflag:$0x5], $0x2000, $0x38;
	[tilespmem:$0x9000] =	vst v63  }
0x2d: {  	_ =	swait.ge [sflag:s14], $0x2000  }
0x2e: {  	[sflag:s14] =	ssyncset.done $0x0  }
0x2f: {  	s25 =	simm.s32 $0x100;
	[sflag:s14] =	ssyncadd.s32 $0xFFFFE000  }
0x30: {  	[tilespmem:s17], [sflag:$0x1] =	stream.indirect.gather [hbm4b:s2+s16], $0x40, s25, s16, $0xb8;
	[tilespmem:$0x9000] =	vst v63  }
0x31: {  	s26 =	simm.s32 $0x900  }
0x32: {  	[tilespmem:s18], [sflag:$0x3] =	stream.indirect.gather [hbm4b:s4+s16], $0x40, s26, s16, $0xb8;
	[tilespmem:$0x9000] =	vst v63  }
0x33: {  	_ =	swait.ge [sflag:s23], $0x2000  }
0x34: {  	[sflag:s23] =	ssyncset.done $0x0  }
0x35: {  	[sflag:s23] =	ssyncadd.s32 $0xFFFFE000  }
0x36: {  	[hbm4b:s12+s3] =	stream.linear.scatter [tilespmem:s19], [sflag:$0x5], $0x2000, $0x38;
	[tilespmem:$0x9000] =	vst v63  }
0x37: {  	_ =	swait.ge [sflag:s14], $0x2000  }
0x38: {  	[sflag:s14] =	ssyncset.done $0x0  }
0x39: {  	[sflag:s14] =	ssyncadd.s32 $0xFFFFE000  }
0x3a: {  	_ =	swait.ge [sflag:s24], $0x2000  }
0x3b: {  	[sflag:s24] =	ssyncset.done $0x0  }
0x3c: {  	[sflag:s24] =	ssyncadd.s32 $0xFFFFE000  }
0x3d: {  	[hbm4b:s13+s3] =	stream.linear.scatter [tilespmem:s20], [sflag:$0x5], $0x2000, $0x38;
	[tilespmem:$0x9000] =	vst v63  }
0x3e: {  	s29 =	sadd.s32 $0x800, s13;
	s31 =	simm.s32 $0x100;
	_ =	swait.ge [sflag:s14], $0x2000  }
0x3f: {  	s30 =	sadd.s32 $0x800, s12;
	s0 =	simm.s32 $0x800;
	[sflag:s14] =	ssyncset.done $0x0  }
.LBB2_2:
0x40: {  	s26 =	sadd.s32 $0x80, s31  }
0x41: {  	[sflag:s14] =	ssyncadd.s32 $0xFFFFE000;
	s1 =	smov.u32 s0;
	s25 =	sadd.s32 $0x400, s0  }
0x42: {  	[tilespmem:s19], [sflag:$0x2] =	stream.indirect.gather [hbm4b:s2+s16], $0x40, s26, s16, $0xb8;
	[tilespmem:$0x9000] =	vst v63  }
0x43: {  	p0 =	sne.s32 s0, $0x1800;
	s0 =	sadd.s32 $0x880, s31  }
0x44: {  	[tilespmem:s20], [sflag:$0x4] =	stream.indirect.gather [hbm4b:s4+s16], $0x40, s0, s16, $0xb8;
	[tilespmem:$0x9000] =	vst v63  }
0x45: {  	_ =	swait.ge [sflag:s21], $0x2000  }
0x46: {  	[sflag:s21] =	ssyncset.done $0x0  }
0x47: {  	s0 =	sadd.s32 $0xFFFFFC00, s30;
	[sflag:s21] =	ssyncadd.s32 $0xFFFFE000  }
0x48: {  	[hbm4b:s0+s3] =	stream.linear.scatter [tilespmem:s17], [sflag:$0x5], $0x2000, $0x38;
	[tilespmem:$0x9000] =	vst v63  }
0x49: {  	_ =	swait.ge [sflag:s14], $0x2000  }
0x4a: {  	[sflag:s14] =	ssyncset.done $0x0  }
0x4b: {  	[sflag:s14] =	ssyncadd.s32 $0xFFFFE000  }
0x4c: {  	_ =	swait.ge [sflag:s22], $0x2000  }
0x4d: {  	[sflag:s22] =	ssyncset.done $0x0  }
0x4e: {  	s0 =	sadd.s32 $0xFFFFFC00, s29;
	[sflag:s22] =	ssyncadd.s32 $0xFFFFE000  }
0x4f: {  	[hbm4b:s0+s3] =	stream.linear.scatter [tilespmem:s18], [sflag:$0x5], $0x2000, $0x38;
	[tilespmem:$0x9000] =	vst v63  }
0x50: {  	_ =	swait.ge [sflag:s14], $0x2000  }
0x51: {  	[sflag:s14] =	ssyncset.done $0x0  }
0x52: {  	s0 =	sadd.s32 $0x100, s31;
	[sflag:s14] =	ssyncadd.s32 $0xFFFFE000  }
0x53: {  	[tilespmem:s17], [sflag:$0x1] =	stream.indirect.gather [hbm4b:s2+s16], $0x40, s0, s16, $0xb8;
	[tilespmem:$0x9000] =	vst v63  }
0x54: {  	s0 =	sadd.s32 $0x900, s31  }
0x55: {  	[tilespmem:s18], [sflag:$0x3] =	stream.indirect.gather [hbm4b:s4+s16], $0x40, s0, s16, $0xb8;
	[tilespmem:$0x9000] =	vst v63  }
0x56: {  	_ =	swait.ge [sflag:s23], $0x2000  }
0x57: {  	[sflag:s23] =	ssyncset.done $0x0  }
0x58: {  	[sflag:s23] =	ssyncadd.s32 $0xFFFFE000  }
0x59: {  	[hbm4b:s30+s3] =	stream.linear.scatter [tilespmem:s19], [sflag:$0x5], $0x2000, $0x38;
	[tilespmem:$0x9000] =	vst v63  }
0x5a: {  	_ =	swait.ge [sflag:s14], $0x2000  }
0x5b: {  	[sflag:s14] =	ssyncset.done $0x0  }
0x5c: {  	[sflag:s14] =	ssyncadd.s32 $0xFFFFE000  }
0x5d: {  	_ =	swait.ge [sflag:s24], $0x2000  }
.Ltmp0:
0x5e: {  	[sflag:s24] =	ssyncset.done $0x0;
	(pc) =	sbr.rel @p0 .LBB2_2-.Ltmp0, $4  }
0x5f: {  	[sflag:s24] =	ssyncadd.s32 $0xFFFFE000  }
0x60: {  	[hbm4b:s29+s3] =	stream.linear.scatter [tilespmem:s20], [sflag:$0x5], $0x2000, $0x38;
	[tilespmem:$0x9000] =	vst v63  }
0x61: {  	s31 =	sshra.s32 s1, $0x2;
	s29 =	sadd.s32 $0x800, s29;
	_ =	swait.ge [sflag:s14], $0x2000  }
0x62: {  	s0 =	smov.u32 s25;
	s30 =	sadd.s32 $0x800, s30;
	[sflag:s14] =	ssyncset.done $0x0  }
0x63: {  	s0 =	sadd.s32 $0x80, s31;
	[sflag:s14] =	ssyncadd.s32 $0xFFFFE000  }
0x64: {  	[tilespmem:s19], [sflag:$0x2] =	stream.indirect.gather [hbm4b:s2+s16], $0x40, s0, s16, $0xb8;
	[tilespmem:$0x9000] =	vst v63  }
0x65: {  	s25 =	sadd.s32 $0x880, s31  }
0x66: {  	[tilespmem:s20], [sflag:$0x4] =	stream.indirect.gather [hbm4b:s4+s16], $0x40, s25, s16, $0xb8;
	[tilespmem:$0x9000] =	vst v63  }
0x67: {  	_ =	swait.ge [sflag:s21], $0x2000  }
0x68: {  	[sflag:s21] =	ssyncset.done $0x0  }
0x69: {  	s26 =	sadd.s32 $0xFFFFFC00, s30;
	[sflag:s21] =	ssyncadd.s32 $0xFFFFE000  }
0x6a: {  	[hbm4b:s26+s3] =	stream.linear.scatter [tilespmem:s17], [sflag:$0x5], $0x2000, $0x38;
	[tilespmem:$0x9000] =	vst v63  }
0x6b: {  	_ =	swait.ge [sflag:s14], $0x2000  }
0x6c: {  	[sflag:s14] =	ssyncset.done $0x0  }
0x6d: {  	[sflag:s14] =	ssyncadd.s32 $0xFFFFE000  }
0x6e: {  	_ =	swait.ge [sflag:s22], $0x2000  }
0x6f: {  	[sflag:s22] =	ssyncset.done $0x0  }
0x70: {  	s1 =	sadd.s32 $0xFFFFFC00, s29;
	[sflag:s22] =	ssyncadd.s32 $0xFFFFE000  }
0x71: {  	[hbm4b:s1+s3] =	stream.linear.scatter [tilespmem:s18], [sflag:$0x5], $0x2000, $0x38;
	[tilespmem:$0x9000] =	vst v63  }
0x72: {  	_ =	swait.ge [sflag:s14], $0x2000  }
0x73: {  	[sflag:s14] =	ssyncset.done $0x0  }
0x74: {  	s25 =	sadd.s32 $0x100, s31;
	[sflag:s14] =	ssyncadd.s32 $0xFFFFE000  }
0x75: {  	[tilespmem:s17], [sflag:$0x1] =	stream.indirect.gather [hbm4b:s2+s16], $0x40, s25, s16, $0xb8;
	[tilespmem:$0x9000] =	vst v63  }
0x76: {  	s26 =	sadd.s32 $0x900, s31  }
0x77: {  	[tilespmem:s18], [sflag:$0x3] =	stream.indirect.gather [hbm4b:s4+s16], $0x40, s26, s16, $0xb8;
	[tilespmem:$0x9000] =	vst v63  }
0x78: {  	_ =	swait.ge [sflag:s23], $0x2000  }
0x79: {  	[sflag:s23] =	ssyncset.done $0x0  }
0x7a: {  	[sflag:s23] =	ssyncadd.s32 $0xFFFFE000  }
0x7b: {  	[hbm4b:s30+s3] =	stream.linear.scatter [tilespmem:s19], [sflag:$0x5], $0x2000, $0x38;
	[tilespmem:$0x9000] =	vst v63  }
0x7c: {  	_ =	swait.ge [sflag:s14], $0x2000  }
0x7d: {  	[sflag:s14] =	ssyncset.done $0x0  }
0x7e: {  	[sflag:s14] =	ssyncadd.s32 $0xFFFFE000  }
0x7f: {  	_ =	swait.ge [sflag:s24], $0x2000  }
0x80: {  	[sflag:s24] =	ssyncset.done $0x0  }
0x81: {  	[sflag:s24] =	ssyncadd.s32 $0xFFFFE000  }
0x82: {  	[hbm4b:s29+s3] =	stream.linear.scatter [tilespmem:s20], [sflag:$0x5], $0x2000, $0x38;
	[tilespmem:$0x9000] =	vst v63  }
0x83: {  	_ =	swait.ge [sflag:s14], $0x2000  }
0x84: {  	[sflag:s14] =	ssyncset.done $0x0  }
0x85: {  	s30 =	simm.s32 $0x780;
	[sflag:s14] =	ssyncadd.s32 $0xFFFFE000  }
0x86: {  	[tilespmem:s19], [sflag:$0x2] =	stream.indirect.gather [hbm4b:s2+s16], $0x40, s30, s16, $0xb8;
	[tilespmem:$0x9000] =	vst v63  }
0x87: {  	s31 =	simm.s32 $0xF80  }
0x88: {  	[tilespmem:s20], [sflag:$0x4] =	stream.indirect.gather [hbm4b:s4+s16], $0x40, s31, s16, $0xb8;
	[tilespmem:$0x9000] =	vst v63  }
0x89: {  	_ =	swait.ge [sflag:s21], $0x2000  }
0x8a: {  	[sflag:s21] =	ssyncset.done $0x0  }
0x8b: {  	[sflag:s21] =	ssyncadd.s32 $0xFFFFE000  }
0x8c: {  	[hbm4b:s8+s3] =	stream.linear.scatter [tilespmem:s17], [sflag:$0x5], $0x2000, $0x38;
	[tilespmem:$0x9000] =	vst v63  }
0x8d: {  	_ =	swait.ge [sflag:s14], $0x2000  }
0x8e: {  	[sflag:s14] =	ssyncset.done $0x0  }
0x8f: {  	[sflag:s14] =	ssyncadd.s32 $0xFFFFE000  }
0x90: {  	_ =	swait.ge [sflag:s22], $0x2000  }
0x91: {  	[sflag:s22] =	ssyncset.done $0x0  }
0x92: {  	[sflag:s22] =	ssyncadd.s32 $0xFFFFE000  }
0x93: {  	[hbm4b:s9+s3] =	stream.linear.scatter [tilespmem:s18], [sflag:$0x5], $0x2000, $0x38;
	[tilespmem:$0x9000] =	vst v63  }
0x94: {  	_ =	swait.ge [sflag:s14], $0x2000  }
0x95: {  	[sflag:s14] =	ssyncset.done $0x0  }
0x96: {  	[sflag:s14] =	ssyncadd.s32 $0xFFFFE000  }
0x97: {  	_ =	swait.ge [sflag:s23], $0x2000  }
0x98: {  	[sflag:s23] =	ssyncset.done $0x0  }
0x99: {  	[sflag:s23] =	ssyncadd.s32 $0xFFFFE000  }
0x9a: {  	[hbm4b:s10+s3] =	stream.linear.scatter [tilespmem:s19], [sflag:$0x5], $0x2000, $0x38;
	[tilespmem:$0x9000] =	vst v63  }
0x9b: {  	_ =	swait.ge [sflag:s14], $0x2000  }
0x9c: {  	[sflag:s14] =	ssyncset.done $0x0  }
0x9d: {  	[sflag:s14] =	ssyncadd.s32 $0xFFFFE000  }
0x9e: {  	s28 =	sadd.s32 $0x1, s28;
	_ =	swait.ge [sflag:s24], $0x2000  }
0x9f: {  	p0 =	sne.s32 s28, s7;
	[sflag:s24] =	ssyncset.done $0x0  }
.Ltmp1:
0xa0: {  	[sflag:s24] =	ssyncadd.s32 $0xFFFFE000;
	(pc) =	sbr.rel @p0 .LBB2_1-.Ltmp1, $4  }
0xa1: {  	[hbm4b:s11+s3] =	stream.linear.scatter [tilespmem:s20], [sflag:$0x5], $0x2000, $0x38;
	[tilespmem:$0x9000] =	vst v63  }
0xa2: {  	_ =	swait.ge [sflag:s14], $0x2000  }
0xa3: {  	[sflag:s14] =	ssyncset.done $0x0  }
0xa4: {  	[sflag:s14] =	ssyncadd.s32 $0xFFFFE000  }
0xa5: {  	_ =	sfence.sel $0x180000  }
0xa6: {  	[bflag:$0x0] =	sbarrier.arrive $0xFFFF  }
0xa7: {  	_ =	strace $0x9000004A  }
0xa8: {  	s0 =	stileid.u32;
	[bflag:$0x2] =	sbarrier.arrive $0xFFFF  }
0xa9: {  	p0 =	sne.s32 s0, $0x0;
	s0 =	rddreg [dreg:$0x2]  }
0xaa: {  	s0 =	sadd.s32 @!p0 $0x100000, s0  }
0xab: {  	[sflag:s0] =	ssyncadd.tile.s32 @!p0 $0x1;
	_ =	shalt  }
.Lfunc_end2:
_tile_overlayer_lowered:
.L_overlay_start_2:
0xac: {  	(tag) =	ssettag $0x2  }
0xad: {  	s0 =	rddreg [dreg:$0x0];
	s2 =	stileid.u32  }
0xae: {  	s1 =	rddreg [dreg:$0x1];
	p0 =	sne.s32 s2, $0x0  }
0xaf: {  	s3 =	rddreg [dreg:$0x2];
	[bflag:$0x3] =	sbarrier.arrive $0xFFFF;
	s2 =	simm.s32 @!p0 $0x1C05  }
0xb0: {  	[timem:s3], [sflag:s2] =	dma.local @!p0 [hbm:s0], s1  }
0xb1: {  	s0 =	simm.s32 @!p0 $0x5  }
0xb2: {  	_ =	swait.ge @!p0 [sflag:s0], s1  }
0xb3: {  	s1 =	ssub.s32 @!p0 $0x0, s1;
	[sflag:s0] =	ssyncset.done @!p0 $0x0  }
0xb4: {  	[sflag:s0] =	ssyncadd.s32 @!p0 s1  }
0xb5: {  	[bflag:$0x3] =	sbarrier.arrive $0xFFFF  }
0xb6: {  	_ =	shalt  }

// kernel: kernel.23.cloned.1.call-start
scs
__scs_entry_jumppad:
0x0: {  	(pc) =	sbr.rel $0x88, $3  }
0x1: {  	(tag) =	ssettag $0x0;
	lr =	simm.s32 $0x1  }
0x2: {  	[smem:$0x3F96] =	sst lr;
	_ =	strace $0xD0000000  }
0x3: {  	_ = 	snop  }
0x4: {  	_ = 	snop  }
0x5: {  	_ = 	snop  }
0x6: {  	_ = 	snop  }
0x7: {  	_ = 	snop  }
__scs_overlays_trampoline_lowered:
0x8: {  	[smem:$0x3FA5] =	sst s0  }
0x9: {  	[smem:$0x3FA6] =	sst s1  }
0xa: {  	[smem:$0x3FA7] =	sst s2  }
0xb: {  	[smem:$0x3FA8] =	sst s3  }
0xc: {  	[smem:$0x3FA9] =	sst s4  }
0xd: {  	[smem:$0x3FAA] =	sst s5  }
0xe: {  	[smem:$0x3FAB] =	sst s6  }
0xf: {  	[smem:$0x3FAC] =	sst s7  }
0x10: {  	[smem:$0x3FAD] =	sst s8  }
0x11: {  	[smem:$0x3FAE] =	sst s9;
	s0 =	simm.s32 @!p0 $0x0  }
0x12: {  	s1 =	sld [smem:$0x3F94];
	s0 =	simm.s32 @p0 $0x1  }
0x13: {  	[smem:$0x3FAF] =	sst s0;
	s0 =	simm.s32 @!p1 $0x0  }
0x14: {  	s2 =	sld [smem:$0x3F93];
	s0 =	simm.s32 @p1 $0x1  }
0x15: {  	[smem:$0x3FB0] =	sst s0;
	s0 =	simm.s32 @!p2 $0x0  }
0x16: {  	s3 =	sld [smem:$0x3FDB];
	s0 =	simm.s32 @p2 $0x1  }
0x17: {  	s4 =	simm.s32 $0x1BF5;
	[smem:$0x3FB2] =	sst s0  }
0x18: {  	s0 =	sld [smem:$0x3F95];
	_ =	swait.ge [sflag:s4], $0x0  }
0x19: {  	s7 =	sld [smem:$0x3F96]  }
0x1a: {  	s8 =	sadd.s32 $0xFFFFE003, lr  }
0x1b: {  	s9 =	sadd.s32 $0xFFFFFEF7, lr;
	s5 =	simm.s32 $0xFFFFFFFF;
	p2 =	slt.u32 s8, $0xFFFFF086  }
0x1c: {  	p1 =	slt.u32 s9, $0xF7A;
	s5 =	simm.s32 @!p2 $0x0  }
0x1d: {  	s5 =	simm.s32 @p1 $0x1;
	p0 =	seq.s32 s7, s2  }
0x1e: {  	s7 =	smul.u32 @!p0 $0xF7A, s2;
	p2 =	seq.s32 @!p0 s5, $0x0  }
0x1f: {  	s9 =	smul.u32 $0xF7A, s1;
	s8 =	simm.s32 @!p0 $0x1BF5;
	p2 =	por !p2, p0  }
0x20: {  	[sflag:s8] =	ssyncset.s32 @!p0 $0xFFFFF086;
	s6 =	sadd.s32 @!p0 s3, s7;
	s7 =	simm.s32 @!p0 $0x108  }
0x21: {  	s3 =	sadd.s32 s3, s9;
	s6 =	sadd.s32 @!p0 $0x88, s6;
	s7 =	simm.s32 @p2 $0x1082  }
0x22: {  	[simem:s7], [sflag:s8] =	dma.local @!p0 [hbm:s6], $0xF7A  }
0x23: {  	s9 =	sor.u32 $0xD0000000, s2;
	s6 =	simm.s32 $0x108;
	_ =	swait.ge @!p0 [sflag:s8], $0x0  }
0x24: {  	s3 =	sadd.s32 $0x88, s3;
	s6 =	simm.s32 @!p1 $0x1082;
	[sflag:s4] =	ssyncset.s32 $0xFFFFF086  }
0x25: {  	[simem:s6], [sflag:s4] =	dma.local [hbm:s3], $0xF7A  }
0x26: {  	[smem:$0x3F96] =	sst s1;
	(tag) =	ssettag s2;
	_ =	strace s9  }
0x27: {  	s1 =	sld [smem:$0x3FA6]  }
0x28: {  	s2 =	sld [smem:$0x3FA7]  }
0x29: {  	s4 =	sld [smem:$0x3FA9]  }
0x2a: {  	p0 =	seq.s32 s5, $0x0;
	s5 =	sld [smem:$0x3FAA]  }
0x2b: {  	s6 =	sld [smem:$0x3FAB]  }
0x2c: {  	s7 =	sld [smem:$0x3FAC]  }
0x2d: {  	s3 =	simm.s32 $0x108;
	s8 =	sld [smem:$0x3FAD]  }
0x2e: {  	s3 =	simm.s32 @!p0 $0x1082;
	s9 =	sld [smem:$0x3FAE]  }
0x2f: {  	lr =	sadd.s32 s0, s3;
	s0 =	sld [smem:$0x3FA5]  }
0x30: {  	s3 =	sld [smem:$0x3FA8]  }
0x31: {  	[smem:$0x3FB1] =	sst s10  }
0x32: {  	s10 =	sld [smem:$0x3FAF];
	_ =	sdelay $0x3  }
0x33: {  	p0 =	seq.s32 s10, $0x1;
	s10 =	sld [smem:$0x3FB1];
	_ =	sdelay $0x3  }
0x34: {  	[smem:$0x3FB1] =	sst s10  }
0x35: {  	s10 =	sld [smem:$0x3FB0];
	_ =	sdelay $0x3  }
0x36: {  	p1 =	seq.s32 s10, $0x1;
	s10 =	sld [smem:$0x3FB1];
	_ =	sdelay $0x3  }
0x37: {  	[smem:$0x3FB1] =	sst s10  }
0x38: {  	s10 =	sld [smem:$0x3FB2]  }
0x39: {  	_ = 	snop;
	(pc) =	sbr.ind lr, $3  }
0x3a: {  	_ = 	snop  }
0x3b: {  	_ = 	snop  }
0x3c: {  	p2 =	seq.s32 s10, $0x1;
	s10 =	sld [smem:$0x3FB1]  }
0x3d: {  	_ =	shalt  }
0x3e: {  	_ =	shalt  }
0x3f: {  	_ =	shalt  }
0x40: {  	_ =	shalt  }
0x41: {  	_ =	shalt  }
0x42: {  	_ =	shalt  }
0x43: {  	_ =	shalt  }
0x44: {  	_ =	shalt  }
0x45: {  	_ =	shalt  }
0x46: {  	_ =	shalt  }
0x47: {  	_ =	shalt  }
0x48: {  	_ =	shalt  }
0x49: {  	_ =	shalt  }
0x4a: {  	_ =	shalt  }
0x4b: {  	_ =	shalt  }
0x4c: {  	_ =	shalt  }
0x4d: {  	_ =	shalt  }
0x4e: {  	_ =	shalt  }
0x4f: {  	_ =	shalt  }
0x50: {  	_ =	shalt  }
0x51: {  	_ =	shalt  }
0x52: {  	_ =	shalt  }
0x53: {  	_ =	shalt  }
0x54: {  	_ =	shalt  }
0x55: {  	_ =	shalt  }
0x56: {  	_ =	shalt  }
0x57: {  	_ =	shalt  }
0x58: {  	_ =	shalt  }
0x59: {  	_ =	shalt  }
0x5a: {  	_ =	shalt  }
0x5b: {  	_ =	shalt  }
0x5c: {  	_ =	shalt  }
0x5d: {  	_ =	shalt  }
0x5e: {  	_ =	shalt  }
0x5f: {  	_ =	shalt  }
0x60: {  	_ =	shalt  }
0x61: {  	_ =	shalt  }
0x62: {  	_ =	shalt  }
0x63: {  	_ =	shalt  }
0x64: {  	_ =	shalt  }
0x65: {  	_ =	shalt  }
0x66: {  	_ =	shalt  }
0x67: {  	_ =	shalt  }
0x68: {  	_ =	shalt  }
0x69: {  	_ =	shalt  }
0x6a: {  	_ =	shalt  }
0x6b: {  	_ =	shalt  }
0x6c: {  	_ =	shalt  }
0x6d: {  	_ =	shalt  }
0x6e: {  	_ =	shalt  }
0x6f: {  	_ =	shalt  }
0x70: {  	_ =	shalt  }
0x71: {  	_ =	shalt  }
0x72: {  	_ =	shalt  }
0x73: {  	_ =	shalt  }
0x74: {  	_ =	shalt  }
0x75: {  	_ =	shalt  }
0x76: {  	_ =	shalt  }
0x77: {  	_ =	shalt  }
0x78: {  	_ =	shalt  }
0x79: {  	_ =	shalt  }
0x7a: {  	_ =	shalt  }
0x7b: {  	_ =	shalt  }
0x7c: {  	_ =	shalt  }
0x7d: {  	_ =	shalt  }
0x7e: {  	_ =	shalt  }
0x7f: {  	_ =	shalt  }
0x80: {  	_ =	shalt  }
0x81: {  	_ =	shalt  }
0x82: {  	_ =	shalt  }
0x83: {  	_ =	shalt  }
0x84: {  	_ =	shalt  }
0x85: {  	_ =	shalt  }
0x86: {  	_ =	shalt  }
0x87: {  	_ =	shalt  }
.Lfunc_end0:
.L_simem_size_0:
called_computation.2_lowered:
.L_overlay_start_0:
0x88: {  	s2 =	sld [smem:$0x3FD9]  }
0x89: {  	s3 =	sld [smem:$0x3FFE];
	_ =	sdelay $0x1  }
0x8a: {  	s1 =	srdreg.scid  }
0x8b: {  	s0 =	sand.u32 $0x1, s1  }
0x8c: {  	s17 =	sshll.u32 s0, $0xA;
	s2 =	sadd.s32 s3, s2  }
0x8d: {  	s2 =	sadd.s32 s2, s17  }
0x8e: {  	[smem:$0x3FBD] =	sst s2  }
0x8f: {  	_ = 	snop  }
0x90: {  	s18 =	sld [smem:$0x3FD0];
	(tm) =	ssettm $0x1  }
0x91: {  	s19 =	sld [smem:$0x3FFB];
	_ =	sdelay $0x3  }
0x92: {  	_ =	strace s19  }
0x93: {  	s2 =	sld [smem:$0x3FFC];
	_ =	sdelay $0x3  }
0x94: {  	_ =	strace s2  }
0x95: {  	s2 =	sld [smem:$0x3FFD];
	_ =	sdelay $0x3  }
0x96: {  	_ =	strace s2  }
0x97: {  	_ =	strace $0x8FFFFFFF  }
0x98: {  	s20 =	sld [smem:$0x3FDB];
	_ =	sdelay $0x1  }
0x99: {  	s4 =	simm.s32 $_scs_section_size  }
0x9a: {  	s5 =	simm.s32 $_size__tile_overlayer_lowered;
	s6 =	simm.s32 $_tile_overlayer_lowered  }
0x9b: {  	s7 =	simm.s32 $0x1BFF;
	s21 =	sshll.u32 s6, $0x1;
	s4 =	sadd.s32 s4, s20  }
0x9c: {  	s22 =	simm.s32 $0x0;
	s5 =	sshll.u32 s5, $0x1;
	s6 =	sadd.s32 s21, s4  }
0x9d: {  	[timem:s22], [sflag:s7] =	dma.local [hbm:s6], s5  }
0x9e: {  	_ =	swait.ge [sflag:s7], s5  }
0x9f: {  	s5 =	ssub.s32 $0x0, s5;
	[sflag:s7] =	ssyncset.done $0x0  }
0xa0: {  	[sflag:s7] =	ssyncadd.s32 s5;
	_ =	sdelay $0x1  }
0xa1: {  	s23 =	simm.s32 $0x1B8B  }
0xa2: {  	_ =	swait.ge [sflag:s23], $0x1  }
0xa3: {  	[sflag:s23] =	ssyncset.done $0x0  }
0xa4: {  	[sflag:s23] =	ssyncadd.s32 $0xFFFFFFFF  }
0xa5: {  	s5 =	sld [smem:$0x0]  }
0xa6: {  	s6 =	sand.u32 $0xFFFFFFFE, s1  }
0xa7: {  	p0 =	sne.s32 s1, s6  }
0xa8: {  	s6 =	sshll.u32 @p0 s6, $0xE  }
0xa9: {  	s6 =	sadd.s32 @p0 $0x11B8D, s6;
	s7 =	sshll.u32 @p0 s5, $0x11  }
0xaa: {  	s6 =	sor.u32 @p0 s7, s6  }
0xab: {  	[sflag:s6] =	ssyncadd.remote.s32 @p0 $0x1;
	_ =	sdelay $0x1  }
0xac: {  	s6 =	simm.s32 @p0 $0x1B8D  }
0xad: {  	_ =	swait.eq @p0 [sflag:s6], $0x1  }
0xae: {  	[sflag:s6] =	ssyncadd.s32 @p0 $0xFFFFFFFF  }
0xaf: {  	s7 =	sshll.u32 @!p0 s1, $0xE  }
0xb0: {  	s7 =	sor.u32 @!p0 $0x4000, s7;
	s6 =	simm.s32 @!p0 $0x1B8D  }
0xb1: {  	s5 =	sshll.u32 @!p0 s5, $0x11;
	s7 =	sadd.s32 @!p0 $0x11B8D, s7;
	_ =	swait.eq @!p0 [sflag:s6], $0x1  }
0xb2: {  	s5 =	sor.u32 @!p0 s5, s7;
	[sflag:s6] =	ssyncadd.s32 @!p0 $0xFFFFFFFF  }
0xb3: {  	s25 =	simm.s32 $0x1B8E;
	s24 =	sld [smem:$0x3FFE];
	[sflag:s5] =	ssyncadd.remote.s32 @!p0 $0x1  }
0xb4: {  	s26 =	simm.s32 $execute0_lowered;
	[smem:$0x3FD2] =	sst s25  }
0xb5: {  	s6 =	sshll.u32 s26, $0x1;
	_ =	strace $0x8000004C;
	[dreg:$0x1] =	wrdreg $0xFFFFFFFF  }
0xb6: {  	s28 =	simm.s32 $_size_execute0_lowered;
	s4 =	sadd.s32 s4, s6;
	[dreg:$0x0] =	wrdreg $0x0  }
0xb7: {  	s6 =	sshll.u32 s28, $0x1;
	[dreg:$0x2] =	wrdreg s4  }
0xb8: {  	[dreg:$0x3] =	wrdreg s6  }
0xb9: {  	[dreg:$0x4] =	wrdreg $0xC0  }
0xba: {  	_ =	task [dreg:s22], $0x5FFFF  }
0xbb: {  	[dreg:$0x1] =	wrdreg $0xFFFFFFFF  }
0xbc: {  	[dreg:$0x0] =	wrdreg $0x60  }
0xbd: {  	[dreg:$0x2] =	wrdreg s18  }
0xbe: {  	[dreg:$0x3] =	wrdreg s24  }
0xbf: {  	[dreg:$0x4] =	wrdreg $0xA  }
0xc0: {  	_ =	task.clear_ibuf [dreg:s22], $0x5FFFF;
	_ =	strace $0x9000004C  }
0xc1: {  	s29 =	simm.s32 $0xA;
	_ =	strace $0x8000004E  }
0xc2: {  	_ =	swait.ge [sflag:s29], $0x1  }
0xc3: {  	[sflag:s29] =	ssyncadd.s32 $0xFFFFFFFF  }
0xc4: {  	_ =	strace $0x9000004E  }
0xc5: {  	_ =	sfence  }
0xc6: {  	s30 =	sld [smem:$0x0];
	_ =	sdelay $0x2  }
0xc7: {  	s31 =	sshll.u32 s1, $0xD;
	s1 =	sshrl.u32 s1, $0x2  }
0xc8: {  	s4 =	sand.u32 $0x4000, s31;
	s1 =	sadd.s32 s1, s30  }
0xc9: {  	s0 =	sor.u32 s4, s0;
	s1 =	sshll.u32 s1, $0x11  }
0xca: {  	s0 =	sor.u32 s1, s0  }
0xcb: {  	s0 =	sadd.s32 $0x8F2B, s0  }
0xcc: {  	[sflag:s0] =	ssyncadd.remote.s32 $0x1  }
0xcd: {  	_ =	sfence.sel $0xFFFF  }
0xce: {  	[dreg:$0x0] =	wrdreg $0xFFFFFFFF;
	(pc) =	sbr.abs _section_cstart, $3  }
0xcf: {  	[dreg:$0x1] =	wrdreg $0xFFFFFFFF  }
0xd0: {  	_ =	task.clear_ibuf [dreg:s22], $0x2FFFF;
	_ =	strace $0x9FFFFFFF  }
0xd1: {  	(tm) =	ssettm $0x7FFFFFFF  }
tec
execute0_lowered:
.L_overlay_start_1:
0x0: {  	(tag) =	ssettag $0x1  }
0x1: {  	s2 =	rddreg [dreg:$0x0]  }
0x2: {  	s0 =	rddreg [dreg:$0x1]  }
0x3: {  	s1 =	srdreg.scid;
	s12 =	stileid.u32  }
0x4: {  	s3 =	simm.s32 $0x0;
	s15 =	simm.s32 $0x800;
	s16 =	simm.s32 $0x80  }
0x5: {  	s17 =	simm.s32 $0x1000;
	s18 =	simm.s32 $0x5000;
	s19 =	simm.s32 $0x3000  }
0x6: {  	s20 =	simm.s32 $0x7000;
	s21 =	simm.s32 $0x1;
	s22 =	simm.s32 $0x3  }
0x7: {  	s23 =	simm.s32 $0x2;
	s24 =	simm.s32 $0x4;
	s28 =	simm.s32 $0x0  }
0x8: {  	s1 =	sand.u32 $0x1, s1;
	s4 =	sshll.u32 s12, $0x5;
	[smem:$0x7FF] =	sst s3  }
0x9: {  	s10 =	sadd.s32 $0x22E600, s0;
	s12 =	sshll.u32 s12, $0xF;
	s5 =	sshll.u32 s1, $0x4  }
0xa: {  	_ =	strace $0x8000004D;
	s30 =	ssub.s32 $0x2, s1;
	s13 =	sadd.s32 s12, s10  }
0xb: {  	s1 =	sshll.u32 s1, $0xE;
	s6 =	sor.u32 s5, s4;
	s4 =	sadd.s32 $0x6C00, s0  }
0xc: {  	s8 =	sshrl.u32 s30, $0x1;
	s13 =	sadd.s32 s1, s13;
	s5 =	sshll.u32 s6, $0x4  }
0xd: {  	s8 =	ssub.s32 s30, s8;
	s11 =	sshll.u32 s6, $0xA;
	s7 =	sadd.s32 s5, s0  }
0xe: {  	s0 =	sadd.s32 $0x2AE600, s0;
	s9 =	sor.u32 $0x3800, s11;
	s11 =	sor.u32 $0x3C00, s11  }
0xf: {  	s5 =	sadd.s32 $0x124600, s7;
	s6 =	sadd.s32 $0x122600, s7;
	s7 =	smax.u32 s8, $0x1  }
0x10: {  	s8 =	sadd.s32 s10, s9;
	s9 =	sadd.s32 s0, s9;
	s14 =	sadd.s32 s12, s0  }
0x11: {  	s10 =	sadd.s32 s10, s11;
	s11 =	sadd.s32 s0, s11;
	s31 =	sadd.s32 s1, s14  }
0x12: {  	s12 =	sadd.s32 $0x400, s13;
	s14 =	simm.s32 $0x5;
	s13 =	sadd.s32 $0x400, s31  }
.LBB2_1:
0x13: {  	[tilespmem:s3], [sflag:$0x5] =	stream.linear.gather [hbm4b:s5+s3], $0x800, $0x38;
	[tilespmem:$0x9000] =	vst v63  }
0x14: {  	_ =	swait.ge [sflag:s14], $0x800  }
0x15: {  	[sflag:s14] =	ssyncset.done $0x0  }
0x16: {  	[sflag:s14] =	ssyncadd.s32 $0xFFFFF800  }
0x17: {  	[tilespmem:s15], [sflag:$0x5] =	stream.linear.gather [hbm4b:s6+s3], $0x800, $0x38;
	[tilespmem:$0x9000] =	vst v63  }
0x18: {  	_ =	swait.ge [sflag:s14], $0x800  }
0x19: {  	[sflag:s14] =	ssyncset.done $0x0  }
0x1a: {  	[sflag:s14] =	ssyncadd.s32 $0xFFFFF800  }
0x1b: {  	[tilespmem:s17], [sflag:$0x1] =	stream.indirect.gather [hbm4b:s2+s16], $0x40, s3, s16, $0xb8;
	[tilespmem:$0x9000] =	vst v63  }
0x1c: {  	_ = 	snop  }
0x1d: {  	[tilespmem:s18], [sflag:$0x3] =	stream.indirect.gather [hbm4b:s4+s16], $0x40, s15, s16, $0xb8;
	[tilespmem:$0x9000] =	vst v63  }
0x1e: {  	s0 =	simm.s32 $0x80  }
0x1f: {  	[tilespmem:s19], [sflag:$0x2] =	stream.indirect.gather [hbm4b:s2+s16], $0x40, s0, s16, $0xb8;
	[tilespmem:$0x9000] =	vst v63  }
0x20: {  	s25 =	simm.s32 $0x880  }
0x21: {  	[tilespmem:s20], [sflag:$0x4] =	stream.indirect.gather [hbm4b:s4+s16], $0x40, s25, s16, $0xb8;
	[tilespmem:$0x9000] =	vst v63  }
0x22: {  	_ =	swait.ge [sflag:s21], $0x2000  }
0x23: {  	[sflag:s21] =	ssyncset.done $0x0  }
0x24: {  	s26 =	sadd.s32 $0xFFFFFC00, s12;
	[sflag:s21] =	ssyncadd.s32 $0xFFFFE000  }
0x25: {  	[hbm4b:s26+s3] =	stream.linear.scatter [tilespmem:s17], [sflag:$0x5], $0x2000, $0x38;
	[tilespmem:$0x9000] =	vst v63  }
0x26: {  	_ =	swait.ge [sflag:s14], $0x2000  }
0x27: {  	[sflag:s14] =	ssyncset.done $0x0  }
0x28: {  	[sflag:s14] =	ssyncadd.s32 $0xFFFFE000  }
0x29: {  	_ =	swait.ge [sflag:s22], $0x2000  }
0x2a: {  	[sflag:s22] =	ssyncset.done $0x0  }
0x2b: {  	s1 =	sadd.s32 $0xFFFFFC00, s13;
	[sflag:s22] =	ssyncadd.s32 $0xFFFFE000  }
0x2c: {  	[hbm4b:s1+s3] =	stream.linear.scatter [tilespmem:s18], [sflag:$0x5], $0x2000, $0x38;
	[tilespmem:$0x9000] =	vst v63  }
0x2d: {  	_ =	swait.ge [sflag:s14], $0x2000  }
0x2e: {  	[sflag:s14] =	ssyncset.done $0x0  }
0x2f: {  	s25 =	simm.s32 $0x100;
	[sflag:s14] =	ssyncadd.s32 $0xFFFFE000  }
0x30: {  	[tilespmem:s17], [sflag:$0x1] =	stream.indirect.gather [hbm4b:s2+s16], $0x40, s25, s16, $0xb8;
	[tilespmem:$0x9000] =	vst v63  }
0x31: {  	s26 =	simm.s32 $0x900  }
0x32: {  	[tilespmem:s18], [sflag:$0x3] =	stream.indirect.gather [hbm4b:s4+s16], $0x40, s26, s16, $0xb8;
	[tilespmem:$0x9000] =	vst v63  }
0x33: {  	_ =	swait.ge [sflag:s23], $0x2000  }
0x34: {  	[sflag:s23] =	ssyncset.done $0x0  }
0x35: {  	[sflag:s23] =	ssyncadd.s32 $0xFFFFE000  }
0x36: {  	[hbm4b:s12+s3] =	stream.linear.scatter [tilespmem:s19], [sflag:$0x5], $0x2000, $0x38;
	[tilespmem:$0x9000] =	vst v63  }
0x37: {  	_ =	swait.ge [sflag:s14], $0x2000  }
0x38: {  	[sflag:s14] =	ssyncset.done $0x0  }
0x39: {  	[sflag:s14] =	ssyncadd.s32 $0xFFFFE000  }
0x3a: {  	_ =	swait.ge [sflag:s24], $0x2000  }
0x3b: {  	[sflag:s24] =	ssyncset.done $0x0  }
0x3c: {  	[sflag:s24] =	ssyncadd.s32 $0xFFFFE000  }
0x3d: {  	[hbm4b:s13+s3] =	stream.linear.scatter [tilespmem:s20], [sflag:$0x5], $0x2000, $0x38;
	[tilespmem:$0x9000] =	vst v63  }
0x3e: {  	s29 =	sadd.s32 $0x800, s13;
	s31 =	simm.s32 $0x100;
	_ =	swait.ge [sflag:s14], $0x2000  }
0x3f: {  	s30 =	sadd.s32 $0x800, s12;
	s0 =	simm.s32 $0x800;
	[sflag:s14] =	ssyncset.done $0x0  }
.LBB2_2:
0x40: {  	s26 =	sadd.s32 $0x80, s31  }
0x41: {  	[sflag:s14] =	ssyncadd.s32 $0xFFFFE000;
	s1 =	smov.u32 s0;
	s25 =	sadd.s32 $0x400, s0  }
0x42: {  	[tilespmem:s19], [sflag:$0x2] =	stream.indirect.gather [hbm4b:s2+s16], $0x40, s26, s16, $0xb8;
	[tilespmem:$0x9000] =	vst v63  }
0x43: {  	p0 =	sne.s32 s0, $0x1800;
	s0 =	sadd.s32 $0x880, s31  }
0x44: {  	[tilespmem:s20], [sflag:$0x4] =	stream.indirect.gather [hbm4b:s4+s16], $0x40, s0, s16, $0xb8;
	[tilespmem:$0x9000] =	vst v63  }
0x45: {  	_ =	swait.ge [sflag:s21], $0x2000  }
0x46: {  	[sflag:s21] =	ssyncset.done $0x0  }
0x47: {  	s0 =	sadd.s32 $0xFFFFFC00, s30;
	[sflag:s21] =	ssyncadd.s32 $0xFFFFE000  }
0x48: {  	[hbm4b:s0+s3] =	stream.linear.scatter [tilespmem:s17], [sflag:$0x5], $0x2000, $0x38;
	[tilespmem:$0x9000] =	vst v63  }
0x49: {  	_ =	swait.ge [sflag:s14], $0x2000  }
0x4a: {  	[sflag:s14] =	ssyncset.done $0x0  }
0x4b: {  	[sflag:s14] =	ssyncadd.s32 $0xFFFFE000  }
0x4c: {  	_ =	swait.ge [sflag:s22], $0x2000  }
0x4d: {  	[sflag:s22] =	ssyncset.done $0x0  }
0x4e: {  	s0 =	sadd.s32 $0xFFFFFC00, s29;
	[sflag:s22] =	ssyncadd.s32 $0xFFFFE000  }
0x4f: {  	[hbm4b:s0+s3] =	stream.linear.scatter [tilespmem:s18], [sflag:$0x5], $0x2000, $0x38;
	[tilespmem:$0x9000] =	vst v63  }
0x50: {  	_ =	swait.ge [sflag:s14], $0x2000  }
0x51: {  	[sflag:s14] =	ssyncset.done $0x0  }
0x52: {  	s0 =	sadd.s32 $0x100, s31;
	[sflag:s14] =	ssyncadd.s32 $0xFFFFE000  }
0x53: {  	[tilespmem:s17], [sflag:$0x1] =	stream.indirect.gather [hbm4b:s2+s16], $0x40, s0, s16, $0xb8;
	[tilespmem:$0x9000] =	vst v63  }
0x54: {  	s0 =	sadd.s32 $0x900, s31  }
0x55: {  	[tilespmem:s18], [sflag:$0x3] =	stream.indirect.gather [hbm4b:s4+s16], $0x40, s0, s16, $0xb8;
	[tilespmem:$0x9000] =	vst v63  }
0x56: {  	_ =	swait.ge [sflag:s23], $0x2000  }
0x57: {  	[sflag:s23] =	ssyncset.done $0x0  }
0x58: {  	[sflag:s23] =	ssyncadd.s32 $0xFFFFE000  }
0x59: {  	[hbm4b:s30+s3] =	stream.linear.scatter [tilespmem:s19], [sflag:$0x5], $0x2000, $0x38;
	[tilespmem:$0x9000] =	vst v63  }
0x5a: {  	_ =	swait.ge [sflag:s14], $0x2000  }
0x5b: {  	[sflag:s14] =	ssyncset.done $0x0  }
0x5c: {  	[sflag:s14] =	ssyncadd.s32 $0xFFFFE000  }
0x5d: {  	_ =	swait.ge [sflag:s24], $0x2000  }
.Ltmp0:
0x5e: {  	[sflag:s24] =	ssyncset.done $0x0;
	(pc) =	sbr.rel @p0 .LBB2_2-.Ltmp0, $4  }
0x5f: {  	[sflag:s24] =	ssyncadd.s32 $0xFFFFE000  }
0x60: {  	[hbm4b:s29+s3] =	stream.linear.scatter [tilespmem:s20], [sflag:$0x5], $0x2000, $0x38;
	[tilespmem:$0x9000] =	vst v63  }
0x61: {  	s31 =	sshra.s32 s1, $0x2;
	s29 =	sadd.s32 $0x800, s29;
	_ =	swait.ge [sflag:s14], $0x2000  }
0x62: {  	s0 =	smov.u32 s25;
	s30 =	sadd.s32 $0x800, s30;
	[sflag:s14] =	ssyncset.done $0x0  }
0x63: {  	s0 =	sadd.s32 $0x80, s31;
	[sflag:s14] =	ssyncadd.s32 $0xFFFFE000  }
0x64: {  	[tilespmem:s19], [sflag:$0x2] =	stream.indirect.gather [hbm4b:s2+s16], $0x40, s0, s16, $0xb8;
	[tilespmem:$0x9000] =	vst v63  }
0x65: {  	s25 =	sadd.s32 $0x880, s31  }
0x66: {  	[tilespmem:s20], [sflag:$0x4] =	stream.indirect.gather [hbm4b:s4+s16], $0x40, s25, s16, $0xb8;
	[tilespmem:$0x9000] =	vst v63  }
0x67: {  	_ =	swait.ge [sflag:s21], $0x2000  }
0x68: {  	[sflag:s21] =	ssyncset.done $0x0  }
0x69: {  	s26 =	sadd.s32 $0xFFFFFC00, s30;
	[sflag:s21] =	ssyncadd.s32 $0xFFFFE000  }
0x6a: {  	[hbm4b:s26+s3] =	stream.linear.scatter [tilespmem:s17], [sflag:$0x5], $0x2000, $0x38;
	[tilespmem:$0x9000] =	vst v63  }
0x6b: {  	_ =	swait.ge [sflag:s14], $0x2000  }
0x6c: {  	[sflag:s14] =	ssyncset.done $0x0  }
0x6d: {  	[sflag:s14] =	ssyncadd.s32 $0xFFFFE000  }
0x6e: {  	_ =	swait.ge [sflag:s22], $0x2000  }
0x6f: {  	[sflag:s22] =	ssyncset.done $0x0  }
0x70: {  	s1 =	sadd.s32 $0xFFFFFC00, s29;
	[sflag:s22] =	ssyncadd.s32 $0xFFFFE000  }
0x71: {  	[hbm4b:s1+s3] =	stream.linear.scatter [tilespmem:s18], [sflag:$0x5], $0x2000, $0x38;
	[tilespmem:$0x9000] =	vst v63  }
0x72: {  	_ =	swait.ge [sflag:s14], $0x2000  }
0x73: {  	[sflag:s14] =	ssyncset.done $0x0  }
0x74: {  	s25 =	sadd.s32 $0x100, s31;
	[sflag:s14] =	ssyncadd.s32 $0xFFFFE000  }
0x75: {  	[tilespmem:s17], [sflag:$0x1] =	stream.indirect.gather [hbm4b:s2+s16], $0x40, s25, s16, $0xb8;
	[tilespmem:$0x9000] =	vst v63  }
0x76: {  	s26 =	sadd.s32 $0x900, s31  }
0x77: {  	[tilespmem:s18], [sflag:$0x3] =	stream.indirect.gather [hbm4b:s4+s16], $0x40, s26, s16, $0xb8;
	[tilespmem:$0x9000] =	vst v63  }
0x78: {  	_ =	swait.ge [sflag:s23], $0x2000  }
0x79: {  	[sflag:s23] =	ssyncset.done $0x0  }
0x7a: {  	[sflag:s23] =	ssyncadd.s32 $0xFFFFE000  }
0x7b: {  	[hbm4b:s30+s3] =	stream.linear.scatter [tilespmem:s19], [sflag:$0x5], $0x2000, $0x38;
	[tilespmem:$0x9000] =	vst v63  }
0x7c: {  	_ =	swait.ge [sflag:s14], $0x2000  }
0x7d: {  	[sflag:s14] =	ssyncset.done $0x0  }
0x7e: {  	[sflag:s14] =	ssyncadd.s32 $0xFFFFE000  }
0x7f: {  	_ =	swait.ge [sflag:s24], $0x2000  }
0x80: {  	[sflag:s24] =	ssyncset.done $0x0  }
0x81: {  	[sflag:s24] =	ssyncadd.s32 $0xFFFFE000  }
0x82: {  	[hbm4b:s29+s3] =	stream.linear.scatter [tilespmem:s20], [sflag:$0x5], $0x2000, $0x38;
	[tilespmem:$0x9000] =	vst v63  }
0x83: {  	_ =	swait.ge [sflag:s14], $0x2000  }
0x84: {  	[sflag:s14] =	ssyncset.done $0x0  }
0x85: {  	s30 =	simm.s32 $0x780;
	[sflag:s14] =	ssyncadd.s32 $0xFFFFE000  }
0x86: {  	[tilespmem:s19], [sflag:$0x2] =	stream.indirect.gather [hbm4b:s2+s16], $0x40, s30, s16, $0xb8;
	[tilespmem:$0x9000] =	vst v63  }
0x87: {  	s31 =	simm.s32 $0xF80  }
0x88: {  	[tilespmem:s20], [sflag:$0x4] =	stream.indirect.gather [hbm4b:s4+s16], $0x40, s31, s16, $0xb8;
	[tilespmem:$0x9000] =	vst v63  }
0x89: {  	_ =	swait.ge [sflag:s21], $0x2000  }
0x8a: {  	[sflag:s21] =	ssyncset.done $0x0  }
0x8b: {  	[sflag:s21] =	ssyncadd.s32 $0xFFFFE000  }
0x8c: {  	[hbm4b:s8+s3] =	stream.linear.scatter [tilespmem:s17], [sflag:$0x5], $0x2000, $0x38;
	[tilespmem:$0x9000] =	vst v63  }
0x8d: {  	_ =	swait.ge [sflag:s14], $0x2000  }
0x8e: {  	[sflag:s14] =	ssyncset.done $0x0  }
0x8f: {  	[sflag:s14] =	ssyncadd.s32 $0xFFFFE000  }
0x90: {  	_ =	swait.ge [sflag:s22], $0x2000  }
0x91: {  	[sflag:s22] =	ssyncset.done $0x0  }
0x92: {  	[sflag:s22] =	ssyncadd.s32 $0xFFFFE000  }
0x93: {  	[hbm4b:s9+s3] =	stream.linear.scatter [tilespmem:s18], [sflag:$0x5], $0x2000, $0x38;
	[tilespmem:$0x9000] =	vst v63  }
0x94: {  	_ =	swait.ge [sflag:s14], $0x2000  }
0x95: {  	[sflag:s14] =	ssyncset.done $0x0  }
0x96: {  	[sflag:s14] =	ssyncadd.s32 $0xFFFFE000  }
0x97: {  	_ =	swait.ge [sflag:s23], $0x2000  }
0x98: {  	[sflag:s23] =	ssyncset.done $0x0  }
0x99: {  	[sflag:s23] =	ssyncadd.s32 $0xFFFFE000  }
0x9a: {  	[hbm4b:s10+s3] =	stream.linear.scatter [tilespmem:s19], [sflag:$0x5], $0x2000, $0x38;
	[tilespmem:$0x9000] =	vst v63  }
0x9b: {  	_ =	swait.ge [sflag:s14], $0x2000  }
0x9c: {  	[sflag:s14] =	ssyncset.done $0x0  }
0x9d: {  	[sflag:s14] =	ssyncadd.s32 $0xFFFFE000  }
0x9e: {  	s28 =	sadd.s32 $0x1, s28;
	_ =	swait.ge [sflag:s24], $0x2000  }
0x9f: {  	p0 =	sne.s32 s28, s7;
	[sflag:s24] =	ssyncset.done $0x0  }
.Ltmp1:
0xa0: {  	[sflag:s24] =	ssyncadd.s32 $0xFFFFE000;
	(pc) =	sbr.rel @p0 .LBB2_1-.Ltmp1, $4  }
0xa1: {  	[hbm4b:s11+s3] =	stream.linear.scatter [tilespmem:s20], [sflag:$0x5], $0x2000, $0x38;
	[tilespmem:$0x9000] =	vst v63  }
0xa2: {  	_ =	swait.ge [sflag:s14], $0x2000  }
0xa3: {  	[sflag:s14] =	ssyncset.done $0x0  }
0xa4: {  	[sflag:s14] =	ssyncadd.s32 $0xFFFFE000  }
0xa5: {  	_ =	sfence.sel $0x180000  }
0xa6: {  	[bflag:$0x0] =	sbarrier.arrive $0xFFFF  }
0xa7: {  	_ =	strace $0x9000004D  }
0xa8: {  	s0 =	stileid.u32;
	[bflag:$0x2] =	sbarrier.arrive $0xFFFF  }
0xa9: {  	p0 =	sne.s32 s0, $0x0;
	s0 =	rddreg [dreg:$0x2]  }
0xaa: {  	s0 =	sadd.s32 @!p0 $0x100000, s0  }
0xab: {  	[sflag:s0] =	ssyncadd.tile.s32 @!p0 $0x1;
	_ =	shalt  }
.Lfunc_end2:
_tile_overlayer_lowered:
.L_overlay_start_2:
0xac: {  	(tag) =	ssettag $0x2  }
0xad: {  	s0 =	rddreg [dreg:$0x0];
	s2 =	stileid.u32  }
0xae: {  	s1 =	rddreg [dreg:$0x1];
	p0 =	sne.s32 s2, $0x0  }
0xaf: {  	s3 =	rddreg [dreg:$0x2];
	[bflag:$0x3] =	sbarrier.arrive $0xFFFF;
	s2 =	simm.s32 @!p0 $0x1C05  }
0xb0: {  	[timem:s3], [sflag:s2] =	dma.local @!p0 [hbm:s0], s1  }
0xb1: {  	s0 =	simm.s32 @!p0 $0x5  }
0xb2: {  	_ =	swait.ge @!p0 [sflag:s0], s1  }
0xb3: {  	s1 =	ssub.s32 @!p0 $0x0, s1;
	[sflag:s0] =	ssyncset.done @!p0 $0x0  }
0xb4: {  	[sflag:s0] =	ssyncadd.s32 @!p0 s1  }
0xb5: {  	[bflag:$0x3] =	sbarrier.arrive $0xFFFF  }
0xb6: {  	_ =	shalt  }

// kernel: kernel.26.cloned.1.call-start
scs
__scs_entry_jumppad:
0x0: {  	(pc) =	sbr.rel $0x88, $3  }
0x1: {  	(tag) =	ssettag $0x0;
	lr =	simm.s32 $0x1  }
0x2: {  	[smem:$0x3F96] =	sst lr;
	_ =	strace $0xD0000000  }
0x3: {  	_ = 	snop  }
0x4: {  	_ = 	snop  }
0x5: {  	_ = 	snop  }
0x6: {  	_ = 	snop  }
0x7: {  	_ = 	snop  }
__scs_overlays_trampoline_lowered:
0x8: {  	[smem:$0x3FA5] =	sst s0  }
0x9: {  	[smem:$0x3FA6] =	sst s1  }
0xa: {  	[smem:$0x3FA7] =	sst s2  }
0xb: {  	[smem:$0x3FA8] =	sst s3  }
0xc: {  	[smem:$0x3FA9] =	sst s4  }
0xd: {  	[smem:$0x3FAA] =	sst s5  }
0xe: {  	[smem:$0x3FAB] =	sst s6  }
0xf: {  	[smem:$0x3FAC] =	sst s7  }
0x10: {  	[smem:$0x3FAD] =	sst s8  }
0x11: {  	[smem:$0x3FAE] =	sst s9;
	s0 =	simm.s32 @!p0 $0x0  }
0x12: {  	s1 =	sld [smem:$0x3F94];
	s0 =	simm.s32 @p0 $0x1  }
0x13: {  	[smem:$0x3FAF] =	sst s0;
	s0 =	simm.s32 @!p1 $0x0  }
0x14: {  	s2 =	sld [smem:$0x3F93];
	s0 =	simm.s32 @p1 $0x1  }
0x15: {  	[smem:$0x3FB0] =	sst s0;
	s0 =	simm.s32 @!p2 $0x0  }
0x16: {  	s3 =	sld [smem:$0x3FDB];
	s0 =	simm.s32 @p2 $0x1  }
0x17: {  	s4 =	simm.s32 $0x1BF5;
	[smem:$0x3FB2] =	sst s0  }
0x18: {  	s0 =	sld [smem:$0x3F95];
	_ =	swait.ge [sflag:s4], $0x0  }
0x19: {  	s7 =	sld [smem:$0x3F96]  }
0x1a: {  	s8 =	sadd.s32 $0xFFFFE003, lr  }
0x1b: {  	s9 =	sadd.s32 $0xFFFFFEF7, lr;
	s5 =	simm.s32 $0xFFFFFFFF;
	p2 =	slt.u32 s8, $0xFFFFF086  }
0x1c: {  	p1 =	slt.u32 s9, $0xF7A;
	s5 =	simm.s32 @!p2 $0x0  }
0x1d: {  	s5 =	simm.s32 @p1 $0x1;
	p0 =	seq.s32 s7, s2  }
0x1e: {  	s7 =	smul.u32 @!p0 $0xF7A, s2;
	p2 =	seq.s32 @!p0 s5, $0x0  }
0x1f: {  	s9 =	smul.u32 $0xF7A, s1;
	s8 =	simm.s32 @!p0 $0x1BF5;
	p2 =	por !p2, p0  }
0x20: {  	[sflag:s8] =	ssyncset.s32 @!p0 $0xFFFFF086;
	s6 =	sadd.s32 @!p0 s3, s7;
	s7 =	simm.s32 @!p0 $0x108  }
0x21: {  	s3 =	sadd.s32 s3, s9;
	s6 =	sadd.s32 @!p0 $0x88, s6;
	s7 =	simm.s32 @p2 $0x1082  }
0x22: {  	[simem:s7], [sflag:s8] =	dma.local @!p0 [hbm:s6], $0xF7A  }
0x23: {  	s9 =	sor.u32 $0xD0000000, s2;
	s6 =	simm.s32 $0x108;
	_ =	swait.ge @!p0 [sflag:s8], $0x0  }
0x24: {  	s3 =	sadd.s32 $0x88, s3;
	s6 =	simm.s32 @!p1 $0x1082;
	[sflag:s4] =	ssyncset.s32 $0xFFFFF086  }
0x25: {  	[simem:s6], [sflag:s4] =	dma.local [hbm:s3], $0xF7A  }
0x26: {  	[smem:$0x3F96] =	sst s1;
	(tag) =	ssettag s2;
	_ =	strace s9  }
0x27: {  	s1 =	sld [smem:$0x3FA6]  }
0x28: {  	s2 =	sld [smem:$0x3FA7]  }
0x29: {  	s4 =	sld [smem:$0x3FA9]  }
0x2a: {  	p0 =	seq.s32 s5, $0x0;
	s5 =	sld [smem:$0x3FAA]  }
0x2b: {  	s6 =	sld [smem:$0x3FAB]  }
0x2c: {  	s7 =	sld [smem:$0x3FAC]  }
0x2d: {  	s3 =	simm.s32 $0x108;
	s8 =	sld [smem:$0x3FAD]  }
0x2e: {  	s3 =	simm.s32 @!p0 $0x1082;
	s9 =	sld [smem:$0x3FAE]  }
0x2f: {  	lr =	sadd.s32 s0, s3;
	s0 =	sld [smem:$0x3FA5]  }
0x30: {  	s3 =	sld [smem:$0x3FA8]  }
0x31: {  	[smem:$0x3FB1] =	sst s10  }
0x32: {  	s10 =	sld [smem:$0x3FAF];
	_ =	sdelay $0x3  }
0x33: {  	p0 =	seq.s32 s10, $0x1;
	s10 =	sld [smem:$0x3FB1];
	_ =	sdelay $0x3  }
0x34: {  	[smem:$0x3FB1] =	sst s10  }
0x35: {  	s10 =	sld [smem:$0x3FB0];
	_ =	sdelay $0x3  }
0x36: {  	p1 =	seq.s32 s10, $0x1;
	s10 =	sld [smem:$0x3FB1];
	_ =	sdelay $0x3  }
0x37: {  	[smem:$0x3FB1] =	sst s10  }
0x38: {  	s10 =	sld [smem:$0x3FB2]  }
0x39: {  	_ = 	snop;
	(pc) =	sbr.ind lr, $3  }
0x3a: {  	_ = 	snop  }
0x3b: {  	_ = 	snop  }
0x3c: {  	p2 =	seq.s32 s10, $0x1;
	s10 =	sld [smem:$0x3FB1]  }
0x3d: {  	_ =	shalt  }
0x3e: {  	_ =	shalt  }
0x3f: {  	_ =	shalt  }
0x40: {  	_ =	shalt  }
0x41: {  	_ =	shalt  }
0x42: {  	_ =	shalt  }
0x43: {  	_ =	shalt  }
0x44: {  	_ =	shalt  }
0x45: {  	_ =	shalt  }
0x46: {  	_ =	shalt  }
0x47: {  	_ =	shalt  }
0x48: {  	_ =	shalt  }
0x49: {  	_ =	shalt  }
0x4a: {  	_ =	shalt  }
0x4b: {  	_ =	shalt  }
0x4c: {  	_ =	shalt  }
0x4d: {  	_ =	shalt  }
0x4e: {  	_ =	shalt  }
0x4f: {  	_ =	shalt  }
0x50: {  	_ =	shalt  }
0x51: {  	_ =	shalt  }
0x52: {  	_ =	shalt  }
0x53: {  	_ =	shalt  }
0x54: {  	_ =	shalt  }
0x55: {  	_ =	shalt  }
0x56: {  	_ =	shalt  }
0x57: {  	_ =	shalt  }
0x58: {  	_ =	shalt  }
0x59: {  	_ =	shalt  }
0x5a: {  	_ =	shalt  }
0x5b: {  	_ =	shalt  }
0x5c: {  	_ =	shalt  }
0x5d: {  	_ =	shalt  }
0x5e: {  	_ =	shalt  }
0x5f: {  	_ =	shalt  }
0x60: {  	_ =	shalt  }
0x61: {  	_ =	shalt  }
0x62: {  	_ =	shalt  }
0x63: {  	_ =	shalt  }
0x64: {  	_ =	shalt  }
0x65: {  	_ =	shalt  }
0x66: {  	_ =	shalt  }
0x67: {  	_ =	shalt  }
0x68: {  	_ =	shalt  }
0x69: {  	_ =	shalt  }
0x6a: {  	_ =	shalt  }
0x6b: {  	_ =	shalt  }
0x6c: {  	_ =	shalt  }
0x6d: {  	_ =	shalt  }
0x6e: {  	_ =	shalt  }
0x6f: {  	_ =	shalt  }
0x70: {  	_ =	shalt  }
0x71: {  	_ =	shalt  }
0x72: {  	_ =	shalt  }
0x73: {  	_ =	shalt  }
0x74: {  	_ =	shalt  }
0x75: {  	_ =	shalt  }
0x76: {  	_ =	shalt  }
0x77: {  	_ =	shalt  }
0x78: {  	_ =	shalt  }
0x79: {  	_ =	shalt  }
0x7a: {  	_ =	shalt  }
0x7b: {  	_ =	shalt  }
0x7c: {  	_ =	shalt  }
0x7d: {  	_ =	shalt  }
0x7e: {  	_ =	shalt  }
0x7f: {  	_ =	shalt  }
0x80: {  	_ =	shalt  }
0x81: {  	_ =	shalt  }
0x82: {  	_ =	shalt  }
0x83: {  	_ =	shalt  }
0x84: {  	_ =	shalt  }
0x85: {  	_ =	shalt  }
0x86: {  	_ =	shalt  }
0x87: {  	_ =	shalt  }
.Lfunc_end0:
.L_simem_size_0:
called_computation.3_lowered:
.L_overlay_start_0:
0x88: {  	s2 =	sld [smem:$0x3FD9]  }
0x89: {  	s3 =	sld [smem:$0x3FFE];
	_ =	sdelay $0x1  }
0x8a: {  	s1 =	srdreg.scid  }
0x8b: {  	s0 =	sand.u32 $0x1, s1  }
0x8c: {  	s17 =	sshll.u32 s0, $0xA;
	s2 =	sadd.s32 s3, s2  }
0x8d: {  	s2 =	sadd.s32 s2, s17  }
0x8e: {  	[smem:$0x3FBD] =	sst s2  }
0x8f: {  	_ = 	snop  }
0x90: {  	s18 =	sld [smem:$0x3FD0];
	(tm) =	ssettm $0x1  }
0x91: {  	s19 =	sld [smem:$0x3FFB];
	_ =	sdelay $0x3  }
0x92: {  	_ =	strace s19  }
0x93: {  	s2 =	sld [smem:$0x3FFC];
	_ =	sdelay $0x3  }
0x94: {  	_ =	strace s2  }
0x95: {  	s2 =	sld [smem:$0x3FFD];
	_ =	sdelay $0x3  }
0x96: {  	_ =	strace s2  }
0x97: {  	_ =	strace $0x8FFFFFFF  }
0x98: {  	s20 =	sld [smem:$0x3FDB];
	_ =	sdelay $0x1  }
0x99: {  	s4 =	simm.s32 $_scs_section_size  }
0x9a: {  	s5 =	simm.s32 $_size__tile_overlayer_lowered;
	s6 =	simm.s32 $_tile_overlayer_lowered  }
0x9b: {  	s7 =	simm.s32 $0x1BFF;
	s21 =	sshll.u32 s6, $0x1;
	s4 =	sadd.s32 s4, s20  }
0x9c: {  	s22 =	simm.s32 $0x0;
	s5 =	sshll.u32 s5, $0x1;
	s6 =	sadd.s32 s21, s4  }
0x9d: {  	[timem:s22], [sflag:s7] =	dma.local [hbm:s6], s5  }
0x9e: {  	_ =	swait.ge [sflag:s7], s5  }
0x9f: {  	s5 =	ssub.s32 $0x0, s5;
	[sflag:s7] =	ssyncset.done $0x0  }
0xa0: {  	[sflag:s7] =	ssyncadd.s32 s5;
	_ =	sdelay $0x1  }
0xa1: {  	s23 =	simm.s32 $0x1B8B  }
0xa2: {  	_ =	swait.ge [sflag:s23], $0x1  }
0xa3: {  	[sflag:s23] =	ssyncset.done $0x0  }
0xa4: {  	[sflag:s23] =	ssyncadd.s32 $0xFFFFFFFF  }
0xa5: {  	s5 =	sld [smem:$0x0]  }
0xa6: {  	s6 =	sand.u32 $0xFFFFFFFE, s1  }
0xa7: {  	p0 =	sne.s32 s1, s6  }
0xa8: {  	s6 =	sshll.u32 @p0 s6, $0xE  }
0xa9: {  	s6 =	sadd.s32 @p0 $0x11B8D, s6;
	s7 =	sshll.u32 @p0 s5, $0x11  }
0xaa: {  	s6 =	sor.u32 @p0 s7, s6  }
0xab: {  	[sflag:s6] =	ssyncadd.remote.s32 @p0 $0x1;
	_ =	sdelay $0x1  }
0xac: {  	s6 =	simm.s32 @p0 $0x1B8D  }
0xad: {  	_ =	swait.eq @p0 [sflag:s6], $0x1  }
0xae: {  	[sflag:s6] =	ssyncadd.s32 @p0 $0xFFFFFFFF  }
0xaf: {  	s7 =	sshll.u32 @!p0 s1, $0xE  }
0xb0: {  	s7 =	sor.u32 @!p0 $0x4000, s7;
	s6 =	simm.s32 @!p0 $0x1B8D  }
0xb1: {  	s5 =	sshll.u32 @!p0 s5, $0x11;
	s7 =	sadd.s32 @!p0 $0x11B8D, s7;
	_ =	swait.eq @!p0 [sflag:s6], $0x1  }
0xb2: {  	s5 =	sor.u32 @!p0 s5, s7;
	[sflag:s6] =	ssyncadd.s32 @!p0 $0xFFFFFFFF  }
0xb3: {  	s25 =	simm.s32 $0x1B8E;
	s24 =	sld [smem:$0x3FFE];
	[sflag:s5] =	ssyncadd.remote.s32 @!p0 $0x1  }
0xb4: {  	s26 =	simm.s32 $execute0_lowered;
	[smem:$0x3FD2] =	sst s25  }
0xb5: {  	s6 =	sshll.u32 s26, $0x1;
	_ =	strace $0x8000004F;
	[dreg:$0x1] =	wrdreg $0xFFFFFFFF  }
0xb6: {  	s28 =	simm.s32 $_size_execute0_lowered;
	s4 =	sadd.s32 s4, s6;
	[dreg:$0x0] =	wrdreg $0x0  }
0xb7: {  	s6 =	sshll.u32 s28, $0x1;
	[dreg:$0x2] =	wrdreg s4  }
0xb8: {  	[dreg:$0x3] =	wrdreg s6  }
0xb9: {  	[dreg:$0x4] =	wrdreg $0xC0  }
0xba: {  	_ =	task [dreg:s22], $0x5FFFF  }
0xbb: {  	[dreg:$0x1] =	wrdreg $0xFFFFFFFF  }
0xbc: {  	[dreg:$0x0] =	wrdreg $0x60  }
0xbd: {  	[dreg:$0x2] =	wrdreg s18  }
0xbe: {  	[dreg:$0x3] =	wrdreg s24  }
0xbf: {  	[dreg:$0x4] =	wrdreg $0xB  }
0xc0: {  	_ =	task.clear_ibuf [dreg:s22], $0x5FFFF;
	_ =	strace $0x9000004F  }
0xc1: {  	s29 =	simm.s32 $0xB;
	_ =	strace $0x80000051  }
0xc2: {  	_ =	swait.ge [sflag:s29], $0x1  }
0xc3: {  	[sflag:s29] =	ssyncadd.s32 $0xFFFFFFFF  }
0xc4: {  	_ =	strace $0x90000051  }
0xc5: {  	_ =	sfence  }
0xc6: {  	s30 =	sld [smem:$0x0];
	_ =	sdelay $0x2  }
0xc7: {  	s31 =	sshll.u32 s1, $0xD;
	s1 =	sshrl.u32 s1, $0x2  }
0xc8: {  	s4 =	sand.u32 $0x4000, s31;
	s1 =	sadd.s32 s1, s30  }
0xc9: {  	s0 =	sor.u32 s4, s0;
	s1 =	sshll.u32 s1, $0x11  }
0xca: {  	s0 =	sor.u32 s1, s0  }
0xcb: {  	s0 =	sadd.s32 $0x8F2B, s0  }
0xcc: {  	[sflag:s0] =	ssyncadd.remote.s32 $0x1  }
0xcd: {  	_ =	sfence.sel $0xFFFF  }
0xce: {  	[dreg:$0x0] =	wrdreg $0xFFFFFFFF;
	(pc) =	sbr.abs _section_cstart, $3  }
0xcf: {  	[dreg:$0x1] =	wrdreg $0xFFFFFFFF  }
0xd0: {  	_ =	task.clear_ibuf [dreg:s22], $0x2FFFF;
	_ =	strace $0x9FFFFFFF  }
0xd1: {  	(tm) =	ssettm $0x7FFFFFFF  }
tec
execute0_lowered:
.L_overlay_start_1:
0x0: {  	(tag) =	ssettag $0x1  }
0x1: {  	s2 =	rddreg [dreg:$0x0]  }
0x2: {  	s0 =	rddreg [dreg:$0x1]  }
0x3: {  	s1 =	srdreg.scid;
	s12 =	stileid.u32  }
0x4: {  	s3 =	simm.s32 $0x0;
	s15 =	simm.s32 $0x800;
	s16 =	simm.s32 $0x80  }
0x5: {  	s17 =	simm.s32 $0x1000;
	s18 =	simm.s32 $0x5000;
	s19 =	simm.s32 $0x3000  }
0x6: {  	s20 =	simm.s32 $0x7000;
	s21 =	simm.s32 $0x1;
	s22 =	simm.s32 $0x3  }
0x7: {  	s23 =	simm.s32 $0x2;
	s24 =	simm.s32 $0x4;
	s28 =	simm.s32 $0x0  }
0x8: {  	s1 =	sand.u32 $0x1, s1;
	s4 =	sshll.u32 s12, $0x5;
	[smem:$0x7FF] =	sst s3  }
0x9: {  	s10 =	sadd.s32 $0x32E600, s0;
	s12 =	sshll.u32 s12, $0xF;
	s5 =	sshll.u32 s1, $0x4  }
0xa: {  	_ =	strace $0x80000050;
	s30 =	ssub.s32 $0x2, s1;
	s13 =	sadd.s32 s12, s10  }
0xb: {  	s1 =	sshll.u32 s1, $0xE;
	s6 =	sor.u32 s5, s4;
	s4 =	sadd.s32 $0x6C00, s0  }
0xc: {  	s8 =	sshrl.u32 s30, $0x1;
	s13 =	sadd.s32 s1, s13;
	s5 =	sshll.u32 s6, $0x4  }
0xd: {  	s8 =	ssub.s32 s30, s8;
	s11 =	sshll.u32 s6, $0xA;
	s7 =	sadd.s32 s5, s0  }
0xe: {  	s0 =	sadd.s32 $0x3AE600, s0;
	s9 =	sor.u32 $0x3800, s11;
	s11 =	sor.u32 $0x3C00, s11  }
0xf: {  	s5 =	sadd.s32 $0x128600, s7;
	s6 =	sadd.s32 $0x126600, s7;
	s7 =	smax.u32 s8, $0x1  }
0x10: {  	s8 =	sadd.s32 s10, s9;
	s9 =	sadd.s32 s0, s9;
	s14 =	sadd.s32 s12, s0  }
0x11: {  	s10 =	sadd.s32 s10, s11;
	s11 =	sadd.s32 s0, s11;
	s31 =	sadd.s32 s1, s14  }
0x12: {  	s12 =	sadd.s32 $0x400, s13;
	s14 =	simm.s32 $0x5;
	s13 =	sadd.s32 $0x400, s31  }
.LBB2_1:
0x13: {  	[tilespmem:s3], [sflag:$0x5] =	stream.linear.gather [hbm4b:s5+s3], $0x800, $0x38;
	[tilespmem:$0x9000] =	vst v63  }
0x14: {  	_ =	swait.ge [sflag:s14], $0x800  }
0x15: {  	[sflag:s14] =	ssyncset.done $0x0  }
0x16: {  	[sflag:s14] =	ssyncadd.s32 $0xFFFFF800  }
0x17: {  	[tilespmem:s15], [sflag:$0x5] =	stream.linear.gather [hbm4b:s6+s3], $0x800, $0x38;
	[tilespmem:$0x9000] =	vst v63  }
0x18: {  	_ =	swait.ge [sflag:s14], $0x800  }
0x19: {  	[sflag:s14] =	ssyncset.done $0x0  }
0x1a: {  	[sflag:s14] =	ssyncadd.s32 $0xFFFFF800  }
0x1b: {  	[tilespmem:s17], [sflag:$0x1] =	stream.indirect.gather [hbm4b:s2+s16], $0x40, s3, s16, $0xb8;
	[tilespmem:$0x9000] =	vst v63  }
0x1c: {  	_ = 	snop  }
0x1d: {  	[tilespmem:s18], [sflag:$0x3] =	stream.indirect.gather [hbm4b:s4+s16], $0x40, s15, s16, $0xb8;
	[tilespmem:$0x9000] =	vst v63  }
0x1e: {  	s0 =	simm.s32 $0x80  }
0x1f: {  	[tilespmem:s19], [sflag:$0x2] =	stream.indirect.gather [hbm4b:s2+s16], $0x40, s0, s16, $0xb8;
	[tilespmem:$0x9000] =	vst v63  }
0x20: {  	s25 =	simm.s32 $0x880  }
0x21: {  	[tilespmem:s20], [sflag:$0x4] =	stream.indirect.gather [hbm4b:s4+s16], $0x40, s25, s16, $0xb8;
	[tilespmem:$0x9000] =	vst v63  }
0x22: {  	_ =	swait.ge [sflag:s21], $0x2000  }
0x23: {  	[sflag:s21] =	ssyncset.done $0x0  }
0x24: {  	s26 =	sadd.s32 $0xFFFFFC00, s12;
	[sflag:s21] =	ssyncadd.s32 $0xFFFFE000  }
0x25: {  	[hbm4b:s26+s3] =	stream.linear.scatter [tilespmem:s17], [sflag:$0x5], $0x2000, $0x38;
	[tilespmem:$0x9000] =	vst v63  }
0x26: {  	_ =	swait.ge [sflag:s14], $0x2000  }
0x27: {  	[sflag:s14] =	ssyncset.done $0x0  }
0x28: {  	[sflag:s14] =	ssyncadd.s32 $0xFFFFE000  }
0x29: {  	_ =	swait.ge [sflag:s22], $0x2000  }
0x2a: {  	[sflag:s22] =	ssyncset.done $0x0  }
0x2b: {  	s1 =	sadd.s32 $0xFFFFFC00, s13;
	[sflag:s22] =	ssyncadd.s32 $0xFFFFE000  }
0x2c: {  	[hbm4b:s1+s3] =	stream.linear.scatter [tilespmem:s18], [sflag:$0x5], $0x2000, $0x38;
	[tilespmem:$0x9000] =	vst v63  }
0x2d: {  	_ =	swait.ge [sflag:s14], $0x2000  }
0x2e: {  	[sflag:s14] =	ssyncset.done $0x0  }
0x2f: {  	s25 =	simm.s32 $0x100;
	[sflag:s14] =	ssyncadd.s32 $0xFFFFE000  }
0x30: {  	[tilespmem:s17], [sflag:$0x1] =	stream.indirect.gather [hbm4b:s2+s16], $0x40, s25, s16, $0xb8;
	[tilespmem:$0x9000] =	vst v63  }
0x31: {  	s26 =	simm.s32 $0x900  }
0x32: {  	[tilespmem:s18], [sflag:$0x3] =	stream.indirect.gather [hbm4b:s4+s16], $0x40, s26, s16, $0xb8;
	[tilespmem:$0x9000] =	vst v63  }
0x33: {  	_ =	swait.ge [sflag:s23], $0x2000  }
0x34: {  	[sflag:s23] =	ssyncset.done $0x0  }
0x35: {  	[sflag:s23] =	ssyncadd.s32 $0xFFFFE000  }
0x36: {  	[hbm4b:s12+s3] =	stream.linear.scatter [tilespmem:s19], [sflag:$0x5], $0x2000, $0x38;
	[tilespmem:$0x9000] =	vst v63  }
0x37: {  	_ =	swait.ge [sflag:s14], $0x2000  }
0x38: {  	[sflag:s14] =	ssyncset.done $0x0  }
0x39: {  	[sflag:s14] =	ssyncadd.s32 $0xFFFFE000  }
0x3a: {  	_ =	swait.ge [sflag:s24], $0x2000  }
0x3b: {  	[sflag:s24] =	ssyncset.done $0x0  }
0x3c: {  	[sflag:s24] =	ssyncadd.s32 $0xFFFFE000  }
0x3d: {  	[hbm4b:s13+s3] =	stream.linear.scatter [tilespmem:s20], [sflag:$0x5], $0x2000, $0x38;
	[tilespmem:$0x9000] =	vst v63  }
0x3e: {  	s29 =	sadd.s32 $0x800, s13;
	s31 =	simm.s32 $0x100;
	_ =	swait.ge [sflag:s14], $0x2000  }
0x3f: {  	s30 =	sadd.s32 $0x800, s12;
	s0 =	simm.s32 $0x800;
	[sflag:s14] =	ssyncset.done $0x0  }
.LBB2_2:
0x40: {  	s26 =	sadd.s32 $0x80, s31  }
0x41: {  	[sflag:s14] =	ssyncadd.s32 $0xFFFFE000;
	s1 =	smov.u32 s0;
	s25 =	sadd.s32 $0x400, s0  }
0x42: {  	[tilespmem:s19], [sflag:$0x2] =	stream.indirect.gather [hbm4b:s2+s16], $0x40, s26, s16, $0xb8;
	[tilespmem:$0x9000] =	vst v63  }
0x43: {  	p0 =	sne.s32 s0, $0x1800;
	s0 =	sadd.s32 $0x880, s31  }
0x44: {  	[tilespmem:s20], [sflag:$0x4] =	stream.indirect.gather [hbm4b:s4+s16], $0x40, s0, s16, $0xb8;
	[tilespmem:$0x9000] =	vst v63  }
0x45: {  	_ =	swait.ge [sflag:s21], $0x2000  }
0x46: {  	[sflag:s21] =	ssyncset.done $0x0  }
0x47: {  	s0 =	sadd.s32 $0xFFFFFC00, s30;
	[sflag:s21] =	ssyncadd.s32 $0xFFFFE000  }
0x48: {  	[hbm4b:s0+s3] =	stream.linear.scatter [tilespmem:s17], [sflag:$0x5], $0x2000, $0x38;
	[tilespmem:$0x9000] =	vst v63  }
0x49: {  	_ =	swait.ge [sflag:s14], $0x2000  }
0x4a: {  	[sflag:s14] =	ssyncset.done $0x0  }
0x4b: {  	[sflag:s14] =	ssyncadd.s32 $0xFFFFE000  }
0x4c: {  	_ =	swait.ge [sflag:s22], $0x2000  }
0x4d: {  	[sflag:s22] =	ssyncset.done $0x0  }
0x4e: {  	s0 =	sadd.s32 $0xFFFFFC00, s29;
	[sflag:s22] =	ssyncadd.s32 $0xFFFFE000  }
0x4f: {  	[hbm4b:s0+s3] =	stream.linear.scatter [tilespmem:s18], [sflag:$0x5], $0x2000, $0x38;
	[tilespmem:$0x9000] =	vst v63  }
0x50: {  	_ =	swait.ge [sflag:s14], $0x2000  }
0x51: {  	[sflag:s14] =	ssyncset.done $0x0  }
0x52: {  	s0 =	sadd.s32 $0x100, s31;
	[sflag:s14] =	ssyncadd.s32 $0xFFFFE000  }
0x53: {  	[tilespmem:s17], [sflag:$0x1] =	stream.indirect.gather [hbm4b:s2+s16], $0x40, s0, s16, $0xb8;
	[tilespmem:$0x9000] =	vst v63  }
0x54: {  	s0 =	sadd.s32 $0x900, s31  }
0x55: {  	[tilespmem:s18], [sflag:$0x3] =	stream.indirect.gather [hbm4b:s4+s16], $0x40, s0, s16, $0xb8;
	[tilespmem:$0x9000] =	vst v63  }
0x56: {  	_ =	swait.ge [sflag:s23], $0x2000  }
0x57: {  	[sflag:s23] =	ssyncset.done $0x0  }
0x58: {  	[sflag:s23] =	ssyncadd.s32 $0xFFFFE000  }
0x59: {  	[hbm4b:s30+s3] =	stream.linear.scatter [tilespmem:s19], [sflag:$0x5], $0x2000, $0x38;
	[tilespmem:$0x9000] =	vst v63  }
0x5a: {  	_ =	swait.ge [sflag:s14], $0x2000  }
0x5b: {  	[sflag:s14] =	ssyncset.done $0x0  }
0x5c: {  	[sflag:s14] =	ssyncadd.s32 $0xFFFFE000  }
0x5d: {  	_ =	swait.ge [sflag:s24], $0x2000  }
.Ltmp0:
0x5e: {  	[sflag:s24] =	ssyncset.done $0x0;
	(pc) =	sbr.rel @p0 .LBB2_2-.Ltmp0, $4  }
0x5f: {  	[sflag:s24] =	ssyncadd.s32 $0xFFFFE000  }
0x60: {  	[hbm4b:s29+s3] =	stream.linear.scatter [tilespmem:s20], [sflag:$0x5], $0x2000, $0x38;
	[tilespmem:$0x9000] =	vst v63  }
0x61: {  	s31 =	sshra.s32 s1, $0x2;
	s29 =	sadd.s32 $0x800, s29;
	_ =	swait.ge [sflag:s14], $0x2000  }
0x62: {  	s0 =	smov.u32 s25;
	s30 =	sadd.s32 $0x800, s30;
	[sflag:s14] =	ssyncset.done $0x0  }
0x63: {  	s0 =	sadd.s32 $0x80, s31;
	[sflag:s14] =	ssyncadd.s32 $0xFFFFE000  }
0x64: {  	[tilespmem:s19], [sflag:$0x2] =	stream.indirect.gather [hbm4b:s2+s16], $0x40, s0, s16, $0xb8;
	[tilespmem:$0x9000] =	vst v63  }
0x65: {  	s25 =	sadd.s32 $0x880, s31  }
0x66: {  	[tilespmem:s20], [sflag:$0x4] =	stream.indirect.gather [hbm4b:s4+s16], $0x40, s25, s16, $0xb8;
	[tilespmem:$0x9000] =	vst v63  }
0x67: {  	_ =	swait.ge [sflag:s21], $0x2000  }
0x68: {  	[sflag:s21] =	ssyncset.done $0x0  }
0x69: {  	s26 =	sadd.s32 $0xFFFFFC00, s30;
	[sflag:s21] =	ssyncadd.s32 $0xFFFFE000  }
0x6a: {  	[hbm4b:s26+s3] =	stream.linear.scatter [tilespmem:s17], [sflag:$0x5], $0x2000, $0x38;
	[tilespmem:$0x9000] =	vst v63  }
0x6b: {  	_ =	swait.ge [sflag:s14], $0x2000  }
0x6c: {  	[sflag:s14] =	ssyncset.done $0x0  }
0x6d: {  	[sflag:s14] =	ssyncadd.s32 $0xFFFFE000  }
0x6e: {  	_ =	swait.ge [sflag:s22], $0x2000  }
0x6f: {  	[sflag:s22] =	ssyncset.done $0x0  }
0x70: {  	s1 =	sadd.s32 $0xFFFFFC00, s29;
	[sflag:s22] =	ssyncadd.s32 $0xFFFFE000  }
0x71: {  	[hbm4b:s1+s3] =	stream.linear.scatter [tilespmem:s18], [sflag:$0x5], $0x2000, $0x38;
	[tilespmem:$0x9000] =	vst v63  }
0x72: {  	_ =	swait.ge [sflag:s14], $0x2000  }
0x73: {  	[sflag:s14] =	ssyncset.done $0x0  }
0x74: {  	s25 =	sadd.s32 $0x100, s31;
	[sflag:s14] =	ssyncadd.s32 $0xFFFFE000  }
0x75: {  	[tilespmem:s17], [sflag:$0x1] =	stream.indirect.gather [hbm4b:s2+s16], $0x40, s25, s16, $0xb8;
	[tilespmem:$0x9000] =	vst v63  }
0x76: {  	s26 =	sadd.s32 $0x900, s31  }
0x77: {  	[tilespmem:s18], [sflag:$0x3] =	stream.indirect.gather [hbm4b:s4+s16], $0x40, s26, s16, $0xb8;
	[tilespmem:$0x9000] =	vst v63  }
0x78: {  	_ =	swait.ge [sflag:s23], $0x2000  }
0x79: {  	[sflag:s23] =	ssyncset.done $0x0  }
0x7a: {  	[sflag:s23] =	ssyncadd.s32 $0xFFFFE000  }
0x7b: {  	[hbm4b:s30+s3] =	stream.linear.scatter [tilespmem:s19], [sflag:$0x5], $0x2000, $0x38;
	[tilespmem:$0x9000] =	vst v63  }
0x7c: {  	_ =	swait.ge [sflag:s14], $0x2000  }
0x7d: {  	[sflag:s14] =	ssyncset.done $0x0  }
0x7e: {  	[sflag:s14] =	ssyncadd.s32 $0xFFFFE000  }
0x7f: {  	_ =	swait.ge [sflag:s24], $0x2000  }
0x80: {  	[sflag:s24] =	ssyncset.done $0x0  }
0x81: {  	[sflag:s24] =	ssyncadd.s32 $0xFFFFE000  }
0x82: {  	[hbm4b:s29+s3] =	stream.linear.scatter [tilespmem:s20], [sflag:$0x5], $0x2000, $0x38;
	[tilespmem:$0x9000] =	vst v63  }
0x83: {  	_ =	swait.ge [sflag:s14], $0x2000  }
0x84: {  	[sflag:s14] =	ssyncset.done $0x0  }
0x85: {  	s30 =	simm.s32 $0x780;
	[sflag:s14] =	ssyncadd.s32 $0xFFFFE000  }
0x86: {  	[tilespmem:s19], [sflag:$0x2] =	stream.indirect.gather [hbm4b:s2+s16], $0x40, s30, s16, $0xb8;
	[tilespmem:$0x9000] =	vst v63  }
0x87: {  	s31 =	simm.s32 $0xF80  }
0x88: {  	[tilespmem:s20], [sflag:$0x4] =	stream.indirect.gather [hbm4b:s4+s16], $0x40, s31, s16, $0xb8;
	[tilespmem:$0x9000] =	vst v63  }
0x89: {  	_ =	swait.ge [sflag:s21], $0x2000  }
0x8a: {  	[sflag:s21] =	ssyncset.done $0x0  }
0x8b: {  	[sflag:s21] =	ssyncadd.s32 $0xFFFFE000  }
0x8c: {  	[hbm4b:s8+s3] =	stream.linear.scatter [tilespmem:s17], [sflag:$0x5], $0x2000, $0x38;
	[tilespmem:$0x9000] =	vst v63  }
0x8d: {  	_ =	swait.ge [sflag:s14], $0x2000  }
0x8e: {  	[sflag:s14] =	ssyncset.done $0x0  }
0x8f: {  	[sflag:s14] =	ssyncadd.s32 $0xFFFFE000  }
0x90: {  	_ =	swait.ge [sflag:s22], $0x2000  }
0x91: {  	[sflag:s22] =	ssyncset.done $0x0  }
0x92: {  	[sflag:s22] =	ssyncadd.s32 $0xFFFFE000  }
0x93: {  	[hbm4b:s9+s3] =	stream.linear.scatter [tilespmem:s18], [sflag:$0x5], $0x2000, $0x38;
	[tilespmem:$0x9000] =	vst v63  }
0x94: {  	_ =	swait.ge [sflag:s14], $0x2000  }
0x95: {  	[sflag:s14] =	ssyncset.done $0x0  }
0x96: {  	[sflag:s14] =	ssyncadd.s32 $0xFFFFE000  }
0x97: {  	_ =	swait.ge [sflag:s23], $0x2000  }
0x98: {  	[sflag:s23] =	ssyncset.done $0x0  }
0x99: {  	[sflag:s23] =	ssyncadd.s32 $0xFFFFE000  }
0x9a: {  	[hbm4b:s10+s3] =	stream.linear.scatter [tilespmem:s19], [sflag:$0x5], $0x2000, $0x38;
	[tilespmem:$0x9000] =	vst v63  }
0x9b: {  	_ =	swait.ge [sflag:s14], $0x2000  }
0x9c: {  	[sflag:s14] =	ssyncset.done $0x0  }
0x9d: {  	[sflag:s14] =	ssyncadd.s32 $0xFFFFE000  }
0x9e: {  	s28 =	sadd.s32 $0x1, s28;
	_ =	swait.ge [sflag:s24], $0x2000  }
0x9f: {  	p0 =	sne.s32 s28, s7;
	[sflag:s24] =	ssyncset.done $0x0  }
.Ltmp1:
0xa0: {  	[sflag:s24] =	ssyncadd.s32 $0xFFFFE000;
	(pc) =	sbr.rel @p0 .LBB2_1-.Ltmp1, $4  }
0xa1: {  	[hbm4b:s11+s3] =	stream.linear.scatter [tilespmem:s20], [sflag:$0x5], $0x2000, $0x38;
	[tilespmem:$0x9000] =	vst v63  }
0xa2: {  	_ =	swait.ge [sflag:s14], $0x2000  }
0xa3: {  	[sflag:s14] =	ssyncset.done $0x0  }
0xa4: {  	[sflag:s14] =	ssyncadd.s32 $0xFFFFE000  }
0xa5: {  	_ =	sfence.sel $0x180000  }
0xa6: {  	[bflag:$0x0] =	sbarrier.arrive $0xFFFF  }
0xa7: {  	_ =	strace $0x90000050  }
0xa8: {  	s0 =	stileid.u32;
	[bflag:$0x2] =	sbarrier.arrive $0xFFFF  }
0xa9: {  	p0 =	sne.s32 s0, $0x0;
	s0 =	rddreg [dreg:$0x2]  }
0xaa: {  	s0 =	sadd.s32 @!p0 $0x100000, s0  }
0xab: {  	[sflag:s0] =	ssyncadd.tile.s32 @!p0 $0x1;
	_ =	shalt  }
.Lfunc_end2:
_tile_overlayer_lowered:
.L_overlay_start_2:
0xac: {  	(tag) =	ssettag $0x2  }
0xad: {  	s0 =	rddreg [dreg:$0x0];
	s2 =	stileid.u32  }
0xae: {  	s1 =	rddreg [dreg:$0x1];
	p0 =	sne.s32 s2, $0x0  }
0xaf: {  	s3 =	rddreg [dreg:$0x2];
	[bflag:$0x3] =	sbarrier.arrive $0xFFFF;
	s2 =	simm.s32 @!p0 $0x1C05  }
0xb0: {  	[timem:s3], [sflag:s2] =	dma.local @!p0 [hbm:s0], s1  }
0xb1: {  	s0 =	simm.s32 @!p0 $0x5  }
0xb2: {  	_ =	swait.ge @!p0 [sflag:s0], s1  }
0xb3: {  	s1 =	ssub.s32 @!p0 $0x0, s1;
	[sflag:s0] =	ssyncset.done @!p0 $0x0  }
0xb4: {  	[sflag:s0] =	ssyncadd.s32 @!p0 s1  }
0xb5: {  	[bflag:$0x3] =	sbarrier.arrive $0xFFFF  }
0xb6: {  	_ =	shalt  }

// kernel: kernel.29.cloned.1.call-start
scs
__scs_entry_jumppad:
0x0: {  	(pc) =	sbr.rel $0x88, $3  }
0x1: {  	(tag) =	ssettag $0x0;
	lr =	simm.s32 $0x1  }
0x2: {  	[smem:$0x3F96] =	sst lr;
	_ =	strace $0xD0000000  }
0x3: {  	_ = 	snop  }
0x4: {  	_ = 	snop  }
0x5: {  	_ = 	snop  }
0x6: {  	_ = 	snop  }
0x7: {  	_ = 	snop  }
__scs_overlays_trampoline_lowered:
0x8: {  	[smem:$0x3FA5] =	sst s0  }
0x9: {  	[smem:$0x3FA6] =	sst s1  }
0xa: {  	[smem:$0x3FA7] =	sst s2  }
0xb: {  	[smem:$0x3FA8] =	sst s3  }
0xc: {  	[smem:$0x3FA9] =	sst s4  }
0xd: {  	[smem:$0x3FAA] =	sst s5  }
0xe: {  	[smem:$0x3FAB] =	sst s6  }
0xf: {  	[smem:$0x3FAC] =	sst s7  }
0x10: {  	[smem:$0x3FAD] =	sst s8  }
0x11: {  	[smem:$0x3FAE] =	sst s9;
	s0 =	simm.s32 @!p0 $0x0  }
0x12: {  	s1 =	sld [smem:$0x3F94];
	s0 =	simm.s32 @p0 $0x1  }
0x13: {  	[smem:$0x3FAF] =	sst s0;
	s0 =	simm.s32 @!p1 $0x0  }
0x14: {  	s2 =	sld [smem:$0x3F93];
	s0 =	simm.s32 @p1 $0x1  }
0x15: {  	[smem:$0x3FB0] =	sst s0;
	s0 =	simm.s32 @!p2 $0x0  }
0x16: {  	s3 =	sld [smem:$0x3FDB];
	s0 =	simm.s32 @p2 $0x1  }
0x17: {  	s4 =	simm.s32 $0x1BF5;
	[smem:$0x3FB2] =	sst s0  }
0x18: {  	s0 =	sld [smem:$0x3F95];
	_ =	swait.ge [sflag:s4], $0x0  }
0x19: {  	s7 =	sld [smem:$0x3F96]  }
0x1a: {  	s8 =	sadd.s32 $0xFFFFE003, lr  }
0x1b: {  	s9 =	sadd.s32 $0xFFFFFEF7, lr;
	s5 =	simm.s32 $0xFFFFFFFF;
	p2 =	slt.u32 s8, $0xFFFFF086  }
0x1c: {  	p1 =	slt.u32 s9, $0xF7A;
	s5 =	simm.s32 @!p2 $0x0  }
0x1d: {  	s5 =	simm.s32 @p1 $0x1;
	p0 =	seq.s32 s7, s2  }
0x1e: {  	s7 =	smul.u32 @!p0 $0xF7A, s2;
	p2 =	seq.s32 @!p0 s5, $0x0  }
0x1f: {  	s9 =	smul.u32 $0xF7A, s1;
	s8 =	simm.s32 @!p0 $0x1BF5;
	p2 =	por !p2, p0  }
0x20: {  	[sflag:s8] =	ssyncset.s32 @!p0 $0xFFFFF086;
	s6 =	sadd.s32 @!p0 s3, s7;
	s7 =	simm.s32 @!p0 $0x108  }
0x21: {  	s3 =	sadd.s32 s3, s9;
	s6 =	sadd.s32 @!p0 $0x88, s6;
	s7 =	simm.s32 @p2 $0x1082  }
0x22: {  	[simem:s7], [sflag:s8] =	dma.local @!p0 [hbm:s6], $0xF7A  }
0x23: {  	s9 =	sor.u32 $0xD0000000, s2;
	s6 =	simm.s32 $0x108;
	_ =	swait.ge @!p0 [sflag:s8], $0x0  }
0x24: {  	s3 =	sadd.s32 $0x88, s3;
	s6 =	simm.s32 @!p1 $0x1082;
	[sflag:s4] =	ssyncset.s32 $0xFFFFF086  }
0x25: {  	[simem:s6], [sflag:s4] =	dma.local [hbm:s3], $0xF7A  }
0x26: {  	[smem:$0x3F96] =	sst s1;
	(tag) =	ssettag s2;
	_ =	strace s9  }
0x27: {  	s1 =	sld [smem:$0x3FA6]  }
0x28: {  	s2 =	sld [smem:$0x3FA7]  }
0x29: {  	s4 =	sld [smem:$0x3FA9]  }
0x2a: {  	p0 =	seq.s32 s5, $0x0;
	s5 =	sld [smem:$0x3FAA]  }
0x2b: {  	s6 =	sld [smem:$0x3FAB]  }
0x2c: {  	s7 =	sld [smem:$0x3FAC]  }
0x2d: {  	s3 =	simm.s32 $0x108;
	s8 =	sld [smem:$0x3FAD]  }
0x2e: {  	s3 =	simm.s32 @!p0 $0x1082;
	s9 =	sld [smem:$0x3FAE]  }
0x2f: {  	lr =	sadd.s32 s0, s3;
	s0 =	sld [smem:$0x3FA5]  }
0x30: {  	s3 =	sld [smem:$0x3FA8]  }
0x31: {  	[smem:$0x3FB1] =	sst s10  }
0x32: {  	s10 =	sld [smem:$0x3FAF];
	_ =	sdelay $0x3  }
0x33: {  	p0 =	seq.s32 s10, $0x1;
	s10 =	sld [smem:$0x3FB1];
	_ =	sdelay $0x3  }
0x34: {  	[smem:$0x3FB1] =	sst s10  }
0x35: {  	s10 =	sld [smem:$0x3FB0];
	_ =	sdelay $0x3  }
0x36: {  	p1 =	seq.s32 s10, $0x1;
	s10 =	sld [smem:$0x3FB1];
	_ =	sdelay $0x3  }
0x37: {  	[smem:$0x3FB1] =	sst s10  }
0x38: {  	s10 =	sld [smem:$0x3FB2]  }
0x39: {  	_ = 	snop;
	(pc) =	sbr.ind lr, $3  }
0x3a: {  	_ = 	snop  }
0x3b: {  	_ = 	snop  }
0x3c: {  	p2 =	seq.s32 s10, $0x1;
	s10 =	sld [smem:$0x3FB1]  }
0x3d: {  	_ =	shalt  }
0x3e: {  	_ =	shalt  }
0x3f: {  	_ =	shalt  }
0x40: {  	_ =	shalt  }
0x41: {  	_ =	shalt  }
0x42: {  	_ =	shalt  }
0x43: {  	_ =	shalt  }
0x44: {  	_ =	shalt  }
0x45: {  	_ =	shalt  }
0x46: {  	_ =	shalt  }
0x47: {  	_ =	shalt  }
0x48: {  	_ =	shalt  }
0x49: {  	_ =	shalt  }
0x4a: {  	_ =	shalt  }
0x4b: {  	_ =	shalt  }
0x4c: {  	_ =	shalt  }
0x4d: {  	_ =	shalt  }
0x4e: {  	_ =	shalt  }
0x4f: {  	_ =	shalt  }
0x50: {  	_ =	shalt  }
0x51: {  	_ =	shalt  }
0x52: {  	_ =	shalt  }
0x53: {  	_ =	shalt  }
0x54: {  	_ =	shalt  }
0x55: {  	_ =	shalt  }
0x56: {  	_ =	shalt  }
0x57: {  	_ =	shalt  }
0x58: {  	_ =	shalt  }
0x59: {  	_ =	shalt  }
0x5a: {  	_ =	shalt  }
0x5b: {  	_ =	shalt  }
0x5c: {  	_ =	shalt  }
0x5d: {  	_ =	shalt  }
0x5e: {  	_ =	shalt  }
0x5f: {  	_ =	shalt  }
0x60: {  	_ =	shalt  }
0x61: {  	_ =	shalt  }
0x62: {  	_ =	shalt  }
0x63: {  	_ =	shalt  }
0x64: {  	_ =	shalt  }
0x65: {  	_ =	shalt  }
0x66: {  	_ =	shalt  }
0x67: {  	_ =	shalt  }
0x68: {  	_ =	shalt  }
0x69: {  	_ =	shalt  }
0x6a: {  	_ =	shalt  }
0x6b: {  	_ =	shalt  }
0x6c: {  	_ =	shalt  }
0x6d: {  	_ =	shalt  }
0x6e: {  	_ =	shalt  }
0x6f: {  	_ =	shalt  }
0x70: {  	_ =	shalt  }
0x71: {  	_ =	shalt  }
0x72: {  	_ =	shalt  }
0x73: {  	_ =	shalt  }
0x74: {  	_ =	shalt  }
0x75: {  	_ =	shalt  }
0x76: {  	_ =	shalt  }
0x77: {  	_ =	shalt  }
0x78: {  	_ =	shalt  }
0x79: {  	_ =	shalt  }
0x7a: {  	_ =	shalt  }
0x7b: {  	_ =	shalt  }
0x7c: {  	_ =	shalt  }
0x7d: {  	_ =	shalt  }
0x7e: {  	_ =	shalt  }
0x7f: {  	_ =	shalt  }
0x80: {  	_ =	shalt  }
0x81: {  	_ =	shalt  }
0x82: {  	_ =	shalt  }
0x83: {  	_ =	shalt  }
0x84: {  	_ =	shalt  }
0x85: {  	_ =	shalt  }
0x86: {  	_ =	shalt  }
0x87: {  	_ =	shalt  }
.Lfunc_end0:
.L_simem_size_0:
called_computation.4_lowered:
.L_overlay_start_0:
0x88: {  	s2 =	sld [smem:$0x3FD9]  }
0x89: {  	s3 =	sld [smem:$0x3FFE];
	_ =	sdelay $0x1  }
0x8a: {  	s1 =	srdreg.scid  }
0x8b: {  	s0 =	sand.u32 $0x1, s1  }
0x8c: {  	s17 =	sshll.u32 s0, $0xA;
	s2 =	sadd.s32 s3, s2  }
0x8d: {  	s2 =	sadd.s32 s2, s17  }
0x8e: {  	[smem:$0x3FBD] =	sst s2  }
0x8f: {  	_ = 	snop  }
0x90: {  	s18 =	sld [smem:$0x3FD0];
	(tm) =	ssettm $0x1  }
0x91: {  	s19 =	sld [smem:$0x3FFB];
	_ =	sdelay $0x3  }
0x92: {  	_ =	strace s19  }
0x93: {  	s2 =	sld [smem:$0x3FFC];
	_ =	sdelay $0x3  }
0x94: {  	_ =	strace s2  }
0x95: {  	s2 =	sld [smem:$0x3FFD];
	_ =	sdelay $0x3  }
0x96: {  	_ =	strace s2  }
0x97: {  	_ =	strace $0x8FFFFFFF  }
0x98: {  	s20 =	sld [smem:$0x3FDB];
	_ =	sdelay $0x1  }
0x99: {  	s4 =	simm.s32 $_scs_section_size  }
0x9a: {  	s5 =	simm.s32 $_size__tile_overlayer_lowered;
	s6 =	simm.s32 $_tile_overlayer_lowered  }
0x9b: {  	s7 =	simm.s32 $0x1BFF;
	s21 =	sshll.u32 s6, $0x1;
	s4 =	sadd.s32 s4, s20  }
0x9c: {  	s22 =	simm.s32 $0x0;
	s5 =	sshll.u32 s5, $0x1;
	s6 =	sadd.s32 s21, s4  }
0x9d: {  	[timem:s22], [sflag:s7] =	dma.local [hbm:s6], s5  }
0x9e: {  	_ =	swait.ge [sflag:s7], s5  }
0x9f: {  	s5 =	ssub.s32 $0x0, s5;
	[sflag:s7] =	ssyncset.done $0x0  }
0xa0: {  	[sflag:s7] =	ssyncadd.s32 s5;
	_ =	sdelay $0x1  }
0xa1: {  	s23 =	simm.s32 $0x1B8B  }
0xa2: {  	_ =	swait.ge [sflag:s23], $0x1  }
0xa3: {  	[sflag:s23] =	ssyncset.done $0x0  }
0xa4: {  	[sflag:s23] =	ssyncadd.s32 $0xFFFFFFFF  }
0xa5: {  	s5 =	sld [smem:$0x0]  }
0xa6: {  	s6 =	sand.u32 $0xFFFFFFFE, s1  }
0xa7: {  	p0 =	sne.s32 s1, s6  }
0xa8: {  	s6 =	sshll.u32 @p0 s6, $0xE  }
0xa9: {  	s6 =	sadd.s32 @p0 $0x11B8D, s6;
	s7 =	sshll.u32 @p0 s5, $0x11  }
0xaa: {  	s6 =	sor.u32 @p0 s7, s6  }
0xab: {  	[sflag:s6] =	ssyncadd.remote.s32 @p0 $0x1;
	_ =	sdelay $0x1  }
0xac: {  	s6 =	simm.s32 @p0 $0x1B8D  }
0xad: {  	_ =	swait.eq @p0 [sflag:s6], $0x1  }
0xae: {  	[sflag:s6] =	ssyncadd.s32 @p0 $0xFFFFFFFF  }
0xaf: {  	s7 =	sshll.u32 @!p0 s1, $0xE  }
0xb0: {  	s7 =	sor.u32 @!p0 $0x4000, s7;
	s6 =	simm.s32 @!p0 $0x1B8D  }
0xb1: {  	s5 =	sshll.u32 @!p0 s5, $0x11;
	s7 =	sadd.s32 @!p0 $0x11B8D, s7;
	_ =	swait.eq @!p0 [sflag:s6], $0x1  }
0xb2: {  	s5 =	sor.u32 @!p0 s5, s7;
	[sflag:s6] =	ssyncadd.s32 @!p0 $0xFFFFFFFF  }
0xb3: {  	s25 =	simm.s32 $0x1B8E;
	s24 =	sld [smem:$0x3FFE];
	[sflag:s5] =	ssyncadd.remote.s32 @!p0 $0x1  }
0xb4: {  	s26 =	simm.s32 $execute0_lowered;
	[smem:$0x3FD2] =	sst s25  }
0xb5: {  	s6 =	sshll.u32 s26, $0x1;
	_ =	strace $0x80000052;
	[dreg:$0x1] =	wrdreg $0xFFFFFFFF  }
0xb6: {  	s28 =	simm.s32 $_size_execute0_lowered;
	s4 =	sadd.s32 s4, s6;
	[dreg:$0x0] =	wrdreg $0x0  }
0xb7: {  	s6 =	sshll.u32 s28, $0x1;
	[dreg:$0x2] =	wrdreg s4  }
0xb8: {  	[dreg:$0x3] =	wrdreg s6  }
0xb9: {  	[dreg:$0x4] =	wrdreg $0xC0  }
0xba: {  	_ =	task [dreg:s22], $0x5FFFF  }
0xbb: {  	[dreg:$0x1] =	wrdreg $0xFFFFFFFF  }
0xbc: {  	[dreg:$0x0] =	wrdreg $0x60  }
0xbd: {  	[dreg:$0x2] =	wrdreg s18  }
0xbe: {  	[dreg:$0x3] =	wrdreg s24  }
0xbf: {  	[dreg:$0x4] =	wrdreg $0x9  }
0xc0: {  	_ =	task.clear_ibuf [dreg:s22], $0x5FFFF;
	_ =	strace $0x90000052  }
0xc1: {  	s29 =	simm.s32 $0x9;
	_ =	strace $0x80000054  }
0xc2: {  	_ =	swait.ge [sflag:s29], $0x1  }
0xc3: {  	[sflag:s29] =	ssyncadd.s32 $0xFFFFFFFF  }
0xc4: {  	_ =	strace $0x90000054  }
0xc5: {  	_ =	sfence  }
0xc6: {  	s30 =	sld [smem:$0x0];
	_ =	sdelay $0x2  }
0xc7: {  	s31 =	sshll.u32 s1, $0xD;
	s1 =	sshrl.u32 s1, $0x2  }
0xc8: {  	s4 =	sand.u32 $0x4000, s31;
	s1 =	sadd.s32 s1, s30  }
0xc9: {  	s0 =	sor.u32 s4, s0;
	s1 =	sshll.u32 s1, $0x11  }
0xca: {  	s0 =	sor.u32 s1, s0  }
0xcb: {  	s0 =	sadd.s32 $0x8F2B, s0  }
0xcc: {  	[sflag:s0] =	ssyncadd.remote.s32 $0x1  }
0xcd: {  	_ =	sfence.sel $0xFFFF  }
0xce: {  	[dreg:$0x0] =	wrdreg $0xFFFFFFFF;
	(pc) =	sbr.abs _section_cstart, $3  }
0xcf: {  	[dreg:$0x1] =	wrdreg $0xFFFFFFFF  }
0xd0: {  	_ =	task.clear_ibuf [dreg:s22], $0x2FFFF;
	_ =	strace $0x9FFFFFFF  }
0xd1: {  	(tm) =	ssettm $0x7FFFFFFF  }
tec
execute0_lowered:
.L_overlay_start_1:
0x0: {  	(tag) =	ssettag $0x1  }
0x1: {  	s2 =	rddreg [dreg:$0x0]  }
0x2: {  	s0 =	rddreg [dreg:$0x1]  }
0x3: {  	s1 =	srdreg.scid;
	s12 =	stileid.u32  }
0x4: {  	s3 =	simm.s32 $0x0;
	s15 =	simm.s32 $0x800;
	s16 =	simm.s32 $0x80  }
0x5: {  	s17 =	simm.s32 $0x1000;
	s18 =	simm.s32 $0x5000;
	s19 =	simm.s32 $0x3000  }
0x6: {  	s20 =	simm.s32 $0x7000;
	s21 =	simm.s32 $0x1;
	s22 =	simm.s32 $0x3  }
0x7: {  	s23 =	simm.s32 $0x2;
	s24 =	simm.s32 $0x4;
	s28 =	simm.s32 $0x0  }
0x8: {  	s1 =	sand.u32 $0x1, s1;
	s4 =	sshll.u32 s12, $0x5;
	[smem:$0x7FF] =	sst s3  }
0x9: {  	s10 =	sadd.s32 $0x42E600, s0;
	s12 =	sshll.u32 s12, $0xF;
	s5 =	sshll.u32 s1, $0x4  }
0xa: {  	_ =	strace $0x80000053;
	s30 =	ssub.s32 $0x2, s1;
	s13 =	sadd.s32 s12, s10  }
0xb: {  	s1 =	sshll.u32 s1, $0xE;
	s6 =	sor.u32 s5, s4;
	s4 =	sadd.s32 $0x6C00, s0  }
0xc: {  	s8 =	sshrl.u32 s30, $0x1;
	s13 =	sadd.s32 s1, s13;
	s5 =	sshll.u32 s6, $0x4  }
0xd: {  	s8 =	ssub.s32 s30, s8;
	s11 =	sshll.u32 s6, $0xA;
	s7 =	sadd.s32 s5, s0  }
0xe: {  	s0 =	sadd.s32 $0x4AE600, s0;
	s9 =	sor.u32 $0x3800, s11;
	s11 =	sor.u32 $0x3C00, s11  }
0xf: {  	s5 =	sadd.s32 $0x12C600, s7;
	s6 =	sadd.s32 $0x12A600, s7;
	s7 =	smax.u32 s8, $0x1  }
0x10: {  	s8 =	sadd.s32 s10, s9;
	s9 =	sadd.s32 s0, s9;
	s14 =	sadd.s32 s12, s0  }
0x11: {  	s10 =	sadd.s32 s10, s11;
	s11 =	sadd.s32 s0, s11;
	s31 =	sadd.s32 s1, s14  }
0x12: {  	s12 =	sadd.s32 $0x400, s13;
	s14 =	simm.s32 $0x5;
	s13 =	sadd.s32 $0x400, s31  }
.LBB2_1:
0x13: {  	[tilespmem:s3], [sflag:$0x5] =	stream.linear.gather [hbm4b:s5+s3], $0x800, $0x38;
	[tilespmem:$0x9000] =	vst v63  }
0x14: {  	_ =	swait.ge [sflag:s14], $0x800  }
0x15: {  	[sflag:s14] =	ssyncset.done $0x0  }
0x16: {  	[sflag:s14] =	ssyncadd.s32 $0xFFFFF800  }
0x17: {  	[tilespmem:s15], [sflag:$0x5] =	stream.linear.gather [hbm4b:s6+s3], $0x800, $0x38;
	[tilespmem:$0x9000] =	vst v63  }
0x18: {  	_ =	swait.ge [sflag:s14], $0x800  }
0x19: {  	[sflag:s14] =	ssyncset.done $0x0  }
0x1a: {  	[sflag:s14] =	ssyncadd.s32 $0xFFFFF800  }
0x1b: {  	[tilespmem:s17], [sflag:$0x1] =	stream.indirect.gather [hbm4b:s2+s16], $0x40, s3, s16, $0xb8;
	[tilespmem:$0x9000] =	vst v63  }
0x1c: {  	_ = 	snop  }
0x1d: {  	[tilespmem:s18], [sflag:$0x3] =	stream.indirect.gather [hbm4b:s4+s16], $0x40, s15, s16, $0xb8;
	[tilespmem:$0x9000] =	vst v63  }
0x1e: {  	s0 =	simm.s32 $0x80  }
0x1f: {  	[tilespmem:s19], [sflag:$0x2] =	stream.indirect.gather [hbm4b:s2+s16], $0x40, s0, s16, $0xb8;
	[tilespmem:$0x9000] =	vst v63  }
0x20: {  	s25 =	simm.s32 $0x880  }
0x21: {  	[tilespmem:s20], [sflag:$0x4] =	stream.indirect.gather [hbm4b:s4+s16], $0x40, s25, s16, $0xb8;
	[tilespmem:$0x9000] =	vst v63  }
0x22: {  	_ =	swait.ge [sflag:s21], $0x2000  }
0x23: {  	[sflag:s21] =	ssyncset.done $0x0  }
0x24: {  	s26 =	sadd.s32 $0xFFFFFC00, s12;
	[sflag:s21] =	ssyncadd.s32 $0xFFFFE000  }
0x25: {  	[hbm4b:s26+s3] =	stream.linear.scatter [tilespmem:s17], [sflag:$0x5], $0x2000, $0x38;
	[tilespmem:$0x9000] =	vst v63  }
0x26: {  	_ =	swait.ge [sflag:s14], $0x2000  }
0x27: {  	[sflag:s14] =	ssyncset.done $0x0  }
0x28: {  	[sflag:s14] =	ssyncadd.s32 $0xFFFFE000  }
0x29: {  	_ =	swait.ge [sflag:s22], $0x2000  }
0x2a: {  	[sflag:s22] =	ssyncset.done $0x0  }
0x2b: {  	s1 =	sadd.s32 $0xFFFFFC00, s13;
	[sflag:s22] =	ssyncadd.s32 $0xFFFFE000  }
0x2c: {  	[hbm4b:s1+s3] =	stream.linear.scatter [tilespmem:s18], [sflag:$0x5], $0x2000, $0x38;
	[tilespmem:$0x9000] =	vst v63  }
0x2d: {  	_ =	swait.ge [sflag:s14], $0x2000  }
0x2e: {  	[sflag:s14] =	ssyncset.done $0x0  }
0x2f: {  	s25 =	simm.s32 $0x100;
	[sflag:s14] =	ssyncadd.s32 $0xFFFFE000  }
0x30: {  	[tilespmem:s17], [sflag:$0x1] =	stream.indirect.gather [hbm4b:s2+s16], $0x40, s25, s16, $0xb8;
	[tilespmem:$0x9000] =	vst v63  }
0x31: {  	s26 =	simm.s32 $0x900  }
0x32: {  	[tilespmem:s18], [sflag:$0x3] =	stream.indirect.gather [hbm4b:s4+s16], $0x40, s26, s16, $0xb8;
	[tilespmem:$0x9000] =	vst v63  }
0x33: {  	_ =	swait.ge [sflag:s23], $0x2000  }
0x34: {  	[sflag:s23] =	ssyncset.done $0x0  }
0x35: {  	[sflag:s23] =	ssyncadd.s32 $0xFFFFE000  }
0x36: {  	[hbm4b:s12+s3] =	stream.linear.scatter [tilespmem:s19], [sflag:$0x5], $0x2000, $0x38;
	[tilespmem:$0x9000] =	vst v63  }
0x37: {  	_ =	swait.ge [sflag:s14], $0x2000  }
0x38: {  	[sflag:s14] =	ssyncset.done $0x0  }
0x39: {  	[sflag:s14] =	ssyncadd.s32 $0xFFFFE000  }
0x3a: {  	_ =	swait.ge [sflag:s24], $0x2000  }
0x3b: {  	[sflag:s24] =	ssyncset.done $0x0  }
0x3c: {  	[sflag:s24] =	ssyncadd.s32 $0xFFFFE000  }
0x3d: {  	[hbm4b:s13+s3] =	stream.linear.scatter [tilespmem:s20], [sflag:$0x5], $0x2000, $0x38;
	[tilespmem:$0x9000] =	vst v63  }
0x3e: {  	s29 =	sadd.s32 $0x800, s13;
	s31 =	simm.s32 $0x100;
	_ =	swait.ge [sflag:s14], $0x2000  }
0x3f: {  	s30 =	sadd.s32 $0x800, s12;
	s0 =	simm.s32 $0x800;
	[sflag:s14] =	ssyncset.done $0x0  }
.LBB2_2:
0x40: {  	s26 =	sadd.s32 $0x80, s31  }
0x41: {  	[sflag:s14] =	ssyncadd.s32 $0xFFFFE000;
	s1 =	smov.u32 s0;
	s25 =	sadd.s32 $0x400, s0  }
0x42: {  	[tilespmem:s19], [sflag:$0x2] =	stream.indirect.gather [hbm4b:s2+s16], $0x40, s26, s16, $0xb8;
	[tilespmem:$0x9000] =	vst v63  }
0x43: {  	p0 =	sne.s32 s0, $0x1800;
	s0 =	sadd.s32 $0x880, s31  }
0x44: {  	[tilespmem:s20], [sflag:$0x4] =	stream.indirect.gather [hbm4b:s4+s16], $0x40, s0, s16, $0xb8;
	[tilespmem:$0x9000] =	vst v63  }
0x45: {  	_ =	swait.ge [sflag:s21], $0x2000  }
0x46: {  	[sflag:s21] =	ssyncset.done $0x0  }
0x47: {  	s0 =	sadd.s32 $0xFFFFFC00, s30;
	[sflag:s21] =	ssyncadd.s32 $0xFFFFE000  }
0x48: {  	[hbm4b:s0+s3] =	stream.linear.scatter [tilespmem:s17], [sflag:$0x5], $0x2000, $0x38;
	[tilespmem:$0x9000] =	vst v63  }
0x49: {  	_ =	swait.ge [sflag:s14], $0x2000  }
0x4a: {  	[sflag:s14] =	ssyncset.done $0x0  }
0x4b: {  	[sflag:s14] =	ssyncadd.s32 $0xFFFFE000  }
0x4c: {  	_ =	swait.ge [sflag:s22], $0x2000  }
0x4d: {  	[sflag:s22] =	ssyncset.done $0x0  }
0x4e: {  	s0 =	sadd.s32 $0xFFFFFC00, s29;
	[sflag:s22] =	ssyncadd.s32 $0xFFFFE000  }
0x4f: {  	[hbm4b:s0+s3] =	stream.linear.scatter [tilespmem:s18], [sflag:$0x5], $0x2000, $0x38;
	[tilespmem:$0x9000] =	vst v63  }
0x50: {  	_ =	swait.ge [sflag:s14], $0x2000  }
0x51: {  	[sflag:s14] =	ssyncset.done $0x0  }
0x52: {  	s0 =	sadd.s32 $0x100, s31;
	[sflag:s14] =	ssyncadd.s32 $0xFFFFE000  }
0x53: {  	[tilespmem:s17], [sflag:$0x1] =	stream.indirect.gather [hbm4b:s2+s16], $0x40, s0, s16, $0xb8;
	[tilespmem:$0x9000] =	vst v63  }
0x54: {  	s0 =	sadd.s32 $0x900, s31  }
0x55: {  	[tilespmem:s18], [sflag:$0x3] =	stream.indirect.gather [hbm4b:s4+s16], $0x40, s0, s16, $0xb8;
	[tilespmem:$0x9000] =	vst v63  }
0x56: {  	_ =	swait.ge [sflag:s23], $0x2000  }
0x57: {  	[sflag:s23] =	ssyncset.done $0x0  }
0x58: {  	[sflag:s23] =	ssyncadd.s32 $0xFFFFE000  }
0x59: {  	[hbm4b:s30+s3] =	stream.linear.scatter [tilespmem:s19], [sflag:$0x5], $0x2000, $0x38;
	[tilespmem:$0x9000] =	vst v63  }
0x5a: {  	_ =	swait.ge [sflag:s14], $0x2000  }
0x5b: {  	[sflag:s14] =	ssyncset.done $0x0  }
0x5c: {  	[sflag:s14] =	ssyncadd.s32 $0xFFFFE000  }
0x5d: {  	_ =	swait.ge [sflag:s24], $0x2000  }
.Ltmp0:
0x5e: {  	[sflag:s24] =	ssyncset.done $0x0;
	(pc) =	sbr.rel @p0 .LBB2_2-.Ltmp0, $4  }
0x5f: {  	[sflag:s24] =	ssyncadd.s32 $0xFFFFE000  }
0x60: {  	[hbm4b:s29+s3] =	stream.linear.scatter [tilespmem:s20], [sflag:$0x5], $0x2000, $0x38;
	[tilespmem:$0x9000] =	vst v63  }
0x61: {  	s31 =	sshra.s32 s1, $0x2;
	s29 =	sadd.s32 $0x800, s29;
	_ =	swait.ge [sflag:s14], $0x2000  }
0x62: {  	s0 =	smov.u32 s25;
	s30 =	sadd.s32 $0x800, s30;
	[sflag:s14] =	ssyncset.done $0x0  }
0x63: {  	s0 =	sadd.s32 $0x80, s31;
	[sflag:s14] =	ssyncadd.s32 $0xFFFFE000  }
0x64: {  	[tilespmem:s19], [sflag:$0x2] =	stream.indirect.gather [hbm4b:s2+s16], $0x40, s0, s16, $0xb8;
	[tilespmem:$0x9000] =	vst v63  }
0x65: {  	s25 =	sadd.s32 $0x880, s31  }
0x66: {  	[tilespmem:s20], [sflag:$0x4] =	stream.indirect.gather [hbm4b:s4+s16], $0x40, s25, s16, $0xb8;
	[tilespmem:$0x9000] =	vst v63  }
0x67: {  	_ =	swait.ge [sflag:s21], $0x2000  }
0x68: {  	[sflag:s21] =	ssyncset.done $0x0  }
0x69: {  	s26 =	sadd.s32 $0xFFFFFC00, s30;
	[sflag:s21] =	ssyncadd.s32 $0xFFFFE000  }
0x6a: {  	[hbm4b:s26+s3] =	stream.linear.scatter [tilespmem:s17], [sflag:$0x5], $0x2000, $0x38;
	[tilespmem:$0x9000] =	vst v63  }
0x6b: {  	_ =	swait.ge [sflag:s14], $0x2000  }
0x6c: {  	[sflag:s14] =	ssyncset.done $0x0  }
0x6d: {  	[sflag:s14] =	ssyncadd.s32 $0xFFFFE000  }
0x6e: {  	_ =	swait.ge [sflag:s22], $0x2000  }
0x6f: {  	[sflag:s22] =	ssyncset.done $0x0  }
0x70: {  	s1 =	sadd.s32 $0xFFFFFC00, s29;
	[sflag:s22] =	ssyncadd.s32 $0xFFFFE000  }
0x71: {  	[hbm4b:s1+s3] =	stream.linear.scatter [tilespmem:s18], [sflag:$0x5], $0x2000, $0x38;
	[tilespmem:$0x9000] =	vst v63  }
0x72: {  	_ =	swait.ge [sflag:s14], $0x2000  }
0x73: {  	[sflag:s14] =	ssyncset.done $0x0  }
0x74: {  	s25 =	sadd.s32 $0x100, s31;
	[sflag:s14] =	ssyncadd.s32 $0xFFFFE000  }
0x75: {  	[tilespmem:s17], [sflag:$0x1] =	stream.indirect.gather [hbm4b:s2+s16], $0x40, s25, s16, $0xb8;
	[tilespmem:$0x9000] =	vst v63  }
0x76: {  	s26 =	sadd.s32 $0x900, s31  }
0x77: {  	[tilespmem:s18], [sflag:$0x3] =	stream.indirect.gather [hbm4b:s4+s16], $0x40, s26, s16, $0xb8;
	[tilespmem:$0x9000] =	vst v63  }
0x78: {  	_ =	swait.ge [sflag:s23], $0x2000  }
0x79: {  	[sflag:s23] =	ssyncset.done $0x0  }
0x7a: {  	[sflag:s23] =	ssyncadd.s32 $0xFFFFE000  }
0x7b: {  	[hbm4b:s30+s3] =	stream.linear.scatter [tilespmem:s19], [sflag:$0x5], $0x2000, $0x38;
	[tilespmem:$0x9000] =	vst v63  }
0x7c: {  	_ =	swait.ge [sflag:s14], $0x2000  }
0x7d: {  	[sflag:s14] =	ssyncset.done $0x0  }
0x7e: {  	[sflag:s14] =	ssyncadd.s32 $0xFFFFE000  }
0x7f: {  	_ =	swait.ge [sflag:s24], $0x2000  }
0x80: {  	[sflag:s24] =	ssyncset.done $0x0  }
0x81: {  	[sflag:s24] =	ssyncadd.s32 $0xFFFFE000  }
0x82: {  	[hbm4b:s29+s3] =	stream.linear.scatter [tilespmem:s20], [sflag:$0x5], $0x2000, $0x38;
	[tilespmem:$0x9000] =	vst v63  }
0x83: {  	_ =	swait.ge [sflag:s14], $0x2000  }
0x84: {  	[sflag:s14] =	ssyncset.done $0x0  }
0x85: {  	s30 =	simm.s32 $0x780;
	[sflag:s14] =	ssyncadd.s32 $0xFFFFE000  }
0x86: {  	[tilespmem:s19], [sflag:$0x2] =	stream.indirect.gather [hbm4b:s2+s16], $0x40, s30, s16, $0xb8;
	[tilespmem:$0x9000] =	vst v63  }
0x87: {  	s31 =	simm.s32 $0xF80  }
0x88: {  	[tilespmem:s20], [sflag:$0x4] =	stream.indirect.gather [hbm4b:s4+s16], $0x40, s31, s16, $0xb8;
	[tilespmem:$0x9000] =	vst v63  }
0x89: {  	_ =	swait.ge [sflag:s21], $0x2000  }
0x8a: {  	[sflag:s21] =	ssyncset.done $0x0  }
0x8b: {  	[sflag:s21] =	ssyncadd.s32 $0xFFFFE000  }
0x8c: {  	[hbm4b:s8+s3] =	stream.linear.scatter [tilespmem:s17], [sflag:$0x5], $0x2000, $0x38;
	[tilespmem:$0x9000] =	vst v63  }
0x8d: {  	_ =	swait.ge [sflag:s14], $0x2000  }
0x8e: {  	[sflag:s14] =	ssyncset.done $0x0  }
0x8f: {  	[sflag:s14] =	ssyncadd.s32 $0xFFFFE000  }
0x90: {  	_ =	swait.ge [sflag:s22], $0x2000  }
0x91: {  	[sflag:s22] =	ssyncset.done $0x0  }
0x92: {  	[sflag:s22] =	ssyncadd.s32 $0xFFFFE000  }
0x93: {  	[hbm4b:s9+s3] =	stream.linear.scatter [tilespmem:s18], [sflag:$0x5], $0x2000, $0x38;
	[tilespmem:$0x9000] =	vst v63  }
0x94: {  	_ =	swait.ge [sflag:s14], $0x2000  }
0x95: {  	[sflag:s14] =	ssyncset.done $0x0  }
0x96: {  	[sflag:s14] =	ssyncadd.s32 $0xFFFFE000  }
0x97: {  	_ =	swait.ge [sflag:s23], $0x2000  }
0x98: {  	[sflag:s23] =	ssyncset.done $0x0  }
0x99: {  	[sflag:s23] =	ssyncadd.s32 $0xFFFFE000  }
0x9a: {  	[hbm4b:s10+s3] =	stream.linear.scatter [tilespmem:s19], [sflag:$0x5], $0x2000, $0x38;
	[tilespmem:$0x9000] =	vst v63  }
0x9b: {  	_ =	swait.ge [sflag:s14], $0x2000  }
0x9c: {  	[sflag:s14] =	ssyncset.done $0x0  }
0x9d: {  	[sflag:s14] =	ssyncadd.s32 $0xFFFFE000  }
0x9e: {  	s28 =	sadd.s32 $0x1, s28;
	_ =	swait.ge [sflag:s24], $0x2000  }
0x9f: {  	p0 =	sne.s32 s28, s7;
	[sflag:s24] =	ssyncset.done $0x0  }
.Ltmp1:
0xa0: {  	[sflag:s24] =	ssyncadd.s32 $0xFFFFE000;
	(pc) =	sbr.rel @p0 .LBB2_1-.Ltmp1, $4  }
0xa1: {  	[hbm4b:s11+s3] =	stream.linear.scatter [tilespmem:s20], [sflag:$0x5], $0x2000, $0x38;
	[tilespmem:$0x9000] =	vst v63  }
0xa2: {  	_ =	swait.ge [sflag:s14], $0x2000  }
0xa3: {  	[sflag:s14] =	ssyncset.done $0x0  }
0xa4: {  	[sflag:s14] =	ssyncadd.s32 $0xFFFFE000  }
0xa5: {  	_ =	sfence.sel $0x180000  }
0xa6: {  	[bflag:$0x0] =	sbarrier.arrive $0xFFFF  }
0xa7: {  	_ =	strace $0x90000053  }
0xa8: {  	s0 =	stileid.u32;
	[bflag:$0x2] =	sbarrier.arrive $0xFFFF  }
0xa9: {  	p0 =	sne.s32 s0, $0x0;
	s0 =	rddreg [dreg:$0x2]  }
0xaa: {  	s0 =	sadd.s32 @!p0 $0x100000, s0  }
0xab: {  	[sflag:s0] =	ssyncadd.tile.s32 @!p0 $0x1;
	_ =	shalt  }
.Lfunc_end2:
_tile_overlayer_lowered:
.L_overlay_start_2:
0xac: {  	(tag) =	ssettag $0x2  }
0xad: {  	s0 =	rddreg [dreg:$0x0];
	s2 =	stileid.u32  }
0xae: {  	s1 =	rddreg [dreg:$0x1];
	p0 =	sne.s32 s2, $0x0  }
0xaf: {  	s3 =	rddreg [dreg:$0x2];
	[bflag:$0x3] =	sbarrier.arrive $0xFFFF;
	s2 =	simm.s32 @!p0 $0x1C05  }
0xb0: {  	[timem:s3], [sflag:s2] =	dma.local @!p0 [hbm:s0], s1  }
0xb1: {  	s0 =	simm.s32 @!p0 $0x5  }
0xb2: {  	_ =	swait.ge @!p0 [sflag:s0], s1  }
0xb3: {  	s1 =	ssub.s32 @!p0 $0x0, s1;
	[sflag:s0] =	ssyncset.done @!p0 $0x0  }
0xb4: {  	[sflag:s0] =	ssyncadd.s32 @!p0 s1  }
0xb5: {  	[bflag:$0x3] =	sbarrier.arrive $0xFFFF  }
0xb6: {  	_ =	shalt  }

// kernel: kernel.32.cloned.1.call-start
scs
__scs_entry_jumppad:
0x0: {  	(pc) =	sbr.rel $0x88, $3  }
0x1: {  	(tag) =	ssettag $0x0;
	lr =	simm.s32 $0x1  }
0x2: {  	[smem:$0x3F96] =	sst lr;
	_ =	strace $0xD0000000  }
0x3: {  	_ = 	snop  }
0x4: {  	_ = 	snop  }
0x5: {  	_ = 	snop  }
0x6: {  	_ = 	snop  }
0x7: {  	_ = 	snop  }
__scs_overlays_trampoline_lowered:
0x8: {  	[smem:$0x3FA5] =	sst s0  }
0x9: {  	[smem:$0x3FA6] =	sst s1  }
0xa: {  	[smem:$0x3FA7] =	sst s2  }
0xb: {  	[smem:$0x3FA8] =	sst s3  }
0xc: {  	[smem:$0x3FA9] =	sst s4  }
0xd: {  	[smem:$0x3FAA] =	sst s5  }
0xe: {  	[smem:$0x3FAB] =	sst s6  }
0xf: {  	[smem:$0x3FAC] =	sst s7  }
0x10: {  	[smem:$0x3FAD] =	sst s8  }
0x11: {  	[smem:$0x3FAE] =	sst s9;
	s0 =	simm.s32 @!p0 $0x0  }
0x12: {  	s1 =	sld [smem:$0x3F94];
	s0 =	simm.s32 @p0 $0x1  }
0x13: {  	[smem:$0x3FAF] =	sst s0;
	s0 =	simm.s32 @!p1 $0x0  }
0x14: {  	s2 =	sld [smem:$0x3F93];
	s0 =	simm.s32 @p1 $0x1  }
0x15: {  	[smem:$0x3FB0] =	sst s0;
	s0 =	simm.s32 @!p2 $0x0  }
0x16: {  	s3 =	sld [smem:$0x3FDB];
	s0 =	simm.s32 @p2 $0x1  }
0x17: {  	s4 =	simm.s32 $0x1BF5;
	[smem:$0x3FB2] =	sst s0  }
0x18: {  	s0 =	sld [smem:$0x3F95];
	_ =	swait.ge [sflag:s4], $0x0  }
0x19: {  	s7 =	sld [smem:$0x3F96]  }
0x1a: {  	s8 =	sadd.s32 $0xFFFFE003, lr  }
0x1b: {  	s9 =	sadd.s32 $0xFFFFFEF7, lr;
	s5 =	simm.s32 $0xFFFFFFFF;
	p2 =	slt.u32 s8, $0xFFFFF086  }
0x1c: {  	p1 =	slt.u32 s9, $0xF7A;
	s5 =	simm.s32 @!p2 $0x0  }
0x1d: {  	s5 =	simm.s32 @p1 $0x1;
	p0 =	seq.s32 s7, s2  }
0x1e: {  	s7 =	smul.u32 @!p0 $0xF7A, s2;
	p2 =	seq.s32 @!p0 s5, $0x0  }
0x1f: {  	s9 =	smul.u32 $0xF7A, s1;
	s8 =	simm.s32 @!p0 $0x1BF5;
	p2 =	por !p2, p0  }
0x20: {  	[sflag:s8] =	ssyncset.s32 @!p0 $0xFFFFF086;
	s6 =	sadd.s32 @!p0 s3, s7;
	s7 =	simm.s32 @!p0 $0x108  }
0x21: {  	s3 =	sadd.s32 s3, s9;
	s6 =	sadd.s32 @!p0 $0x88, s6;
	s7 =	simm.s32 @p2 $0x1082  }
0x22: {  	[simem:s7], [sflag:s8] =	dma.local @!p0 [hbm:s6], $0xF7A  }
0x23: {  	s9 =	sor.u32 $0xD0000000, s2;
	s6 =	simm.s32 $0x108;
	_ =	swait.ge @!p0 [sflag:s8], $0x0  }
0x24: {  	s3 =	sadd.s32 $0x88, s3;
	s6 =	simm.s32 @!p1 $0x1082;
	[sflag:s4] =	ssyncset.s32 $0xFFFFF086  }
0x25: {  	[simem:s6], [sflag:s4] =	dma.local [hbm:s3], $0xF7A  }
0x26: {  	[smem:$0x3F96] =	sst s1;
	(tag) =	ssettag s2;
	_ =	strace s9  }
0x27: {  	s1 =	sld [smem:$0x3FA6]  }
0x28: {  	s2 =	sld [smem:$0x3FA7]  }
0x29: {  	s4 =	sld [smem:$0x3FA9]  }
0x2a: {  	p0 =	seq.s32 s5, $0x0;
	s5 =	sld [smem:$0x3FAA]  }
0x2b: {  	s6 =	sld [smem:$0x3FAB]  }
0x2c: {  	s7 =	sld [smem:$0x3FAC]  }
0x2d: {  	s3 =	simm.s32 $0x108;
	s8 =	sld [smem:$0x3FAD]  }
0x2e: {  	s3 =	simm.s32 @!p0 $0x1082;
	s9 =	sld [smem:$0x3FAE]  }
0x2f: {  	lr =	sadd.s32 s0, s3;
	s0 =	sld [smem:$0x3FA5]  }
0x30: {  	s3 =	sld [smem:$0x3FA8]  }
0x31: {  	[smem:$0x3FB1] =	sst s10  }
0x32: {  	s10 =	sld [smem:$0x3FAF];
	_ =	sdelay $0x3  }
0x33: {  	p0 =	seq.s32 s10, $0x1;
	s10 =	sld [smem:$0x3FB1];
	_ =	sdelay $0x3  }
0x34: {  	[smem:$0x3FB1] =	sst s10  }
0x35: {  	s10 =	sld [smem:$0x3FB0];
	_ =	sdelay $0x3  }
0x36: {  	p1 =	seq.s32 s10, $0x1;
	s10 =	sld [smem:$0x3FB1];
	_ =	sdelay $0x3  }
0x37: {  	[smem:$0x3FB1] =	sst s10  }
0x38: {  	s10 =	sld [smem:$0x3FB2]  }
0x39: {  	_ = 	snop;
	(pc) =	sbr.ind lr, $3  }
0x3a: {  	_ = 	snop  }
0x3b: {  	_ = 	snop  }
0x3c: {  	p2 =	seq.s32 s10, $0x1;
	s10 =	sld [smem:$0x3FB1]  }
0x3d: {  	_ =	shalt  }
0x3e: {  	_ =	shalt  }
0x3f: {  	_ =	shalt  }
0x40: {  	_ =	shalt  }
0x41: {  	_ =	shalt  }
0x42: {  	_ =	shalt  }
0x43: {  	_ =	shalt  }
0x44: {  	_ =	shalt  }
0x45: {  	_ =	shalt  }
0x46: {  	_ =	shalt  }
0x47: {  	_ =	shalt  }
0x48: {  	_ =	shalt  }
0x49: {  	_ =	shalt  }
0x4a: {  	_ =	shalt  }
0x4b: {  	_ =	shalt  }
0x4c: {  	_ =	shalt  }
0x4d: {  	_ =	shalt  }
0x4e: {  	_ =	shalt  }
0x4f: {  	_ =	shalt  }
0x50: {  	_ =	shalt  }
0x51: {  	_ =	shalt  }
0x52: {  	_ =	shalt  }
0x53: {  	_ =	shalt  }
0x54: {  	_ =	shalt  }
0x55: {  	_ =	shalt  }
0x56: {  	_ =	shalt  }
0x57: {  	_ =	shalt  }
0x58: {  	_ =	shalt  }
0x59: {  	_ =	shalt  }
0x5a: {  	_ =	shalt  }
0x5b: {  	_ =	shalt  }
0x5c: {  	_ =	shalt  }
0x5d: {  	_ =	shalt  }
0x5e: {  	_ =	shalt  }
0x5f: {  	_ =	shalt  }
0x60: {  	_ =	shalt  }
0x61: {  	_ =	shalt  }
0x62: {  	_ =	shalt  }
0x63: {  	_ =	shalt  }
0x64: {  	_ =	shalt  }
0x65: {  	_ =	shalt  }
0x66: {  	_ =	shalt  }
0x67: {  	_ =	shalt  }
0x68: {  	_ =	shalt  }
0x69: {  	_ =	shalt  }
0x6a: {  	_ =	shalt  }
0x6b: {  	_ =	shalt  }
0x6c: {  	_ =	shalt  }
0x6d: {  	_ =	shalt  }
0x6e: {  	_ =	shalt  }
0x6f: {  	_ =	shalt  }
0x70: {  	_ =	shalt  }
0x71: {  	_ =	shalt  }
0x72: {  	_ =	shalt  }
0x73: {  	_ =	shalt  }
0x74: {  	_ =	shalt  }
0x75: {  	_ =	shalt  }
0x76: {  	_ =	shalt  }
0x77: {  	_ =	shalt  }
0x78: {  	_ =	shalt  }
0x79: {  	_ =	shalt  }
0x7a: {  	_ =	shalt  }
0x7b: {  	_ =	shalt  }
0x7c: {  	_ =	shalt  }
0x7d: {  	_ =	shalt  }
0x7e: {  	_ =	shalt  }
0x7f: {  	_ =	shalt  }
0x80: {  	_ =	shalt  }
0x81: {  	_ =	shalt  }
0x82: {  	_ =	shalt  }
0x83: {  	_ =	shalt  }
0x84: {  	_ =	shalt  }
0x85: {  	_ =	shalt  }
0x86: {  	_ =	shalt  }
0x87: {  	_ =	shalt  }
.Lfunc_end0:
.L_simem_size_0:
called_computation.5_lowered:
.L_overlay_start_0:
0x88: {  	s2 =	sld [smem:$0x3FD9]  }
0x89: {  	s3 =	sld [smem:$0x3FFE];
	_ =	sdelay $0x1  }
0x8a: {  	s1 =	srdreg.scid  }
0x8b: {  	s0 =	sand.u32 $0x1, s1  }
0x8c: {  	s17 =	sshll.u32 s0, $0xA;
	s2 =	sadd.s32 s3, s2  }
0x8d: {  	s2 =	sadd.s32 s2, s17  }
0x8e: {  	[smem:$0x3FBD] =	sst s2  }
0x8f: {  	_ = 	snop  }
0x90: {  	(tm) =	ssettm $0x1  }
0x91: {  	s18 =	sld [smem:$0x3FFB];
	_ =	sdelay $0x3  }
0x92: {  	_ =	strace s18  }
0x93: {  	s2 =	sld [smem:$0x3FFC];
	_ =	sdelay $0x3  }
0x94: {  	_ =	strace s2  }
0x95: {  	s2 =	sld [smem:$0x3FFD];
	_ =	sdelay $0x3  }
0x96: {  	_ =	strace s2  }
0x97: {  	_ =	strace $0x8FFFFFFF  }
0x98: {  	s19 =	sld [smem:$0x3FDB];
	_ =	sdelay $0x1  }
0x99: {  	s20 =	simm.s32 $_scs_section_size  }
0x9a: {  	s4 =	simm.s32 $_size__tile_overlayer_lowered;
	s5 =	simm.s32 $_tile_overlayer_lowered  }
0x9b: {  	s6 =	simm.s32 $0x1BFF;
	s21 =	sshll.u32 s5, $0x1;
	s3 =	sadd.s32 s20, s19  }
0x9c: {  	s22 =	simm.s32 $0x0;
	s4 =	sshll.u32 s4, $0x1;
	s5 =	sadd.s32 s21, s3  }
0x9d: {  	[timem:s22], [sflag:s6] =	dma.local [hbm:s5], s4  }
0x9e: {  	_ =	swait.ge [sflag:s6], s4  }
0x9f: {  	s4 =	ssub.s32 $0x0, s4;
	[sflag:s6] =	ssyncset.done $0x0  }
0xa0: {  	[sflag:s6] =	ssyncadd.s32 s4;
	_ =	sdelay $0x1  }
0xa1: {  	s23 =	simm.s32 $0x1B8B  }
0xa2: {  	_ =	swait.ge [sflag:s23], $0x1  }
0xa3: {  	[sflag:s23] =	ssyncset.done $0x0  }
0xa4: {  	[sflag:s23] =	ssyncadd.s32 $0xFFFFFFFF  }
0xa5: {  	s4 =	sld [smem:$0x0]  }
0xa6: {  	s5 =	sand.u32 $0xFFFFFFFE, s1  }
0xa7: {  	p0 =	sne.s32 s1, s5  }
0xa8: {  	s5 =	sshll.u32 @p0 s5, $0xE  }
0xa9: {  	s5 =	sadd.s32 @p0 $0x11B8D, s5;
	s6 =	sshll.u32 @p0 s4, $0x11  }
0xaa: {  	s5 =	sor.u32 @p0 s6, s5  }
0xab: {  	[sflag:s5] =	ssyncadd.remote.s32 @p0 $0x1;
	_ =	sdelay $0x1  }
0xac: {  	s5 =	simm.s32 @p0 $0x1B8D  }
0xad: {  	_ =	swait.eq @p0 [sflag:s5], $0x1  }
0xae: {  	[sflag:s5] =	ssyncadd.s32 @p0 $0xFFFFFFFF  }
0xaf: {  	s6 =	sshll.u32 @!p0 s1, $0xE  }
0xb0: {  	s6 =	sor.u32 @!p0 $0x4000, s6;
	s5 =	simm.s32 @!p0 $0x1B8D  }
0xb1: {  	s4 =	sshll.u32 @!p0 s4, $0x11;
	s6 =	sadd.s32 @!p0 $0x11B8D, s6;
	_ =	swait.eq @!p0 [sflag:s5], $0x1  }
0xb2: {  	s4 =	sor.u32 @!p0 s4, s6;
	[sflag:s5] =	ssyncadd.s32 @!p0 $0xFFFFFFFF  }
0xb3: {  	s25 =	simm.s32 $0x1B8E;
	s24 =	sld [smem:$0x3FFE];
	[sflag:s4] =	ssyncadd.remote.s32 @!p0 $0x1  }
0xb4: {  	s26 =	simm.s32 $execute0_lowered;
	[smem:$0x3FD2] =	sst s25  }
0xb5: {  	s5 =	sshll.u32 s26, $0x1;
	_ =	strace $0x80000055;
	[dreg:$0x1] =	wrdreg $0xFFFFFFFF  }
0xb6: {  	s28 =	simm.s32 $_size_execute0_lowered;
	s3 =	sadd.s32 s3, s5;
	[dreg:$0x0] =	wrdreg $0x0  }
0xb7: {  	s5 =	sshll.u32 s28, $0x1;
	[dreg:$0x2] =	wrdreg s3  }
0xb8: {  	[dreg:$0x3] =	wrdreg s5  }
0xb9: {  	[dreg:$0x4] =	wrdreg $0xC0  }
0xba: {  	_ =	task [dreg:s22], $0x5FFFF  }
0xbb: {  	[dreg:$0x1] =	wrdreg $0xFFFFFFFF  }
0xbc: {  	[dreg:$0x0] =	wrdreg $0x60  }
0xbd: {  	[dreg:$0x2] =	wrdreg s24  }
0xbe: {  	[dreg:$0x3] =	wrdreg $0x90000  }
0xbf: {  	[dreg:$0x4] =	wrdreg $0xC  }
0xc0: {  	_ =	task.clear_ibuf [dreg:s22], $0x5FFFF;
	_ =	strace $0x90000055  }
0xc1: {  	s29 =	simm.s32 $0xC;
	_ =	strace $0x80000057  }
0xc2: {  	_ =	swait.ge [sflag:s29], $0x1  }
0xc3: {  	[sflag:s29] =	ssyncadd.s32 $0xFFFFFFFF  }
0xc4: {  	_ =	strace $0x90000057  }
0xc5: {  	_ =	sfence  }
0xc6: {  	s30 =	sld [smem:$0x0];
	_ =	sdelay $0x2  }
0xc7: {  	s31 =	sshll.u32 s1, $0xD;
	s1 =	sshrl.u32 s1, $0x2  }
0xc8: {  	s4 =	sand.u32 $0x4000, s31;
	s1 =	sadd.s32 s1, s30  }
0xc9: {  	s0 =	sor.u32 s4, s0;
	s1 =	sshll.u32 s1, $0x11  }
0xca: {  	s0 =	sor.u32 s1, s0  }
0xcb: {  	s0 =	sadd.s32 $0x8F2B, s0  }
0xcc: {  	[sflag:s0] =	ssyncadd.remote.s32 $0x1  }
0xcd: {  	_ =	sfence.sel $0xFFFF  }
0xce: {  	[dreg:$0x0] =	wrdreg $0xFFFFFFFF;
	(pc) =	sbr.abs _section_cstart, $3  }
0xcf: {  	[dreg:$0x1] =	wrdreg $0xFFFFFFFF  }
0xd0: {  	_ =	task.clear_ibuf [dreg:s22], $0x2FFFF;
	_ =	strace $0x9FFFFFFF  }
0xd1: {  	(tm) =	ssettm $0x7FFFFFFF  }
tec
execute0_lowered:
.L_overlay_start_1:
0x0: {  	(tag) =	ssettag $0x1  }
0x1: {  	s0 =	srdreg.scid  }
0x2: {  	s16 =	stileid.u32;
	s4 =	rddreg [dreg:$0x0]  }
0x3: {  	s1 =	simm.s32 $0x0;
	s2 =	sand.u32 $0x1, s0;
	s19 =	sshll.u32 s16, $0x1  }
0x4: {  	[smem:$0x7FF] =	sst s1;
	s8 =	smul.u32 $0x13800, s16;
	s9 =	sadd.s32 $0x12E600, s4  }
0x5: {  	s20 =	sadd.s32 $0x548E00, s4;
	s3 =	sor.u32 s2, s19;
	s6 =	ssub.s32 $0x2, s2  }
0x6: {  	s10 =	sadd.s32 $0x549600, s4;
	s5 =	sshll.u32 s3, $0xF;
	s7 =	sshrl.u32 s6, $0x1  }
0x7: {  	s2 =	smul.u32 $0x138800, s2;
	s7 =	ssub.s32 s6, s7;
	s23 =	sadd.s32 s5, s20  }
0x8: {  	s21 =	sor.u32 $0x7000, s5;
	s18 =	sadd.s32 s5, s10;
	[dreg:$0x6] =	wrdreg s23  }
0x9: {  	s12 =	sor.u32 $0x3000, s5;
	s22 =	sadd.s32 s21, s20;
	[dreg:$0xd] =	wrdreg s18  }
0xa: {  	s14 =	sor.u32 $0x5000, s5;
	s25 =	sadd.s32 s12, s20;
	[dreg:$0x4] =	wrdreg s22  }
0xb: {  	s15 =	sor.u32 $0x6000, s5;
	s26 =	sadd.s32 s14, s20;
	[dreg:$0x9] =	wrdreg s25  }
0xc: {  	s8 =	sadd.s32 s8, s2;
	s6 =	sadd.s32 s15, s20;
	[dreg:$0xb] =	wrdreg s26  }
0xd: {  	s8 =	sshrl.u32 s8, $0x3;
	s23 =	sadd.s32 s14, s10;
	[dreg:$0xc] =	wrdreg s6  }
0xe: {  	s11 =	sadd.s32 $0x1AE00, s4;
	s8 =	sadd.s32 s9, s8;
	[dreg:$0x12] =	wrdreg s23  }
0xf: {  	s2 =	sshrl.u32 s2, $0x3;
	s25 =	sadd.s32 s5, s11;
	[dreg:$0x3] =	wrdreg s8  }
0x10: {  	s8 =	sadd.s32 s9, s2;
	s2 =	sadd.s32 s21, s11;
	[dreg:$0x14] =	wrdreg s25  }
0x11: {  	s9 =	sor.u32 $0x2000, s5;
	s21 =	sadd.s32 s12, s10;
	[dreg:$0x5] =	wrdreg s2  }
0x12: {  	s24 =	sadd.s32 s9, s20;
	[dreg:$0x10] =	wrdreg s21  }
0x13: {  	s6 =	sadd.s32 s9, s11;
	[dreg:$0x8] =	wrdreg s24  }
0x14: {  	s2 =	sor.u32 $0x1000, s5;
	s21 =	sadd.s32 s15, s11;
	[dreg:$0x18] =	wrdreg s6  }
0x15: {  	s3 =	sshll.u32 s3, $0x8;
	s13 =	sadd.s32 s2, s20;
	[smem:$0x7F6] =	sst s21  }
0x16: {  	s0 =	sadd.s32 s5, s4;
	s19 =	sadd.s32 s2, s10;
	[dreg:$0x7] =	wrdreg s13  }
0x17: {  	s3 =	sadd.s32 s3, s4;
	s24 =	sadd.s32 s15, s10;
	[dreg:$0xe] =	wrdreg s19  }
0x18: {  	s4 =	sadd.s32 $0x1B600, s4;
	s26 =	sadd.s32 s2, s11;
	[dreg:$0x13] =	wrdreg s24  }
0x19: {  	s28 =	simm.s32 $0x480;
	s2 =	sadd.s32 s2, s4;
	[dreg:$0x16] =	wrdreg s26  }
0x1a: {  	s30 =	simm.s32 $0x500;
	s31 =	simm.s32 $0x580;
	[dreg:$0x17] =	wrdreg s2  }
0x1b: {  	s13 =	sor.u32 $0x4000, s5;
	s5 =	sadd.s32 s5, s4;
	s2 =	rddreg [dreg:$0x1]  }
0x1c: {  	s29 =	simm.s32 $0x600;
	s19 =	sadd.s32 s14, s11;
	[dreg:$0x15] =	wrdreg s5  }
0x1d: {  	p0 =	seq.s32 s16, $0xF;
	s17 =	sadd.s32 s13, s20;
	[dreg:$0x1e] =	wrdreg s19  }
0x1e: {  	s23 =	sadd.s32 $0x530600, s3;
	s20 =	sadd.s32 s9, s10;
	[dreg:$0xa] =	wrdreg s17  }
0x1f: {  	s3 =	sadd.s32 $0x52E600, s3;
	s22 =	sadd.s32 s13, s10;
	[dreg:$0xf] =	wrdreg s20  }
0x20: {  	s25 =	sadd.s32 $0x24900, s8;
	s9 =	sadd.s32 s9, s4;
	[dreg:$0x11] =	wrdreg s22  }
0x21: {  	s21 =	simm.s32 $0x180;
	s10 =	sadd.s32 s12, s11;
	[dreg:$0x19] =	wrdreg s9  }
0x22: {  	s24 =	sadd.s32 $0x548600, s0;
	s12 =	sadd.s32 s12, s4;
	[dreg:$0x1a] =	wrdreg s10  }
0x23: {  	s0 =	sadd.s32 $0x1A600, s0;
	s18 =	sadd.s32 s13, s4;
	[dreg:$0x1b] =	wrdreg s12  }
0x24: {  	s26 =	smax.u32 s7, $0x1;
	s17 =	sadd.s32 s13, s11;
	[dreg:$0x1d] =	wrdreg s18  }
0x25: {  	s7 =	simm.s32 $0x0;
	s20 =	sadd.s32 s14, s4;
	[dreg:$0x1c] =	wrdreg s17  }
0x26: {  	s19 =	simm.s32 $0x2;
	s4 =	sadd.s32 s15, s4;
	[dreg:$0x1f] =	wrdreg s20  }
0x27: {  	s22 =	smul.u32 $0x4E000, s16;
	s13 =	simm.s32 $0x8800;
	[smem:$0x7F7] =	sst s4  }
0x28: {  	s14 =	simm.s32 $0x3;
	_ =	strace $0x80000056;
	[smem:$0x7F8] =	sst s23  }
0x29: {  	s15 =	simm.s32 $0x800;
	s16 =	simm.s32 $0x4800;
	[smem:$0x7F9] =	sst s3  }
0x2a: {  	s18 =	simm.s32 $0x80;
	s4 =	simm.s32 $0x28;
	[smem:$0x7FA] =	sst s24  }
0x2b: {  	s17 =	simm.s32 $0x1;
	s20 =	simm.s32 $0x100;
	[smem:$0x7FB] =	sst s0  }
0x2c: {  	s4 =	simm.s32 @!p0 $0x27;
	s5 =	sshrl.u32 s22, $0x2;
	[smem:$0x7FC] =	sst s25  }
0x2d: {  	s0 =	sadd.s32 $0x124800, s2;
	[smem:$0x7FD] =	sst s26;
	s22 =	simm.s32 $0x200  }
0x2e: {  	s23 =	simm.s32 $0x280;
	s24 =	simm.s32 $0x300;
	s25 =	simm.s32 $0x380  }
0x2f: {  	s26 =	simm.s32 $0x400;
	s3 =	simm.s32 $0x700;
	s6 =	sadd.s32 s5, s2  }
0x30: {  	v0 =	vimm.f32 $0.0e+00;
	s12 =	sshrl.u32 @p0 s0, $0x3;
	s0 =	simm.s32 $0x680;
	s5 =	simm.s32 $0x780  }
.LBB2_1:
0x31: {  	s8 =	sand.u32 $0x1E00, s1  }
0x32: {  	s9 =	sand.u32 $0x70, s1;
	s10 =	sshrl.u32 s8, $0x2  }
0x33: {  	s8 =	simm.s32 $0x40;
	s10 =	sor.u32 s9, s10;
	s9 =	simm.s32 $0x0  }
.LBB2_2:
0x34: {  	p1 =	sne.s32 s8, $0x1FC0  }
0x35: {  	[tilespmem:s10+$0x8800] =	vst v0;
	s9 =	sadd.s32 $0x10, s9;
	s10 =	smov.u32 s8;
	s8 =	sadd.s32 $0x40, s8  }
.Ltmp0:
0x36: {  	(pc) =	sbr.rel @p1 .LBB2_2-.Ltmp0, $4  }
0x37: {  	_ = 	snop  }
0x38: {  	s10 =	sand.u32 $0x1E00, s10  }
0x39: {  	s11 =	sand.u32 $0x70, s9;
	s10 =	sshrl.u32 s10, $0x2  }
0x3a: {  	s10 =	sor.u32 s11, s10  }
0x3b: {  	p1 =	sne.s32 s4, $0x1  }
.Ltmp1:
0x3c: {  	_ = 	snop;
	(pc) =	sbr.rel @!p1 .LBB2_5-.Ltmp1, $4  }
0x3d: {  	[tilespmem:s10+$0x8800] =	vst v0  }
0x3e: {  	[spmem:s6] =	stream.linear.scatter [tilespmem:s13], [sflag:$0x3], $0x800, $0x38;
	[tilespmem:$0x1C880] =	vst v63  }
0x3f: {  	_ =	swait.ge [sflag:s14], $0x800  }
0x40: {  	s8 =	sadd.s32 $0xFFFFFFFF, s4;
	s9 =	smov.u32 s6;
	[sflag:s14] =	ssyncset.done $0x0  }
.LBB2_4:
0x41: {  	p1 =	sne.s32 s8, $0x1;
	[sflag:s14] =	ssyncadd.s32 $0xFFFFF800;
	s9 =	sadd.s32 $0x800, s9  }
.Ltmp2:
0x42: {  	s8 =	sadd.s32 $0xFFFFFFFF, s8;
	(pc) =	sbr.rel @p1 .LBB2_4-.Ltmp2, $4  }
0x43: {  	_ = 	snop  }
0x44: {  	[spmem:s9] =	stream.linear.scatter [tilespmem:s13], [sflag:$0x3], $0x800, $0x38;
	[tilespmem:$0x1C880] =	vst v63  }
0x45: {  	_ =	swait.ge [sflag:s14], $0x800  }
0x46: {  	[sflag:s14] =	ssyncset.done $0x0  }
.LBB2_5:
0x47: {  	[sflag:s14] =	ssyncadd.s32 $0xFFFFF800  }
0x48: {  	[bflag:$0x0] =	sbarrier.arrive $0xFFFF  }
0x49: {  	s8 =	sld [smem:$0x7F8];
	_ =	sdelay $0x2  }
0x4a: {  	[tilespmem:s1], [sflag:$0x3] =	stream.linear.gather [hbm4b:s8+s1], $0x800, $0x38;
	[tilespmem:$0x1C880] =	vst v63  }
0x4b: {  	_ =	swait.ge [sflag:s14], $0x800  }
0x4c: {  	s11 =	sld [smem:$0x7FA]  }
0x4d: {  	[sflag:s14] =	ssyncset.done $0x0  }
0x4e: {  	[sflag:s14] =	ssyncadd.s32 $0xFFFFF800  }
0x4f: {  	[tilespmem:s15], [sflag:$0x1] =	stream.linear.gather [hbm4b:s11+s1], $0x4000, $0x38;
	[tilespmem:$0x1C880] =	vst v63  }
0x50: {  	s9 =	rddreg [dreg:$0x6]  }
0x51: {  	[tilespmem:s16], [sflag:$0x2] =	stream.linear.gather [hbm4b:s9+s1], $0x4000, $0x38;
	[tilespmem:$0x1C880] =	vst v63  }
0x52: {  	_ =	swait.ge [sflag:s17], $0x4000  }
0x53: {  	[sflag:s17] =	ssyncset.done $0x0  }
0x54: {  	[sflag:s17] =	ssyncadd.s32 $0xFFFFC000  }
0x55: {  	[spmem:s2] =	stream.indirect.scatter.add.f32 [tilespmem:s15], [sflag:$0x3], $0x80, s1, s18, $0xb8;
	[tilespmem:$0x1C880] =	vst v63  }
0x56: {  	_ =	swait.ge [sflag:s14], $0x4000  }
0x57: {  	[sflag:s14] =	ssyncset.done $0x0  }
0x58: {  	s10 =	rddreg [dreg:$0xd];
	[sflag:s14] =	ssyncadd.s32 $0xFFFFC000  }
0x59: {  	[tilespmem:s15], [sflag:$0x1] =	stream.linear.gather [hbm4b:s10+s1], $0x4000, $0x38;
	[tilespmem:$0x1C880] =	vst v63  }
0x5a: {  	_ =	swait.ge [sflag:s19], $0x4000  }
0x5b: {  	[sflag:s19] =	ssyncset.done $0x0  }
0x5c: {  	[sflag:s19] =	ssyncadd.s32 $0xFFFFC000  }
0x5d: {  	[spmem:s2] =	stream.indirect.scatter.add.f32 [tilespmem:s16], [sflag:$0x3], $0x80, s18, s18, $0xb8;
	[tilespmem:$0x1C880] =	vst v63  }
0x5e: {  	_ =	swait.ge [sflag:s14], $0x4000  }
0x5f: {  	[sflag:s14] =	ssyncset.done $0x0  }
0x60: {  	s11 =	rddreg [dreg:$0x7];
	[sflag:s14] =	ssyncadd.s32 $0xFFFFC000  }
0x61: {  	[tilespmem:s16], [sflag:$0x2] =	stream.linear.gather [hbm4b:s11+s1], $0x4000, $0x38;
	[tilespmem:$0x1C880] =	vst v63  }
0x62: {  	_ =	swait.ge [sflag:s17], $0x4000  }
0x63: {  	[sflag:s17] =	ssyncset.done $0x0  }
0x64: {  	[sflag:s17] =	ssyncadd.s32 $0xFFFFC000  }
0x65: {  	[spmem:s2] =	stream.indirect.scatter.add.f32 [tilespmem:s15], [sflag:$0x3], $0x80, s20, s18, $0xb8;
	[tilespmem:$0x1C880] =	vst v63  }
0x66: {  	_ =	swait.ge [sflag:s14], $0x4000  }
0x67: {  	[sflag:s14] =	ssyncset.done $0x0  }
0x68: {  	s9 =	rddreg [dreg:$0xe];
	[sflag:s14] =	ssyncadd.s32 $0xFFFFC000  }
0x69: {  	[tilespmem:s15], [sflag:$0x1] =	stream.linear.gather [hbm4b:s9+s1], $0x4000, $0x38;
	[tilespmem:$0x1C880] =	vst v63  }
0x6a: {  	_ =	swait.ge [sflag:s19], $0x4000  }
0x6b: {  	[sflag:s19] =	ssyncset.done $0x0  }
0x6c: {  	[sflag:s19] =	ssyncadd.s32 $0xFFFFC000  }
0x6d: {  	[spmem:s2] =	stream.indirect.scatter.add.f32 [tilespmem:s16], [sflag:$0x3], $0x80, s21, s18, $0xb8;
	[tilespmem:$0x1C880] =	vst v63  }
0x6e: {  	_ =	swait.ge [sflag:s14], $0x4000  }
0x6f: {  	[sflag:s14] =	ssyncset.done $0x0  }
0x70: {  	s10 =	rddreg [dreg:$0x8];
	[sflag:s14] =	ssyncadd.s32 $0xFFFFC000  }
0x71: {  	[tilespmem:s16], [sflag:$0x2] =	stream.linear.gather [hbm4b:s10+s1], $0x4000, $0x38;
	[tilespmem:$0x1C880] =	vst v63  }
0x72: {  	_ =	swait.ge [sflag:s17], $0x4000  }
0x73: {  	[sflag:s17] =	ssyncset.done $0x0  }
0x74: {  	[sflag:s17] =	ssyncadd.s32 $0xFFFFC000  }
0x75: {  	[spmem:s2] =	stream.indirect.scatter.add.f32 [tilespmem:s15], [sflag:$0x3], $0x80, s22, s18, $0xb8;
	[tilespmem:$0x1C880] =	vst v63  }
0x76: {  	_ =	swait.ge [sflag:s14], $0x4000  }
0x77: {  	[sflag:s14] =	ssyncset.done $0x0  }
0x78: {  	s11 =	rddreg [dreg:$0xf];
	[sflag:s14] =	ssyncadd.s32 $0xFFFFC000  }
0x79: {  	[tilespmem:s15], [sflag:$0x1] =	stream.linear.gather [hbm4b:s11+s1], $0x4000, $0x38;
	[tilespmem:$0x1C880] =	vst v63  }
0x7a: {  	_ =	swait.ge [sflag:s19], $0x4000  }
0x7b: {  	[sflag:s19] =	ssyncset.done $0x0  }
0x7c: {  	[sflag:s19] =	ssyncadd.s32 $0xFFFFC000  }
0x7d: {  	[spmem:s2] =	stream.indirect.scatter.add.f32 [tilespmem:s16], [sflag:$0x3], $0x80, s23, s18, $0xb8;
	[tilespmem:$0x1C880] =	vst v63  }
0x7e: {  	_ =	swait.ge [sflag:s14], $0x4000  }
0x7f: {  	[sflag:s14] =	ssyncset.done $0x0  }
0x80: {  	s9 =	rddreg [dreg:$0x9];
	[sflag:s14] =	ssyncadd.s32 $0xFFFFC000  }
0x81: {  	[tilespmem:s16], [sflag:$0x2] =	stream.linear.gather [hbm4b:s9+s1], $0x4000, $0x38;
	[tilespmem:$0x1C880] =	vst v63  }
0x82: {  	_ =	swait.ge [sflag:s17], $0x4000  }
0x83: {  	[sflag:s17] =	ssyncset.done $0x0  }
0x84: {  	[sflag:s17] =	ssyncadd.s32 $0xFFFFC000  }
0x85: {  	[spmem:s2] =	stream.indirect.scatter.add.f32 [tilespmem:s15], [sflag:$0x3], $0x80, s24, s18, $0xb8;
	[tilespmem:$0x1C880] =	vst v63  }
0x86: {  	_ =	swait.ge [sflag:s14], $0x4000  }
0x87: {  	[sflag:s14] =	ssyncset.done $0x0  }
0x88: {  	s10 =	rddreg [dreg:$0x10];
	[sflag:s14] =	ssyncadd.s32 $0xFFFFC000  }
0x89: {  	[tilespmem:s15], [sflag:$0x1] =	stream.linear.gather [hbm4b:s10+s1], $0x4000, $0x38;
	[tilespmem:$0x1C880] =	vst v63  }
0x8a: {  	_ =	swait.ge [sflag:s19], $0x4000  }
0x8b: {  	[sflag:s19] =	ssyncset.done $0x0  }
0x8c: {  	[sflag:s19] =	ssyncadd.s32 $0xFFFFC000  }
0x8d: {  	[spmem:s2] =	stream.indirect.scatter.add.f32 [tilespmem:s16], [sflag:$0x3], $0x80, s25, s18, $0xb8;
	[tilespmem:$0x1C880] =	vst v63  }
0x8e: {  	_ =	swait.ge [sflag:s14], $0x4000  }
0x8f: {  	[sflag:s14] =	ssyncset.done $0x0  }
0x90: {  	s11 =	rddreg [dreg:$0xa];
	[sflag:s14] =	ssyncadd.s32 $0xFFFFC000  }
0x91: {  	[tilespmem:s16], [sflag:$0x2] =	stream.linear.gather [hbm4b:s11+s1], $0x4000, $0x38;
	[tilespmem:$0x1C880] =	vst v63  }
0x92: {  	_ =	swait.ge [sflag:s17], $0x4000  }
0x93: {  	[sflag:s17] =	ssyncset.done $0x0  }
0x94: {  	[sflag:s17] =	ssyncadd.s32 $0xFFFFC000  }
0x95: {  	[spmem:s2] =	stream.indirect.scatter.add.f32 [tilespmem:s15], [sflag:$0x3], $0x80, s26, s18, $0xb8;
	[tilespmem:$0x1C880] =	vst v63  }
0x96: {  	_ =	swait.ge [sflag:s14], $0x4000  }
0x97: {  	[sflag:s14] =	ssyncset.done $0x0  }
0x98: {  	s9 =	rddreg [dreg:$0x11];
	[sflag:s14] =	ssyncadd.s32 $0xFFFFC000  }
0x99: {  	[tilespmem:s15], [sflag:$0x1] =	stream.linear.gather [hbm4b:s9+s1], $0x4000, $0x38;
	[tilespmem:$0x1C880] =	vst v63  }
0x9a: {  	_ =	swait.ge [sflag:s19], $0x4000  }
0x9b: {  	[sflag:s19] =	ssyncset.done $0x0  }
0x9c: {  	[sflag:s19] =	ssyncadd.s32 $0xFFFFC000  }
0x9d: {  	[spmem:s2] =	stream.indirect.scatter.add.f32 [tilespmem:s16], [sflag:$0x3], $0x80, s28, s18, $0xb8;
	[tilespmem:$0x1C880] =	vst v63  }
0x9e: {  	_ =	swait.ge [sflag:s14], $0x4000  }
0x9f: {  	[sflag:s14] =	ssyncset.done $0x0  }
0xa0: {  	s10 =	rddreg [dreg:$0xb];
	[sflag:s14] =	ssyncadd.s32 $0xFFFFC000  }
0xa1: {  	[tilespmem:s16], [sflag:$0x2] =	stream.linear.gather [hbm4b:s10+s1], $0x4000, $0x38;
	[tilespmem:$0x1C880] =	vst v63  }
0xa2: {  	_ =	swait.ge [sflag:s17], $0x4000  }
0xa3: {  	[sflag:s17] =	ssyncset.done $0x0  }
0xa4: {  	[sflag:s17] =	ssyncadd.s32 $0xFFFFC000  }
0xa5: {  	[spmem:s2] =	stream.indirect.scatter.add.f32 [tilespmem:s15], [sflag:$0x3], $0x80, s30, s18, $0xb8;
	[tilespmem:$0x1C880] =	vst v63  }
0xa6: {  	_ =	swait.ge [sflag:s14], $0x4000  }
0xa7: {  	[sflag:s14] =	ssyncset.done $0x0  }
0xa8: {  	s11 =	rddreg [dreg:$0x12];
	[sflag:s14] =	ssyncadd.s32 $0xFFFFC000  }
0xa9: {  	[tilespmem:s15], [sflag:$0x1] =	stream.linear.gather [hbm4b:s11+s1], $0x4000, $0x38;
	[tilespmem:$0x1C880] =	vst v63  }
0xaa: {  	_ =	swait.ge [sflag:s19], $0x4000  }
0xab: {  	[sflag:s19] =	ssyncset.done $0x0  }
0xac: {  	[sflag:s19] =	ssyncadd.s32 $0xFFFFC000  }
0xad: {  	[spmem:s2] =	stream.indirect.scatter.add.f32 [tilespmem:s16], [sflag:$0x3], $0x80, s31, s18, $0xb8;
	[tilespmem:$0x1C880] =	vst v63  }
0xae: {  	_ =	swait.ge [sflag:s14], $0x4000  }
0xaf: {  	[sflag:s14] =	ssyncset.done $0x0  }
0xb0: {  	s9 =	rddreg [dreg:$0xc];
	[sflag:s14] =	ssyncadd.s32 $0xFFFFC000  }
0xb1: {  	[tilespmem:s16], [sflag:$0x2] =	stream.linear.gather [hbm4b:s9+s1], $0x4000, $0x38;
	[tilespmem:$0x1C880] =	vst v63  }
0xb2: {  	_ =	swait.ge [sflag:s17], $0x4000  }
0xb3: {  	[sflag:s17] =	ssyncset.done $0x0  }
0xb4: {  	[sflag:s17] =	ssyncadd.s32 $0xFFFFC000  }
0xb5: {  	[spmem:s2] =	stream.indirect.scatter.add.f32 [tilespmem:s15], [sflag:$0x3], $0x80, s29, s18, $0xb8;
	[tilespmem:$0x1C880] =	vst v63  }
0xb6: {  	_ =	swait.ge [sflag:s14], $0x4000  }
0xb7: {  	[sflag:s14] =	ssyncset.done $0x0  }
0xb8: {  	s10 =	rddreg [dreg:$0x13];
	[sflag:s14] =	ssyncadd.s32 $0xFFFFC000  }
0xb9: {  	[tilespmem:s15], [sflag:$0x1] =	stream.linear.gather [hbm4b:s10+s1], $0x4000, $0x38;
	[tilespmem:$0x1C880] =	vst v63  }
0xba: {  	_ =	swait.ge [sflag:s19], $0x4000  }
0xbb: {  	[sflag:s19] =	ssyncset.done $0x0  }
0xbc: {  	[sflag:s19] =	ssyncadd.s32 $0xFFFFC000  }
0xbd: {  	[spmem:s2] =	stream.indirect.scatter.add.f32 [tilespmem:s16], [sflag:$0x3], $0x80, s0, s18, $0xb8;
	[tilespmem:$0x1C880] =	vst v63  }
0xbe: {  	_ =	swait.ge [sflag:s14], $0x4000  }
0xbf: {  	[sflag:s14] =	ssyncset.done $0x0  }
0xc0: {  	s11 =	rddreg [dreg:$0x4];
	[sflag:s14] =	ssyncadd.s32 $0xFFFFC000  }
0xc1: {  	[tilespmem:s16], [sflag:$0x2] =	stream.linear.gather [hbm4b:s11+s1], $0x4000, $0x38;
	[tilespmem:$0x1C880] =	vst v63  }
0xc2: {  	_ =	swait.ge [sflag:s17], $0x4000  }
0xc3: {  	[sflag:s17] =	ssyncset.done $0x0  }
0xc4: {  	[sflag:s17] =	ssyncadd.s32 $0xFFFFC000  }
0xc5: {  	[spmem:s2] =	stream.indirect.scatter.add.f32 [tilespmem:s15], [sflag:$0x3], $0x80, s3, s18, $0xb8;
	[tilespmem:$0x1C880] =	vst v63  }
0xc6: {  	_ =	swait.ge [sflag:s14], $0x4000  }
0xc7: {  	[sflag:s14] =	ssyncset.done $0x0  }
0xc8: {  	[sflag:s14] =	ssyncadd.s32 $0xFFFFC000  }
0xc9: {  	_ =	swait.ge [sflag:s19], $0x4000  }
0xca: {  	[sflag:s19] =	ssyncset.done $0x0  }
0xcb: {  	[sflag:s19] =	ssyncadd.s32 $0xFFFFC000  }
0xcc: {  	[spmem:s2] =	stream.indirect.scatter.add.f32 [tilespmem:s16], [sflag:$0x3], $0x80, s5, s18, $0xb8;
	[tilespmem:$0x1C880] =	vst v63  }
0xcd: {  	_ =	swait.ge [sflag:s14], $0x4000  }
0xce: {  	s9 =	sld [smem:$0x7F9]  }
0xcf: {  	[sflag:s14] =	ssyncset.done $0x0  }
0xd0: {  	[sflag:s14] =	ssyncadd.s32 $0xFFFFC000  }
0xd1: {  	[tilespmem:s1], [sflag:$0x3] =	stream.linear.gather [hbm4b:s9+s1], $0x800, $0x38;
	[tilespmem:$0x1C880] =	vst v63  }
0xd2: {  	_ =	swait.ge [sflag:s14], $0x800  }
0xd3: {  	s10 =	sld [smem:$0x7FB]  }
0xd4: {  	[sflag:s14] =	ssyncset.done $0x0  }
0xd5: {  	[sflag:s14] =	ssyncadd.s32 $0xFFFFF800  }
0xd6: {  	[tilespmem:s15], [sflag:$0x1] =	stream.linear.gather [hbm4b:s10+s1], $0x4000, $0x38;
	[tilespmem:$0x1C880] =	vst v63  }
0xd7: {  	s11 =	rddreg [dreg:$0x14]  }
0xd8: {  	[tilespmem:s16], [sflag:$0x2] =	stream.linear.gather [hbm4b:s11+s1], $0x4000, $0x38;
	[tilespmem:$0x1C880] =	vst v63  }
0xd9: {  	_ =	swait.ge [sflag:s17], $0x4000  }
0xda: {  	[sflag:s17] =	ssyncset.done $0x0  }
0xdb: {  	[sflag:s17] =	ssyncadd.s32 $0xFFFFC000  }
0xdc: {  	[spmem:s2] =	stream.indirect.scatter.add.f32 [tilespmem:s15], [sflag:$0x3], $0x80, s1, s18, $0xb8;
	[tilespmem:$0x1C880] =	vst v63  }
0xdd: {  	_ =	swait.ge [sflag:s14], $0x4000  }
0xde: {  	[sflag:s14] =	ssyncset.done $0x0  }
0xdf: {  	s9 =	rddreg [dreg:$0x15];
	[sflag:s14] =	ssyncadd.s32 $0xFFFFC000  }
0xe0: {  	[tilespmem:s15], [sflag:$0x1] =	stream.linear.gather [hbm4b:s9+s1], $0x4000, $0x38;
	[tilespmem:$0x1C880] =	vst v63  }
0xe1: {  	_ =	swait.ge [sflag:s19], $0x4000  }
0xe2: {  	[sflag:s19] =	ssyncset.done $0x0  }
0xe3: {  	[sflag:s19] =	ssyncadd.s32 $0xFFFFC000  }
0xe4: {  	[spmem:s2] =	stream.indirect.scatter.add.f32 [tilespmem:s16], [sflag:$0x3], $0x80, s18, s18, $0xb8;
	[tilespmem:$0x1C880] =	vst v63  }
0xe5: {  	_ =	swait.ge [sflag:s14], $0x4000  }
0xe6: {  	[sflag:s14] =	ssyncset.done $0x0  }
0xe7: {  	s10 =	rddreg [dreg:$0x16];
	[sflag:s14] =	ssyncadd.s32 $0xFFFFC000  }
0xe8: {  	[tilespmem:s16], [sflag:$0x2] =	stream.linear.gather [hbm4b:s10+s1], $0x4000, $0x38;
	[tilespmem:$0x1C880] =	vst v63  }
0xe9: {  	_ =	swait.ge [sflag:s17], $0x4000  }
0xea: {  	[sflag:s17] =	ssyncset.done $0x0  }
0xeb: {  	[sflag:s17] =	ssyncadd.s32 $0xFFFFC000  }
0xec: {  	[spmem:s2] =	stream.indirect.scatter.add.f32 [tilespmem:s15], [sflag:$0x3], $0x80, s20, s18, $0xb8;
	[tilespmem:$0x1C880] =	vst v63  }
0xed: {  	_ =	swait.ge [sflag:s14], $0x4000  }
0xee: {  	[sflag:s14] =	ssyncset.done $0x0  }
0xef: {  	s11 =	rddreg [dreg:$0x17];
	[sflag:s14] =	ssyncadd.s32 $0xFFFFC000  }
0xf0: {  	[tilespmem:s15], [sflag:$0x1] =	stream.linear.gather [hbm4b:s11+s1], $0x4000, $0x38;
	[tilespmem:$0x1C880] =	vst v63  }
0xf1: {  	_ =	swait.ge [sflag:s19], $0x4000  }
0xf2: {  	[sflag:s19] =	ssyncset.done $0x0  }
0xf3: {  	[sflag:s19] =	ssyncadd.s32 $0xFFFFC000  }
0xf4: {  	[spmem:s2] =	stream.indirect.scatter.add.f32 [tilespmem:s16], [sflag:$0x3], $0x80, s21, s18, $0xb8;
	[tilespmem:$0x1C880] =	vst v63  }
0xf5: {  	_ =	swait.ge [sflag:s14], $0x4000  }
0xf6: {  	[sflag:s14] =	ssyncset.done $0x0  }
0xf7: {  	s9 =	rddreg [dreg:$0x18];
	[sflag:s14] =	ssyncadd.s32 $0xFFFFC000  }
0xf8: {  	[tilespmem:s16], [sflag:$0x2] =	stream.linear.gather [hbm4b:s9+s1], $0x4000, $0x38;
	[tilespmem:$0x1C880] =	vst v63  }
0xf9: {  	_ =	swait.ge [sflag:s17], $0x4000  }
0xfa: {  	[sflag:s17] =	ssyncset.done $0x0  }
0xfb: {  	[sflag:s17] =	ssyncadd.s32 $0xFFFFC000  }
0xfc: {  	[spmem:s2] =	stream.indirect.scatter.add.f32 [tilespmem:s15], [sflag:$0x3], $0x80, s22, s18, $0xb8;
	[tilespmem:$0x1C880] =	vst v63  }
0xfd: {  	_ =	swait.ge [sflag:s14], $0x4000  }
0xfe: {  	[sflag:s14] =	ssyncset.done $0x0  }
0xff: {  	s10 =	rddreg [dreg:$0x19];
	[sflag:s14] =	ssyncadd.s32 $0xFFFFC000  }
0x100: {  	[tilespmem:s15], [sflag:$0x1] =	stream.linear.gather [hbm4b:s10+s1], $0x4000, $0x38;
	[tilespmem:$0x1C880] =	vst v63  }
0x101: {  	_ =	swait.ge [sflag:s19], $0x4000  }
0x102: {  	[sflag:s19] =	ssyncset.done $0x0  }
0x103: {  	[sflag:s19] =	ssyncadd.s32 $0xFFFFC000  }
0x104: {  	[spmem:s2] =	stream.indirect.scatter.add.f32 [tilespmem:s16], [sflag:$0x3], $0x80, s23, s18, $0xb8;
	[tilespmem:$0x1C880] =	vst v63  }
0x105: {  	_ =	swait.ge [sflag:s14], $0x4000  }
0x106: {  	[sflag:s14] =	ssyncset.done $0x0  }
0x107: {  	s11 =	rddreg [dreg:$0x1a];
	[sflag:s14] =	ssyncadd.s32 $0xFFFFC000  }
0x108: {  	[tilespmem:s16], [sflag:$0x2] =	stream.linear.gather [hbm4b:s11+s1], $0x4000, $0x38;
	[tilespmem:$0x1C880] =	vst v63  }
0x109: {  	_ =	swait.ge [sflag:s17], $0x4000  }
0x10a: {  	[sflag:s17] =	ssyncset.done $0x0  }
0x10b: {  	[sflag:s17] =	ssyncadd.s32 $0xFFFFC000  }
0x10c: {  	[spmem:s2] =	stream.indirect.scatter.add.f32 [tilespmem:s15], [sflag:$0x3], $0x80, s24, s18, $0xb8;
	[tilespmem:$0x1C880] =	vst v63  }
0x10d: {  	_ =	swait.ge [sflag:s14], $0x4000  }
0x10e: {  	[sflag:s14] =	ssyncset.done $0x0  }
0x10f: {  	s9 =	rddreg [dreg:$0x1b];
	[sflag:s14] =	ssyncadd.s32 $0xFFFFC000  }
0x110: {  	[tilespmem:s15], [sflag:$0x1] =	stream.linear.gather [hbm4b:s9+s1], $0x4000, $0x38;
	[tilespmem:$0x1C880] =	vst v63  }
0x111: {  	_ =	swait.ge [sflag:s19], $0x4000  }
0x112: {  	[sflag:s19] =	ssyncset.done $0x0  }
0x113: {  	[sflag:s19] =	ssyncadd.s32 $0xFFFFC000  }
0x114: {  	[spmem:s2] =	stream.indirect.scatter.add.f32 [tilespmem:s16], [sflag:$0x3], $0x80, s25, s18, $0xb8;
	[tilespmem:$0x1C880] =	vst v63  }
0x115: {  	_ =	swait.ge [sflag:s14], $0x4000  }
0x116: {  	[sflag:s14] =	ssyncset.done $0x0  }
0x117: {  	s10 =	rddreg [dreg:$0x1c];
	[sflag:s14] =	ssyncadd.s32 $0xFFFFC000  }
0x118: {  	[tilespmem:s16], [sflag:$0x2] =	stream.linear.gather [hbm4b:s10+s1], $0x4000, $0x38;
	[tilespmem:$0x1C880] =	vst v63  }
0x119: {  	_ =	swait.ge [sflag:s17], $0x4000  }
0x11a: {  	[sflag:s17] =	ssyncset.done $0x0  }
0x11b: {  	[sflag:s17] =	ssyncadd.s32 $0xFFFFC000  }
0x11c: {  	[spmem:s2] =	stream.indirect.scatter.add.f32 [tilespmem:s15], [sflag:$0x3], $0x80, s26, s18, $0xb8;
	[tilespmem:$0x1C880] =	vst v63  }
0x11d: {  	_ =	swait.ge [sflag:s14], $0x4000  }
0x11e: {  	[sflag:s14] =	ssyncset.done $0x0  }
0x11f: {  	s11 =	rddreg [dreg:$0x1d];
	[sflag:s14] =	ssyncadd.s32 $0xFFFFC000  }
0x120: {  	[tilespmem:s15], [sflag:$0x1] =	stream.linear.gather [hbm4b:s11+s1], $0x4000, $0x38;
	[tilespmem:$0x1C880] =	vst v63  }
0x121: {  	_ =	swait.ge [sflag:s19], $0x4000  }
0x122: {  	[sflag:s19] =	ssyncset.done $0x0  }
0x123: {  	[sflag:s19] =	ssyncadd.s32 $0xFFFFC000  }
0x124: {  	[spmem:s2] =	stream.indirect.scatter.add.f32 [tilespmem:s16], [sflag:$0x3], $0x80, s28, s18, $0xb8;
	[tilespmem:$0x1C880] =	vst v63  }
0x125: {  	_ =	swait.ge [sflag:s14], $0x4000  }
0x126: {  	[sflag:s14] =	ssyncset.done $0x0  }
0x127: {  	s9 =	rddreg [dreg:$0x1e];
	[sflag:s14] =	ssyncadd.s32 $0xFFFFC000  }
0x128: {  	[tilespmem:s16], [sflag:$0x2] =	stream.linear.gather [hbm4b:s9+s1], $0x4000, $0x38;
	[tilespmem:$0x1C880] =	vst v63  }
0x129: {  	_ =	swait.ge [sflag:s17], $0x4000  }
0x12a: {  	[sflag:s17] =	ssyncset.done $0x0  }
0x12b: {  	[sflag:s17] =	ssyncadd.s32 $0xFFFFC000  }
0x12c: {  	[spmem:s2] =	stream.indirect.scatter.add.f32 [tilespmem:s15], [sflag:$0x3], $0x80, s30, s18, $0xb8;
	[tilespmem:$0x1C880] =	vst v63  }
0x12d: {  	_ =	swait.ge [sflag:s14], $0x4000  }
0x12e: {  	[sflag:s14] =	ssyncset.done $0x0  }
0x12f: {  	s10 =	rddreg [dreg:$0x1f];
	[sflag:s14] =	ssyncadd.s32 $0xFFFFC000  }
0x130: {  	[tilespmem:s15], [sflag:$0x1] =	stream.linear.gather [hbm4b:s10+s1], $0x4000, $0x38;
	[tilespmem:$0x1C880] =	vst v63  }
0x131: {  	_ =	swait.ge [sflag:s19], $0x4000  }
0x132: {  	[sflag:s19] =	ssyncset.done $0x0  }
0x133: {  	[sflag:s19] =	ssyncadd.s32 $0xFFFFC000  }
0x134: {  	[spmem:s2] =	stream.indirect.scatter.add.f32 [tilespmem:s16], [sflag:$0x3], $0x80, s31, s18, $0xb8;
	[tilespmem:$0x1C880] =	vst v63  }
0x135: {  	_ =	swait.ge [sflag:s14], $0x4000  }
0x136: {  	s11 =	sld [smem:$0x7F6]  }
0x137: {  	[sflag:s14] =	ssyncset.done $0x0  }
0x138: {  	[sflag:s14] =	ssyncadd.s32 $0xFFFFC000  }
0x139: {  	[tilespmem:s16], [sflag:$0x2] =	stream.linear.gather [hbm4b:s11+s1], $0x4000, $0x38;
	[tilespmem:$0x1C880] =	vst v63  }
0x13a: {  	_ =	swait.ge [sflag:s17], $0x4000  }
0x13b: {  	[sflag:s17] =	ssyncset.done $0x0  }
0x13c: {  	[sflag:s17] =	ssyncadd.s32 $0xFFFFC000  }
0x13d: {  	[spmem:s2] =	stream.indirect.scatter.add.f32 [tilespmem:s15], [sflag:$0x3], $0x80, s29, s18, $0xb8;
	[tilespmem:$0x1C880] =	vst v63  }
0x13e: {  	_ =	swait.ge [sflag:s14], $0x4000  }
0x13f: {  	s9 =	sld [smem:$0x7F7]  }
0x140: {  	[sflag:s14] =	ssyncset.done $0x0  }
0x141: {  	[sflag:s14] =	ssyncadd.s32 $0xFFFFC000  }
0x142: {  	[tilespmem:s15], [sflag:$0x1] =	stream.linear.gather [hbm4b:s9+s1], $0x4000, $0x38;
	[tilespmem:$0x1C880] =	vst v63  }
0x143: {  	_ =	swait.ge [sflag:s19], $0x4000  }
0x144: {  	[sflag:s19] =	ssyncset.done $0x0  }
0x145: {  	[sflag:s19] =	ssyncadd.s32 $0xFFFFC000  }
0x146: {  	[spmem:s2] =	stream.indirect.scatter.add.f32 [tilespmem:s16], [sflag:$0x3], $0x80, s0, s18, $0xb8;
	[tilespmem:$0x1C880] =	vst v63  }
0x147: {  	_ =	swait.ge [sflag:s14], $0x4000  }
0x148: {  	[sflag:s14] =	ssyncset.done $0x0  }
0x149: {  	s10 =	rddreg [dreg:$0x5];
	[sflag:s14] =	ssyncadd.s32 $0xFFFFC000  }
0x14a: {  	[tilespmem:s16], [sflag:$0x2] =	stream.linear.gather [hbm4b:s10+s1], $0x4000, $0x38;
	[tilespmem:$0x1C880] =	vst v63  }
0x14b: {  	_ =	swait.ge [sflag:s17], $0x4000  }
0x14c: {  	[sflag:s17] =	ssyncset.done $0x0  }
0x14d: {  	[sflag:s17] =	ssyncadd.s32 $0xFFFFC000  }
0x14e: {  	[spmem:s2] =	stream.indirect.scatter.add.f32 [tilespmem:s15], [sflag:$0x3], $0x80, s3, s18, $0xb8;
	[tilespmem:$0x1C880] =	vst v63  }
0x14f: {  	_ =	swait.ge [sflag:s14], $0x4000  }
0x150: {  	[sflag:s14] =	ssyncset.done $0x0  }
0x151: {  	[sflag:s14] =	ssyncadd.s32 $0xFFFFC000  }
0x152: {  	_ =	swait.ge [sflag:s19], $0x4000  }
0x153: {  	[sflag:s19] =	ssyncset.done $0x0  }
0x154: {  	[sflag:s19] =	ssyncadd.s32 $0xFFFFC000  }
0x155: {  	[spmem:s2] =	stream.indirect.scatter.add.f32 [tilespmem:s16], [sflag:$0x3], $0x80, s5, s18, $0xb8;
	[tilespmem:$0x1C880] =	vst v63  }
0x156: {  	_ =	swait.ge [sflag:s14], $0x4000  }
0x157: {  	[sflag:s14] =	ssyncset.done $0x0  }
0x158: {  	[sflag:s14] =	ssyncadd.s32 $0xFFFFC000  }
0x159: {  	[bflag:$0x0] =	sbarrier.arrive $0xFFFF  }
0x15a: {  	s9 =	sld [smem:$0x7FC];
	_ =	sdelay $0x1  }
0x15b: {  	s8 =	simm.s32 @p0 $0x1FC3  }
0x15c: {  	[hbm:s9], [sflag:s8] =	dma.local @p0 [spmem:s12], $0x2800  }
0x15d: {  	s8 =	simm.s32 @p0 $0x3  }
0x15e: {  	s9 =	stileid.u32;
	_ =	swait.ge @p0 [sflag:s8], $0x2800  }
0x15f: {  	s9 =	sshll.u32 @!p0 s9, $0x6;
	[sflag:s8] =	ssyncset.done @p0 $0x0;
	s10 =	rddreg [dreg:$0x3]  }
0x160: {  	[sflag:s8] =	ssyncadd.s32 @p0 $0xFFFFD800;
	s8 =	sor.u32 @!p0 $0x1C03, s9;
	s9 =	sshrl.u32 @!p0 s6, $0x3  }
0x161: {  	[hbm:s10], [sflag:s8] =	dma.local @!p0 [spmem:s9], $0x2700  }
0x162: {  	s8 =	simm.s32 @!p0 $0x3  }
0x163: {  	_ =	swait.ge @!p0 [sflag:s8], $0x2700  }
0x164: {  	s11 =	sld [smem:$0x7FD];
	_ =	sdelay $0x1  }
0x165: {  	s7 =	sadd.s32 $0x1, s7  }
0x166: {  	p1 =	sne.s32 s7, s11  }
.Ltmp3:
0x167: {  	_ = 	snop;
	(pc) =	sbr.rel @p1 .LBB2_1-.Ltmp3, $3  }
0x168: {  	_ =	sdelay $0x1  }
0x169: {  	[sflag:s8] =	ssyncset.done @!p0 $0x0  }
0x16a: {  	[sflag:s8] =	ssyncadd.s32 @!p0 $0xFFFFD900  }
0x16b: {  	_ =	sfence.sel $0x180000  }
0x16c: {  	[bflag:$0x0] =	sbarrier.arrive $0xFFFF  }
0x16d: {  	_ =	strace $0x90000056  }
0x16e: {  	s0 =	stileid.u32;
	[bflag:$0x2] =	sbarrier.arrive $0xFFFF  }
0x16f: {  	p0 =	sne.s32 s0, $0x0;
	s0 =	rddreg [dreg:$0x2]  }
0x170: {  	s0 =	sadd.s32 @!p0 $0x100000, s0  }
0x171: {  	[sflag:s0] =	ssyncadd.tile.s32 @!p0 $0x1;
	_ =	shalt  }
.Lfunc_end2:
_tile_overlayer_lowered:
.L_overlay_start_2:
0x172: {  	(tag) =	ssettag $0x2  }
0x173: {  	s0 =	rddreg [dreg:$0x0];
	s2 =	stileid.u32  }
0x174: {  	s1 =	rddreg [dreg:$0x1];
	p0 =	sne.s32 s2, $0x0  }
0x175: {  	s3 =	rddreg [dreg:$0x2];
	[bflag:$0x3] =	sbarrier.arrive $0xFFFF;
	s2 =	simm.s32 @!p0 $0x1C03  }
0x176: {  	[timem:s3], [sflag:s2] =	dma.local @!p0 [hbm:s0], s1  }
0x177: {  	s0 =	simm.s32 @!p0 $0x3  }
0x178: {  	_ =	swait.ge @!p0 [sflag:s0], s1  }
0x179: {  	s1 =	ssub.s32 @!p0 $0x0, s1;
	[sflag:s0] =	ssyncset.done @!p0 $0x0  }
0x17a: {  	[sflag:s0] =	ssyncadd.s32 @!p0 s1  }
0x17b: {  	[bflag:$0x3] =	sbarrier.arrive $0xFFFF  }
0x17c: {  	_ =	shalt  }

// kernel: kernel.35.cloned.1.call-start
scs
__scs_entry_jumppad:
0x0: {  	(pc) =	sbr.rel $0x88, $3  }
0x1: {  	(tag) =	ssettag $0x0;
	lr =	simm.s32 $0x1  }
0x2: {  	[smem:$0x3F96] =	sst lr;
	_ =	strace $0xD0000000  }
0x3: {  	_ = 	snop  }
0x4: {  	_ = 	snop  }
0x5: {  	_ = 	snop  }
0x6: {  	_ = 	snop  }
0x7: {  	_ = 	snop  }
__scs_overlays_trampoline_lowered:
0x8: {  	[smem:$0x3FA5] =	sst s0  }
0x9: {  	[smem:$0x3FA6] =	sst s1  }
0xa: {  	[smem:$0x3FA7] =	sst s2  }
0xb: {  	[smem:$0x3FA8] =	sst s3  }
0xc: {  	[smem:$0x3FA9] =	sst s4  }
0xd: {  	[smem:$0x3FAA] =	sst s5  }
0xe: {  	[smem:$0x3FAB] =	sst s6  }
0xf: {  	[smem:$0x3FAC] =	sst s7  }
0x10: {  	[smem:$0x3FAD] =	sst s8  }
0x11: {  	[smem:$0x3FAE] =	sst s9;
	s0 =	simm.s32 @!p0 $0x0  }
0x12: {  	s1 =	sld [smem:$0x3F94];
	s0 =	simm.s32 @p0 $0x1  }
0x13: {  	[smem:$0x3FAF] =	sst s0;
	s0 =	simm.s32 @!p1 $0x0  }
0x14: {  	s2 =	sld [smem:$0x3F93];
	s0 =	simm.s32 @p1 $0x1  }
0x15: {  	[smem:$0x3FB0] =	sst s0;
	s0 =	simm.s32 @!p2 $0x0  }
0x16: {  	s3 =	sld [smem:$0x3FDB];
	s0 =	simm.s32 @p2 $0x1  }
0x17: {  	s4 =	simm.s32 $0x1BF5;
	[smem:$0x3FB2] =	sst s0  }
0x18: {  	s0 =	sld [smem:$0x3F95];
	_ =	swait.ge [sflag:s4], $0x0  }
0x19: {  	s7 =	sld [smem:$0x3F96]  }
0x1a: {  	s8 =	sadd.s32 $0xFFFFE003, lr  }
0x1b: {  	s9 =	sadd.s32 $0xFFFFFEF7, lr;
	s5 =	simm.s32 $0xFFFFFFFF;
	p2 =	slt.u32 s8, $0xFFFFF086  }
0x1c: {  	p1 =	slt.u32 s9, $0xF7A;
	s5 =	simm.s32 @!p2 $0x0  }
0x1d: {  	s5 =	simm.s32 @p1 $0x1;
	p0 =	seq.s32 s7, s2  }
0x1e: {  	s7 =	smul.u32 @!p0 $0xF7A, s2;
	p2 =	seq.s32 @!p0 s5, $0x0  }
0x1f: {  	s9 =	smul.u32 $0xF7A, s1;
	s8 =	simm.s32 @!p0 $0x1BF5;
	p2 =	por !p2, p0  }
0x20: {  	[sflag:s8] =	ssyncset.s32 @!p0 $0xFFFFF086;
	s6 =	sadd.s32 @!p0 s3, s7;
	s7 =	simm.s32 @!p0 $0x108  }
0x21: {  	s3 =	sadd.s32 s3, s9;
	s6 =	sadd.s32 @!p0 $0x88, s6;
	s7 =	simm.s32 @p2 $0x1082  }
0x22: {  	[simem:s7], [sflag:s8] =	dma.local @!p0 [hbm:s6], $0xF7A  }
0x23: {  	s9 =	sor.u32 $0xD0000000, s2;
	s6 =	simm.s32 $0x108;
	_ =	swait.ge @!p0 [sflag:s8], $0x0  }
0x24: {  	s3 =	sadd.s32 $0x88, s3;
	s6 =	simm.s32 @!p1 $0x1082;
	[sflag:s4] =	ssyncset.s32 $0xFFFFF086  }
0x25: {  	[simem:s6], [sflag:s4] =	dma.local [hbm:s3], $0xF7A  }
0x26: {  	[smem:$0x3F96] =	sst s1;
	(tag) =	ssettag s2;
	_ =	strace s9  }
0x27: {  	s1 =	sld [smem:$0x3FA6]  }
0x28: {  	s2 =	sld [smem:$0x3FA7]  }
0x29: {  	s4 =	sld [smem:$0x3FA9]  }
0x2a: {  	p0 =	seq.s32 s5, $0x0;
	s5 =	sld [smem:$0x3FAA]  }
0x2b: {  	s6 =	sld [smem:$0x3FAB]  }
0x2c: {  	s7 =	sld [smem:$0x3FAC]  }
0x2d: {  	s3 =	simm.s32 $0x108;
	s8 =	sld [smem:$0x3FAD]  }
0x2e: {  	s3 =	simm.s32 @!p0 $0x1082;
	s9 =	sld [smem:$0x3FAE]  }
0x2f: {  	lr =	sadd.s32 s0, s3;
	s0 =	sld [smem:$0x3FA5]  }
0x30: {  	s3 =	sld [smem:$0x3FA8]  }
0x31: {  	[smem:$0x3FB1] =	sst s10  }
0x32: {  	s10 =	sld [smem:$0x3FAF];
	_ =	sdelay $0x3  }
0x33: {  	p0 =	seq.s32 s10, $0x1;
	s10 =	sld [smem:$0x3FB1];
	_ =	sdelay $0x3  }
0x34: {  	[smem:$0x3FB1] =	sst s10  }
0x35: {  	s10 =	sld [smem:$0x3FB0];
	_ =	sdelay $0x3  }
0x36: {  	p1 =	seq.s32 s10, $0x1;
	s10 =	sld [smem:$0x3FB1];
	_ =	sdelay $0x3  }
0x37: {  	[smem:$0x3FB1] =	sst s10  }
0x38: {  	s10 =	sld [smem:$0x3FB2]  }
0x39: {  	_ = 	snop;
	(pc) =	sbr.ind lr, $3  }
0x3a: {  	_ = 	snop  }
0x3b: {  	_ = 	snop  }
0x3c: {  	p2 =	seq.s32 s10, $0x1;
	s10 =	sld [smem:$0x3FB1]  }
0x3d: {  	_ =	shalt  }
0x3e: {  	_ =	shalt  }
0x3f: {  	_ =	shalt  }
0x40: {  	_ =	shalt  }
0x41: {  	_ =	shalt  }
0x42: {  	_ =	shalt  }
0x43: {  	_ =	shalt  }
0x44: {  	_ =	shalt  }
0x45: {  	_ =	shalt  }
0x46: {  	_ =	shalt  }
0x47: {  	_ =	shalt  }
0x48: {  	_ =	shalt  }
0x49: {  	_ =	shalt  }
0x4a: {  	_ =	shalt  }
0x4b: {  	_ =	shalt  }
0x4c: {  	_ =	shalt  }
0x4d: {  	_ =	shalt  }
0x4e: {  	_ =	shalt  }
0x4f: {  	_ =	shalt  }
0x50: {  	_ =	shalt  }
0x51: {  	_ =	shalt  }
0x52: {  	_ =	shalt  }
0x53: {  	_ =	shalt  }
0x54: {  	_ =	shalt  }
0x55: {  	_ =	shalt  }
0x56: {  	_ =	shalt  }
0x57: {  	_ =	shalt  }
0x58: {  	_ =	shalt  }
0x59: {  	_ =	shalt  }
0x5a: {  	_ =	shalt  }
0x5b: {  	_ =	shalt  }
0x5c: {  	_ =	shalt  }
0x5d: {  	_ =	shalt  }
0x5e: {  	_ =	shalt  }
0x5f: {  	_ =	shalt  }
0x60: {  	_ =	shalt  }
0x61: {  	_ =	shalt  }
0x62: {  	_ =	shalt  }
0x63: {  	_ =	shalt  }
0x64: {  	_ =	shalt  }
0x65: {  	_ =	shalt  }
0x66: {  	_ =	shalt  }
0x67: {  	_ =	shalt  }
0x68: {  	_ =	shalt  }
0x69: {  	_ =	shalt  }
0x6a: {  	_ =	shalt  }
0x6b: {  	_ =	shalt  }
0x6c: {  	_ =	shalt  }
0x6d: {  	_ =	shalt  }
0x6e: {  	_ =	shalt  }
0x6f: {  	_ =	shalt  }
0x70: {  	_ =	shalt  }
0x71: {  	_ =	shalt  }
0x72: {  	_ =	shalt  }
0x73: {  	_ =	shalt  }
0x74: {  	_ =	shalt  }
0x75: {  	_ =	shalt  }
0x76: {  	_ =	shalt  }
0x77: {  	_ =	shalt  }
0x78: {  	_ =	shalt  }
0x79: {  	_ =	shalt  }
0x7a: {  	_ =	shalt  }
0x7b: {  	_ =	shalt  }
0x7c: {  	_ =	shalt  }
0x7d: {  	_ =	shalt  }
0x7e: {  	_ =	shalt  }
0x7f: {  	_ =	shalt  }
0x80: {  	_ =	shalt  }
0x81: {  	_ =	shalt  }
0x82: {  	_ =	shalt  }
0x83: {  	_ =	shalt  }
0x84: {  	_ =	shalt  }
0x85: {  	_ =	shalt  }
0x86: {  	_ =	shalt  }
0x87: {  	_ =	shalt  }
.Lfunc_end0:
.L_simem_size_0:
called_computation.6_lowered:
.L_overlay_start_0:
0x88: {  	s2 =	sld [smem:$0x3FD9]  }
0x89: {  	s3 =	sld [smem:$0x3FFE];
	_ =	sdelay $0x1  }
0x8a: {  	s1 =	srdreg.scid  }
0x8b: {  	s0 =	sand.u32 $0x1, s1  }
0x8c: {  	s17 =	sshll.u32 s0, $0xA;
	s2 =	sadd.s32 s3, s2  }
0x8d: {  	s2 =	sadd.s32 s2, s17  }
0x8e: {  	[smem:$0x3FBD] =	sst s2  }
0x8f: {  	_ = 	snop  }
0x90: {  	(tm) =	ssettm $0x1  }
0x91: {  	s18 =	sld [smem:$0x3FFB];
	_ =	sdelay $0x3  }
0x92: {  	_ =	strace s18  }
0x93: {  	s2 =	sld [smem:$0x3FFC];
	_ =	sdelay $0x3  }
0x94: {  	_ =	strace s2  }
0x95: {  	s2 =	sld [smem:$0x3FFD];
	_ =	sdelay $0x3  }
0x96: {  	_ =	strace s2  }
0x97: {  	_ =	strace $0x8FFFFFFF  }
0x98: {  	s19 =	sld [smem:$0x3FDB];
	_ =	sdelay $0x1  }
0x99: {  	s20 =	simm.s32 $_scs_section_size  }
0x9a: {  	s4 =	simm.s32 $_size__tile_overlayer_lowered;
	s5 =	simm.s32 $_tile_overlayer_lowered  }
0x9b: {  	s6 =	simm.s32 $0x1BFF;
	s21 =	sshll.u32 s5, $0x1;
	s3 =	sadd.s32 s20, s19  }
0x9c: {  	s22 =	simm.s32 $0x0;
	s4 =	sshll.u32 s4, $0x1;
	s5 =	sadd.s32 s21, s3  }
0x9d: {  	[timem:s22], [sflag:s6] =	dma.local [hbm:s5], s4  }
0x9e: {  	_ =	swait.ge [sflag:s6], s4  }
0x9f: {  	s4 =	ssub.s32 $0x0, s4;
	[sflag:s6] =	ssyncset.done $0x0  }
0xa0: {  	[sflag:s6] =	ssyncadd.s32 s4;
	_ =	sdelay $0x1  }
0xa1: {  	s23 =	simm.s32 $0x1B8B  }
0xa2: {  	_ =	swait.ge [sflag:s23], $0x1  }
0xa3: {  	[sflag:s23] =	ssyncset.done $0x0  }
0xa4: {  	[sflag:s23] =	ssyncadd.s32 $0xFFFFFFFF  }
0xa5: {  	s4 =	sld [smem:$0x0]  }
0xa6: {  	s5 =	sand.u32 $0xFFFFFFFE, s1  }
0xa7: {  	p0 =	sne.s32 s1, s5  }
0xa8: {  	s5 =	sshll.u32 @p0 s5, $0xE  }
0xa9: {  	s5 =	sadd.s32 @p0 $0x11B8D, s5;
	s6 =	sshll.u32 @p0 s4, $0x11  }
0xaa: {  	s5 =	sor.u32 @p0 s6, s5  }
0xab: {  	[sflag:s5] =	ssyncadd.remote.s32 @p0 $0x1;
	_ =	sdelay $0x1  }
0xac: {  	s5 =	simm.s32 @p0 $0x1B8D  }
0xad: {  	_ =	swait.eq @p0 [sflag:s5], $0x1  }
0xae: {  	[sflag:s5] =	ssyncadd.s32 @p0 $0xFFFFFFFF  }
0xaf: {  	s6 =	sshll.u32 @!p0 s1, $0xE  }
0xb0: {  	s6 =	sor.u32 @!p0 $0x4000, s6;
	s5 =	simm.s32 @!p0 $0x1B8D  }
0xb1: {  	s4 =	sshll.u32 @!p0 s4, $0x11;
	s6 =	sadd.s32 @!p0 $0x11B8D, s6;
	_ =	swait.eq @!p0 [sflag:s5], $0x1  }
0xb2: {  	s4 =	sor.u32 @!p0 s4, s6;
	[sflag:s5] =	ssyncadd.s32 @!p0 $0xFFFFFFFF  }
0xb3: {  	s25 =	simm.s32 $0x1B8E;
	s24 =	sld [smem:$0x3FFE];
	[sflag:s4] =	ssyncadd.remote.s32 @!p0 $0x1  }
0xb4: {  	s26 =	simm.s32 $execute0_lowered;
	[smem:$0x3FD2] =	sst s25  }
0xb5: {  	s5 =	sshll.u32 s26, $0x1;
	_ =	strace $0x80000058;
	[dreg:$0x1] =	wrdreg $0xFFFFFFFF  }
0xb6: {  	s28 =	simm.s32 $_size_execute0_lowered;
	s3 =	sadd.s32 s3, s5;
	[dreg:$0x0] =	wrdreg $0x0  }
0xb7: {  	s5 =	sshll.u32 s28, $0x1;
	[dreg:$0x2] =	wrdreg s3  }
0xb8: {  	[dreg:$0x3] =	wrdreg s5  }
0xb9: {  	[dreg:$0x4] =	wrdreg $0xC0  }
0xba: {  	_ =	task [dreg:s22], $0x5FFFF  }
0xbb: {  	[dreg:$0x1] =	wrdreg $0xFFFFFFFF  }
0xbc: {  	[dreg:$0x0] =	wrdreg $0x60  }
0xbd: {  	[dreg:$0x2] =	wrdreg s24  }
0xbe: {  	[dreg:$0x3] =	wrdreg $0x90000  }
0xbf: {  	[dreg:$0x4] =	wrdreg $0xA  }
0xc0: {  	_ =	task.clear_ibuf [dreg:s22], $0x5FFFF;
	_ =	strace $0x90000058  }
0xc1: {  	s29 =	simm.s32 $0xA;
	_ =	strace $0x8000005A  }
0xc2: {  	_ =	swait.ge [sflag:s29], $0x1  }
0xc3: {  	[sflag:s29] =	ssyncadd.s32 $0xFFFFFFFF  }
0xc4: {  	_ =	strace $0x9000005A  }
0xc5: {  	_ =	sfence  }
0xc6: {  	s30 =	sld [smem:$0x0];
	_ =	sdelay $0x2  }
0xc7: {  	s31 =	sshll.u32 s1, $0xD;
	s1 =	sshrl.u32 s1, $0x2  }
0xc8: {  	s4 =	sand.u32 $0x4000, s31;
	s1 =	sadd.s32 s1, s30  }
0xc9: {  	s0 =	sor.u32 s4, s0;
	s1 =	sshll.u32 s1, $0x11  }
0xca: {  	s0 =	sor.u32 s1, s0  }
0xcb: {  	s0 =	sadd.s32 $0x8F2B, s0  }
0xcc: {  	[sflag:s0] =	ssyncadd.remote.s32 $0x1  }
0xcd: {  	_ =	sfence.sel $0xFFFF  }
0xce: {  	[dreg:$0x0] =	wrdreg $0xFFFFFFFF;
	(pc) =	sbr.abs _section_cstart, $3  }
0xcf: {  	[dreg:$0x1] =	wrdreg $0xFFFFFFFF  }
0xd0: {  	_ =	task.clear_ibuf [dreg:s22], $0x2FFFF;
	_ =	strace $0x9FFFFFFF  }
0xd1: {  	(tm) =	ssettm $0x7FFFFFFF  }
tec
execute0_lowered:
.L_overlay_start_1:
0x0: {  	(tag) =	ssettag $0x1  }
0x1: {  	s0 =	srdreg.scid  }
0x2: {  	s16 =	stileid.u32;
	s4 =	rddreg [dreg:$0x0];
	s1 =	simm.s32 $0x0  }
0x3: {  	s31 =	rddreg [dreg:$0x1];
	s28 =	simm.s32 $0x400;
	s2 =	sand.u32 $0x1, s0  }
0x4: {  	s19 =	sshll.u32 s16, $0x1;
	[smem:$0x7FF] =	sst s1;
	s9 =	sadd.s32 $0x37C800, s4  }
0x5: {  	s8 =	smul.u32 $0x13800, s16;
	s20 =	sadd.s32 $0x17D000, s4;
	s10 =	sadd.s32 $0x17D800, s4  }
0x6: {  	s11 =	sadd.s32 $0x27D000, s4;
	s3 =	sor.u32 s2, s19;
	s6 =	ssub.s32 $0x2, s2  }
0x7: {  	s2 =	smul.u32 $0x138800, s2;
	s5 =	sshll.u32 s3, $0xF;
	s7 =	sshrl.u32 s6, $0x1  }
0x8: {  	s6 =	ssub.s32 s6, s7;
	s21 =	sor.u32 $0x7000, s5;
	s23 =	sadd.s32 s5, s20  }
0x9: {  	s12 =	sor.u32 $0x3000, s5;
	s22 =	sadd.s32 s21, s20;
	[dreg:$0x6] =	wrdreg s23  }
0xa: {  	s14 =	sor.u32 $0x5000, s5;
	s25 =	sadd.s32 s12, s20;
	[dreg:$0x4] =	wrdreg s22  }
0xb: {  	s15 =	sor.u32 $0x6000, s5;
	s26 =	sadd.s32 s14, s20;
	[dreg:$0x9] =	wrdreg s25  }
0xc: {  	s8 =	sadd.s32 s8, s2;
	s7 =	sadd.s32 s15, s20;
	[dreg:$0xb] =	wrdreg s26  }
0xd: {  	s8 =	sshrl.u32 s8, $0x3;
	s23 =	sadd.s32 s15, s10;
	[dreg:$0xc] =	wrdreg s7  }
0xe: {  	s2 =	sshrl.u32 s2, $0x3;
	s8 =	sadd.s32 s9, s8;
	[dreg:$0x13] =	wrdreg s23  }
0xf: {  	s2 =	sadd.s32 s9, s2;
	s22 =	sadd.s32 s14, s10;
	[dreg:$0x3] =	wrdreg s8  }
0x10: {  	s9 =	sor.u32 $0x2000, s5;
	s8 =	sadd.s32 s21, s11;
	[dreg:$0x12] =	wrdreg s22  }
0x11: {  	s3 =	sshll.u32 s3, $0x8;
	s24 =	sadd.s32 s9, s20;
	[dreg:$0x5] =	wrdreg s8  }
0x12: {  	s0 =	sadd.s32 s5, s4;
	s19 =	sadd.s32 s9, s10;
	[dreg:$0x8] =	wrdreg s24  }
0x13: {  	s3 =	sadd.s32 s3, s4;
	s7 =	sadd.s32 s9, s11;
	[dreg:$0xf] =	wrdreg s19  }
0x14: {  	s4 =	sadd.s32 $0x27D800, s4;
	s24 =	sadd.s32 s5, s11;
	[dreg:$0x18] =	wrdreg s7  }
0x15: {  	s8 =	sor.u32 $0x1000, s5;
	s19 =	sadd.s32 s14, s4;
	[dreg:$0x14] =	wrdreg s24  }
0x16: {  	s29 =	simm.s32 $0x480;
	s13 =	sadd.s32 s8, s20;
	[dreg:$0x1f] =	wrdreg s19  }
0x17: {  	s30 =	simm.s32 $0x500;
	s18 =	sadd.s32 s8, s10;
	[dreg:$0x7] =	wrdreg s13  }
0x18: {  	p0 =	seq.s32 s16, $0xF;
	s25 =	sadd.s32 s8, s11;
	[dreg:$0xe] =	wrdreg s18  }
0x19: {  	s22 =	sadd.s32 $0x534600, s3;
	s26 =	sadd.s32 s8, s4;
	[dreg:$0x16] =	wrdreg s25  }
0x1a: {  	s3 =	sadd.s32 $0x532600, s3;
	s8 =	sadd.s32 s9, s4;
	[dreg:$0x17] =	wrdreg s26  }
0x1b: {  	s9 =	sadd.s32 s12, s11;
	s24 =	sadd.s32 $0x17C800, s0;
	[dreg:$0x19] =	wrdreg s8  }
0x1c: {  	s13 =	sor.u32 $0x4000, s5;
	[dreg:$0x1a] =	wrdreg s9;
	s18 =	sadd.s32 s14, s11  }
0x1d: {  	s0 =	sadd.s32 $0x27C800, s0;
	s17 =	sadd.s32 s13, s20;
	[dreg:$0x1e] =	wrdreg s18  }
0x1e: {  	s19 =	simm.s32 $0x2;
	s20 =	sadd.s32 s12, s10;
	[dreg:$0xa] =	wrdreg s17  }
0x1f: {  	s25 =	sadd.s32 $0x24900, s2;
	s21 =	sadd.s32 s13, s10;
	[dreg:$0x10] =	wrdreg s20  }
0x20: {  	s26 =	smax.u32 s6, $0x1;
	s17 =	sadd.s32 s5, s10;
	[dreg:$0x11] =	wrdreg s21  }
0x21: {  	s14 =	simm.s32 $0x3;
	s5 =	sadd.s32 s5, s4;
	[dreg:$0xd] =	wrdreg s17  }
0x22: {  	s2 =	simm.s32 $0x680;
	s10 =	sadd.s32 s12, s4;
	[dreg:$0x15] =	wrdreg s5  }
0x23: {  	s6 =	simm.s32 $0x0;
	s12 =	sadd.s32 s13, s11;
	[dreg:$0x1b] =	wrdreg s10  }
0x24: {  	s18 =	simm.s32 $0x80;
	s20 =	sadd.s32 s15, s11;
	[dreg:$0x1c] =	wrdreg s12  }
0x25: {  	s21 =	smul.u32 $0x4E000, s16;
	s17 =	sadd.s32 s13, s4;
	[smem:$0x7F6] =	sst s20  }
0x26: {  	s16 =	simm.s32 $0x4800;
	s4 =	sadd.s32 s15, s4;
	[dreg:$0x1d] =	wrdreg s17  }
0x27: {  	s13 =	simm.s32 $0x8800;
	s15 =	simm.s32 $0x800;
	[smem:$0x7F7] =	sst s4  }
0x28: {  	s20 =	simm.s32 $0x100;
	_ =	strace $0x80000059;
	[smem:$0x7F8] =	sst s22  }
0x29: {  	s5 =	simm.s32 $0x780;
	s4 =	simm.s32 $0x28;
	[smem:$0x7F9] =	sst s3  }
0x2a: {  	s23 =	sshrl.u32 s21, $0x2;
	s17 =	simm.s32 $0x1;
	[smem:$0x7FA] =	sst s24  }
0x2b: {  	s21 =	simm.s32 $0x180;
	s4 =	simm.s32 @!p0 $0x27;
	[smem:$0x7FB] =	sst s0  }
0x2c: {  	s9 =	sadd.s32 s23, s31;
	[smem:$0x7FC] =	sst s25;
	s0 =	sadd.s32 $0x124800, s31  }
0x2d: {  	[smem:$0x7FD] =	sst s26;
	s22 =	simm.s32 $0x200;
	s23 =	simm.s32 $0x280  }
0x2e: {  	s24 =	simm.s32 $0x300;
	s25 =	simm.s32 $0x380;
	s26 =	simm.s32 $0x580  }
0x2f: {  	v0 =	vimm.f32 $0.0e+00;
	s3 =	simm.s32 $0x700;
	s12 =	sshrl.u32 @p0 s0, $0x3;
	s0 =	simm.s32 $0x600  }
.LBB2_1:
0x30: {  	s7 =	sand.u32 $0x1E00, s1  }
0x31: {  	s8 =	sand.u32 $0x70, s1;
	s10 =	sshrl.u32 s7, $0x2  }
0x32: {  	s7 =	simm.s32 $0x40;
	s10 =	sor.u32 s8, s10;
	s8 =	simm.s32 $0x0  }
.LBB2_2:
0x33: {  	p1 =	sne.s32 s7, $0x1FC0  }
0x34: {  	[tilespmem:s10+$0x8800] =	vst v0;
	s8 =	sadd.s32 $0x10, s8;
	s10 =	smov.u32 s7;
	s7 =	sadd.s32 $0x40, s7  }
.Ltmp0:
0x35: {  	(pc) =	sbr.rel @p1 .LBB2_2-.Ltmp0, $4  }
0x36: {  	_ = 	snop  }
0x37: {  	s10 =	sand.u32 $0x1E00, s10  }
0x38: {  	s11 =	sand.u32 $0x70, s8;
	s10 =	sshrl.u32 s10, $0x2  }
0x39: {  	s10 =	sor.u32 s11, s10  }
0x3a: {  	p1 =	sne.s32 s4, $0x1  }
.Ltmp1:
0x3b: {  	_ = 	snop;
	(pc) =	sbr.rel @!p1 .LBB2_5-.Ltmp1, $4  }
0x3c: {  	[tilespmem:s10+$0x8800] =	vst v0  }
0x3d: {  	[spmem:s9] =	stream.linear.scatter [tilespmem:s13], [sflag:$0x3], $0x800, $0x38;
	[tilespmem:$0x1C880] =	vst v63  }
0x3e: {  	_ =	swait.ge [sflag:s14], $0x800  }
0x3f: {  	s7 =	sadd.s32 $0xFFFFFFFF, s4;
	s8 =	smov.u32 s9;
	[sflag:s14] =	ssyncset.done $0x0  }
.LBB2_4:
0x40: {  	p1 =	sne.s32 s7, $0x1;
	[sflag:s14] =	ssyncadd.s32 $0xFFFFF800;
	s8 =	sadd.s32 $0x800, s8  }
.Ltmp2:
0x41: {  	s7 =	sadd.s32 $0xFFFFFFFF, s7;
	(pc) =	sbr.rel @p1 .LBB2_4-.Ltmp2, $4  }
0x42: {  	_ = 	snop  }
0x43: {  	[spmem:s8] =	stream.linear.scatter [tilespmem:s13], [sflag:$0x3], $0x800, $0x38;
	[tilespmem:$0x1C880] =	vst v63  }
0x44: {  	_ =	swait.ge [sflag:s14], $0x800  }
0x45: {  	[sflag:s14] =	ssyncset.done $0x0  }
.LBB2_5:
0x46: {  	[sflag:s14] =	ssyncadd.s32 $0xFFFFF800  }
0x47: {  	[bflag:$0x0] =	sbarrier.arrive $0xFFFF  }
0x48: {  	s7 =	sld [smem:$0x7F8];
	_ =	sdelay $0x2  }
0x49: {  	[tilespmem:s1], [sflag:$0x3] =	stream.linear.gather [hbm4b:s7+s1], $0x800, $0x38;
	[tilespmem:$0x1C880] =	vst v63  }
0x4a: {  	_ =	swait.ge [sflag:s14], $0x800  }
0x4b: {  	s11 =	sld [smem:$0x7FA]  }
0x4c: {  	[sflag:s14] =	ssyncset.done $0x0  }
0x4d: {  	[sflag:s14] =	ssyncadd.s32 $0xFFFFF800  }
0x4e: {  	[tilespmem:s15], [sflag:$0x1] =	stream.linear.gather [hbm4b:s11+s1], $0x4000, $0x38;
	[tilespmem:$0x1C880] =	vst v63  }
0x4f: {  	s8 =	rddreg [dreg:$0x6]  }
0x50: {  	[tilespmem:s16], [sflag:$0x2] =	stream.linear.gather [hbm4b:s8+s1], $0x4000, $0x38;
	[tilespmem:$0x1C880] =	vst v63  }
0x51: {  	_ =	swait.ge [sflag:s17], $0x4000  }
0x52: {  	[sflag:s17] =	ssyncset.done $0x0  }
0x53: {  	[sflag:s17] =	ssyncadd.s32 $0xFFFFC000  }
0x54: {  	[spmem:s31] =	stream.indirect.scatter.add.f32 [tilespmem:s15], [sflag:$0x3], $0x80, s1, s18, $0xb8;
	[tilespmem:$0x1C880] =	vst v63  }
0x55: {  	_ =	swait.ge [sflag:s14], $0x4000  }
0x56: {  	[sflag:s14] =	ssyncset.done $0x0  }
0x57: {  	s10 =	rddreg [dreg:$0xd];
	[sflag:s14] =	ssyncadd.s32 $0xFFFFC000  }
0x58: {  	[tilespmem:s15], [sflag:$0x1] =	stream.linear.gather [hbm4b:s10+s1], $0x4000, $0x38;
	[tilespmem:$0x1C880] =	vst v63  }
0x59: {  	_ =	swait.ge [sflag:s19], $0x4000  }
0x5a: {  	[sflag:s19] =	ssyncset.done $0x0  }
0x5b: {  	[sflag:s19] =	ssyncadd.s32 $0xFFFFC000  }
0x5c: {  	[spmem:s31] =	stream.indirect.scatter.add.f32 [tilespmem:s16], [sflag:$0x3], $0x80, s18, s18, $0xb8;
	[tilespmem:$0x1C880] =	vst v63  }
0x5d: {  	_ =	swait.ge [sflag:s14], $0x4000  }
0x5e: {  	[sflag:s14] =	ssyncset.done $0x0  }
0x5f: {  	s11 =	rddreg [dreg:$0x7];
	[sflag:s14] =	ssyncadd.s32 $0xFFFFC000  }
0x60: {  	[tilespmem:s16], [sflag:$0x2] =	stream.linear.gather [hbm4b:s11+s1], $0x4000, $0x38;
	[tilespmem:$0x1C880] =	vst v63  }
0x61: {  	_ =	swait.ge [sflag:s17], $0x4000  }
0x62: {  	[sflag:s17] =	ssyncset.done $0x0  }
0x63: {  	[sflag:s17] =	ssyncadd.s32 $0xFFFFC000  }
0x64: {  	[spmem:s31] =	stream.indirect.scatter.add.f32 [tilespmem:s15], [sflag:$0x3], $0x80, s20, s18, $0xb8;
	[tilespmem:$0x1C880] =	vst v63  }
0x65: {  	_ =	swait.ge [sflag:s14], $0x4000  }
0x66: {  	[sflag:s14] =	ssyncset.done $0x0  }
0x67: {  	s8 =	rddreg [dreg:$0xe];
	[sflag:s14] =	ssyncadd.s32 $0xFFFFC000  }
0x68: {  	[tilespmem:s15], [sflag:$0x1] =	stream.linear.gather [hbm4b:s8+s1], $0x4000, $0x38;
	[tilespmem:$0x1C880] =	vst v63  }
0x69: {  	_ =	swait.ge [sflag:s19], $0x4000  }
0x6a: {  	[sflag:s19] =	ssyncset.done $0x0  }
0x6b: {  	[sflag:s19] =	ssyncadd.s32 $0xFFFFC000  }
0x6c: {  	[spmem:s31] =	stream.indirect.scatter.add.f32 [tilespmem:s16], [sflag:$0x3], $0x80, s21, s18, $0xb8;
	[tilespmem:$0x1C880] =	vst v63  }
0x6d: {  	_ =	swait.ge [sflag:s14], $0x4000  }
0x6e: {  	[sflag:s14] =	ssyncset.done $0x0  }
0x6f: {  	s10 =	rddreg [dreg:$0x8];
	[sflag:s14] =	ssyncadd.s32 $0xFFFFC000  }
0x70: {  	[tilespmem:s16], [sflag:$0x2] =	stream.linear.gather [hbm4b:s10+s1], $0x4000, $0x38;
	[tilespmem:$0x1C880] =	vst v63  }
0x71: {  	_ =	swait.ge [sflag:s17], $0x4000  }
0x72: {  	[sflag:s17] =	ssyncset.done $0x0  }
0x73: {  	[sflag:s17] =	ssyncadd.s32 $0xFFFFC000  }
0x74: {  	[spmem:s31] =	stream.indirect.scatter.add.f32 [tilespmem:s15], [sflag:$0x3], $0x80, s22, s18, $0xb8;
	[tilespmem:$0x1C880] =	vst v63  }
0x75: {  	_ =	swait.ge [sflag:s14], $0x4000  }
0x76: {  	[sflag:s14] =	ssyncset.done $0x0  }
0x77: {  	s11 =	rddreg [dreg:$0xf];
	[sflag:s14] =	ssyncadd.s32 $0xFFFFC000  }
0x78: {  	[tilespmem:s15], [sflag:$0x1] =	stream.linear.gather [hbm4b:s11+s1], $0x4000, $0x38;
	[tilespmem:$0x1C880] =	vst v63  }
0x79: {  	_ =	swait.ge [sflag:s19], $0x4000  }
0x7a: {  	[sflag:s19] =	ssyncset.done $0x0  }
0x7b: {  	[sflag:s19] =	ssyncadd.s32 $0xFFFFC000  }
0x7c: {  	[spmem:s31] =	stream.indirect.scatter.add.f32 [tilespmem:s16], [sflag:$0x3], $0x80, s23, s18, $0xb8;
	[tilespmem:$0x1C880] =	vst v63  }
0x7d: {  	_ =	swait.ge [sflag:s14], $0x4000  }
0x7e: {  	[sflag:s14] =	ssyncset.done $0x0  }
0x7f: {  	s8 =	rddreg [dreg:$0x9];
	[sflag:s14] =	ssyncadd.s32 $0xFFFFC000  }
0x80: {  	[tilespmem:s16], [sflag:$0x2] =	stream.linear.gather [hbm4b:s8+s1], $0x4000, $0x38;
	[tilespmem:$0x1C880] =	vst v63  }
0x81: {  	_ =	swait.ge [sflag:s17], $0x4000  }
0x82: {  	[sflag:s17] =	ssyncset.done $0x0  }
0x83: {  	[sflag:s17] =	ssyncadd.s32 $0xFFFFC000  }
0x84: {  	[spmem:s31] =	stream.indirect.scatter.add.f32 [tilespmem:s15], [sflag:$0x3], $0x80, s24, s18, $0xb8;
	[tilespmem:$0x1C880] =	vst v63  }
0x85: {  	_ =	swait.ge [sflag:s14], $0x4000  }
0x86: {  	[sflag:s14] =	ssyncset.done $0x0  }
0x87: {  	s10 =	rddreg [dreg:$0x10];
	[sflag:s14] =	ssyncadd.s32 $0xFFFFC000  }
0x88: {  	[tilespmem:s15], [sflag:$0x1] =	stream.linear.gather [hbm4b:s10+s1], $0x4000, $0x38;
	[tilespmem:$0x1C880] =	vst v63  }
0x89: {  	_ =	swait.ge [sflag:s19], $0x4000  }
0x8a: {  	[sflag:s19] =	ssyncset.done $0x0  }
0x8b: {  	[sflag:s19] =	ssyncadd.s32 $0xFFFFC000  }
0x8c: {  	[spmem:s31] =	stream.indirect.scatter.add.f32 [tilespmem:s16], [sflag:$0x3], $0x80, s25, s18, $0xb8;
	[tilespmem:$0x1C880] =	vst v63  }
0x8d: {  	_ =	swait.ge [sflag:s14], $0x4000  }
0x8e: {  	[sflag:s14] =	ssyncset.done $0x0  }
0x8f: {  	s11 =	rddreg [dreg:$0xa];
	[sflag:s14] =	ssyncadd.s32 $0xFFFFC000  }
0x90: {  	[tilespmem:s16], [sflag:$0x2] =	stream.linear.gather [hbm4b:s11+s1], $0x4000, $0x38;
	[tilespmem:$0x1C880] =	vst v63  }
0x91: {  	_ =	swait.ge [sflag:s17], $0x4000  }
0x92: {  	[sflag:s17] =	ssyncset.done $0x0  }
0x93: {  	[sflag:s17] =	ssyncadd.s32 $0xFFFFC000  }
0x94: {  	[spmem:s31] =	stream.indirect.scatter.add.f32 [tilespmem:s15], [sflag:$0x3], $0x80, s28, s18, $0xb8;
	[tilespmem:$0x1C880] =	vst v63  }
0x95: {  	_ =	swait.ge [sflag:s14], $0x4000  }
0x96: {  	[sflag:s14] =	ssyncset.done $0x0  }
0x97: {  	s8 =	rddreg [dreg:$0x11];
	[sflag:s14] =	ssyncadd.s32 $0xFFFFC000  }
0x98: {  	[tilespmem:s15], [sflag:$0x1] =	stream.linear.gather [hbm4b:s8+s1], $0x4000, $0x38;
	[tilespmem:$0x1C880] =	vst v63  }
0x99: {  	_ =	swait.ge [sflag:s19], $0x4000  }
0x9a: {  	[sflag:s19] =	ssyncset.done $0x0  }
0x9b: {  	[sflag:s19] =	ssyncadd.s32 $0xFFFFC000  }
0x9c: {  	[spmem:s31] =	stream.indirect.scatter.add.f32 [tilespmem:s16], [sflag:$0x3], $0x80, s29, s18, $0xb8;
	[tilespmem:$0x1C880] =	vst v63  }
0x9d: {  	_ =	swait.ge [sflag:s14], $0x4000  }
0x9e: {  	[sflag:s14] =	ssyncset.done $0x0  }
0x9f: {  	s10 =	rddreg [dreg:$0xb];
	[sflag:s14] =	ssyncadd.s32 $0xFFFFC000  }
0xa0: {  	[tilespmem:s16], [sflag:$0x2] =	stream.linear.gather [hbm4b:s10+s1], $0x4000, $0x38;
	[tilespmem:$0x1C880] =	vst v63  }
0xa1: {  	_ =	swait.ge [sflag:s17], $0x4000  }
0xa2: {  	[sflag:s17] =	ssyncset.done $0x0  }
0xa3: {  	[sflag:s17] =	ssyncadd.s32 $0xFFFFC000  }
0xa4: {  	[spmem:s31] =	stream.indirect.scatter.add.f32 [tilespmem:s15], [sflag:$0x3], $0x80, s30, s18, $0xb8;
	[tilespmem:$0x1C880] =	vst v63  }
0xa5: {  	_ =	swait.ge [sflag:s14], $0x4000  }
0xa6: {  	[sflag:s14] =	ssyncset.done $0x0  }
0xa7: {  	s11 =	rddreg [dreg:$0x12];
	[sflag:s14] =	ssyncadd.s32 $0xFFFFC000  }
0xa8: {  	[tilespmem:s15], [sflag:$0x1] =	stream.linear.gather [hbm4b:s11+s1], $0x4000, $0x38;
	[tilespmem:$0x1C880] =	vst v63  }
0xa9: {  	_ =	swait.ge [sflag:s19], $0x4000  }
0xaa: {  	[sflag:s19] =	ssyncset.done $0x0  }
0xab: {  	[sflag:s19] =	ssyncadd.s32 $0xFFFFC000  }
0xac: {  	[spmem:s31] =	stream.indirect.scatter.add.f32 [tilespmem:s16], [sflag:$0x3], $0x80, s26, s18, $0xb8;
	[tilespmem:$0x1C880] =	vst v63  }
0xad: {  	_ =	swait.ge [sflag:s14], $0x4000  }
0xae: {  	[sflag:s14] =	ssyncset.done $0x0  }
0xaf: {  	s8 =	rddreg [dreg:$0xc];
	[sflag:s14] =	ssyncadd.s32 $0xFFFFC000  }
0xb0: {  	[tilespmem:s16], [sflag:$0x2] =	stream.linear.gather [hbm4b:s8+s1], $0x4000, $0x38;
	[tilespmem:$0x1C880] =	vst v63  }
0xb1: {  	_ =	swait.ge [sflag:s17], $0x4000  }
0xb2: {  	[sflag:s17] =	ssyncset.done $0x0  }
0xb3: {  	[sflag:s17] =	ssyncadd.s32 $0xFFFFC000  }
0xb4: {  	[spmem:s31] =	stream.indirect.scatter.add.f32 [tilespmem:s15], [sflag:$0x3], $0x80, s0, s18, $0xb8;
	[tilespmem:$0x1C880] =	vst v63  }
0xb5: {  	_ =	swait.ge [sflag:s14], $0x4000  }
0xb6: {  	[sflag:s14] =	ssyncset.done $0x0  }
0xb7: {  	s10 =	rddreg [dreg:$0x13];
	[sflag:s14] =	ssyncadd.s32 $0xFFFFC000  }
0xb8: {  	[tilespmem:s15], [sflag:$0x1] =	stream.linear.gather [hbm4b:s10+s1], $0x4000, $0x38;
	[tilespmem:$0x1C880] =	vst v63  }
0xb9: {  	_ =	swait.ge [sflag:s19], $0x4000  }
0xba: {  	[sflag:s19] =	ssyncset.done $0x0  }
0xbb: {  	[sflag:s19] =	ssyncadd.s32 $0xFFFFC000  }
0xbc: {  	[spmem:s31] =	stream.indirect.scatter.add.f32 [tilespmem:s16], [sflag:$0x3], $0x80, s2, s18, $0xb8;
	[tilespmem:$0x1C880] =	vst v63  }
0xbd: {  	_ =	swait.ge [sflag:s14], $0x4000  }
0xbe: {  	[sflag:s14] =	ssyncset.done $0x0  }
0xbf: {  	s11 =	rddreg [dreg:$0x4];
	[sflag:s14] =	ssyncadd.s32 $0xFFFFC000  }
0xc0: {  	[tilespmem:s16], [sflag:$0x2] =	stream.linear.gather [hbm4b:s11+s1], $0x4000, $0x38;
	[tilespmem:$0x1C880] =	vst v63  }
0xc1: {  	_ =	swait.ge [sflag:s17], $0x4000  }
0xc2: {  	[sflag:s17] =	ssyncset.done $0x0  }
0xc3: {  	[sflag:s17] =	ssyncadd.s32 $0xFFFFC000  }
0xc4: {  	[spmem:s31] =	stream.indirect.scatter.add.f32 [tilespmem:s15], [sflag:$0x3], $0x80, s3, s18, $0xb8;
	[tilespmem:$0x1C880] =	vst v63  }
0xc5: {  	_ =	swait.ge [sflag:s14], $0x4000  }
0xc6: {  	[sflag:s14] =	ssyncset.done $0x0  }
0xc7: {  	[sflag:s14] =	ssyncadd.s32 $0xFFFFC000  }
0xc8: {  	_ =	swait.ge [sflag:s19], $0x4000  }
0xc9: {  	[sflag:s19] =	ssyncset.done $0x0  }
0xca: {  	[sflag:s19] =	ssyncadd.s32 $0xFFFFC000  }
0xcb: {  	[spmem:s31] =	stream.indirect.scatter.add.f32 [tilespmem:s16], [sflag:$0x3], $0x80, s5, s18, $0xb8;
	[tilespmem:$0x1C880] =	vst v63  }
0xcc: {  	_ =	swait.ge [sflag:s14], $0x4000  }
0xcd: {  	s8 =	sld [smem:$0x7F9]  }
0xce: {  	[sflag:s14] =	ssyncset.done $0x0  }
0xcf: {  	[sflag:s14] =	ssyncadd.s32 $0xFFFFC000  }
0xd0: {  	[tilespmem:s1], [sflag:$0x3] =	stream.linear.gather [hbm4b:s8+s1], $0x800, $0x38;
	[tilespmem:$0x1C880] =	vst v63  }
0xd1: {  	_ =	swait.ge [sflag:s14], $0x800  }
0xd2: {  	s10 =	sld [smem:$0x7FB]  }
0xd3: {  	[sflag:s14] =	ssyncset.done $0x0  }
0xd4: {  	[sflag:s14] =	ssyncadd.s32 $0xFFFFF800  }
0xd5: {  	[tilespmem:s15], [sflag:$0x1] =	stream.linear.gather [hbm4b:s10+s1], $0x4000, $0x38;
	[tilespmem:$0x1C880] =	vst v63  }
0xd6: {  	s11 =	rddreg [dreg:$0x14]  }
0xd7: {  	[tilespmem:s16], [sflag:$0x2] =	stream.linear.gather [hbm4b:s11+s1], $0x4000, $0x38;
	[tilespmem:$0x1C880] =	vst v63  }
0xd8: {  	_ =	swait.ge [sflag:s17], $0x4000  }
0xd9: {  	[sflag:s17] =	ssyncset.done $0x0  }
0xda: {  	[sflag:s17] =	ssyncadd.s32 $0xFFFFC000  }
0xdb: {  	[spmem:s31] =	stream.indirect.scatter.add.f32 [tilespmem:s15], [sflag:$0x3], $0x80, s1, s18, $0xb8;
	[tilespmem:$0x1C880] =	vst v63  }
0xdc: {  	_ =	swait.ge [sflag:s14], $0x4000  }
0xdd: {  	[sflag:s14] =	ssyncset.done $0x0  }
0xde: {  	s8 =	rddreg [dreg:$0x15];
	[sflag:s14] =	ssyncadd.s32 $0xFFFFC000  }
0xdf: {  	[tilespmem:s15], [sflag:$0x1] =	stream.linear.gather [hbm4b:s8+s1], $0x4000, $0x38;
	[tilespmem:$0x1C880] =	vst v63  }
0xe0: {  	_ =	swait.ge [sflag:s19], $0x4000  }
0xe1: {  	[sflag:s19] =	ssyncset.done $0x0  }
0xe2: {  	[sflag:s19] =	ssyncadd.s32 $0xFFFFC000  }
0xe3: {  	[spmem:s31] =	stream.indirect.scatter.add.f32 [tilespmem:s16], [sflag:$0x3], $0x80, s18, s18, $0xb8;
	[tilespmem:$0x1C880] =	vst v63  }
0xe4: {  	_ =	swait.ge [sflag:s14], $0x4000  }
0xe5: {  	[sflag:s14] =	ssyncset.done $0x0  }
0xe6: {  	s10 =	rddreg [dreg:$0x16];
	[sflag:s14] =	ssyncadd.s32 $0xFFFFC000  }
0xe7: {  	[tilespmem:s16], [sflag:$0x2] =	stream.linear.gather [hbm4b:s10+s1], $0x4000, $0x38;
	[tilespmem:$0x1C880] =	vst v63  }
0xe8: {  	_ =	swait.ge [sflag:s17], $0x4000  }
0xe9: {  	[sflag:s17] =	ssyncset.done $0x0  }
0xea: {  	[sflag:s17] =	ssyncadd.s32 $0xFFFFC000  }
0xeb: {  	[spmem:s31] =	stream.indirect.scatter.add.f32 [tilespmem:s15], [sflag:$0x3], $0x80, s20, s18, $0xb8;
	[tilespmem:$0x1C880] =	vst v63  }
0xec: {  	_ =	swait.ge [sflag:s14], $0x4000  }
0xed: {  	[sflag:s14] =	ssyncset.done $0x0  }
0xee: {  	s11 =	rddreg [dreg:$0x17];
	[sflag:s14] =	ssyncadd.s32 $0xFFFFC000  }
0xef: {  	[tilespmem:s15], [sflag:$0x1] =	stream.linear.gather [hbm4b:s11+s1], $0x4000, $0x38;
	[tilespmem:$0x1C880] =	vst v63  }
0xf0: {  	_ =	swait.ge [sflag:s19], $0x4000  }
0xf1: {  	[sflag:s19] =	ssyncset.done $0x0  }
0xf2: {  	[sflag:s19] =	ssyncadd.s32 $0xFFFFC000  }
0xf3: {  	[spmem:s31] =	stream.indirect.scatter.add.f32 [tilespmem:s16], [sflag:$0x3], $0x80, s21, s18, $0xb8;
	[tilespmem:$0x1C880] =	vst v63  }
0xf4: {  	_ =	swait.ge [sflag:s14], $0x4000  }
0xf5: {  	[sflag:s14] =	ssyncset.done $0x0  }
0xf6: {  	s8 =	rddreg [dreg:$0x18];
	[sflag:s14] =	ssyncadd.s32 $0xFFFFC000  }
0xf7: {  	[tilespmem:s16], [sflag:$0x2] =	stream.linear.gather [hbm4b:s8+s1], $0x4000, $0x38;
	[tilespmem:$0x1C880] =	vst v63  }
0xf8: {  	_ =	swait.ge [sflag:s17], $0x4000  }
0xf9: {  	[sflag:s17] =	ssyncset.done $0x0  }
0xfa: {  	[sflag:s17] =	ssyncadd.s32 $0xFFFFC000  }
0xfb: {  	[spmem:s31] =	stream.indirect.scatter.add.f32 [tilespmem:s15], [sflag:$0x3], $0x80, s22, s18, $0xb8;
	[tilespmem:$0x1C880] =	vst v63  }
0xfc: {  	_ =	swait.ge [sflag:s14], $0x4000  }
0xfd: {  	[sflag:s14] =	ssyncset.done $0x0  }
0xfe: {  	s10 =	rddreg [dreg:$0x19];
	[sflag:s14] =	ssyncadd.s32 $0xFFFFC000  }
0xff: {  	[tilespmem:s15], [sflag:$0x1] =	stream.linear.gather [hbm4b:s10+s1], $0x4000, $0x38;
	[tilespmem:$0x1C880] =	vst v63  }
0x100: {  	_ =	swait.ge [sflag:s19], $0x4000  }
0x101: {  	[sflag:s19] =	ssyncset.done $0x0  }
0x102: {  	[sflag:s19] =	ssyncadd.s32 $0xFFFFC000  }
0x103: {  	[spmem:s31] =	stream.indirect.scatter.add.f32 [tilespmem:s16], [sflag:$0x3], $0x80, s23, s18, $0xb8;
	[tilespmem:$0x1C880] =	vst v63  }
0x104: {  	_ =	swait.ge [sflag:s14], $0x4000  }
0x105: {  	[sflag:s14] =	ssyncset.done $0x0  }
0x106: {  	s11 =	rddreg [dreg:$0x1a];
	[sflag:s14] =	ssyncadd.s32 $0xFFFFC000  }
0x107: {  	[tilespmem:s16], [sflag:$0x2] =	stream.linear.gather [hbm4b:s11+s1], $0x4000, $0x38;
	[tilespmem:$0x1C880] =	vst v63  }
0x108: {  	_ =	swait.ge [sflag:s17], $0x4000  }
0x109: {  	[sflag:s17] =	ssyncset.done $0x0  }
0x10a: {  	[sflag:s17] =	ssyncadd.s32 $0xFFFFC000  }
0x10b: {  	[spmem:s31] =	stream.indirect.scatter.add.f32 [tilespmem:s15], [sflag:$0x3], $0x80, s24, s18, $0xb8;
	[tilespmem:$0x1C880] =	vst v63  }
0x10c: {  	_ =	swait.ge [sflag:s14], $0x4000  }
0x10d: {  	[sflag:s14] =	ssyncset.done $0x0  }
0x10e: {  	s8 =	rddreg [dreg:$0x1b];
	[sflag:s14] =	ssyncadd.s32 $0xFFFFC000  }
0x10f: {  	[tilespmem:s15], [sflag:$0x1] =	stream.linear.gather [hbm4b:s8+s1], $0x4000, $0x38;
	[tilespmem:$0x1C880] =	vst v63  }
0x110: {  	_ =	swait.ge [sflag:s19], $0x4000  }
0x111: {  	[sflag:s19] =	ssyncset.done $0x0  }
0x112: {  	[sflag:s19] =	ssyncadd.s32 $0xFFFFC000  }
0x113: {  	[spmem:s31] =	stream.indirect.scatter.add.f32 [tilespmem:s16], [sflag:$0x3], $0x80, s25, s18, $0xb8;
	[tilespmem:$0x1C880] =	vst v63  }
0x114: {  	_ =	swait.ge [sflag:s14], $0x4000  }
0x115: {  	[sflag:s14] =	ssyncset.done $0x0  }
0x116: {  	s10 =	rddreg [dreg:$0x1c];
	[sflag:s14] =	ssyncadd.s32 $0xFFFFC000  }
0x117: {  	[tilespmem:s16], [sflag:$0x2] =	stream.linear.gather [hbm4b:s10+s1], $0x4000, $0x38;
	[tilespmem:$0x1C880] =	vst v63  }
0x118: {  	_ =	swait.ge [sflag:s17], $0x4000  }
0x119: {  	[sflag:s17] =	ssyncset.done $0x0  }
0x11a: {  	[sflag:s17] =	ssyncadd.s32 $0xFFFFC000  }
0x11b: {  	[spmem:s31] =	stream.indirect.scatter.add.f32 [tilespmem:s15], [sflag:$0x3], $0x80, s28, s18, $0xb8;
	[tilespmem:$0x1C880] =	vst v63  }
0x11c: {  	_ =	swait.ge [sflag:s14], $0x4000  }
0x11d: {  	[sflag:s14] =	ssyncset.done $0x0  }
0x11e: {  	s11 =	rddreg [dreg:$0x1d];
	[sflag:s14] =	ssyncadd.s32 $0xFFFFC000  }
0x11f: {  	[tilespmem:s15], [sflag:$0x1] =	stream.linear.gather [hbm4b:s11+s1], $0x4000, $0x38;
	[tilespmem:$0x1C880] =	vst v63  }
0x120: {  	_ =	swait.ge [sflag:s19], $0x4000  }
0x121: {  	[sflag:s19] =	ssyncset.done $0x0  }
0x122: {  	[sflag:s19] =	ssyncadd.s32 $0xFFFFC000  }
0x123: {  	[spmem:s31] =	stream.indirect.scatter.add.f32 [tilespmem:s16], [sflag:$0x3], $0x80, s29, s18, $0xb8;
	[tilespmem:$0x1C880] =	vst v63  }
0x124: {  	_ =	swait.ge [sflag:s14], $0x4000  }
0x125: {  	[sflag:s14] =	ssyncset.done $0x0  }
0x126: {  	s8 =	rddreg [dreg:$0x1e];
	[sflag:s14] =	ssyncadd.s32 $0xFFFFC000  }
0x127: {  	[tilespmem:s16], [sflag:$0x2] =	stream.linear.gather [hbm4b:s8+s1], $0x4000, $0x38;
	[tilespmem:$0x1C880] =	vst v63  }
0x128: {  	_ =	swait.ge [sflag:s17], $0x4000  }
0x129: {  	[sflag:s17] =	ssyncset.done $0x0  }
0x12a: {  	[sflag:s17] =	ssyncadd.s32 $0xFFFFC000  }
0x12b: {  	[spmem:s31] =	stream.indirect.scatter.add.f32 [tilespmem:s15], [sflag:$0x3], $0x80, s30, s18, $0xb8;
	[tilespmem:$0x1C880] =	vst v63  }
0x12c: {  	_ =	swait.ge [sflag:s14], $0x4000  }
0x12d: {  	[sflag:s14] =	ssyncset.done $0x0  }
0x12e: {  	s10 =	rddreg [dreg:$0x1f];
	[sflag:s14] =	ssyncadd.s32 $0xFFFFC000  }
0x12f: {  	[tilespmem:s15], [sflag:$0x1] =	stream.linear.gather [hbm4b:s10+s1], $0x4000, $0x38;
	[tilespmem:$0x1C880] =	vst v63  }
0x130: {  	_ =	swait.ge [sflag:s19], $0x4000  }
0x131: {  	[sflag:s19] =	ssyncset.done $0x0  }
0x132: {  	[sflag:s19] =	ssyncadd.s32 $0xFFFFC000  }
0x133: {  	[spmem:s31] =	stream.indirect.scatter.add.f32 [tilespmem:s16], [sflag:$0x3], $0x80, s26, s18, $0xb8;
	[tilespmem:$0x1C880] =	vst v63  }
0x134: {  	_ =	swait.ge [sflag:s14], $0x4000  }
0x135: {  	s11 =	sld [smem:$0x7F6]  }
0x136: {  	[sflag:s14] =	ssyncset.done $0x0  }
0x137: {  	[sflag:s14] =	ssyncadd.s32 $0xFFFFC000  }
0x138: {  	[tilespmem:s16], [sflag:$0x2] =	stream.linear.gather [hbm4b:s11+s1], $0x4000, $0x38;
	[tilespmem:$0x1C880] =	vst v63  }
0x139: {  	_ =	swait.ge [sflag:s17], $0x4000  }
0x13a: {  	[sflag:s17] =	ssyncset.done $0x0  }
0x13b: {  	[sflag:s17] =	ssyncadd.s32 $0xFFFFC000  }
0x13c: {  	[spmem:s31] =	stream.indirect.scatter.add.f32 [tilespmem:s15], [sflag:$0x3], $0x80, s0, s18, $0xb8;
	[tilespmem:$0x1C880] =	vst v63  }
0x13d: {  	_ =	swait.ge [sflag:s14], $0x4000  }
0x13e: {  	s8 =	sld [smem:$0x7F7]  }
0x13f: {  	[sflag:s14] =	ssyncset.done $0x0  }
0x140: {  	[sflag:s14] =	ssyncadd.s32 $0xFFFFC000  }
0x141: {  	[tilespmem:s15], [sflag:$0x1] =	stream.linear.gather [hbm4b:s8+s1], $0x4000, $0x38;
	[tilespmem:$0x1C880] =	vst v63  }
0x142: {  	_ =	swait.ge [sflag:s19], $0x4000  }
0x143: {  	[sflag:s19] =	ssyncset.done $0x0  }
0x144: {  	[sflag:s19] =	ssyncadd.s32 $0xFFFFC000  }
0x145: {  	[spmem:s31] =	stream.indirect.scatter.add.f32 [tilespmem:s16], [sflag:$0x3], $0x80, s2, s18, $0xb8;
	[tilespmem:$0x1C880] =	vst v63  }
0x146: {  	_ =	swait.ge [sflag:s14], $0x4000  }
0x147: {  	[sflag:s14] =	ssyncset.done $0x0  }
0x148: {  	s10 =	rddreg [dreg:$0x5];
	[sflag:s14] =	ssyncadd.s32 $0xFFFFC000  }
0x149: {  	[tilespmem:s16], [sflag:$0x2] =	stream.linear.gather [hbm4b:s10+s1], $0x4000, $0x38;
	[tilespmem:$0x1C880] =	vst v63  }
0x14a: {  	_ =	swait.ge [sflag:s17], $0x4000  }
0x14b: {  	[sflag:s17] =	ssyncset.done $0x0  }
0x14c: {  	[sflag:s17] =	ssyncadd.s32 $0xFFFFC000  }
0x14d: {  	[spmem:s31] =	stream.indirect.scatter.add.f32 [tilespmem:s15], [sflag:$0x3], $0x80, s3, s18, $0xb8;
	[tilespmem:$0x1C880] =	vst v63  }
0x14e: {  	_ =	swait.ge [sflag:s14], $0x4000  }
0x14f: {  	[sflag:s14] =	ssyncset.done $0x0  }
0x150: {  	[sflag:s14] =	ssyncadd.s32 $0xFFFFC000  }
0x151: {  	_ =	swait.ge [sflag:s19], $0x4000  }
0x152: {  	[sflag:s19] =	ssyncset.done $0x0  }
0x153: {  	[sflag:s19] =	ssyncadd.s32 $0xFFFFC000  }
0x154: {  	[spmem:s31] =	stream.indirect.scatter.add.f32 [tilespmem:s16], [sflag:$0x3], $0x80, s5, s18, $0xb8;
	[tilespmem:$0x1C880] =	vst v63  }
0x155: {  	_ =	swait.ge [sflag:s14], $0x4000  }
0x156: {  	[sflag:s14] =	ssyncset.done $0x0  }
0x157: {  	[sflag:s14] =	ssyncadd.s32 $0xFFFFC000  }
0x158: {  	[bflag:$0x0] =	sbarrier.arrive $0xFFFF  }
0x159: {  	s8 =	sld [smem:$0x7FC];
	_ =	sdelay $0x1  }
0x15a: {  	s7 =	simm.s32 @p0 $0x1FC3  }
0x15b: {  	[hbm:s8], [sflag:s7] =	dma.local @p0 [spmem:s12], $0x2800  }
0x15c: {  	s7 =	simm.s32 @p0 $0x3  }
0x15d: {  	s8 =	stileid.u32;
	_ =	swait.ge @p0 [sflag:s7], $0x2800  }
0x15e: {  	s8 =	sshll.u32 @!p0 s8, $0x6;
	[sflag:s7] =	ssyncset.done @p0 $0x0;
	s10 =	rddreg [dreg:$0x3]  }
0x15f: {  	[sflag:s7] =	ssyncadd.s32 @p0 $0xFFFFD800;
	s7 =	sor.u32 @!p0 $0x1C03, s8;
	s8 =	sshrl.u32 @!p0 s9, $0x3  }
0x160: {  	[hbm:s10], [sflag:s7] =	dma.local @!p0 [spmem:s8], $0x2700  }
0x161: {  	s7 =	simm.s32 @!p0 $0x3  }
0x162: {  	_ =	swait.ge @!p0 [sflag:s7], $0x2700  }
0x163: {  	s11 =	sld [smem:$0x7FD];
	_ =	sdelay $0x1  }
0x164: {  	s6 =	sadd.s32 $0x1, s6  }
0x165: {  	p1 =	sne.s32 s6, s11  }
.Ltmp3:
0x166: {  	_ = 	snop;
	(pc) =	sbr.rel @p1 .LBB2_1-.Ltmp3, $3  }
0x167: {  	_ =	sdelay $0x1  }
0x168: {  	[sflag:s7] =	ssyncset.done @!p0 $0x0  }
0x169: {  	[sflag:s7] =	ssyncadd.s32 @!p0 $0xFFFFD900  }
0x16a: {  	_ =	sfence.sel $0x180000  }
0x16b: {  	[bflag:$0x0] =	sbarrier.arrive $0xFFFF  }
0x16c: {  	_ =	strace $0x90000059  }
0x16d: {  	s0 =	stileid.u32;
	[bflag:$0x2] =	sbarrier.arrive $0xFFFF  }
0x16e: {  	p0 =	sne.s32 s0, $0x0;
	s0 =	rddreg [dreg:$0x2]  }
0x16f: {  	s0 =	sadd.s32 @!p0 $0x100000, s0  }
0x170: {  	[sflag:s0] =	ssyncadd.tile.s32 @!p0 $0x1;
	_ =	shalt  }
.Lfunc_end2:
_tile_overlayer_lowered:
.L_overlay_start_2:
0x171: {  	(tag) =	ssettag $0x2  }
0x172: {  	s0 =	rddreg [dreg:$0x0];
	s2 =	stileid.u32  }
0x173: {  	s1 =	rddreg [dreg:$0x1];
	p0 =	sne.s32 s2, $0x0  }
0x174: {  	s3 =	rddreg [dreg:$0x2];
	[bflag:$0x3] =	sbarrier.arrive $0xFFFF;
	s2 =	simm.s32 @!p0 $0x1C03  }
0x175: {  	[timem:s3], [sflag:s2] =	dma.local @!p0 [hbm:s0], s1  }
0x176: {  	s0 =	simm.s32 @!p0 $0x3  }
0x177: {  	_ =	swait.ge @!p0 [sflag:s0], s1  }
0x178: {  	s1 =	ssub.s32 @!p0 $0x0, s1;
	[sflag:s0] =	ssyncset.done @!p0 $0x0  }
0x179: {  	[sflag:s0] =	ssyncadd.s32 @!p0 s1  }
0x17a: {  	[bflag:$0x3] =	sbarrier.arrive $0xFFFF  }
0x17b: {  	_ =	shalt  }

// kernel: kernel.38.cloned.1.call-start
scs
__scs_entry_jumppad:
0x0: {  	(pc) =	sbr.rel $0x88, $3  }
0x1: {  	(tag) =	ssettag $0x0;
	lr =	simm.s32 $0x1  }
0x2: {  	[smem:$0x3F96] =	sst lr;
	_ =	strace $0xD0000000  }
0x3: {  	_ = 	snop  }
0x4: {  	_ = 	snop  }
0x5: {  	_ = 	snop  }
0x6: {  	_ = 	snop  }
0x7: {  	_ = 	snop  }
__scs_overlays_trampoline_lowered:
0x8: {  	[smem:$0x3FA5] =	sst s0  }
0x9: {  	[smem:$0x3FA6] =	sst s1  }
0xa: {  	[smem:$0x3FA7] =	sst s2  }
0xb: {  	[smem:$0x3FA8] =	sst s3  }
0xc: {  	[smem:$0x3FA9] =	sst s4  }
0xd: {  	[smem:$0x3FAA] =	sst s5  }
0xe: {  	[smem:$0x3FAB] =	sst s6  }
0xf: {  	[smem:$0x3FAC] =	sst s7  }
0x10: {  	[smem:$0x3FAD] =	sst s8  }
0x11: {  	[smem:$0x3FAE] =	sst s9;
	s0 =	simm.s32 @!p0 $0x0  }
0x12: {  	s1 =	sld [smem:$0x3F94];
	s0 =	simm.s32 @p0 $0x1  }
0x13: {  	[smem:$0x3FAF] =	sst s0;
	s0 =	simm.s32 @!p1 $0x0  }
0x14: {  	s2 =	sld [smem:$0x3F93];
	s0 =	simm.s32 @p1 $0x1  }
0x15: {  	[smem:$0x3FB0] =	sst s0;
	s0 =	simm.s32 @!p2 $0x0  }
0x16: {  	s3 =	sld [smem:$0x3FDB];
	s0 =	simm.s32 @p2 $0x1  }
0x17: {  	s4 =	simm.s32 $0x1BF5;
	[smem:$0x3FB2] =	sst s0  }
0x18: {  	s0 =	sld [smem:$0x3F95];
	_ =	swait.ge [sflag:s4], $0x0  }
0x19: {  	s7 =	sld [smem:$0x3F96]  }
0x1a: {  	s8 =	sadd.s32 $0xFFFFE003, lr  }
0x1b: {  	s9 =	sadd.s32 $0xFFFFFEF7, lr;
	s5 =	simm.s32 $0xFFFFFFFF;
	p2 =	slt.u32 s8, $0xFFFFF086  }
0x1c: {  	p1 =	slt.u32 s9, $0xF7A;
	s5 =	simm.s32 @!p2 $0x0  }
0x1d: {  	s5 =	simm.s32 @p1 $0x1;
	p0 =	seq.s32 s7, s2  }
0x1e: {  	s7 =	smul.u32 @!p0 $0xF7A, s2;
	p2 =	seq.s32 @!p0 s5, $0x0  }
0x1f: {  	s9 =	smul.u32 $0xF7A, s1;
	s8 =	simm.s32 @!p0 $0x1BF5;
	p2 =	por !p2, p0  }
0x20: {  	[sflag:s8] =	ssyncset.s32 @!p0 $0xFFFFF086;
	s6 =	sadd.s32 @!p0 s3, s7;
	s7 =	simm.s32 @!p0 $0x108  }
0x21: {  	s3 =	sadd.s32 s3, s9;
	s6 =	sadd.s32 @!p0 $0x88, s6;
	s7 =	simm.s32 @p2 $0x1082  }
0x22: {  	[simem:s7], [sflag:s8] =	dma.local @!p0 [hbm:s6], $0xF7A  }
0x23: {  	s9 =	sor.u32 $0xD0000000, s2;
	s6 =	simm.s32 $0x108;
	_ =	swait.ge @!p0 [sflag:s8], $0x0  }
0x24: {  	s3 =	sadd.s32 $0x88, s3;
	s6 =	simm.s32 @!p1 $0x1082;
	[sflag:s4] =	ssyncset.s32 $0xFFFFF086  }
0x25: {  	[simem:s6], [sflag:s4] =	dma.local [hbm:s3], $0xF7A  }
0x26: {  	[smem:$0x3F96] =	sst s1;
	(tag) =	ssettag s2;
	_ =	strace s9  }
0x27: {  	s1 =	sld [smem:$0x3FA6]  }
0x28: {  	s2 =	sld [smem:$0x3FA7]  }
0x29: {  	s4 =	sld [smem:$0x3FA9]  }
0x2a: {  	p0 =	seq.s32 s5, $0x0;
	s5 =	sld [smem:$0x3FAA]  }
0x2b: {  	s6 =	sld [smem:$0x3FAB]  }
0x2c: {  	s7 =	sld [smem:$0x3FAC]  }
0x2d: {  	s3 =	simm.s32 $0x108;
	s8 =	sld [smem:$0x3FAD]  }
0x2e: {  	s3 =	simm.s32 @!p0 $0x1082;
	s9 =	sld [smem:$0x3FAE]  }
0x2f: {  	lr =	sadd.s32 s0, s3;
	s0 =	sld [smem:$0x3FA5]  }
0x30: {  	s3 =	sld [smem:$0x3FA8]  }
0x31: {  	[smem:$0x3FB1] =	sst s10  }
0x32: {  	s10 =	sld [smem:$0x3FAF];
	_ =	sdelay $0x3  }
0x33: {  	p0 =	seq.s32 s10, $0x1;
	s10 =	sld [smem:$0x3FB1];
	_ =	sdelay $0x3  }
0x34: {  	[smem:$0x3FB1] =	sst s10  }
0x35: {  	s10 =	sld [smem:$0x3FB0];
	_ =	sdelay $0x3  }
0x36: {  	p1 =	seq.s32 s10, $0x1;
	s10 =	sld [smem:$0x3FB1];
	_ =	sdelay $0x3  }
0x37: {  	[smem:$0x3FB1] =	sst s10  }
0x38: {  	s10 =	sld [smem:$0x3FB2]  }
0x39: {  	_ = 	snop;
	(pc) =	sbr.ind lr, $3  }
0x3a: {  	_ = 	snop  }
0x3b: {  	_ = 	snop  }
0x3c: {  	p2 =	seq.s32 s10, $0x1;
	s10 =	sld [smem:$0x3FB1]  }
0x3d: {  	_ =	shalt  }
0x3e: {  	_ =	shalt  }
0x3f: {  	_ =	shalt  }
0x40: {  	_ =	shalt  }
0x41: {  	_ =	shalt  }
0x42: {  	_ =	shalt  }
0x43: {  	_ =	shalt  }
0x44: {  	_ =	shalt  }
0x45: {  	_ =	shalt  }
0x46: {  	_ =	shalt  }
0x47: {  	_ =	shalt  }
0x48: {  	_ =	shalt  }
0x49: {  	_ =	shalt  }
0x4a: {  	_ =	shalt  }
0x4b: {  	_ =	shalt  }
0x4c: {  	_ =	shalt  }
0x4d: {  	_ =	shalt  }
0x4e: {  	_ =	shalt  }
0x4f: {  	_ =	shalt  }
0x50: {  	_ =	shalt  }
0x51: {  	_ =	shalt  }
0x52: {  	_ =	shalt  }
0x53: {  	_ =	shalt  }
0x54: {  	_ =	shalt  }
0x55: {  	_ =	shalt  }
0x56: {  	_ =	shalt  }
0x57: {  	_ =	shalt  }
0x58: {  	_ =	shalt  }
0x59: {  	_ =	shalt  }
0x5a: {  	_ =	shalt  }
0x5b: {  	_ =	shalt  }
0x5c: {  	_ =	shalt  }
0x5d: {  	_ =	shalt  }
0x5e: {  	_ =	shalt  }
0x5f: {  	_ =	shalt  }
0x60: {  	_ =	shalt  }
0x61: {  	_ =	shalt  }
0x62: {  	_ =	shalt  }
0x63: {  	_ =	shalt  }
0x64: {  	_ =	shalt  }
0x65: {  	_ =	shalt  }
0x66: {  	_ =	shalt  }
0x67: {  	_ =	shalt  }
0x68: {  	_ =	shalt  }
0x69: {  	_ =	shalt  }
0x6a: {  	_ =	shalt  }
0x6b: {  	_ =	shalt  }
0x6c: {  	_ =	shalt  }
0x6d: {  	_ =	shalt  }
0x6e: {  	_ =	shalt  }
0x6f: {  	_ =	shalt  }
0x70: {  	_ =	shalt  }
0x71: {  	_ =	shalt  }
0x72: {  	_ =	shalt  }
0x73: {  	_ =	shalt  }
0x74: {  	_ =	shalt  }
0x75: {  	_ =	shalt  }
0x76: {  	_ =	shalt  }
0x77: {  	_ =	shalt  }
0x78: {  	_ =	shalt  }
0x79: {  	_ =	shalt  }
0x7a: {  	_ =	shalt  }
0x7b: {  	_ =	shalt  }
0x7c: {  	_ =	shalt  }
0x7d: {  	_ =	shalt  }
0x7e: {  	_ =	shalt  }
0x7f: {  	_ =	shalt  }
0x80: {  	_ =	shalt  }
0x81: {  	_ =	shalt  }
0x82: {  	_ =	shalt  }
0x83: {  	_ =	shalt  }
0x84: {  	_ =	shalt  }
0x85: {  	_ =	shalt  }
0x86: {  	_ =	shalt  }
0x87: {  	_ =	shalt  }
.Lfunc_end0:
.L_simem_size_0:
called_computation.7_lowered:
.L_overlay_start_0:
0x88: {  	s2 =	sld [smem:$0x3FD9]  }
0x89: {  	s3 =	sld [smem:$0x3FFE];
	_ =	sdelay $0x1  }
0x8a: {  	s1 =	srdreg.scid  }
0x8b: {  	s0 =	sand.u32 $0x1, s1  }
0x8c: {  	s17 =	sshll.u32 s0, $0xA;
	s2 =	sadd.s32 s3, s2  }
0x8d: {  	s2 =	sadd.s32 s2, s17  }
0x8e: {  	[smem:$0x3FBD] =	sst s2  }
0x8f: {  	_ = 	snop  }
0x90: {  	(tm) =	ssettm $0x1  }
0x91: {  	s18 =	sld [smem:$0x3FFB];
	_ =	sdelay $0x3  }
0x92: {  	_ =	strace s18  }
0x93: {  	s2 =	sld [smem:$0x3FFC];
	_ =	sdelay $0x3  }
0x94: {  	_ =	strace s2  }
0x95: {  	s2 =	sld [smem:$0x3FFD];
	_ =	sdelay $0x3  }
0x96: {  	_ =	strace s2  }
0x97: {  	_ =	strace $0x8FFFFFFF  }
0x98: {  	s19 =	sld [smem:$0x3FDB];
	_ =	sdelay $0x1  }
0x99: {  	s20 =	simm.s32 $_scs_section_size  }
0x9a: {  	s4 =	simm.s32 $_size__tile_overlayer_lowered;
	s5 =	simm.s32 $_tile_overlayer_lowered  }
0x9b: {  	s6 =	simm.s32 $0x1BFF;
	s21 =	sshll.u32 s5, $0x1;
	s3 =	sadd.s32 s20, s19  }
0x9c: {  	s22 =	simm.s32 $0x0;
	s4 =	sshll.u32 s4, $0x1;
	s5 =	sadd.s32 s21, s3  }
0x9d: {  	[timem:s22], [sflag:s6] =	dma.local [hbm:s5], s4  }
0x9e: {  	_ =	swait.ge [sflag:s6], s4  }
0x9f: {  	s4 =	ssub.s32 $0x0, s4;
	[sflag:s6] =	ssyncset.done $0x0  }
0xa0: {  	[sflag:s6] =	ssyncadd.s32 s4;
	_ =	sdelay $0x1  }
0xa1: {  	s23 =	simm.s32 $0x1B8B  }
0xa2: {  	_ =	swait.ge [sflag:s23], $0x1  }
0xa3: {  	[sflag:s23] =	ssyncset.done $0x0  }
0xa4: {  	[sflag:s23] =	ssyncadd.s32 $0xFFFFFFFF  }
0xa5: {  	s4 =	sld [smem:$0x0]  }
0xa6: {  	s5 =	sand.u32 $0xFFFFFFFE, s1  }
0xa7: {  	p0 =	sne.s32 s1, s5  }
0xa8: {  	s5 =	sshll.u32 @p0 s5, $0xE  }
0xa9: {  	s5 =	sadd.s32 @p0 $0x11B8D, s5;
	s6 =	sshll.u32 @p0 s4, $0x11  }
0xaa: {  	s5 =	sor.u32 @p0 s6, s5  }
0xab: {  	[sflag:s5] =	ssyncadd.remote.s32 @p0 $0x1;
	_ =	sdelay $0x1  }
0xac: {  	s5 =	simm.s32 @p0 $0x1B8D  }
0xad: {  	_ =	swait.eq @p0 [sflag:s5], $0x1  }
0xae: {  	[sflag:s5] =	ssyncadd.s32 @p0 $0xFFFFFFFF  }
0xaf: {  	s6 =	sshll.u32 @!p0 s1, $0xE  }
0xb0: {  	s6 =	sor.u32 @!p0 $0x4000, s6;
	s5 =	simm.s32 @!p0 $0x1B8D  }
0xb1: {  	s4 =	sshll.u32 @!p0 s4, $0x11;
	s6 =	sadd.s32 @!p0 $0x11B8D, s6;
	_ =	swait.eq @!p0 [sflag:s5], $0x1  }
0xb2: {  	s4 =	sor.u32 @!p0 s4, s6;
	[sflag:s5] =	ssyncadd.s32 @!p0 $0xFFFFFFFF  }
0xb3: {  	s25 =	simm.s32 $0x1B8E;
	s24 =	sld [smem:$0x3FFE];
	[sflag:s4] =	ssyncadd.remote.s32 @!p0 $0x1  }
0xb4: {  	s26 =	simm.s32 $execute0_lowered;
	[smem:$0x3FD2] =	sst s25  }
0xb5: {  	s5 =	sshll.u32 s26, $0x1;
	_ =	strace $0x8000005B;
	[dreg:$0x1] =	wrdreg $0xFFFFFFFF  }
0xb6: {  	s28 =	simm.s32 $_size_execute0_lowered;
	s3 =	sadd.s32 s3, s5;
	[dreg:$0x0] =	wrdreg $0x0  }
0xb7: {  	s5 =	sshll.u32 s28, $0x1;
	[dreg:$0x2] =	wrdreg s3  }
0xb8: {  	[dreg:$0x3] =	wrdreg s5  }
0xb9: {  	[dreg:$0x4] =	wrdreg $0xC0  }
0xba: {  	_ =	task [dreg:s22], $0x5FFFF  }
0xbb: {  	[dreg:$0x1] =	wrdreg $0xFFFFFFFF  }
0xbc: {  	[dreg:$0x0] =	wrdreg $0x60  }
0xbd: {  	[dreg:$0x2] =	wrdreg s24  }
0xbe: {  	[dreg:$0x3] =	wrdreg $0x90000  }
0xbf: {  	[dreg:$0x4] =	wrdreg $0x9  }
0xc0: {  	_ =	task.clear_ibuf [dreg:s22], $0x5FFFF;
	_ =	strace $0x9000005B  }
0xc1: {  	s29 =	simm.s32 $0x9;
	_ =	strace $0x8000005D  }
0xc2: {  	_ =	swait.ge [sflag:s29], $0x1  }
0xc3: {  	[sflag:s29] =	ssyncadd.s32 $0xFFFFFFFF  }
0xc4: {  	_ =	strace $0x9000005D  }
0xc5: {  	_ =	sfence  }
0xc6: {  	s30 =	sld [smem:$0x0];
	_ =	sdelay $0x2  }
0xc7: {  	s31 =	sshll.u32 s1, $0xD;
	s1 =	sshrl.u32 s1, $0x2  }
0xc8: {  	s4 =	sand.u32 $0x4000, s31;
	s1 =	sadd.s32 s1, s30  }
0xc9: {  	s0 =	sor.u32 s4, s0;
	s1 =	sshll.u32 s1, $0x11  }
0xca: {  	s0 =	sor.u32 s1, s0  }
0xcb: {  	s0 =	sadd.s32 $0x8F2B, s0  }
0xcc: {  	[sflag:s0] =	ssyncadd.remote.s32 $0x1  }
0xcd: {  	_ =	sfence.sel $0xFFFF  }
0xce: {  	[dreg:$0x0] =	wrdreg $0xFFFFFFFF;
	(pc) =	sbr.abs _section_cstart, $3  }
0xcf: {  	[dreg:$0x1] =	wrdreg $0xFFFFFFFF  }
0xd0: {  	_ =	task.clear_ibuf [dreg:s22], $0x2FFFF;
	_ =	strace $0x9FFFFFFF  }
0xd1: {  	(tm) =	ssettm $0x7FFFFFFF  }
tec
execute0_lowered:
.L_overlay_start_1:
0x0: {  	(tag) =	ssettag $0x1  }
0x1: {  	s0 =	rddreg [dreg:$0x0]  }
0x2: {  	s2 =	rddreg [dreg:$0x1]  }
0x3: {  	s3 =	simm.s32 $0x0;
	s1 =	srdreg.scid;
	s10 =	stileid.u32  }
0x4: {  	s28 =	simm.s32 $0x8800;
	s29 =	simm.s32 $0x3;
	s30 =	simm.s32 $0x800  }
0x5: {  	s31 =	simm.s32 $0x4800;
	[smem:$0x7FF] =	sst s3;
	s1 =	sand.u32 $0x1, s1  }
0x6: {  	s4 =	sshll.u32 s10, $0x1;
	s9 =	sadd.s32 $0x3CAA00, s0;
	s26 =	smul.u32 $0x4E000, s10  }
0x7: {  	p0 =	seq.s32 s10, $0xF;
	s10 =	smul.u32 $0x13800, s10;
	s12 =	sadd.s32 $0x648E00, s0  }
0x8: {  	_ =	strace $0x8000005C;
	s4 =	sor.u32 s1, s4;
	s5 =	ssub.s32 $0x2, s1  }
0x9: {  	s1 =	smul.u32 $0x138800, s1;
	s6 =	sshll.u32 s4, $0xF;
	s4 =	sshll.u32 s4, $0x8  }
0xa: {  	s25 =	sshrl.u32 s5, $0x1;
	s7 =	sadd.s32 s6, s0;
	s8 =	sadd.s32 s4, s0  }
0xb: {  	s11 =	ssub.s32 s5, s25;
	s4 =	simm.s32 $0x28;
	s5 =	sshrl.u32 s26, $0x2  }
0xc: {  	s19 =	sadd.s32 s10, s1;
	s1 =	sshrl.u32 s1, $0x3;
	s0 =	sadd.s32 $0x649600, s0  }
0xd: {  	s10 =	sadd.s32 s6, s12;
	s21 =	sor.u32 $0x1000, s6;
	s22 =	sor.u32 $0x2000, s6  }
0xe: {  	s24 =	sor.u32 $0x3000, s6;
	s25 =	sor.u32 $0x4000, s6;
	s26 =	sor.u32 $0x5000, s6  }
0xf: {  	s4 =	simm.s32 @!p0 $0x27;
	s5 =	sadd.s32 s5, s2;
	s8 =	sadd.s32 $0x536600, s8  }
0x10: {  	s7 =	sadd.s32 $0x648600, s7;
	s1 =	sadd.s32 s9, s1;
	s20 =	sadd.s32 s6, s0  }
0x11: {  	s23 =	sadd.s32 s21, s12;
	s13 =	sadd.s32 s21, s0;
	s14 =	sadd.s32 s22, s12  }
0x12: {  	s15 =	sadd.s32 s22, s0;
	s16 =	sadd.s32 s24, s12;
	s17 =	sadd.s32 s24, s0  }
0x13: {  	s18 =	sadd.s32 s25, s12;
	s6 =	sor.u32 $0x6000, s6;
	[dreg:$0x3] =	wrdreg s8  }
0x14: {  	s21 =	sadd.s32 s26, s0;
	s24 =	smax.u32 s11, $0x1;
	[dreg:$0x4] =	wrdreg s7  }
0x15: {  	s8 =	sshrl.u32 s19, $0x3;
	s1 =	sadd.s32 $0x24900, s1;
	[dreg:$0x7] =	wrdreg s20  }
0x16: {  	[dreg:$0x8] =	wrdreg s23;
	s19 =	sadd.s32 s25, s0;
	s20 =	sadd.s32 s26, s12  }
0x17: {  	s22 =	sadd.s32 s6, s12;
	s23 =	sadd.s32 s6, s0;
	s0 =	sadd.s32 $0x124800, s2  }
0x18: {  	s26 =	sadd.s32 $0x7000, s10;
	s6 =	simm.s32 $0x2;
	s7 =	simm.s32 $0x0  }
0x19: {  	s8 =	sadd.s32 s9, s8;
	[dreg:$0x6] =	wrdreg s1;
	s25 =	sshrl.u32 @p0 s0, $0x3  }
0x1a: {  	v0 =	vimm.f32 $0.0e+00;
	s0 =	simm.s32 $0x1;
	s1 =	simm.s32 $0x80;
	[dreg:$0x5] =	wrdreg s8  }
.LBB2_1:
0x1b: {  	s8 =	sand.u32 $0x1E00, s3  }
0x1c: {  	s9 =	sand.u32 $0x70, s3;
	s11 =	sshrl.u32 s8, $0x2  }
0x1d: {  	s8 =	simm.s32 $0x40;
	s11 =	sor.u32 s9, s11;
	s9 =	simm.s32 $0x0  }
.LBB2_2:
0x1e: {  	p1 =	sne.s32 s8, $0x1FC0  }
0x1f: {  	[tilespmem:s11+$0x8800] =	vst v0;
	s9 =	sadd.s32 $0x10, s9;
	s11 =	smov.u32 s8;
	s8 =	sadd.s32 $0x40, s8  }
.Ltmp0:
0x20: {  	(pc) =	sbr.rel @p1 .LBB2_2-.Ltmp0, $4  }
0x21: {  	_ = 	snop  }
0x22: {  	s11 =	sand.u32 $0x1E00, s11  }
0x23: {  	s12 =	sand.u32 $0x70, s9;
	s11 =	sshrl.u32 s11, $0x2  }
0x24: {  	s11 =	sor.u32 s12, s11  }
0x25: {  	p1 =	sne.s32 s4, $0x1  }
.Ltmp1:
0x26: {  	_ = 	snop;
	(pc) =	sbr.rel @!p1 .LBB2_5-.Ltmp1, $4  }
0x27: {  	[tilespmem:s11+$0x8800] =	vst v0  }
0x28: {  	[spmem:s5] =	stream.linear.scatter [tilespmem:s28], [sflag:$0x3], $0x800, $0x38;
	[tilespmem:$0x1C880] =	vst v63  }
0x29: {  	_ =	swait.ge [sflag:s29], $0x800  }
0x2a: {  	s8 =	sadd.s32 $0xFFFFFFFF, s4;
	s9 =	smov.u32 s5;
	[sflag:s29] =	ssyncset.done $0x0  }
.LBB2_4:
0x2b: {  	p1 =	sne.s32 s8, $0x1;
	[sflag:s29] =	ssyncadd.s32 $0xFFFFF800;
	s9 =	sadd.s32 $0x800, s9  }
.Ltmp2:
0x2c: {  	s8 =	sadd.s32 $0xFFFFFFFF, s8;
	(pc) =	sbr.rel @p1 .LBB2_4-.Ltmp2, $4  }
0x2d: {  	_ = 	snop  }
0x2e: {  	[spmem:s9] =	stream.linear.scatter [tilespmem:s28], [sflag:$0x3], $0x800, $0x38;
	[tilespmem:$0x1C880] =	vst v63  }
0x2f: {  	_ =	swait.ge [sflag:s29], $0x800  }
0x30: {  	[sflag:s29] =	ssyncset.done $0x0  }
.LBB2_5:
0x31: {  	[sflag:s29] =	ssyncadd.s32 $0xFFFFF800  }
0x32: {  	[bflag:$0x0] =	sbarrier.arrive $0xFFFF  }
0x33: {  	s8 =	rddreg [dreg:$0x3]  }
0x34: {  	[tilespmem:s3], [sflag:$0x3] =	stream.linear.gather [hbm4b:s8+s3], $0x800, $0x38;
	[tilespmem:$0x1C880] =	vst v63  }
0x35: {  	_ =	swait.ge [sflag:s29], $0x800  }
0x36: {  	[sflag:s29] =	ssyncset.done $0x0  }
0x37: {  	s11 =	rddreg [dreg:$0x4];
	[sflag:s29] =	ssyncadd.s32 $0xFFFFF800  }
0x38: {  	[tilespmem:s30], [sflag:$0x1] =	stream.linear.gather [hbm4b:s11+s3], $0x4000, $0x38;
	[tilespmem:$0x1C880] =	vst v63  }
0x39: {  	_ = 	snop  }
0x3a: {  	[tilespmem:s31], [sflag:$0x2] =	stream.linear.gather [hbm4b:s10+s3], $0x4000, $0x38;
	[tilespmem:$0x1C880] =	vst v63  }
0x3b: {  	_ =	swait.ge [sflag:s0], $0x4000  }
0x3c: {  	[sflag:s0] =	ssyncset.done $0x0  }
0x3d: {  	[sflag:s0] =	ssyncadd.s32 $0xFFFFC000  }
0x3e: {  	[spmem:s2] =	stream.indirect.scatter.add.f32 [tilespmem:s30], [sflag:$0x3], $0x80, s3, s1, $0xb8;
	[tilespmem:$0x1C880] =	vst v63  }
0x3f: {  	_ =	swait.ge [sflag:s29], $0x4000  }
0x40: {  	[sflag:s29] =	ssyncset.done $0x0  }
0x41: {  	s12 =	rddreg [dreg:$0x7];
	[sflag:s29] =	ssyncadd.s32 $0xFFFFC000  }
0x42: {  	[tilespmem:s30], [sflag:$0x1] =	stream.linear.gather [hbm4b:s12+s3], $0x4000, $0x38;
	[tilespmem:$0x1C880] =	vst v63  }
0x43: {  	_ =	swait.ge [sflag:s6], $0x4000  }
0x44: {  	[sflag:s6] =	ssyncset.done $0x0  }
0x45: {  	[sflag:s6] =	ssyncadd.s32 $0xFFFFC000  }
0x46: {  	[spmem:s2] =	stream.indirect.scatter.add.f32 [tilespmem:s31], [sflag:$0x3], $0x80, s1, s1, $0xb8;
	[tilespmem:$0x1C880] =	vst v63  }
0x47: {  	_ =	swait.ge [sflag:s29], $0x4000  }
0x48: {  	[sflag:s29] =	ssyncset.done $0x0  }
0x49: {  	s9 =	rddreg [dreg:$0x8];
	[sflag:s29] =	ssyncadd.s32 $0xFFFFC000  }
0x4a: {  	[tilespmem:s31], [sflag:$0x2] =	stream.linear.gather [hbm4b:s9+s3], $0x4000, $0x38;
	[tilespmem:$0x1C880] =	vst v63  }
0x4b: {  	_ =	swait.ge [sflag:s0], $0x4000  }
0x4c: {  	[sflag:s0] =	ssyncset.done $0x0  }
0x4d: {  	s11 =	simm.s32 $0x100;
	[sflag:s0] =	ssyncadd.s32 $0xFFFFC000  }
0x4e: {  	[spmem:s2] =	stream.indirect.scatter.add.f32 [tilespmem:s30], [sflag:$0x3], $0x80, s11, s1, $0xb8;
	[tilespmem:$0x1C880] =	vst v63  }
0x4f: {  	_ =	swait.ge [sflag:s29], $0x4000  }
0x50: {  	[sflag:s29] =	ssyncset.done $0x0  }
0x51: {  	[sflag:s29] =	ssyncadd.s32 $0xFFFFC000  }
0x52: {  	[tilespmem:s30], [sflag:$0x1] =	stream.linear.gather [hbm4b:s13+s3], $0x4000, $0x38;
	[tilespmem:$0x1C880] =	vst v63  }
0x53: {  	_ =	swait.ge [sflag:s6], $0x4000  }
0x54: {  	[sflag:s6] =	ssyncset.done $0x0  }
0x55: {  	s12 =	simm.s32 $0x180;
	[sflag:s6] =	ssyncadd.s32 $0xFFFFC000  }
0x56: {  	[spmem:s2] =	stream.indirect.scatter.add.f32 [tilespmem:s31], [sflag:$0x3], $0x80, s12, s1, $0xb8;
	[tilespmem:$0x1C880] =	vst v63  }
0x57: {  	_ =	swait.ge [sflag:s29], $0x4000  }
0x58: {  	[sflag:s29] =	ssyncset.done $0x0  }
0x59: {  	[sflag:s29] =	ssyncadd.s32 $0xFFFFC000  }
0x5a: {  	[tilespmem:s31], [sflag:$0x2] =	stream.linear.gather [hbm4b:s14+s3], $0x4000, $0x38;
	[tilespmem:$0x1C880] =	vst v63  }
0x5b: {  	_ =	swait.ge [sflag:s0], $0x4000  }
0x5c: {  	[sflag:s0] =	ssyncset.done $0x0  }
0x5d: {  	s9 =	simm.s32 $0x200;
	[sflag:s0] =	ssyncadd.s32 $0xFFFFC000  }
0x5e: {  	[spmem:s2] =	stream.indirect.scatter.add.f32 [tilespmem:s30], [sflag:$0x3], $0x80, s9, s1, $0xb8;
	[tilespmem:$0x1C880] =	vst v63  }
0x5f: {  	_ =	swait.ge [sflag:s29], $0x4000  }
0x60: {  	[sflag:s29] =	ssyncset.done $0x0  }
0x61: {  	[sflag:s29] =	ssyncadd.s32 $0xFFFFC000  }
0x62: {  	[tilespmem:s30], [sflag:$0x1] =	stream.linear.gather [hbm4b:s15+s3], $0x4000, $0x38;
	[tilespmem:$0x1C880] =	vst v63  }
0x63: {  	_ =	swait.ge [sflag:s6], $0x4000  }
0x64: {  	[sflag:s6] =	ssyncset.done $0x0  }
0x65: {  	s11 =	simm.s32 $0x280;
	[sflag:s6] =	ssyncadd.s32 $0xFFFFC000  }
0x66: {  	[spmem:s2] =	stream.indirect.scatter.add.f32 [tilespmem:s31], [sflag:$0x3], $0x80, s11, s1, $0xb8;
	[tilespmem:$0x1C880] =	vst v63  }
0x67: {  	_ =	swait.ge [sflag:s29], $0x4000  }
0x68: {  	[sflag:s29] =	ssyncset.done $0x0  }
0x69: {  	[sflag:s29] =	ssyncadd.s32 $0xFFFFC000  }
0x6a: {  	[tilespmem:s31], [sflag:$0x2] =	stream.linear.gather [hbm4b:s16+s3], $0x4000, $0x38;
	[tilespmem:$0x1C880] =	vst v63  }
0x6b: {  	_ =	swait.ge [sflag:s0], $0x4000  }
0x6c: {  	[sflag:s0] =	ssyncset.done $0x0  }
0x6d: {  	s12 =	simm.s32 $0x300;
	[sflag:s0] =	ssyncadd.s32 $0xFFFFC000  }
0x6e: {  	[spmem:s2] =	stream.indirect.scatter.add.f32 [tilespmem:s30], [sflag:$0x3], $0x80, s12, s1, $0xb8;
	[tilespmem:$0x1C880] =	vst v63  }
0x6f: {  	_ =	swait.ge [sflag:s29], $0x4000  }
0x70: {  	[sflag:s29] =	ssyncset.done $0x0  }
0x71: {  	[sflag:s29] =	ssyncadd.s32 $0xFFFFC000  }
0x72: {  	[tilespmem:s30], [sflag:$0x1] =	stream.linear.gather [hbm4b:s17+s3], $0x4000, $0x38;
	[tilespmem:$0x1C880] =	vst v63  }
0x73: {  	_ =	swait.ge [sflag:s6], $0x4000  }
0x74: {  	[sflag:s6] =	ssyncset.done $0x0  }
0x75: {  	s9 =	simm.s32 $0x380;
	[sflag:s6] =	ssyncadd.s32 $0xFFFFC000  }
0x76: {  	[spmem:s2] =	stream.indirect.scatter.add.f32 [tilespmem:s31], [sflag:$0x3], $0x80, s9, s1, $0xb8;
	[tilespmem:$0x1C880] =	vst v63  }
0x77: {  	_ =	swait.ge [sflag:s29], $0x4000  }
0x78: {  	[sflag:s29] =	ssyncset.done $0x0  }
0x79: {  	[sflag:s29] =	ssyncadd.s32 $0xFFFFC000  }
0x7a: {  	[tilespmem:s31], [sflag:$0x2] =	stream.linear.gather [hbm4b:s18+s3], $0x4000, $0x38;
	[tilespmem:$0x1C880] =	vst v63  }
0x7b: {  	_ =	swait.ge [sflag:s0], $0x4000  }
0x7c: {  	[sflag:s0] =	ssyncset.done $0x0  }
0x7d: {  	s11 =	simm.s32 $0x400;
	[sflag:s0] =	ssyncadd.s32 $0xFFFFC000  }
0x7e: {  	[spmem:s2] =	stream.indirect.scatter.add.f32 [tilespmem:s30], [sflag:$0x3], $0x80, s11, s1, $0xb8;
	[tilespmem:$0x1C880] =	vst v63  }
0x7f: {  	_ =	swait.ge [sflag:s29], $0x4000  }
0x80: {  	[sflag:s29] =	ssyncset.done $0x0  }
0x81: {  	[sflag:s29] =	ssyncadd.s32 $0xFFFFC000  }
0x82: {  	[tilespmem:s30], [sflag:$0x1] =	stream.linear.gather [hbm4b:s19+s3], $0x4000, $0x38;
	[tilespmem:$0x1C880] =	vst v63  }
0x83: {  	_ =	swait.ge [sflag:s6], $0x4000  }
0x84: {  	[sflag:s6] =	ssyncset.done $0x0  }
0x85: {  	s12 =	simm.s32 $0x480;
	[sflag:s6] =	ssyncadd.s32 $0xFFFFC000  }
0x86: {  	[spmem:s2] =	stream.indirect.scatter.add.f32 [tilespmem:s31], [sflag:$0x3], $0x80, s12, s1, $0xb8;
	[tilespmem:$0x1C880] =	vst v63  }
0x87: {  	_ =	swait.ge [sflag:s29], $0x4000  }
0x88: {  	[sflag:s29] =	ssyncset.done $0x0  }
0x89: {  	[sflag:s29] =	ssyncadd.s32 $0xFFFFC000  }
0x8a: {  	[tilespmem:s31], [sflag:$0x2] =	stream.linear.gather [hbm4b:s20+s3], $0x4000, $0x38;
	[tilespmem:$0x1C880] =	vst v63  }
0x8b: {  	_ =	swait.ge [sflag:s0], $0x4000  }
0x8c: {  	[sflag:s0] =	ssyncset.done $0x0  }
0x8d: {  	s9 =	simm.s32 $0x500;
	[sflag:s0] =	ssyncadd.s32 $0xFFFFC000  }
0x8e: {  	[spmem:s2] =	stream.indirect.scatter.add.f32 [tilespmem:s30], [sflag:$0x3], $0x80, s9, s1, $0xb8;
	[tilespmem:$0x1C880] =	vst v63  }
0x8f: {  	_ =	swait.ge [sflag:s29], $0x4000  }
0x90: {  	[sflag:s29] =	ssyncset.done $0x0  }
0x91: {  	[sflag:s29] =	ssyncadd.s32 $0xFFFFC000  }
0x92: {  	[tilespmem:s30], [sflag:$0x1] =	stream.linear.gather [hbm4b:s21+s3], $0x4000, $0x38;
	[tilespmem:$0x1C880] =	vst v63  }
0x93: {  	_ =	swait.ge [sflag:s6], $0x4000  }
0x94: {  	[sflag:s6] =	ssyncset.done $0x0  }
0x95: {  	s11 =	simm.s32 $0x580;
	[sflag:s6] =	ssyncadd.s32 $0xFFFFC000  }
0x96: {  	[spmem:s2] =	stream.indirect.scatter.add.f32 [tilespmem:s31], [sflag:$0x3], $0x80, s11, s1, $0xb8;
	[tilespmem:$0x1C880] =	vst v63  }
0x97: {  	_ =	swait.ge [sflag:s29], $0x4000  }
0x98: {  	[sflag:s29] =	ssyncset.done $0x0  }
0x99: {  	[sflag:s29] =	ssyncadd.s32 $0xFFFFC000  }
0x9a: {  	[tilespmem:s31], [sflag:$0x2] =	stream.linear.gather [hbm4b:s22+s3], $0x4000, $0x38;
	[tilespmem:$0x1C880] =	vst v63  }
0x9b: {  	_ =	swait.ge [sflag:s0], $0x4000  }
0x9c: {  	[sflag:s0] =	ssyncset.done $0x0  }
0x9d: {  	s12 =	simm.s32 $0x600;
	[sflag:s0] =	ssyncadd.s32 $0xFFFFC000  }
0x9e: {  	[spmem:s2] =	stream.indirect.scatter.add.f32 [tilespmem:s30], [sflag:$0x3], $0x80, s12, s1, $0xb8;
	[tilespmem:$0x1C880] =	vst v63  }
0x9f: {  	_ =	swait.ge [sflag:s29], $0x4000  }
0xa0: {  	[sflag:s29] =	ssyncset.done $0x0  }
0xa1: {  	[sflag:s29] =	ssyncadd.s32 $0xFFFFC000  }
0xa2: {  	[tilespmem:s30], [sflag:$0x1] =	stream.linear.gather [hbm4b:s23+s3], $0x4000, $0x38;
	[tilespmem:$0x1C880] =	vst v63  }
0xa3: {  	_ =	swait.ge [sflag:s6], $0x4000  }
0xa4: {  	[sflag:s6] =	ssyncset.done $0x0  }
0xa5: {  	s9 =	simm.s32 $0x680;
	[sflag:s6] =	ssyncadd.s32 $0xFFFFC000  }
0xa6: {  	[spmem:s2] =	stream.indirect.scatter.add.f32 [tilespmem:s31], [sflag:$0x3], $0x80, s9, s1, $0xb8;
	[tilespmem:$0x1C880] =	vst v63  }
0xa7: {  	_ =	swait.ge [sflag:s29], $0x4000  }
0xa8: {  	[sflag:s29] =	ssyncset.done $0x0  }
0xa9: {  	[sflag:s29] =	ssyncadd.s32 $0xFFFFC000  }
0xaa: {  	[tilespmem:s31], [sflag:$0x2] =	stream.linear.gather [hbm4b:s26+s3], $0x4000, $0x38;
	[tilespmem:$0x1C880] =	vst v63  }
0xab: {  	_ =	swait.ge [sflag:s0], $0x4000  }
0xac: {  	[sflag:s0] =	ssyncset.done $0x0  }
0xad: {  	s11 =	simm.s32 $0x700;
	[sflag:s0] =	ssyncadd.s32 $0xFFFFC000  }
0xae: {  	[spmem:s2] =	stream.indirect.scatter.add.f32 [tilespmem:s30], [sflag:$0x3], $0x80, s11, s1, $0xb8;
	[tilespmem:$0x1C880] =	vst v63  }
0xaf: {  	_ =	swait.ge [sflag:s29], $0x4000  }
0xb0: {  	[sflag:s29] =	ssyncset.done $0x0  }
0xb1: {  	[sflag:s29] =	ssyncadd.s32 $0xFFFFC000  }
0xb2: {  	_ =	swait.ge [sflag:s6], $0x4000  }
0xb3: {  	[sflag:s6] =	ssyncset.done $0x0  }
0xb4: {  	s12 =	simm.s32 $0x780;
	[sflag:s6] =	ssyncadd.s32 $0xFFFFC000  }
0xb5: {  	[spmem:s2] =	stream.indirect.scatter.add.f32 [tilespmem:s31], [sflag:$0x3], $0x80, s12, s1, $0xb8;
	[tilespmem:$0x1C880] =	vst v63  }
0xb6: {  	_ =	swait.ge [sflag:s29], $0x4000  }
0xb7: {  	[sflag:s29] =	ssyncset.done $0x0  }
0xb8: {  	[sflag:s29] =	ssyncadd.s32 $0xFFFFC000  }
0xb9: {  	[bflag:$0x0] =	sbarrier.arrive $0xFFFF  }
0xba: {  	s8 =	simm.s32 @p0 $0x1FC3;
	s9 =	rddreg [dreg:$0x6]  }
0xbb: {  	[hbm:s9], [sflag:s8] =	dma.local @p0 [spmem:s25], $0x2800  }
0xbc: {  	s7 =	sadd.s32 $0x1, s7;
	s8 =	simm.s32 @p0 $0x3  }
0xbd: {  	p1 =	sne.s32 s7, s24;
	s9 =	stileid.u32;
	_ =	swait.ge @p0 [sflag:s8], $0x2800  }
0xbe: {  	s9 =	sshll.u32 @!p0 s9, $0x6;
	[sflag:s8] =	ssyncset.done @p0 $0x0;
	s11 =	rddreg [dreg:$0x5]  }
0xbf: {  	[sflag:s8] =	ssyncadd.s32 @p0 $0xFFFFD800;
	s8 =	sor.u32 @!p0 $0x1C03, s9;
	s9 =	sshrl.u32 @!p0 s5, $0x3  }
0xc0: {  	[hbm:s11], [sflag:s8] =	dma.local @!p0 [spmem:s9], $0x2700  }
.Ltmp3:
0xc1: {  	_ = 	snop;
	(pc) =	sbr.rel @p1 .LBB2_1-.Ltmp3, $4  }
0xc2: {  	s8 =	simm.s32 @!p0 $0x3  }
0xc3: {  	_ =	swait.ge @!p0 [sflag:s8], $0x2700  }
0xc4: {  	[sflag:s8] =	ssyncset.done @!p0 $0x0  }
0xc5: {  	[sflag:s8] =	ssyncadd.s32 @!p0 $0xFFFFD900  }
0xc6: {  	_ =	sfence.sel $0x180000  }
0xc7: {  	[bflag:$0x0] =	sbarrier.arrive $0xFFFF  }
0xc8: {  	_ =	strace $0x9000005C  }
0xc9: {  	s0 =	stileid.u32;
	[bflag:$0x2] =	sbarrier.arrive $0xFFFF  }
0xca: {  	p0 =	sne.s32 s0, $0x0;
	s0 =	rddreg [dreg:$0x2]  }
0xcb: {  	s0 =	sadd.s32 @!p0 $0x100000, s0  }
0xcc: {  	[sflag:s0] =	ssyncadd.tile.s32 @!p0 $0x1;
	_ =	shalt  }
.Lfunc_end2:
_tile_overlayer_lowered:
.L_overlay_start_2:
0xcd: {  	(tag) =	ssettag $0x2  }
0xce: {  	s0 =	rddreg [dreg:$0x0];
	s2 =	stileid.u32  }
0xcf: {  	s1 =	rddreg [dreg:$0x1];
	p0 =	sne.s32 s2, $0x0  }
0xd0: {  	s3 =	rddreg [dreg:$0x2];
	[bflag:$0x3] =	sbarrier.arrive $0xFFFF;
	s2 =	simm.s32 @!p0 $0x1C03  }
0xd1: {  	[timem:s3], [sflag:s2] =	dma.local @!p0 [hbm:s0], s1  }
0xd2: {  	s0 =	simm.s32 @!p0 $0x3  }
0xd3: {  	_ =	swait.ge @!p0 [sflag:s0], s1  }
0xd4: {  	s1 =	ssub.s32 @!p0 $0x0, s1;
	[sflag:s0] =	ssyncset.done @!p0 $0x0  }
0xd5: {  	[sflag:s0] =	ssyncadd.s32 @!p0 s1  }
0xd6: {  	[bflag:$0x3] =	sbarrier.arrive $0xFFFF  }
0xd7: {  	_ =	shalt  }

</sc_bundles>
